<compile_context>
chip_gen: v7x
topology: tpu7x:2x2x1
jax: 0.10.2.dev20260603
libtpu: 0.0.44.dev20260713+nightly
codegen_flags: <defaults>
</compile_context>

<pallas_src>
import functools

import jax
import jax.numpy as jnp
from jax import lax
from jax.experimental import pallas as pl
from jax.experimental.pallas import tpu as pltpu
from jax.experimental.pallas import tpu_sc as plsc

NUM_CORES = 2
NUM_SUBCORES = 16
NUM_WORKERS = NUM_CORES * NUM_SUBCORES
LANES = 16
NBUF = 4
LOOKAHEAD = 2


def _make_kernel(n_rows, hidden, chunk):
    assert n_rows % (NUM_WORKERS * chunk) == 0
    rows_per_w = n_rows // NUM_WORKERS
    n_chunks = rows_per_w // chunk
    vecs_per_row = hidden // LANES
    assert n_chunks > NBUF
    mesh = plsc.VectorSubcoreMesh(core_axis_name="c", subcore_axis_name="s")

    @functools.partial(
        pl.kernel,
        mesh=mesh,
        out_type=jax.ShapeDtypeStruct((n_rows, hidden), jnp.float32),
        scratch_types=(
            [pltpu.VMEM((rows_per_w,), jnp.int32)]
            + [pltpu.VMEM((chunk, hidden), jnp.float32) for _ in range(2 * NBUF)]
            + [pltpu.SemaphoreType.DMA for _ in range(3 * NBUF)]
        ),
    )
    def k(x_hbm, ids_hbm, table_hbm, out_hbm, idx_all, *rest):
        xbufs = rest[0:NBUF]
        rbufs = rest[NBUF:2 * NBUF]
        sem_x = rest[2 * NBUF:3 * NBUF]
        sem_r = rest[3 * NBUF:4 * NBUF]
        sem_o = rest[4 * NBUF:5 * NBUF]

        wid = lax.axis_index("s") * NUM_CORES + lax.axis_index("c")
        base0 = wid * rows_per_w
        pltpu.sync_copy(ids_hbm.at[pl.ds(base0, rows_per_w)], idx_all)

        in_flight = {}
        out_flight = {}

        def start_in(t):
            b = t % NBUF
            cx = pltpu.async_copy(
                x_hbm.at[pl.ds(base0 + t * chunk, chunk)], xbufs[b], sem_x[b])
            cr = pltpu.async_copy(
                table_hbm.at[idx_all.at[pl.ds(t * chunk, chunk)]],
                rbufs[b], sem_r[b])
            in_flight[t] = (cx, cr)

        def compute(b):
            xb, rb = xbufs[b], rbufs[b]

            @plsc.parallel_loop(0, chunk * vecs_per_row, unroll=8)
            def add_vec(i):
                r = i // vecs_per_row
                off = (i % vecs_per_row) * LANES
                plsc.addupdate(
                    xb.at[r, pl.ds(off, LANES)],
                    rb[r, pl.ds(off, LANES)])

        for t0 in range(LOOKAHEAD):
            start_in(t0)
        for t in range(n_chunks):
            if t + LOOKAHEAD < n_chunks:
                if t + LOOKAHEAD >= NBUF:
                    out_flight.pop(t + LOOKAHEAD - NBUF).wait()
                start_in(t + LOOKAHEAD)
            b = t % NBUF
            cx, cr = in_flight.pop(t)
            cx.wait()
            cr.wait()
            compute(b)
            out_flight[t] = pltpu.async_copy(
                xbufs[b], out_hbm.at[pl.ds(base0 + t * chunk, chunk)], sem_o[b])
        for t in sorted(out_flight):
            out_flight.pop(t).wait()

    return k


@jax.jit
def kernel(X, position_ids, table):
    b, s, h = X.shape
    n = b * s
    x2d = X.reshape(n, h)
    ids = position_ids.reshape(n).astype(jnp.int32)
    out = _make_kernel(n, h, 8)(x2d, ids, table)
    return out.reshape(b, s, h)

# --- scband reference (transcript-rebuilt; emitter-appended) ---
"""Pipeline reference for scband-trainable-positional-encoding-47949014893044 (READ-ONLY COPY).

The authoritative reference and input builder live on the scoring server;
editing this copy changes nothing except your own understanding.
"""

import jax, jax.numpy as jnp
import numpy as np

SEQ_LEN = 2048
HIDDEN_DIM = 1024


def make_table():
    pos = np.arange(SEQ_LEN, dtype=np.float32).reshape(-1, 1)
    div = np.power(10000.0, np.arange(0, HIDDEN_DIM, 2, dtype=np.float32) / HIDDEN_DIM)
    ang = pos / div
    w = np.zeros((SEQ_LEN, HIDDEN_DIM), dtype=np.float32)
    w[:, 0::2] = np.sin(ang)
    w[:, 1::2] = np.cos(ang)
    return jnp.asarray(w)


def setup_inputs(seed: int = 0) -> dict:
    key = jax.random.key(seed)
    k1, k2 = jax.random.split(key)
    X = jax.random.normal(k1, (4, 2048, 1024), dtype=jnp.float32)
    position_ids = jax.random.randint(k2, (4, 2048), 0, SEQ_LEN, dtype=jnp.int64 if jax.config.jax_enable_x64 else jnp.int32)
    table = make_table()
    return {"X": X, "position_ids": position_ids, "table": table}


def reference(X, position_ids, table):
    # X + self.P(position_ids): embedding gather then elementwise add
    pe = jnp.take(table, position_ids, axis=0)  # [B, S, H]
    return X + pe

if __name__ == "__main__":
    import jax
    _d = setup_inputs()
    print(jax.jit(kernel)(*tuple(_d.values())))

</pallas_src>

<mosaic_0001>
#map = affine_map<(d0, d1) -> (0, 0)>
#map1 = affine_map<(d0, d1) -> (0)>
module attributes {stable_mosaic.version = 14 : i64} {
  func.func @k(%arg0: i32, %arg1: i32, %arg2: memref<8192x1024xf32, #tpu.memory_space<hbm>>, %arg3: memref<8192xi32, #tpu.memory_space<hbm>>, %arg4: memref<2048x1024xf32, #tpu.memory_space<hbm>>, %arg5: memref<8192x1024xf32, #tpu.memory_space<hbm>>, %arg6: memref<256xi32, #tpu.memory_space<vmem>>, %arg7: memref<8x1024xf32, #tpu.memory_space<vmem>>, %arg8: memref<8x1024xf32, #tpu.memory_space<vmem>>, %arg9: memref<8x1024xf32, #tpu.memory_space<vmem>>, %arg10: memref<8x1024xf32, #tpu.memory_space<vmem>>, %arg11: memref<8x1024xf32, #tpu.memory_space<vmem>>, %arg12: memref<8x1024xf32, #tpu.memory_space<vmem>>, %arg13: memref<8x1024xf32, #tpu.memory_space<vmem>>, %arg14: memref<8x1024xf32, #tpu.memory_space<vmem>>, %arg15: memref<!tpu.dma_semaphore, #tpu.memory_space<semaphore_mem>>, %arg16: memref<!tpu.dma_semaphore, #tpu.memory_space<semaphore_mem>>, %arg17: memref<!tpu.dma_semaphore, #tpu.memory_space<semaphore_mem>>, %arg18: memref<!tpu.dma_semaphore, #tpu.memory_space<semaphore_mem>>, %arg19: memref<!tpu.dma_semaphore, #tpu.memory_space<semaphore_mem>>, %arg20: memref<!tpu.dma_semaphore, #tpu.memory_space<semaphore_mem>>, %arg21: memref<!tpu.dma_semaphore, #tpu.memory_space<semaphore_mem>>, %arg22: memref<!tpu.dma_semaphore, #tpu.memory_space<semaphore_mem>>, %arg23: memref<!tpu.dma_semaphore, #tpu.memory_space<semaphore_mem>>, %arg24: memref<!tpu.dma_semaphore, #tpu.memory_space<semaphore_mem>>, %arg25: memref<!tpu.dma_semaphore, #tpu.memory_space<semaphore_mem>>, %arg26: memref<!tpu.dma_semaphore, #tpu.memory_space<semaphore_mem>>) attributes {dimension_semantics = [#tpu.dimension_semantics<core_parallel>, #tpu.dimension_semantics<subcore_parallel>], iteration_bounds = array<i64: 2, 16>, scalar_prefetch = 0 : i64, scratch_operands = 21 : i64, tpu.core_type = #tpu.core_type<sc_vector_subcore>, window_params = [{transform_indices = #map}, {transform_indices = #map1}, {transform_indices = #map}, {transform_indices = #map}]} {
    %mul3A = arith.constant 2 : i32
    %mul3A_0 = arith.muli %arg1, %mul3A : i32
    %add3A = arith.addi %mul3A_0, %arg0 : i32
    %mul3A_1 = arith.constant 256 : i32
    %mul3A_2 = arith.muli %add3A, %mul3A_1 : i32
    "tpu.region"() ({
      %run_scoped3A = tpu.sem_alloc : memref<!tpu.dma_semaphore, #tpu.memory_space<semaphore_mem>>
      %dma_start3A_1056 = tpu.memref_slice %arg3[%mul3A_2] : memref<8192xi32, #tpu.memory_space<hbm>> -> memref<256xi32, #tpu.memory_space<hbm>>
      %dma_start3A_1057 = tpu.memref_slice %arg3[%mul3A_2] : memref<8192xi32, #tpu.memory_space<hbm>> -> memref<256xi32, #tpu.memory_space<hbm>>
      tpu.enqueue_dma source(%dma_start3A_1057 : memref<256xi32, #tpu.memory_space<hbm>>) target(%arg6 : memref<256xi32, #tpu.memory_space<vmem>>) target_semaphore(%run_scoped3A : memref<!tpu.dma_semaphore, #tpu.memory_space<semaphore_mem>>)
      %dma_wait3A_1058 = tpu.memref_slice %arg3[%mul3A_2] : memref<8192xi32, #tpu.memory_space<hbm>> -> memref<256xi32, #tpu.memory_space<hbm>>
      %dma_wait3A_1059 = tpu.memref_slice %arg3[%mul3A_2] : memref<8192xi32, #tpu.memory_space<hbm>> -> memref<256xi32, #tpu.memory_space<hbm>>
      tpu.wait_dma2 semaphore(%run_scoped3A : memref<!tpu.dma_semaphore, #tpu.memory_space<semaphore_mem>>) src(%dma_wait3A_1059 : memref<256xi32, #tpu.memory_space<hbm>>) dst(%arg6 : memref<256xi32, #tpu.memory_space<vmem>>)
      tpu.yield
    }) : () -> ()
    %add3A_3 = arith.constant 0 : i32
    %add3A_4 = arith.addi %mul3A_2, %add3A_3 : i32
    %dma_start3A = arith.constant 0 : i32
    %dma_start3A_5 = tpu.memref_slice %arg2[%add3A_4, %dma_start3A] : memref<8192x1024xf32, #tpu.memory_space<hbm>> -> memref<8x1024xf32, #tpu.memory_space<hbm>>
    %dma_start3A_6 = arith.constant 0 : i32
    %dma_start3A_7 = tpu.memref_slice %arg2[%add3A_4, %dma_start3A_6] : memref<8192x1024xf32, #tpu.memory_space<hbm>> -> memref<8x1024xf32, #tpu.memory_space<hbm>>
    tpu.enqueue_dma source(%dma_start3A_7 : memref<8x1024xf32, #tpu.memory_space<hbm>>) target(%arg7 : memref<8x1024xf32, #tpu.memory_space<vmem>>) target_semaphore(%arg15 : memref<!tpu.dma_semaphore, #tpu.memory_space<semaphore_mem>>)
    %dma_start3A_8 = arith.constant 0 : i32
    %dma_start3A_9 = tpu.memref_slice %arg6[%dma_start3A_8] : memref<256xi32, #tpu.memory_space<vmem>> -> memref<8xi32, #tpu.memory_space<vmem>>
    %dma_start3A_10 = arith.constant 0 : i32
    %dma_start3A_11 = arith.constant 0 : i32
    %dma_start3A_12 = tpu.memref_slice %arg4[%dma_start3A_10, %dma_start3A_11] : memref<2048x1024xf32, #tpu.memory_space<hbm>> -> memref<2048x1024xf32, #tpu.memory_space<hbm>>
    tpu.enqueue_indirect_dma source(%dma_start3A_12 : memref<2048x1024xf32, #tpu.memory_space<hbm>>) target(%arg11 : memref<8x1024xf32, #tpu.memory_space<vmem>>) offsets(%dma_start3A_9 : memref<8xi32, #tpu.memory_space<vmem>>) semaphore(%arg19 : memref<!tpu.dma_semaphore, #tpu.memory_space<semaphore_mem>>)
    %add3A_13 = arith.constant 8 : i32
    %add3A_14 = arith.addi %mul3A_2, %add3A_13 : i32
    %dma_start3A_15 = arith.constant 0 : i32
    %dma_start3A_16 = tpu.memref_slice %arg2[%add3A_14, %dma_start3A_15] : memref<8192x1024xf32, #tpu.memory_space<hbm>> -> memref<8x1024xf32, #tpu.memory_space<hbm>>
    %dma_start3A_17 = arith.constant 0 : i32
    %dma_start3A_18 = tpu.memref_slice %arg2[%add3A_14, %dma_start3A_17] : memref<8192x1024xf32, #tpu.memory_space<hbm>> -> memref<8x1024xf32, #tpu.memory_space<hbm>>
    tpu.enqueue_dma source(%dma_start3A_18 : memref<8x1024xf32, #tpu.memory_space<hbm>>) target(%arg8 : memref<8x1024xf32, #tpu.memory_space<vmem>>) target_semaphore(%arg16 : memref<!tpu.dma_semaphore, #tpu.memory_space<semaphore_mem>>)
    %dma_start3A_19 = arith.constant 8 : i32
    %dma_start3A_20 = tpu.memref_slice %arg6[%dma_start3A_19] : memref<256xi32, #tpu.memory_space<vmem>> -> memref<8xi32, #tpu.memory_space<vmem>>
    %dma_start3A_21 = arith.constant 0 : i32
    %dma_start3A_22 = arith.constant 0 : i32
    %dma_start3A_23 = tpu.memref_slice %arg4[%dma_start3A_21, %dma_start3A_22] : memref<2048x1024xf32, #tpu.memory_space<hbm>> -> memref<2048x1024xf32, #tpu.memory_space<hbm>>
    tpu.enqueue_indirect_dma source(%dma_start3A_23 : memref<2048x1024xf32, #tpu.memory_space<hbm>>) target(%arg12 : memref<8x1024xf32, #tpu.memory_space<vmem>>) offsets(%dma_start3A_20 : memref<8xi32, #tpu.memory_space<vmem>>) semaphore(%arg20 : memref<!tpu.dma_semaphore, #tpu.memory_space<semaphore_mem>>)
    %add3A_24 = arith.constant 16 : i32
    %add3A_25 = arith.addi %mul3A_2, %add3A_24 : i32
    %dma_start3A_26 = arith.constant 0 : i32
    %dma_start3A_27 = tpu.memref_slice %arg2[%add3A_25, %dma_start3A_26] : memref<8192x1024xf32, #tpu.memory_space<hbm>> -> memref<8x1024xf32, #tpu.memory_space<hbm>>
    %dma_start3A_28 = arith.constant 0 : i32
    %dma_start3A_29 = tpu.memref_slice %arg2[%add3A_25, %dma_start3A_28] : memref<8192x1024xf32, #tpu.memory_space<hbm>> -> memref<8x1024xf32, #tpu.memory_space<hbm>>
    tpu.enqueue_dma source(%dma_start3A_29 : memref<8x1024xf32, #tpu.memory_space<hbm>>) target(%arg9 : memref<8x1024xf32, #tpu.memory_space<vmem>>) target_semaphore(%arg17 : memref<!tpu.dma_semaphore, #tpu.memory_space<semaphore_mem>>)
    %dma_start3A_30 = arith.constant 16 : i32
    %dma_start3A_31 = tpu.memref_slice %arg6[%dma_start3A_30] : memref<256xi32, #tpu.memory_space<vmem>> -> memref<8xi32, #tpu.memory_space<vmem>>
    %dma_start3A_32 = arith.constant 0 : i32
    %dma_start3A_33 = arith.constant 0 : i32
    %dma_start3A_34 = tpu.memref_slice %arg4[%dma_start3A_32, %dma_start3A_33] : memref<2048x1024xf32, #tpu.memory_space<hbm>> -> memref<2048x1024xf32, #tpu.memory_space<hbm>>
    tpu.enqueue_indirect_dma source(%dma_start3A_34 : memref<2048x1024xf32, #tpu.memory_space<hbm>>) target(%arg13 : memref<8x1024xf32, #tpu.memory_space<vmem>>) offsets(%dma_start3A_31 : memref<8xi32, #tpu.memory_space<vmem>>) semaphore(%arg21 : memref<!tpu.dma_semaphore, #tpu.memory_space<semaphore_mem>>)
    %dma_wait3A = arith.constant 0 : i32
    %dma_wait3A_35 = tpu.memref_slice %arg2[%add3A_4, %dma_wait3A] : memref<8192x1024xf32, #tpu.memory_space<hbm>> -> memref<8x1024xf32, #tpu.memory_space<hbm>>
    %dma_wait3A_36 = arith.constant 0 : i32
    %dma_wait3A_37 = tpu.memref_slice %arg2[%add3A_4, %dma_wait3A_36] : memref<8192x1024xf32, #tpu.memory_space<hbm>> -> memref<8x1024xf32, #tpu.memory_space<hbm>>
    tpu.wait_dma2 semaphore(%arg15 : memref<!tpu.dma_semaphore, #tpu.memory_space<semaphore_mem>>) src(%dma_wait3A_37 : memref<8x1024xf32, #tpu.memory_space<hbm>>) dst(%arg7 : memref<8x1024xf32, #tpu.memory_space<vmem>>)
    %dma_wait3A_38 = arith.constant 0 : i32
    %dma_wait3A_39 = tpu.memref_slice %arg6[%dma_wait3A_38] : memref<256xi32, #tpu.memory_space<vmem>> -> memref<8xi32, #tpu.memory_space<vmem>>
    %dma_wait3A_40 = arith.constant 0 : i32
    %dma_wait3A_41 = arith.constant 0 : i32
    %dma_wait3A_42 = tpu.memref_slice %arg4[%dma_wait3A_40, %dma_wait3A_41] : memref<2048x1024xf32, #tpu.memory_space<hbm>> -> memref<2048x1024xf32, #tpu.memory_space<hbm>>
    tpu.wait_indirect_dma semaphore(%arg19 : memref<!tpu.dma_semaphore, #tpu.memory_space<semaphore_mem>>) src(%dma_wait3A_42 : memref<2048x1024xf32, #tpu.memory_space<hbm>>) dst(%arg11 : memref<8x1024xf32, #tpu.memory_space<vmem>>)
    %parallel_loop3A = arith.constant 0 : i32
    %parallel_loop3A_43 = arith.constant 512 : i32
    %parallel_loop3A_44 = arith.constant 1 : i32
    scf.for %parallel_loop3A_1056 = %parallel_loop3A to %parallel_loop3A_43 step %parallel_loop3A_44  : i32 {
      %parallel_loop3A_1057 = arith.constant 64 : i32
      %parallel_loop3A_1058 = arith.divsi %parallel_loop3A_1056, %parallel_loop3A_1057 : i32
      %parallel_loop3A_1059 = arith.constant 0 : i32
      %parallel_loop3A_1060 = arith.cmpi sgt, %parallel_loop3A_1056, %parallel_loop3A_1059 : i32
      %parallel_loop3A_1061 = arith.extui %parallel_loop3A_1060 : i1 to i32
      %parallel_loop3A_1062 = arith.constant 0 : i32
      %parallel_loop3A_1063 = arith.cmpi slt, %parallel_loop3A_1056, %parallel_loop3A_1062 : i32
      %parallel_loop3A_1064 = arith.extui %parallel_loop3A_1063 : i1 to i32
      %parallel_loop3A_1065 = arith.subi %parallel_loop3A_1061, %parallel_loop3A_1064 : i32
      %parallel_loop3A_1066 = arith.constant 0 : i32
      %parallel_loop3A_1067 = arith.cmpi sgt, %parallel_loop3A_1057, %parallel_loop3A_1066 : i32
      %parallel_loop3A_1068 = arith.extui %parallel_loop3A_1067 : i1 to i32
      %parallel_loop3A_1069 = arith.constant 0 : i32
      %parallel_loop3A_1070 = arith.cmpi slt, %parallel_loop3A_1057, %parallel_loop3A_1069 : i32
      %parallel_loop3A_1071 = arith.extui %parallel_loop3A_1070 : i1 to i32
      %parallel_loop3A_1072 = arith.subi %parallel_loop3A_1068, %parallel_loop3A_1071 : i32
      %parallel_loop3A_1073 = arith.cmpi ne, %parallel_loop3A_1065, %parallel_loop3A_1072 : i32
      %parallel_loop3A_1074 = arith.remsi %parallel_loop3A_1056, %parallel_loop3A_1057 : i32
      %parallel_loop3A_1075 = arith.constant 0 : i32
      %parallel_loop3A_1076 = arith.cmpi ne, %parallel_loop3A_1074, %parallel_loop3A_1075 : i32
      %parallel_loop3A_1077 = arith.andi %parallel_loop3A_1073, %parallel_loop3A_1076 : i1
      %parallel_loop3A_1078 = arith.constant 1 : i32
      %parallel_loop3A_1079 = arith.subi %parallel_loop3A_1058, %parallel_loop3A_1078 : i32
      %parallel_loop3A_1080 = arith.select %parallel_loop3A_1077, %parallel_loop3A_1079, %parallel_loop3A_1058 : i32
      %parallel_loop3A_1081 = arith.constant 64 : i32
      %parallel_loop3A_1082 = arith.constant 0 : i32
      %parallel_loop3A_1083 = arith.cmpi eq, %parallel_loop3A_1081, %parallel_loop3A_1082 : i32
      %parallel_loop3A_1084 = arith.constant 1 : i32
      %parallel_loop3A_1085 = arith.select %parallel_loop3A_1083, %parallel_loop3A_1084, %parallel_loop3A_1081 : i32
      %parallel_loop3A_1086 = arith.remsi %parallel_loop3A_1056, %parallel_loop3A_1085 : i32
      %parallel_loop3A_1087 = arith.constant 0 : i32
      %parallel_loop3A_1088 = arith.cmpi ne, %parallel_loop3A_1086, %parallel_loop3A_1087 : i32
      %parallel_loop3A_1089 = arith.constant 0 : i32
      %parallel_loop3A_1090 = arith.cmpi slt, %parallel_loop3A_1086, %parallel_loop3A_1089 : i32
      %parallel_loop3A_1091 = arith.constant 0 : i32
      %parallel_loop3A_1092 = arith.cmpi slt, %parallel_loop3A_1085, %parallel_loop3A_1091 : i32
      %parallel_loop3A_1093 = arith.xori %parallel_loop3A_1090, %parallel_loop3A_1092 : i1
      %parallel_loop3A_1094 = arith.andi %parallel_loop3A_1093, %parallel_loop3A_1088 : i1
      %parallel_loop3A_1095 = arith.addi %parallel_loop3A_1086, %parallel_loop3A_1085 : i32
      %parallel_loop3A_1096 = arith.select %parallel_loop3A_1094, %parallel_loop3A_1095, %parallel_loop3A_1086 : i32
      %parallel_loop3A_1097 = arith.constant 16 : i32
      %parallel_loop3A_1098 = arith.muli %parallel_loop3A_1096, %parallel_loop3A_1097 : i32
      %parallel_loop3A_1099 = arith.index_cast %parallel_loop3A_1080 : i32 to index
      %parallel_loop3A_1100 = arith.index_cast %parallel_loop3A_1098 : i32 to index
      %parallel_loop3A_1101 = tpu.vector_load %arg11[%parallel_loop3A_1099, %parallel_loop3A_1100] {strides = array<i32>} : memref<8x1024xf32, #tpu.memory_space<vmem>>, vector<1x16xf32>,
      %parallel_loop3A_1102 = vector.shape_cast %parallel_loop3A_1101 : vector<1x16xf32> to vector<16xf32>
      %parallel_loop3A_1103 = arith.index_cast %parallel_loop3A_1080 : i32 to index
      %parallel_loop3A_1104 = arith.index_cast %parallel_loop3A_1098 : i32 to index
      %parallel_loop3A_1105 = tpu.vector_load %arg7[%parallel_loop3A_1103, %parallel_loop3A_1104] {strides = array<i32>} : memref<8x1024xf32, #tpu.memory_space<vmem>>, vector<1x16xf32>,
      %parallel_loop3A_1106 = vector.shape_cast %parallel_loop3A_1105 : vector<1x16xf32> to vector<16xf32>
      %parallel_loop3A_1107 = vector.shape_cast %parallel_loop3A_1102 : vector<16xf32> to vector<1x16xf32>
      tpu.vector_store %arg7[%parallel_loop3A_1103, %parallel_loop3A_1104], %parallel_loop3A_1107 {add = true, strides = array<i32>} : memref<8x1024xf32, #tpu.memory_space<vmem>>, vector<1x16xf32>,
    } {sc.loop_unroll_factor = 8 : i64, sc.parallel_access}
    %add3A_45 = arith.constant 0 : i32
    %add3A_46 = arith.addi %mul3A_2, %add3A_45 : i32
    %dma_start3A_47 = arith.constant 0 : i32
    %dma_start3A_48 = tpu.memref_slice %arg5[%add3A_46, %dma_start3A_47] : memref<8192x1024xf32, #tpu.memory_space<hbm>> -> memref<8x1024xf32, #tpu.memory_space<hbm>>
    %dma_start3A_49 = arith.constant 0 : i32
    %dma_start3A_50 = tpu.memref_slice %arg5[%add3A_46, %dma_start3A_49] : memref<8192x1024xf32, #tpu.memory_space<hbm>> -> memref<8x1024xf32, #tpu.memory_space<hbm>>
    tpu.enqueue_dma source(%arg7 : memref<8x1024xf32, #tpu.memory_space<vmem>>) target(%dma_start3A_50 : memref<8x1024xf32, #tpu.memory_space<hbm>>) target_semaphore(%arg23 : memref<!tpu.dma_semaphore, #tpu.memory_space<semaphore_mem>>)
    %add3A_51 = arith.constant 24 : i32
    %add3A_52 = arith.addi %mul3A_2, %add3A_51 : i32
    %dma_start3A_53 = arith.constant 0 : i32
    %dma_start3A_54 = tpu.memref_slice %arg2[%add3A_52, %dma_start3A_53] : memref<8192x1024xf32, #tpu.memory_space<hbm>> -> memref<8x1024xf32, #tpu.memory_space<hbm>>
    %dma_start3A_55 = arith.constant 0 : i32
    %dma_start3A_56 = tpu.memref_slice %arg2[%add3A_52, %dma_start3A_55] : memref<8192x1024xf32, #tpu.memory_space<hbm>> -> memref<8x1024xf32, #tpu.memory_space<hbm>>
    tpu.enqueue_dma source(%dma_start3A_56 : memref<8x1024xf32, #tpu.memory_space<hbm>>) target(%arg10 : memref<8x1024xf32, #tpu.memory_space<vmem>>) target_semaphore(%arg18 : memref<!tpu.dma_semaphore, #tpu.memory_space<semaphore_mem>>)
    %dma_start3A_57 = arith.constant 24 : i32
    %dma_start3A_58 = tpu.memref_slice %arg6[%dma_start3A_57] : memref<256xi32, #tpu.memory_space<vmem>> -> memref<8xi32, #tpu.memory_space<vmem>>
    %dma_start3A_59 = arith.constant 0 : i32
    %dma_start3A_60 = arith.constant 0 : i32
    %dma_start3A_61 = tpu.memref_slice %arg4[%dma_start3A_59, %dma_start3A_60] : memref<2048x1024xf32, #tpu.memory_space<hbm>> -> memref<2048x1024xf32, #tpu.memory_space<hbm>>
    tpu.enqueue_indirect_dma source(%dma_start3A_61 : memref<2048x1024xf32, #tpu.memory_space<hbm>>) target(%arg14 : memref<8x1024xf32, #tpu.memory_space<vmem>>) offsets(%dma_start3A_58 : memref<8xi32, #tpu.memory_space<vmem>>) semaphore(%arg22 : memref<!tpu.dma_semaphore, #tpu.memory_space<semaphore_mem>>)
    %dma_wait3A_62 = arith.constant 0 : i32
    %dma_wait3A_63 = tpu.memref_slice %arg2[%add3A_14, %dma_wait3A_62] : memref<8192x1024xf32, #tpu.memory_space<hbm>> -> memref<8x1024xf32, #tpu.memory_space<hbm>>
    %dma_wait3A_64 = arith.constant 0 : i32
    %dma_wait3A_65 = tpu.memref_slice %arg2[%add3A_14, %dma_wait3A_64] : memref<8192x1024xf32, #tpu.memory_space<hbm>> -> memref<8x1024xf32, #tpu.memory_space<hbm>>
    tpu.wait_dma2 semaphore(%arg16 : memref<!tpu.dma_semaphore, #tpu.memory_space<semaphore_mem>>) src(%dma_wait3A_65 : memref<8x1024xf32, #tpu.memory_space<hbm>>) dst(%arg8 : memref<8x1024xf32, #tpu.memory_space<vmem>>)
    %dma_wait3A_66 = arith.constant 8 : i32
    %dma_wait3A_67 = tpu.memref_slice %arg6[%dma_wait3A_66] : memref<256xi32, #tpu.memory_space<vmem>> -> memref<8xi32, #tpu.memory_space<vmem>>
    %dma_wait3A_68 = arith.constant 0 : i32
    %dma_wait3A_69 = arith.constant 0 : i32
    %dma_wait3A_70 = tpu.memref_slice %arg4[%dma_wait3A_68, %dma_wait3A_69] : memref<2048x1024xf32, #tpu.memory_space<hbm>> -> memref<2048x1024xf32, #tpu.memory_space<hbm>>
    tpu.wait_indirect_dma semaphore(%arg20 : memref<!tpu.dma_semaphore, #tpu.memory_space<semaphore_mem>>) src(%dma_wait3A_70 : memref<2048x1024xf32, #tpu.memory_space<hbm>>) dst(%arg12 : memref<8x1024xf32, #tpu.memory_space<vmem>>)
    %parallel_loop3A_71 = arith.constant 0 : i32
    %parallel_loop3A_72 = arith.constant 512 : i32
    %parallel_loop3A_73 = arith.constant 1 : i32
    scf.for %parallel_loop3A_1056 = %parallel_loop3A_71 to %parallel_loop3A_72 step %parallel_loop3A_73  : i32 {
      %parallel_loop3A_1057 = arith.constant 64 : i32
      %parallel_loop3A_1058 = arith.divsi %parallel_loop3A_1056, %parallel_loop3A_1057 : i32
      %parallel_loop3A_1059 = arith.constant 0 : i32
      %parallel_loop3A_1060 = arith.cmpi sgt, %parallel_loop3A_1056, %parallel_loop3A_1059 : i32
      %parallel_loop3A_1061 = arith.extui %parallel_loop3A_1060 : i1 to i32
      %parallel_loop3A_1062 = arith.constant 0 : i32
      %parallel_loop3A_1063 = arith.cmpi slt, %parallel_loop3A_1056, %parallel_loop3A_1062 : i32
      %parallel_loop3A_1064 = arith.extui %parallel_loop3A_1063 : i1 to i32
      %parallel_loop3A_1065 = arith.subi %parallel_loop3A_1061, %parallel_loop3A_1064 : i32
      %parallel_loop3A_1066 = arith.constant 0 : i32
      %parallel_loop3A_1067 = arith.cmpi sgt, %parallel_loop3A_1057, %parallel_loop3A_1066 : i32
      %parallel_loop3A_1068 = arith.extui %parallel_loop3A_1067 : i1 to i32
      %parallel_loop3A_1069 = arith.constant 0 : i32
      %parallel_loop3A_1070 = arith.cmpi slt, %parallel_loop3A_1057, %parallel_loop3A_1069 : i32
      %parallel_loop3A_1071 = arith.extui %parallel_loop3A_1070 : i1 to i32
      %parallel_loop3A_1072 = arith.subi %parallel_loop3A_1068, %parallel_loop3A_1071 : i32
      %parallel_loop3A_1073 = arith.cmpi ne, %parallel_loop3A_1065, %parallel_loop3A_1072 : i32
      %parallel_loop3A_1074 = arith.remsi %parallel_loop3A_1056, %parallel_loop3A_1057 : i32
      %parallel_loop3A_1075 = arith.constant 0 : i32
      %parallel_loop3A_1076 = arith.cmpi ne, %parallel_loop3A_1074, %parallel_loop3A_1075 : i32
      %parallel_loop3A_1077 = arith.andi %parallel_loop3A_1073, %parallel_loop3A_1076 : i1
      %parallel_loop3A_1078 = arith.constant 1 : i32
      %parallel_loop3A_1079 = arith.subi %parallel_loop3A_1058, %parallel_loop3A_1078 : i32
      %parallel_loop3A_1080 = arith.select %parallel_loop3A_1077, %parallel_loop3A_1079, %parallel_loop3A_1058 : i32
      %parallel_loop3A_1081 = arith.constant 64 : i32
      %parallel_loop3A_1082 = arith.constant 0 : i32
      %parallel_loop3A_1083 = arith.cmpi eq, %parallel_loop3A_1081, %parallel_loop3A_1082 : i32
      %parallel_loop3A_1084 = arith.constant 1 : i32
      %parallel_loop3A_1085 = arith.select %parallel_loop3A_1083, %parallel_loop3A_1084, %parallel_loop3A_1081 : i32
      %parallel_loop3A_1086 = arith.remsi %parallel_loop3A_1056, %parallel_loop3A_1085 : i32
      %parallel_loop3A_1087 = arith.constant 0 : i32
      %parallel_loop3A_1088 = arith.cmpi ne, %parallel_loop3A_1086, %parallel_loop3A_1087 : i32
      %parallel_loop3A_1089 = arith.constant 0 : i32
      %parallel_loop3A_1090 = arith.cmpi slt, %parallel_loop3A_1086, %parallel_loop3A_1089 : i32
      %parallel_loop3A_1091 = arith.constant 0 : i32
      %parallel_loop3A_1092 = arith.cmpi slt, %parallel_loop3A_1085, %parallel_loop3A_1091 : i32
      %parallel_loop3A_1093 = arith.xori %parallel_loop3A_1090, %parallel_loop3A_1092 : i1
      %parallel_loop3A_1094 = arith.andi %parallel_loop3A_1093, %parallel_loop3A_1088 : i1
      %parallel_loop3A_1095 = arith.addi %parallel_loop3A_1086, %parallel_loop3A_1085 : i32
      %parallel_loop3A_1096 = arith.select %parallel_loop3A_1094, %parallel_loop3A_1095, %parallel_loop3A_1086 : i32
      %parallel_loop3A_1097 = arith.constant 16 : i32
      %parallel_loop3A_1098 = arith.muli %parallel_loop3A_1096, %parallel_loop3A_1097 : i32
      %parallel_loop3A_1099 = arith.index_cast %parallel_loop3A_1080 : i32 to index
      %parallel_loop3A_1100 = arith.index_cast %parallel_loop3A_1098 : i32 to index
      %parallel_loop3A_1101 = tpu.vector_load %arg12[%parallel_loop3A_1099, %parallel_loop3A_1100] {strides = array<i32>} : memref<8x1024xf32, #tpu.memory_space<vmem>>, vector<1x16xf32>,
      %parallel_loop3A_1102 = vector.shape_cast %parallel_loop3A_1101 : vector<1x16xf32> to vector<16xf32>
      %parallel_loop3A_1103 = arith.index_cast %parallel_loop3A_1080 : i32 to index
      %parallel_loop3A_1104 = arith.index_cast %parallel_loop3A_1098 : i32 to index
      %parallel_loop3A_1105 = tpu.vector_load %arg8[%parallel_loop3A_1103, %parallel_loop3A_1104] {strides = array<i32>} : memref<8x1024xf32, #tpu.memory_space<vmem>>, vector<1x16xf32>,
      %parallel_loop3A_1106 = vector.shape_cast %parallel_loop3A_1105 : vector<1x16xf32> to vector<16xf32>
      %parallel_loop3A_1107 = vector.shape_cast %parallel_loop3A_1102 : vector<16xf32> to vector<1x16xf32>
      tpu.vector_store %arg8[%parallel_loop3A_1103, %parallel_loop3A_1104], %parallel_loop3A_1107 {add = true, strides = array<i32>} : memref<8x1024xf32, #tpu.memory_space<vmem>>, vector<1x16xf32>,
    } {sc.loop_unroll_factor = 8 : i64, sc.parallel_access}
    %add3A_74 = arith.constant 8 : i32
    %add3A_75 = arith.addi %mul3A_2, %add3A_74 : i32
    %dma_start3A_76 = arith.constant 0 : i32
    %dma_start3A_77 = tpu.memref_slice %arg5[%add3A_75, %dma_start3A_76] : memref<8192x1024xf32, #tpu.memory_space<hbm>> -> memref<8x1024xf32, #tpu.memory_space<hbm>>
    %dma_start3A_78 = arith.constant 0 : i32
    %dma_start3A_79 = tpu.memref_slice %arg5[%add3A_75, %dma_start3A_78] : memref<8192x1024xf32, #tpu.memory_space<hbm>> -> memref<8x1024xf32, #tpu.memory_space<hbm>>
    tpu.enqueue_dma source(%arg8 : memref<8x1024xf32, #tpu.memory_space<vmem>>) target(%dma_start3A_79 : memref<8x1024xf32, #tpu.memory_space<hbm>>) target_semaphore(%arg24 : memref<!tpu.dma_semaphore, #tpu.memory_space<semaphore_mem>>)
    %dma_wait3A_80 = arith.constant 0 : i32
    %dma_wait3A_81 = tpu.memref_slice %arg5[%add3A_46, %dma_wait3A_80] : memref<8192x1024xf32, #tpu.memory_space<hbm>> -> memref<8x1024xf32, #tpu.memory_space<hbm>>
    %dma_wait3A_82 = arith.constant 0 : i32
    %dma_wait3A_83 = tpu.memref_slice %arg5[%add3A_46, %dma_wait3A_82] : memref<8192x1024xf32, #tpu.memory_space<hbm>> -> memref<8x1024xf32, #tpu.memory_space<hbm>>
    tpu.wait_dma2 semaphore(%arg23 : memref<!tpu.dma_semaphore, #tpu.memory_space<semaphore_mem>>) src(%arg7 : memref<8x1024xf32, #tpu.memory_space<vmem>>) dst(%dma_wait3A_83 : memref<8x1024xf32, #tpu.memory_space<hbm>>)
    %add3A_84 = arith.constant 32 : i32
    %add3A_85 = arith.addi %mul3A_2, %add3A_84 : i32
    %dma_start3A_86 = arith.constant 0 : i32
    %dma_start3A_87 = tpu.memref_slice %arg2[%add3A_85, %dma_start3A_86] : memref<8192x1024xf32, #tpu.memory_space<hbm>> -> memref<8x1024xf32, #tpu.memory_space<hbm>>
    %dma_start3A_88 = arith.constant 0 : i32
    %dma_start3A_89 = tpu.memref_slice %arg2[%add3A_85, %dma_start3A_88] : memref<8192x1024xf32, #tpu.memory_space<hbm>> -> memref<8x1024xf32, #tpu.memory_space<hbm>>
    tpu.enqueue_dma source(%dma_start3A_89 : memref<8x1024xf32, #tpu.memory_space<hbm>>) target(%arg7 : memref<8x1024xf32, #tpu.memory_space<vmem>>) target_semaphore(%arg15 : memref<!tpu.dma_semaphore, #tpu.memory_space<semaphore_mem>>)
    %dma_start3A_90 = arith.constant 32 : i32
    %dma_start3A_91 = tpu.memref_slice %arg6[%dma_start3A_90] : memref<256xi32, #tpu.memory_space<vmem>> -> memref<8xi32, #tpu.memory_space<vmem>>
    %dma_start3A_92 = arith.constant 0 : i32
    %dma_start3A_93 = arith.constant 0 : i32
    %dma_start3A_94 = tpu.memref_slice %arg4[%dma_start3A_92, %dma_start3A_93] : memref<2048x1024xf32, #tpu.memory_space<hbm>> -> memref<2048x1024xf32, #tpu.memory_space<hbm>>
    tpu.enqueue_indirect_dma source(%dma_start3A_94 : memref<2048x1024xf32, #tpu.memory_space<hbm>>) target(%arg11 : memref<8x1024xf32, #tpu.memory_space<vmem>>) offsets(%dma_start3A_91 : memref<8xi32, #tpu.memory_space<vmem>>) semaphore(%arg19 : memref<!tpu.dma_semaphore, #tpu.memory_space<semaphore_mem>>)
    %dma_wait3A_95 = arith.constant 0 : i32
    %dma_wait3A_96 = tpu.memref_slice %arg2[%add3A_25, %dma_wait3A_95] : memref<8192x1024xf32, #tpu.memory_space<hbm>> -> memref<8x1024xf32, #tpu.memory_space<hbm>>
    %dma_wait3A_97 = arith.constant 0 : i32
    %dma_wait3A_98 = tpu.memref_slice %arg2[%add3A_25, %dma_wait3A_97] : memref<8192x1024xf32, #tpu.memory_space<hbm>> -> memref<8x1024xf32, #tpu.memory_space<hbm>>
    tpu.wait_dma2 semaphore(%arg17 : memref<!tpu.dma_semaphore, #tpu.memory_space<semaphore_mem>>) src(%dma_wait3A_98 : memref<8x1024xf32, #tpu.memory_space<hbm>>) dst(%arg9 : memref<8x1024xf32, #tpu.memory_space<vmem>>)
    %dma_wait3A_99 = arith.constant 16 : i32
    %dma_wait3A_100 = tpu.memref_slice %arg6[%dma_wait3A_99] : memref<256xi32, #tpu.memory_space<vmem>> -> memref<8xi32, #tpu.memory_space<vmem>>
    %dma_wait3A_101 = arith.constant 0 : i32
    %dma_wait3A_102 = arith.constant 0 : i32
    %dma_wait3A_103 = tpu.memref_slice %arg4[%dma_wait3A_101, %dma_wait3A_102] : memref<2048x1024xf32, #tpu.memory_space<hbm>> -> memref<2048x1024xf32, #tpu.memory_space<hbm>>
    tpu.wait_indirect_dma semaphore(%arg21 : memref<!tpu.dma_semaphore, #tpu.memory_space<semaphore_mem>>) src(%dma_wait3A_103 : memref<2048x1024xf32, #tpu.memory_space<hbm>>) dst(%arg13 : memref<8x1024xf32, #tpu.memory_space<vmem>>)
    %parallel_loop3A_104 = arith.constant 0 : i32
    %parallel_loop3A_105 = arith.constant 512 : i32
    %parallel_loop3A_106 = arith.constant 1 : i32
    scf.for %parallel_loop3A_1056 = %parallel_loop3A_104 to %parallel_loop3A_105 step %parallel_loop3A_106  : i32 {
      %parallel_loop3A_1057 = arith.constant 64 : i32
      %parallel_loop3A_1058 = arith.divsi %parallel_loop3A_1056, %parallel_loop3A_1057 : i32
      %parallel_loop3A_1059 = arith.constant 0 : i32
      %parallel_loop3A_1060 = arith.cmpi sgt, %parallel_loop3A_1056, %parallel_loop3A_1059 : i32
      %parallel_loop3A_1061 = arith.extui %parallel_loop3A_1060 : i1 to i32
      %parallel_loop3A_1062 = arith.constant 0 : i32
      %parallel_loop3A_1063 = arith.cmpi slt, %parallel_loop3A_1056, %parallel_loop3A_1062 : i32
      %parallel_loop3A_1064 = arith.extui %parallel_loop3A_1063 : i1 to i32
      %parallel_loop3A_1065 = arith.subi %parallel_loop3A_1061, %parallel_loop3A_1064 : i32
      %parallel_loop3A_1066 = arith.constant 0 : i32
      %parallel_loop3A_1067 = arith.cmpi sgt, %parallel_loop3A_1057, %parallel_loop3A_1066 : i32
      %parallel_loop3A_1068 = arith.extui %parallel_loop3A_1067 : i1 to i32
      %parallel_loop3A_1069 = arith.constant 0 : i32
      %parallel_loop3A_1070 = arith.cmpi slt, %parallel_loop3A_1057, %parallel_loop3A_1069 : i32
      %parallel_loop3A_1071 = arith.extui %parallel_loop3A_1070 : i1 to i32
      %parallel_loop3A_1072 = arith.subi %parallel_loop3A_1068, %parallel_loop3A_1071 : i32
      %parallel_loop3A_1073 = arith.cmpi ne, %parallel_loop3A_1065, %parallel_loop3A_1072 : i32
      %parallel_loop3A_1074 = arith.remsi %parallel_loop3A_1056, %parallel_loop3A_1057 : i32
      %parallel_loop3A_1075 = arith.constant 0 : i32
      %parallel_loop3A_1076 = arith.cmpi ne, %parallel_loop3A_1074, %parallel_loop3A_1075 : i32
      %parallel_loop3A_1077 = arith.andi %parallel_loop3A_1073, %parallel_loop3A_1076 : i1
      %parallel_loop3A_1078 = arith.constant 1 : i32
      %parallel_loop3A_1079 = arith.subi %parallel_loop3A_1058, %parallel_loop3A_1078 : i32
      %parallel_loop3A_1080 = arith.select %parallel_loop3A_1077, %parallel_loop3A_1079, %parallel_loop3A_1058 : i32
      %parallel_loop3A_1081 = arith.constant 64 : i32
      %parallel_loop3A_1082 = arith.constant 0 : i32
      %parallel_loop3A_1083 = arith.cmpi eq, %parallel_loop3A_1081, %parallel_loop3A_1082 : i32
      %parallel_loop3A_1084 = arith.constant 1 : i32
      %parallel_loop3A_1085 = arith.select %parallel_loop3A_1083, %parallel_loop3A_1084, %parallel_loop3A_1081 : i32
      %parallel_loop3A_1086 = arith.remsi %parallel_loop3A_1056, %parallel_loop3A_1085 : i32
      %parallel_loop3A_1087 = arith.constant 0 : i32
      %parallel_loop3A_1088 = arith.cmpi ne, %parallel_loop3A_1086, %parallel_loop3A_1087 : i32
      %parallel_loop3A_1089 = arith.constant 0 : i32
      %parallel_loop3A_1090 = arith.cmpi slt, %parallel_loop3A_1086, %parallel_loop3A_1089 : i32
      %parallel_loop3A_1091 = arith.constant 0 : i32
      %parallel_loop3A_1092 = arith.cmpi slt, %parallel_loop3A_1085, %parallel_loop3A_1091 : i32
      %parallel_loop3A_1093 = arith.xori %parallel_loop3A_1090, %parallel_loop3A_1092 : i1
      %parallel_loop3A_1094 = arith.andi %parallel_loop3A_1093, %parallel_loop3A_1088 : i1
      %parallel_loop3A_1095 = arith.addi %parallel_loop3A_1086, %parallel_loop3A_1085 : i32
      %parallel_loop3A_1096 = arith.select %parallel_loop3A_1094, %parallel_loop3A_1095, %parallel_loop3A_1086 : i32
      %parallel_loop3A_1097 = arith.constant 16 : i32
      %parallel_loop3A_1098 = arith.muli %parallel_loop3A_1096, %parallel_loop3A_1097 : i32
      %parallel_loop3A_1099 = arith.index_cast %parallel_loop3A_1080 : i32 to index
      %parallel_loop3A_1100 = arith.index_cast %parallel_loop3A_1098 : i32 to index
      %parallel_loop3A_1101 = tpu.vector_load %arg13[%parallel_loop3A_1099, %parallel_loop3A_1100] {strides = array<i32>} : memref<8x1024xf32, #tpu.memory_space<vmem>>, vector<1x16xf32>,
      %parallel_loop3A_1102 = vector.shape_cast %parallel_loop3A_1101 : vector<1x16xf32> to vector<16xf32>
      %parallel_loop3A_1103 = arith.index_cast %parallel_loop3A_1080 : i32 to index
      %parallel_loop3A_1104 = arith.index_cast %parallel_loop3A_1098 : i32 to index
      %parallel_loop3A_1105 = tpu.vector_load %arg9[%parallel_loop3A_1103, %parallel_loop3A_1104] {strides = array<i32>} : memref<8x1024xf32, #tpu.memory_space<vmem>>, vector<1x16xf32>,
      %parallel_loop3A_1106 = vector.shape_cast %parallel_loop3A_1105 : vector<1x16xf32> to vector<16xf32>
      %parallel_loop3A_1107 = vector.shape_cast %parallel_loop3A_1102 : vector<16xf32> to vector<1x16xf32>
      tpu.vector_store %arg9[%parallel_loop3A_1103, %parallel_loop3A_1104], %parallel_loop3A_1107 {add = true, strides = array<i32>} : memref<8x1024xf32, #tpu.memory_space<vmem>>, vector<1x16xf32>,
    } {sc.loop_unroll_factor = 8 : i64, sc.parallel_access}
    %add3A_107 = arith.constant 16 : i32
    %add3A_108 = arith.addi %mul3A_2, %add3A_107 : i32
    %dma_start3A_109 = arith.constant 0 : i32
    %dma_start3A_110 = tpu.memref_slice %arg5[%add3A_108, %dma_start3A_109] : memref<8192x1024xf32, #tpu.memory_space<hbm>> -> memref<8x1024xf32, #tpu.memory_space<hbm>>
    %dma_start3A_111 = arith.constant 0 : i32
    %dma_start3A_112 = tpu.memref_slice %arg5[%add3A_108, %dma_start3A_111] : memref<8192x1024xf32, #tpu.memory_space<hbm>> -> memref<8x1024xf32, #tpu.memory_space<hbm>>
    tpu.enqueue_dma source(%arg9 : memref<8x1024xf32, #tpu.memory_space<vmem>>) target(%dma_start3A_112 : memref<8x1024xf32, #tpu.memory_space<hbm>>) target_semaphore(%arg25 : memref<!tpu.dma_semaphore, #tpu.memory_space<semaphore_mem>>)
    %dma_wait3A_113 = arith.constant 0 : i32
    %dma_wait3A_114 = tpu.memref_slice %arg5[%add3A_75, %dma_wait3A_113] : memref<8192x1024xf32, #tpu.memory_space<hbm>> -> memref<8x1024xf32, #tpu.memory_space<hbm>>
    %dma_wait3A_115 = arith.constant 0 : i32
    %dma_wait3A_116 = tpu.memref_slice %arg5[%add3A_75, %dma_wait3A_115] : memref<8192x1024xf32, #tpu.memory_space<hbm>> -> memref<8x1024xf32, #tpu.memory_space<hbm>>
    tpu.wait_dma2 semaphore(%arg24 : memref<!tpu.dma_semaphore, #tpu.memory_space<semaphore_mem>>) src(%arg8 : memref<8x1024xf32, #tpu.memory_space<vmem>>) dst(%dma_wait3A_116 : memref<8x1024xf32, #tpu.memory_space<hbm>>)
    %add3A_117 = arith.constant 40 : i32
    %add3A_118 = arith.addi %mul3A_2, %add3A_117 : i32
    %dma_start3A_119 = arith.constant 0 : i32
    %dma_start3A_120 = tpu.memref_slice %arg2[%add3A_118, %dma_start3A_119] : memref<8192x1024xf32, #tpu.memory_space<hbm>> -> memref<8x1024xf32, #tpu.memory_space<hbm>>
    %dma_start3A_121 = arith.constant 0 : i32
    %dma_start3A_122 = tpu.memref_slice %arg2[%add3A_118, %dma_start3A_121] : memref<8192x1024xf32, #tpu.memory_space<hbm>> -> memref<8x1024xf32, #tpu.memory_space<hbm>>
    tpu.enqueue_dma source(%dma_start3A_122 : memref<8x1024xf32, #tpu.memory_space<hbm>>) target(%arg8 : memref<8x1024xf32, #tpu.memory_space<vmem>>) target_semaphore(%arg16 : memref<!tpu.dma_semaphore, #tpu.memory_space<semaphore_mem>>)
    %dma_start3A_123 = arith.constant 40 : i32
    %dma_start3A_124 = tpu.memref_slice %arg6[%dma_start3A_123] : memref<256xi32, #tpu.memory_space<vmem>> -> memref<8xi32, #tpu.memory_space<vmem>>
    %dma_start3A_125 = arith.constant 0 : i32
    %dma_start3A_126 = arith.constant 0 : i32
    %dma_start3A_127 = tpu.memref_slice %arg4[%dma_start3A_125, %dma_start3A_126] : memref<2048x1024xf32, #tpu.memory_space<hbm>> -> memref<2048x1024xf32, #tpu.memory_space<hbm>>
    tpu.enqueue_indirect_dma source(%dma_start3A_127 : memref<2048x1024xf32, #tpu.memory_space<hbm>>) target(%arg12 : memref<8x1024xf32, #tpu.memory_space<vmem>>) offsets(%dma_start3A_124 : memref<8xi32, #tpu.memory_space<vmem>>) semaphore(%arg20 : memref<!tpu.dma_semaphore, #tpu.memory_space<semaphore_mem>>)
    %dma_wait3A_128 = arith.constant 0 : i32
    %dma_wait3A_129 = tpu.memref_slice %arg2[%add3A_52, %dma_wait3A_128] : memref<8192x1024xf32, #tpu.memory_space<hbm>> -> memref<8x1024xf32, #tpu.memory_space<hbm>>
    %dma_wait3A_130 = arith.constant 0 : i32
    %dma_wait3A_131 = tpu.memref_slice %arg2[%add3A_52, %dma_wait3A_130] : memref<8192x1024xf32, #tpu.memory_space<hbm>> -> memref<8x1024xf32, #tpu.memory_space<hbm>>
    tpu.wait_dma2 semaphore(%arg18 : memref<!tpu.dma_semaphore, #tpu.memory_space<semaphore_mem>>) src(%dma_wait3A_131 : memref<8x1024xf32, #tpu.memory_space<hbm>>) dst(%arg10 : memref<8x1024xf32, #tpu.memory_space<vmem>>)
    %dma_wait3A_132 = arith.constant 24 : i32
    %dma_wait3A_133 = tpu.memref_slice %arg6[%dma_wait3A_132] : memref<256xi32, #tpu.memory_space<vmem>> -> memref<8xi32, #tpu.memory_space<vmem>>
    %dma_wait3A_134 = arith.constant 0 : i32
    %dma_wait3A_135 = arith.constant 0 : i32
    %dma_wait3A_136 = tpu.memref_slice %arg4[%dma_wait3A_134, %dma_wait3A_135] : memref<2048x1024xf32, #tpu.memory_space<hbm>> -> memref<2048x1024xf32, #tpu.memory_space<hbm>>
    tpu.wait_indirect_dma semaphore(%arg22 : memref<!tpu.dma_semaphore, #tpu.memory_space<semaphore_mem>>) src(%dma_wait3A_136 : memref<2048x1024xf32, #tpu.memory_space<hbm>>) dst(%arg14 : memref<8x1024xf32, #tpu.memory_space<vmem>>)
    %parallel_loop3A_137 = arith.constant 0 : i32
    %parallel_loop3A_138 = arith.constant 512 : i32
    %parallel_loop3A_139 = arith.constant 1 : i32
    scf.for %parallel_loop3A_1056 = %parallel_loop3A_137 to %parallel_loop3A_138 step %parallel_loop3A_139  : i32 {
      %parallel_loop3A_1057 = arith.constant 64 : i32
      %parallel_loop3A_1058 = arith.divsi %parallel_loop3A_1056, %parallel_loop3A_1057 : i32
      %parallel_loop3A_1059 = arith.constant 0 : i32
      %parallel_loop3A_1060 = arith.cmpi sgt, %parallel_loop3A_1056, %parallel_loop3A_1059 : i32
      %parallel_loop3A_1061 = arith.extui %parallel_loop3A_1060 : i1 to i32
      %parallel_loop3A_1062 = arith.constant 0 : i32
      %parallel_loop3A_1063 = arith.cmpi slt, %parallel_loop3A_1056, %parallel_loop3A_1062 : i32
      %parallel_loop3A_1064 = arith.extui %parallel_loop3A_1063 : i1 to i32
      %parallel_loop3A_1065 = arith.subi %parallel_loop3A_1061, %parallel_loop3A_1064 : i32
      %parallel_loop3A_1066 = arith.constant 0 : i32
      %parallel_loop3A_1067 = arith.cmpi sgt, %parallel_loop3A_1057, %parallel_loop3A_1066 : i32
      %parallel_loop3A_1068 = arith.extui %parallel_loop3A_1067 : i1 to i32
      %parallel_loop3A_1069 = arith.constant 0 : i32
      %parallel_loop3A_1070 = arith.cmpi slt, %parallel_loop3A_1057, %parallel_loop3A_1069 : i32
      %parallel_loop3A_1071 = arith.extui %parallel_loop3A_1070 : i1 to i32
      %parallel_loop3A_1072 = arith.subi %parallel_loop3A_1068, %parallel_loop3A_1071 : i32
      %parallel_loop3A_1073 = arith.cmpi ne, %parallel_loop3A_1065, %parallel_loop3A_1072 : i32
      %parallel_loop3A_1074 = arith.remsi %parallel_loop3A_1056, %parallel_loop3A_1057 : i32
      %parallel_loop3A_1075 = arith.constant 0 : i32
      %parallel_loop3A_1076 = arith.cmpi ne, %parallel_loop3A_1074, %parallel_loop3A_1075 : i32
      %parallel_loop3A_1077 = arith.andi %parallel_loop3A_1073, %parallel_loop3A_1076 : i1
      %parallel_loop3A_1078 = arith.constant 1 : i32
      %parallel_loop3A_1079 = arith.subi %parallel_loop3A_1058, %parallel_loop3A_1078 : i32
      %parallel_loop3A_1080 = arith.select %parallel_loop3A_1077, %parallel_loop3A_1079, %parallel_loop3A_1058 : i32
      %parallel_loop3A_1081 = arith.constant 64 : i32
      %parallel_loop3A_1082 = arith.constant 0 : i32
      %parallel_loop3A_1083 = arith.cmpi eq, %parallel_loop3A_1081, %parallel_loop3A_1082 : i32
      %parallel_loop3A_1084 = arith.constant 1 : i32
      %parallel_loop3A_1085 = arith.select %parallel_loop3A_1083, %parallel_loop3A_1084, %parallel_loop3A_1081 : i32
      %parallel_loop3A_1086 = arith.remsi %parallel_loop3A_1056, %parallel_loop3A_1085 : i32
      %parallel_loop3A_1087 = arith.constant 0 : i32
      %parallel_loop3A_1088 = arith.cmpi ne, %parallel_loop3A_1086, %parallel_loop3A_1087 : i32
      %parallel_loop3A_1089 = arith.constant 0 : i32
      %parallel_loop3A_1090 = arith.cmpi slt, %parallel_loop3A_1086, %parallel_loop3A_1089 : i32
      %parallel_loop3A_1091 = arith.constant 0 : i32
      %parallel_loop3A_1092 = arith.cmpi slt, %parallel_loop3A_1085, %parallel_loop3A_1091 : i32
      %parallel_loop3A_1093 = arith.xori %parallel_loop3A_1090, %parallel_loop3A_1092 : i1
      %parallel_loop3A_1094 = arith.andi %parallel_loop3A_1093, %parallel_loop3A_1088 : i1
      %parallel_loop3A_1095 = arith.addi %parallel_loop3A_1086, %parallel_loop3A_1085 : i32
      %parallel_loop3A_1096 = arith.select %parallel_loop3A_1094, %parallel_loop3A_1095, %parallel_loop3A_1086 : i32
      %parallel_loop3A_1097 = arith.constant 16 : i32
      %parallel_loop3A_1098 = arith.muli %parallel_loop3A_1096, %parallel_loop3A_1097 : i32
      %parallel_loop3A_1099 = arith.index_cast %parallel_loop3A_1080 : i32 to index
      %parallel_loop3A_1100 = arith.index_cast %parallel_loop3A_1098 : i32 to index
      %parallel_loop3A_1101 = tpu.vector_load %arg14[%parallel_loop3A_1099, %parallel_loop3A_1100] {strides = array<i32>} : memref<8x1024xf32, #tpu.memory_space<vmem>>, vector<1x16xf32>,
      %parallel_loop3A_1102 = vector.shape_cast %parallel_loop3A_1101 : vector<1x16xf32> to vector<16xf32>
      %parallel_loop3A_1103 = arith.index_cast %parallel_loop3A_1080 : i32 to index
      %parallel_loop3A_1104 = arith.index_cast %parallel_loop3A_1098 : i32 to index
      %parallel_loop3A_1105 = tpu.vector_load %arg10[%parallel_loop3A_1103, %parallel_loop3A_1104] {strides = array<i32>} : memref<8x1024xf32, #tpu.memory_space<vmem>>, vector<1x16xf32>,
      %parallel_loop3A_1106 = vector.shape_cast %parallel_loop3A_1105 : vector<1x16xf32> to vector<16xf32>
      %parallel_loop3A_1107 = vector.shape_cast %parallel_loop3A_1102 : vector<16xf32> to vector<1x16xf32>
      tpu.vector_store %arg10[%parallel_loop3A_1103, %parallel_loop3A_1104], %parallel_loop3A_1107 {add = true, strides = array<i32>} : memref<8x1024xf32, #tpu.memory_space<vmem>>, vector<1x16xf32>,
    } {sc.loop_unroll_factor = 8 : i64, sc.parallel_access}
    %add3A_140 = arith.constant 24 : i32
    %add3A_141 = arith.addi %mul3A_2, %add3A_140 : i32
    %dma_start3A_142 = arith.constant 0 : i32
    %dma_start3A_143 = tpu.memref_slice %arg5[%add3A_141, %dma_start3A_142] : memref<8192x1024xf32, #tpu.memory_space<hbm>> -> memref<8x1024xf32, #tpu.memory_space<hbm>>
    %dma_start3A_144 = arith.constant 0 : i32
    %dma_start3A_145 = tpu.memref_slice %arg5[%add3A_141, %dma_start3A_144] : memref<8192x1024xf32, #tpu.memory_space<hbm>> -> memref<8x1024xf32, #tpu.memory_space<hbm>>
    tpu.enqueue_dma source(%arg10 : memref<8x1024xf32, #tpu.memory_space<vmem>>) target(%dma_start3A_145 : memref<8x1024xf32, #tpu.memory_space<hbm>>) target_semaphore(%arg26 : memref<!tpu.dma_semaphore, #tpu.memory_space<semaphore_mem>>)
    %dma_wait3A_146 = arith.constant 0 : i32
    %dma_wait3A_147 = tpu.memref_slice %arg5[%add3A_108, %dma_wait3A_146] : memref<8192x1024xf32, #tpu.memory_space<hbm>> -> memref<8x1024xf32, #tpu.memory_space<hbm>>
    %dma_wait3A_148 = arith.constant 0 : i32
    %dma_wait3A_149 = tpu.memref_slice %arg5[%add3A_108, %dma_wait3A_148] : memref<8192x1024xf32, #tpu.memory_space<hbm>> -> memref<8x1024xf32, #tpu.memory_space<hbm>>
    tpu.wait_dma2 semaphore(%arg25 : memref<!tpu.dma_semaphore, #tpu.memory_space<semaphore_mem>>) src(%arg9 : memref<8x1024xf32, #tpu.memory_space<vmem>>) dst(%dma_wait3A_149 : memref<8x1024xf32, #tpu.memory_space<hbm>>)
    %add3A_150 = arith.constant 48 : i32
    %add3A_151 = arith.addi %mul3A_2, %add3A_150 : i32
    %dma_start3A_152 = arith.constant 0 : i32
    %dma_start3A_153 = tpu.memref_slice %arg2[%add3A_151, %dma_start3A_152] : memref<8192x1024xf32, #tpu.memory_space<hbm>> -> memref<8x1024xf32, #tpu.memory_space<hbm>>
    %dma_start3A_154 = arith.constant 0 : i32
    %dma_start3A_155 = tpu.memref_slice %arg2[%add3A_151, %dma_start3A_154] : memref<8192x1024xf32, #tpu.memory_space<hbm>> -> memref<8x1024xf32, #tpu.memory_space<hbm>>
    tpu.enqueue_dma source(%dma_start3A_155 : memref<8x1024xf32, #tpu.memory_space<hbm>>) target(%arg9 : memref<8x1024xf32, #tpu.memory_space<vmem>>) target_semaphore(%arg17 : memref<!tpu.dma_semaphore, #tpu.memory_space<semaphore_mem>>)
    %dma_start3A_156 = arith.constant 48 : i32
    %dma_start3A_157 = tpu.memref_slice %arg6[%dma_start3A_156] : memref<256xi32, #tpu.memory_space<vmem>> -> memref<8xi32, #tpu.memory_space<vmem>>
    %dma_start3A_158 = arith.constant 0 : i32
    %dma_start3A_159 = arith.constant 0 : i32
    %dma_start3A_160 = tpu.memref_slice %arg4[%dma_start3A_158, %dma_start3A_159] : memref<2048x1024xf32, #tpu.memory_space<hbm>> -> memref<2048x1024xf32, #tpu.memory_space<hbm>>
    tpu.enqueue_indirect_dma source(%dma_start3A_160 : memref<2048x1024xf32, #tpu.memory_space<hbm>>) target(%arg13 : memref<8x1024xf32, #tpu.memory_space<vmem>>) offsets(%dma_start3A_157 : memref<8xi32, #tpu.memory_space<vmem>>) semaphore(%arg21 : memref<!tpu.dma_semaphore, #tpu.memory_space<semaphore_mem>>)
    %dma_wait3A_161 = arith.constant 0 : i32
    %dma_wait3A_162 = tpu.memref_slice %arg2[%add3A_85, %dma_wait3A_161] : memref<8192x1024xf32, #tpu.memory_space<hbm>> -> memref<8x1024xf32, #tpu.memory_space<hbm>>
    %dma_wait3A_163 = arith.constant 0 : i32
    %dma_wait3A_164 = tpu.memref_slice %arg2[%add3A_85, %dma_wait3A_163] : memref<8192x1024xf32, #tpu.memory_space<hbm>> -> memref<8x1024xf32, #tpu.memory_space<hbm>>
    tpu.wait_dma2 semaphore(%arg15 : memref<!tpu.dma_semaphore, #tpu.memory_space<semaphore_mem>>) src(%dma_wait3A_164 : memref<8x1024xf32, #tpu.memory_space<hbm>>) dst(%arg7 : memref<8x1024xf32, #tpu.memory_space<vmem>>)
    %dma_wait3A_165 = arith.constant 32 : i32
    %dma_wait3A_166 = tpu.memref_slice %arg6[%dma_wait3A_165] : memref<256xi32, #tpu.memory_space<vmem>> -> memref<8xi32, #tpu.memory_space<vmem>>
    %dma_wait3A_167 = arith.constant 0 : i32
    %dma_wait3A_168 = arith.constant 0 : i32
    %dma_wait3A_169 = tpu.memref_slice %arg4[%dma_wait3A_167, %dma_wait3A_168] : memref<2048x1024xf32, #tpu.memory_space<hbm>> -> memref<2048x1024xf32, #tpu.memory_space<hbm>>
    tpu.wait_indirect_dma semaphore(%arg19 : memref<!tpu.dma_semaphore, #tpu.memory_space<semaphore_mem>>) src(%dma_wait3A_169 : memref<2048x1024xf32, #tpu.memory_space<hbm>>) dst(%arg11 : memref<8x1024xf32, #tpu.memory_space<vmem>>)
    %parallel_loop3A_170 = arith.constant 0 : i32
    %parallel_loop3A_171 = arith.constant 512 : i32
    %parallel_loop3A_172 = arith.constant 1 : i32
    scf.for %parallel_loop3A_1056 = %parallel_loop3A_170 to %parallel_loop3A_171 step %parallel_loop3A_172  : i32 {
      %parallel_loop3A_1057 = arith.constant 64 : i32
      %parallel_loop3A_1058 = arith.divsi %parallel_loop3A_1056, %parallel_loop3A_1057 : i32
      %parallel_loop3A_1059 = arith.constant 0 : i32
      %parallel_loop3A_1060 = arith.cmpi sgt, %parallel_loop3A_1056, %parallel_loop3A_1059 : i32
      %parallel_loop3A_1061 = arith.extui %parallel_loop3A_1060 : i1 to i32
      %parallel_loop3A_1062 = arith.constant 0 : i32
      %parallel_loop3A_1063 = arith.cmpi slt, %parallel_loop3A_1056, %parallel_loop3A_1062 : i32
      %parallel_loop3A_1064 = arith.extui %parallel_loop3A_1063 : i1 to i32
      %parallel_loop3A_1065 = arith.subi %parallel_loop3A_1061, %parallel_loop3A_1064 : i32
      %parallel_loop3A_1066 = arith.constant 0 : i32
      %parallel_loop3A_1067 = arith.cmpi sgt, %parallel_loop3A_1057, %parallel_loop3A_1066 : i32
      %parallel_loop3A_1068 = arith.extui %parallel_loop3A_1067 : i1 to i32
      %parallel_loop3A_1069 = arith.constant 0 : i32
      %parallel_loop3A_1070 = arith.cmpi slt, %parallel_loop3A_1057, %parallel_loop3A_1069 : i32
      %parallel_loop3A_1071 = arith.extui %parallel_loop3A_1070 : i1 to i32
      %parallel_loop3A_1072 = arith.subi %parallel_loop3A_1068, %parallel_loop3A_1071 : i32
      %parallel_loop3A_1073 = arith.cmpi ne, %parallel_loop3A_1065, %parallel_loop3A_1072 : i32
      %parallel_loop3A_1074 = arith.remsi %parallel_loop3A_1056, %parallel_loop3A_1057 : i32
      %parallel_loop3A_1075 = arith.constant 0 : i32
      %parallel_loop3A_1076 = arith.cmpi ne, %parallel_loop3A_1074, %parallel_loop3A_1075 : i32
      %parallel_loop3A_1077 = arith.andi %parallel_loop3A_1073, %parallel_loop3A_1076 : i1
      %parallel_loop3A_1078 = arith.constant 1 : i32
      %parallel_loop3A_1079 = arith.subi %parallel_loop3A_1058, %parallel_loop3A_1078 : i32
      %parallel_loop3A_1080 = arith.select %parallel_loop3A_1077, %parallel_loop3A_1079, %parallel_loop3A_1058 : i32
      %parallel_loop3A_1081 = arith.constant 64 : i32
      %parallel_loop3A_1082 = arith.constant 0 : i32
      %parallel_loop3A_1083 = arith.cmpi eq, %parallel_loop3A_1081, %parallel_loop3A_1082 : i32
      %parallel_loop3A_1084 = arith.constant 1 : i32
      %parallel_loop3A_1085 = arith.select %parallel_loop3A_1083, %parallel_loop3A_1084, %parallel_loop3A_1081 : i32
      %parallel_loop3A_1086 = arith.remsi %parallel_loop3A_1056, %parallel_loop3A_1085 : i32
      %parallel_loop3A_1087 = arith.constant 0 : i32
      %parallel_loop3A_1088 = arith.cmpi ne, %parallel_loop3A_1086, %parallel_loop3A_1087 : i32
      %parallel_loop3A_1089 = arith.constant 0 : i32
      %parallel_loop3A_1090 = arith.cmpi slt, %parallel_loop3A_1086, %parallel_loop3A_1089 : i32
      %parallel_loop3A_1091 = arith.constant 0 : i32
      %parallel_loop3A_1092 = arith.cmpi slt, %parallel_loop3A_1085, %parallel_loop3A_1091 : i32
      %parallel_loop3A_1093 = arith.xori %parallel_loop3A_1090, %parallel_loop3A_1092 : i1
      %parallel_loop3A_1094 = arith.andi %parallel_loop3A_1093, %parallel_loop3A_1088 : i1
      %parallel_loop3A_1095 = arith.addi %parallel_loop3A_1086, %parallel_loop3A_1085 : i32
      %parallel_loop3A_1096 = arith.select %parallel_loop3A_1094, %parallel_loop3A_1095, %parallel_loop3A_1086 : i32
      %parallel_loop3A_1097 = arith.constant 16 : i32
      %parallel_loop3A_1098 = arith.muli %parallel_loop3A_1096, %parallel_loop3A_1097 : i32
      %parallel_loop3A_1099 = arith.index_cast %parallel_loop3A_1080 : i32 to index
      %parallel_loop3A_1100 = arith.index_cast %parallel_loop3A_1098 : i32 to index
      %parallel_loop3A_1101 = tpu.vector_load %arg11[%parallel_loop3A_1099, %parallel_loop3A_1100] {strides = array<i32>} : memref<8x1024xf32, #tpu.memory_space<vmem>>, vector<1x16xf32>,
      %parallel_loop3A_1102 = vector.shape_cast %parallel_loop3A_1101 : vector<1x16xf32> to vector<16xf32>
      %parallel_loop3A_1103 = arith.index_cast %parallel_loop3A_1080 : i32 to index
      %parallel_loop3A_1104 = arith.index_cast %parallel_loop3A_1098 : i32 to index
      %parallel_loop3A_1105 = tpu.vector_load %arg7[%parallel_loop3A_1103, %parallel_loop3A_1104] {strides = array<i32>} : memref<8x1024xf32, #tpu.memory_space<vmem>>, vector<1x16xf32>,
      %parallel_loop3A_1106 = vector.shape_cast %parallel_loop3A_1105 : vector<1x16xf32> to vector<16xf32>
      %parallel_loop3A_1107 = vector.shape_cast %parallel_loop3A_1102 : vector<16xf32> to vector<1x16xf32>
      tpu.vector_store %arg7[%parallel_loop3A_1103, %parallel_loop3A_1104], %parallel_loop3A_1107 {add = true, strides = array<i32>} : memref<8x1024xf32, #tpu.memory_space<vmem>>, vector<1x16xf32>,
    } {sc.loop_unroll_factor = 8 : i64, sc.parallel_access}
    %add3A_173 = arith.constant 32 : i32
    %add3A_174 = arith.addi %mul3A_2, %add3A_173 : i32
    %dma_start3A_175 = arith.constant 0 : i32
    %dma_start3A_176 = tpu.memref_slice %arg5[%add3A_174, %dma_start3A_175] : memref<8192x1024xf32, #tpu.memory_space<hbm>> -> memref<8x1024xf32, #tpu.memory_space<hbm>>
    %dma_start3A_177 = arith.constant 0 : i32
    %dma_start3A_178 = tpu.memref_slice %arg5[%add3A_174, %dma_start3A_177] : memref<8192x1024xf32, #tpu.memory_space<hbm>> -> memref<8x1024xf32, #tpu.memory_space<hbm>>
    tpu.enqueue_dma source(%arg7 : memref<8x1024xf32, #tpu.memory_space<vmem>>) target(%dma_start3A_178 : memref<8x1024xf32, #tpu.memory_space<hbm>>) target_semaphore(%arg23 : memref<!tpu.dma_semaphore, #tpu.memory_space<semaphore_mem>>)
    %dma_wait3A_179 = arith.constant 0 : i32
    %dma_wait3A_180 = tpu.memref_slice %arg5[%add3A_141, %dma_wait3A_179] : memref<8192x1024xf32, #tpu.memory_space<hbm>> -> memref<8x1024xf32, #tpu.memory_space<hbm>>
    %dma_wait3A_181 = arith.constant 0 : i32
    %dma_wait3A_182 = tpu.memref_slice %arg5[%add3A_141, %dma_wait3A_181] : memref<8192x1024xf32, #tpu.memory_space<hbm>> -> memref<8x1024xf32, #tpu.memory_space<hbm>>
    tpu.wait_dma2 semaphore(%arg26 : memref<!tpu.dma_semaphore, #tpu.memory_space<semaphore_mem>>) src(%arg10 : memref<8x1024xf32, #tpu.memory_space<vmem>>) dst(%dma_wait3A_182 : memref<8x1024xf32, #tpu.memory_space<hbm>>)
    %add3A_183 = arith.constant 56 : i32
    %add3A_184 = arith.addi %mul3A_2, %add3A_183 : i32
    %dma_start3A_185 = arith.constant 0 : i32
    %dma_start3A_186 = tpu.memref_slice %arg2[%add3A_184, %dma_start3A_185] : memref<8192x1024xf32, #tpu.memory_space<hbm>> -> memref<8x1024xf32, #tpu.memory_space<hbm>>
    %dma_start3A_187 = arith.constant 0 : i32
    %dma_start3A_188 = tpu.memref_slice %arg2[%add3A_184, %dma_start3A_187] : memref<8192x1024xf32, #tpu.memory_space<hbm>> -> memref<8x1024xf32, #tpu.memory_space<hbm>>
    tpu.enqueue_dma source(%dma_start3A_188 : memref<8x1024xf32, #tpu.memory_space<hbm>>) target(%arg10 : memref<8x1024xf32, #tpu.memory_space<vmem>>) target_semaphore(%arg18 : memref<!tpu.dma_semaphore, #tpu.memory_space<semaphore_mem>>)
    %dma_start3A_189 = arith.constant 56 : i32
    %dma_start3A_190 = tpu.memref_slice %arg6[%dma_start3A_189] : memref<256xi32, #tpu.memory_space<vmem>> -> memref<8xi32, #tpu.memory_space<vmem>>
    %dma_start3A_191 = arith.constant 0 : i32
    %dma_start3A_192 = arith.constant 0 : i32
    %dma_start3A_193 = tpu.memref_slice %arg4[%dma_start3A_191, %dma_start3A_192] : memref<2048x1024xf32, #tpu.memory_space<hbm>> -> memref<2048x1024xf32, #tpu.memory_space<hbm>>
    tpu.enqueue_indirect_dma source(%dma_start3A_193 : memref<2048x1024xf32, #tpu.memory_space<hbm>>) target(%arg14 : memref<8x1024xf32, #tpu.memory_space<vmem>>) offsets(%dma_start3A_190 : memref<8xi32, #tpu.memory_space<vmem>>) semaphore(%arg22 : memref<!tpu.dma_semaphore, #tpu.memory_space<semaphore_mem>>)
    %dma_wait3A_194 = arith.constant 0 : i32
    %dma_wait3A_195 = tpu.memref_slice %arg2[%add3A_118, %dma_wait3A_194] : memref<8192x1024xf32, #tpu.memory_space<hbm>> -> memref<8x1024xf32, #tpu.memory_space<hbm>>
    %dma_wait3A_196 = arith.constant 0 : i32
    %dma_wait3A_197 = tpu.memref_slice %arg2[%add3A_118, %dma_wait3A_196] : memref<8192x1024xf32, #tpu.memory_space<hbm>> -> memref<8x1024xf32, #tpu.memory_space<hbm>>
    tpu.wait_dma2 semaphore(%arg16 : memref<!tpu.dma_semaphore, #tpu.memory_space<semaphore_mem>>) src(%dma_wait3A_197 : memref<8x1024xf32, #tpu.memory_space<hbm>>) dst(%arg8 : memref<8x1024xf32, #tpu.memory_space<vmem>>)
    %dma_wait3A_198 = arith.constant 40 : i32
    %dma_wait3A_199 = tpu.memref_slice %arg6[%dma_wait3A_198] : memref<256xi32, #tpu.memory_space<vmem>> -> memref<8xi32, #tpu.memory_space<vmem>>
    %dma_wait3A_200 = arith.constant 0 : i32
    %dma_wait3A_201 = arith.constant 0 : i32
    %dma_wait3A_202 = tpu.memref_slice %arg4[%dma_wait3A_200, %dma_wait3A_201] : memref<2048x1024xf32, #tpu.memory_space<hbm>> -> memref<2048x1024xf32, #tpu.memory_space<hbm>>
    tpu.wait_indirect_dma semaphore(%arg20 : memref<!tpu.dma_semaphore, #tpu.memory_space<semaphore_mem>>) src(%dma_wait3A_202 : memref<2048x1024xf32, #tpu.memory_space<hbm>>) dst(%arg12 : memref<8x1024xf32, #tpu.memory_space<vmem>>)
    %parallel_loop3A_203 = arith.constant 0 : i32
    %parallel_loop3A_204 = arith.constant 512 : i32
    %parallel_loop3A_205 = arith.constant 1 : i32
    scf.for %parallel_loop3A_1056 = %parallel_loop3A_203 to %parallel_loop3A_204 step %parallel_loop3A_205  : i32 {
      %parallel_loop3A_1057 = arith.constant 64 : i32
      %parallel_loop3A_1058 = arith.divsi %parallel_loop3A_1056, %parallel_loop3A_1057 : i32
      %parallel_loop3A_1059 = arith.constant 0 : i32
      %parallel_loop3A_1060 = arith.cmpi sgt, %parallel_loop3A_1056, %parallel_loop3A_1059 : i32
      %parallel_loop3A_1061 = arith.extui %parallel_loop3A_1060 : i1 to i32
      %parallel_loop3A_1062 = arith.constant 0 : i32
      %parallel_loop3A_1063 = arith.cmpi slt, %parallel_loop3A_1056, %parallel_loop3A_1062 : i32
      %parallel_loop3A_1064 = arith.extui %parallel_loop3A_1063 : i1 to i32
      %parallel_loop3A_1065 = arith.subi %parallel_loop3A_1061, %parallel_loop3A_1064 : i32
      %parallel_loop3A_1066 = arith.constant 0 : i32
      %parallel_loop3A_1067 = arith.cmpi sgt, %parallel_loop3A_1057, %parallel_loop3A_1066 : i32
      %parallel_loop3A_1068 = arith.extui %parallel_loop3A_1067 : i1 to i32
      %parallel_loop3A_1069 = arith.constant 0 : i32
      %parallel_loop3A_1070 = arith.cmpi slt, %parallel_loop3A_1057, %parallel_loop3A_1069 : i32
      %parallel_loop3A_1071 = arith.extui %parallel_loop3A_1070 : i1 to i32
      %parallel_loop3A_1072 = arith.subi %parallel_loop3A_1068, %parallel_loop3A_1071 : i32
      %parallel_loop3A_1073 = arith.cmpi ne, %parallel_loop3A_1065, %parallel_loop3A_1072 : i32
      %parallel_loop3A_1074 = arith.remsi %parallel_loop3A_1056, %parallel_loop3A_1057 : i32
      %parallel_loop3A_1075 = arith.constant 0 : i32
      %parallel_loop3A_1076 = arith.cmpi ne, %parallel_loop3A_1074, %parallel_loop3A_1075 : i32
      %parallel_loop3A_1077 = arith.andi %parallel_loop3A_1073, %parallel_loop3A_1076 : i1
      %parallel_loop3A_1078 = arith.constant 1 : i32
      %parallel_loop3A_1079 = arith.subi %parallel_loop3A_1058, %parallel_loop3A_1078 : i32
      %parallel_loop3A_1080 = arith.select %parallel_loop3A_1077, %parallel_loop3A_1079, %parallel_loop3A_1058 : i32
      %parallel_loop3A_1081 = arith.constant 64 : i32
      %parallel_loop3A_1082 = arith.constant 0 : i32
      %parallel_loop3A_1083 = arith.cmpi eq, %parallel_loop3A_1081, %parallel_loop3A_1082 : i32
      %parallel_loop3A_1084 = arith.constant 1 : i32
      %parallel_loop3A_1085 = arith.select %parallel_loop3A_1083, %parallel_loop3A_1084, %parallel_loop3A_1081 : i32
      %parallel_loop3A_1086 = arith.remsi %parallel_loop3A_1056, %parallel_loop3A_1085 : i32
      %parallel_loop3A_1087 = arith.constant 0 : i32
      %parallel_loop3A_1088 = arith.cmpi ne, %parallel_loop3A_1086, %parallel_loop3A_1087 : i32
      %parallel_loop3A_1089 = arith.constant 0 : i32
      %parallel_loop3A_1090 = arith.cmpi slt, %parallel_loop3A_1086, %parallel_loop3A_1089 : i32
      %parallel_loop3A_1091 = arith.constant 0 : i32
      %parallel_loop3A_1092 = arith.cmpi slt, %parallel_loop3A_1085, %parallel_loop3A_1091 : i32
      %parallel_loop3A_1093 = arith.xori %parallel_loop3A_1090, %parallel_loop3A_1092 : i1
      %parallel_loop3A_1094 = arith.andi %parallel_loop3A_1093, %parallel_loop3A_1088 : i1
      %parallel_loop3A_1095 = arith.addi %parallel_loop3A_1086, %parallel_loop3A_1085 : i32
      %parallel_loop3A_1096 = arith.select %parallel_loop3A_1094, %parallel_loop3A_1095, %parallel_loop3A_1086 : i32
      %parallel_loop3A_1097 = arith.constant 16 : i32
      %parallel_loop3A_1098 = arith.muli %parallel_loop3A_1096, %parallel_loop3A_1097 : i32
      %parallel_loop3A_1099 = arith.index_cast %parallel_loop3A_1080 : i32 to index
      %parallel_loop3A_1100 = arith.index_cast %parallel_loop3A_1098 : i32 to index
      %parallel_loop3A_1101 = tpu.vector_load %arg12[%parallel_loop3A_1099, %parallel_loop3A_1100] {strides = array<i32>} : memref<8x1024xf32, #tpu.memory_space<vmem>>, vector<1x16xf32>,
      %parallel_loop3A_1102 = vector.shape_cast %parallel_loop3A_1101 : vector<1x16xf32> to vector<16xf32>
      %parallel_loop3A_1103 = arith.index_cast %parallel_loop3A_1080 : i32 to index
      %parallel_loop3A_1104 = arith.index_cast %parallel_loop3A_1098 : i32 to index
      %parallel_loop3A_1105 = tpu.vector_load %arg8[%parallel_loop3A_1103, %parallel_loop3A_1104] {strides = array<i32>} : memref<8x1024xf32, #tpu.memory_space<vmem>>, vector<1x16xf32>,
      %parallel_loop3A_1106 = vector.shape_cast %parallel_loop3A_1105 : vector<1x16xf32> to vector<16xf32>
      %parallel_loop3A_1107 = vector.shape_cast %parallel_loop3A_1102 : vector<16xf32> to vector<1x16xf32>
      tpu.vector_store %arg8[%parallel_loop3A_1103, %parallel_loop3A_1104], %parallel_loop3A_1107 {add = true, strides = array<i32>} : memref<8x1024xf32, #tpu.memory_space<vmem>>, vector<1x16xf32>,
    } {sc.loop_unroll_factor = 8 : i64, sc.parallel_access}
    %add3A_206 = arith.constant 40 : i32
    %add3A_207 = arith.addi %mul3A_2, %add3A_206 : i32
    %dma_start3A_208 = arith.constant 0 : i32
    %dma_start3A_209 = tpu.memref_slice %arg5[%add3A_207, %dma_start3A_208] : memref<8192x1024xf32, #tpu.memory_space<hbm>> -> memref<8x1024xf32, #tpu.memory_space<hbm>>
    %dma_start3A_210 = arith.constant 0 : i32
    %dma_start3A_211 = tpu.memref_slice %arg5[%add3A_207, %dma_start3A_210] : memref<8192x1024xf32, #tpu.memory_space<hbm>> -> memref<8x1024xf32, #tpu.memory_space<hbm>>
    tpu.enqueue_dma source(%arg8 : memref<8x1024xf32, #tpu.memory_space<vmem>>) target(%dma_start3A_211 : memref<8x1024xf32, #tpu.memory_space<hbm>>) target_semaphore(%arg24 : memref<!tpu.dma_semaphore, #tpu.memory_space<semaphore_mem>>)
    %dma_wait3A_212 = arith.constant 0 : i32
    %dma_wait3A_213 = tpu.memref_slice %arg5[%add3A_174, %dma_wait3A_212] : memref<8192x1024xf32, #tpu.memory_space<hbm>> -> memref<8x1024xf32, #tpu.memory_space<hbm>>
    %dma_wait3A_214 = arith.constant 0 : i32
    %dma_wait3A_215 = tpu.memref_slice %arg5[%add3A_174, %dma_wait3A_214] : memref<8192x1024xf32, #tpu.memory_space<hbm>> -> memref<8x1024xf32, #tpu.memory_space<hbm>>
    tpu.wait_dma2 semaphore(%arg23 : memref<!tpu.dma_semaphore, #tpu.memory_space<semaphore_mem>>) src(%arg7 : memref<8x1024xf32, #tpu.memory_space<vmem>>) dst(%dma_wait3A_215 : memref<8x1024xf32, #tpu.memory_space<hbm>>)
    %add3A_216 = arith.constant 64 : i32
    %add3A_217 = arith.addi %mul3A_2, %add3A_216 : i32
    %dma_start3A_218 = arith.constant 0 : i32
    %dma_start3A_219 = tpu.memref_slice %arg2[%add3A_217, %dma_start3A_218] : memref<8192x1024xf32, #tpu.memory_space<hbm>> -> memref<8x1024xf32, #tpu.memory_space<hbm>>
    %dma_start3A_220 = arith.constant 0 : i32
    %dma_start3A_221 = tpu.memref_slice %arg2[%add3A_217, %dma_start3A_220] : memref<8192x1024xf32, #tpu.memory_space<hbm>> -> memref<8x1024xf32, #tpu.memory_space<hbm>>
    tpu.enqueue_dma source(%dma_start3A_221 : memref<8x1024xf32, #tpu.memory_space<hbm>>) target(%arg7 : memref<8x1024xf32, #tpu.memory_space<vmem>>) target_semaphore(%arg15 : memref<!tpu.dma_semaphore, #tpu.memory_space<semaphore_mem>>)
    %dma_start3A_222 = arith.constant 64 : i32
    %dma_start3A_223 = tpu.memref_slice %arg6[%dma_start3A_222] : memref<256xi32, #tpu.memory_space<vmem>> -> memref<8xi32, #tpu.memory_space<vmem>>
    %dma_start3A_224 = arith.constant 0 : i32
    %dma_start3A_225 = arith.constant 0 : i32
    %dma_start3A_226 = tpu.memref_slice %arg4[%dma_start3A_224, %dma_start3A_225] : memref<2048x1024xf32, #tpu.memory_space<hbm>> -> memref<2048x1024xf32, #tpu.memory_space<hbm>>
    tpu.enqueue_indirect_dma source(%dma_start3A_226 : memref<2048x1024xf32, #tpu.memory_space<hbm>>) target(%arg11 : memref<8x1024xf32, #tpu.memory_space<vmem>>) offsets(%dma_start3A_223 : memref<8xi32, #tpu.memory_space<vmem>>) semaphore(%arg19 : memref<!tpu.dma_semaphore, #tpu.memory_space<semaphore_mem>>)
    %dma_wait3A_227 = arith.constant 0 : i32
    %dma_wait3A_228 = tpu.memref_slice %arg2[%add3A_151, %dma_wait3A_227] : memref<8192x1024xf32, #tpu.memory_space<hbm>> -> memref<8x1024xf32, #tpu.memory_space<hbm>>
    %dma_wait3A_229 = arith.constant 0 : i32
    %dma_wait3A_230 = tpu.memref_slice %arg2[%add3A_151, %dma_wait3A_229] : memref<8192x1024xf32, #tpu.memory_space<hbm>> -> memref<8x1024xf32, #tpu.memory_space<hbm>>
    tpu.wait_dma2 semaphore(%arg17 : memref<!tpu.dma_semaphore, #tpu.memory_space<semaphore_mem>>) src(%dma_wait3A_230 : memref<8x1024xf32, #tpu.memory_space<hbm>>) dst(%arg9 : memref<8x1024xf32, #tpu.memory_space<vmem>>)
    %dma_wait3A_231 = arith.constant 48 : i32
    %dma_wait3A_232 = tpu.memref_slice %arg6[%dma_wait3A_231] : memref<256xi32, #tpu.memory_space<vmem>> -> memref<8xi32, #tpu.memory_space<vmem>>
    %dma_wait3A_233 = arith.constant 0 : i32
    %dma_wait3A_234 = arith.constant 0 : i32
    %dma_wait3A_235 = tpu.memref_slice %arg4[%dma_wait3A_233, %dma_wait3A_234] : memref<2048x1024xf32, #tpu.memory_space<hbm>> -> memref<2048x1024xf32, #tpu.memory_space<hbm>>
    tpu.wait_indirect_dma semaphore(%arg21 : memref<!tpu.dma_semaphore, #tpu.memory_space<semaphore_mem>>) src(%dma_wait3A_235 : memref<2048x1024xf32, #tpu.memory_space<hbm>>) dst(%arg13 : memref<8x1024xf32, #tpu.memory_space<vmem>>)
    %parallel_loop3A_236 = arith.constant 0 : i32
    %parallel_loop3A_237 = arith.constant 512 : i32
    %parallel_loop3A_238 = arith.constant 1 : i32
    scf.for %parallel_loop3A_1056 = %parallel_loop3A_236 to %parallel_loop3A_237 step %parallel_loop3A_238  : i32 {
      %parallel_loop3A_1057 = arith.constant 64 : i32
      %parallel_loop3A_1058 = arith.divsi %parallel_loop3A_1056, %parallel_loop3A_1057 : i32
      %parallel_loop3A_1059 = arith.constant 0 : i32
      %parallel_loop3A_1060 = arith.cmpi sgt, %parallel_loop3A_1056, %parallel_loop3A_1059 : i32
      %parallel_loop3A_1061 = arith.extui %parallel_loop3A_1060 : i1 to i32
      %parallel_loop3A_1062 = arith.constant 0 : i32
      %parallel_loop3A_1063 = arith.cmpi slt, %parallel_loop3A_1056, %parallel_loop3A_1062 : i32
      %parallel_loop3A_1064 = arith.extui %parallel_loop3A_1063 : i1 to i32
      %parallel_loop3A_1065 = arith.subi %parallel_loop3A_1061, %parallel_loop3A_1064 : i32
      %parallel_loop3A_1066 = arith.constant 0 : i32
      %parallel_loop3A_1067 = arith.cmpi sgt, %parallel_loop3A_1057, %parallel_loop3A_1066 : i32
      %parallel_loop3A_1068 = arith.extui %parallel_loop3A_1067 : i1 to i32
      %parallel_loop3A_1069 = arith.constant 0 : i32
      %parallel_loop3A_1070 = arith.cmpi slt, %parallel_loop3A_1057, %parallel_loop3A_1069 : i32
      %parallel_loop3A_1071 = arith.extui %parallel_loop3A_1070 : i1 to i32
      %parallel_loop3A_1072 = arith.subi %parallel_loop3A_1068, %parallel_loop3A_1071 : i32
      %parallel_loop3A_1073 = arith.cmpi ne, %parallel_loop3A_1065, %parallel_loop3A_1072 : i32
      %parallel_loop3A_1074 = arith.remsi %parallel_loop3A_1056, %parallel_loop3A_1057 : i32
      %parallel_loop3A_1075 = arith.constant 0 : i32
      %parallel_loop3A_1076 = arith.cmpi ne, %parallel_loop3A_1074, %parallel_loop3A_1075 : i32
      %parallel_loop3A_1077 = arith.andi %parallel_loop3A_1073, %parallel_loop3A_1076 : i1
      %parallel_loop3A_1078 = arith.constant 1 : i32
      %parallel_loop3A_1079 = arith.subi %parallel_loop3A_1058, %parallel_loop3A_1078 : i32
      %parallel_loop3A_1080 = arith.select %parallel_loop3A_1077, %parallel_loop3A_1079, %parallel_loop3A_1058 : i32
      %parallel_loop3A_1081 = arith.constant 64 : i32
      %parallel_loop3A_1082 = arith.constant 0 : i32
      %parallel_loop3A_1083 = arith.cmpi eq, %parallel_loop3A_1081, %parallel_loop3A_1082 : i32
      %parallel_loop3A_1084 = arith.constant 1 : i32
      %parallel_loop3A_1085 = arith.select %parallel_loop3A_1083, %parallel_loop3A_1084, %parallel_loop3A_1081 : i32
      %parallel_loop3A_1086 = arith.remsi %parallel_loop3A_1056, %parallel_loop3A_1085 : i32
      %parallel_loop3A_1087 = arith.constant 0 : i32
      %parallel_loop3A_1088 = arith.cmpi ne, %parallel_loop3A_1086, %parallel_loop3A_1087 : i32
      %parallel_loop3A_1089 = arith.constant 0 : i32
      %parallel_loop3A_1090 = arith.cmpi slt, %parallel_loop3A_1086, %parallel_loop3A_1089 : i32
      %parallel_loop3A_1091 = arith.constant 0 : i32
      %parallel_loop3A_1092 = arith.cmpi slt, %parallel_loop3A_1085, %parallel_loop3A_1091 : i32
      %parallel_loop3A_1093 = arith.xori %parallel_loop3A_1090, %parallel_loop3A_1092 : i1
      %parallel_loop3A_1094 = arith.andi %parallel_loop3A_1093, %parallel_loop3A_1088 : i1
      %parallel_loop3A_1095 = arith.addi %parallel_loop3A_1086, %parallel_loop3A_1085 : i32
      %parallel_loop3A_1096 = arith.select %parallel_loop3A_1094, %parallel_loop3A_1095, %parallel_loop3A_1086 : i32
      %parallel_loop3A_1097 = arith.constant 16 : i32
      %parallel_loop3A_1098 = arith.muli %parallel_loop3A_1096, %parallel_loop3A_1097 : i32
      %parallel_loop3A_1099 = arith.index_cast %parallel_loop3A_1080 : i32 to index
      %parallel_loop3A_1100 = arith.index_cast %parallel_loop3A_1098 : i32 to index
      %parallel_loop3A_1101 = tpu.vector_load %arg13[%parallel_loop3A_1099, %parallel_loop3A_1100] {strides = array<i32>} : memref<8x1024xf32, #tpu.memory_space<vmem>>, vector<1x16xf32>,
      %parallel_loop3A_1102 = vector.shape_cast %parallel_loop3A_1101 : vector<1x16xf32> to vector<16xf32>
      %parallel_loop3A_1103 = arith.index_cast %parallel_loop3A_1080 : i32 to index
      %parallel_loop3A_1104 = arith.index_cast %parallel_loop3A_1098 : i32 to index
      %parallel_loop3A_1105 = tpu.vector_load %arg9[%parallel_loop3A_1103, %parallel_loop3A_1104] {strides = array<i32>} : memref<8x1024xf32, #tpu.memory_space<vmem>>, vector<1x16xf32>,
      %parallel_loop3A_1106 = vector.shape_cast %parallel_loop3A_1105 : vector<1x16xf32> to vector<16xf32>
      %parallel_loop3A_1107 = vector.shape_cast %parallel_loop3A_1102 : vector<16xf32> to vector<1x16xf32>
      tpu.vector_store %arg9[%parallel_loop3A_1103, %parallel_loop3A_1104], %parallel_loop3A_1107 {add = true, strides = array<i32>} : memref<8x1024xf32, #tpu.memory_space<vmem>>, vector<1x16xf32>,
    } {sc.loop_unroll_factor = 8 : i64, sc.parallel_access}
    %add3A_239 = arith.constant 48 : i32
    %add3A_240 = arith.addi %mul3A_2, %add3A_239 : i32
    %dma_start3A_241 = arith.constant 0 : i32
    %dma_start3A_242 = tpu.memref_slice %arg5[%add3A_240, %dma_start3A_241] : memref<8192x1024xf32, #tpu.memory_space<hbm>> -> memref<8x1024xf32, #tpu.memory_space<hbm>>
    %dma_start3A_243 = arith.constant 0 : i32
    %dma_start3A_244 = tpu.memref_slice %arg5[%add3A_240, %dma_start3A_243] : memref<8192x1024xf32, #tpu.memory_space<hbm>> -> memref<8x1024xf32, #tpu.memory_space<hbm>>
    tpu.enqueue_dma source(%arg9 : memref<8x1024xf32, #tpu.memory_space<vmem>>) target(%dma_start3A_244 : memref<8x1024xf32, #tpu.memory_space<hbm>>) target_semaphore(%arg25 : memref<!tpu.dma_semaphore, #tpu.memory_space<semaphore_mem>>)
    %dma_wait3A_245 = arith.constant 0 : i32
    %dma_wait3A_246 = tpu.memref_slice %arg5[%add3A_207, %dma_wait3A_245] : memref<8192x1024xf32, #tpu.memory_space<hbm>> -> memref<8x1024xf32, #tpu.memory_space<hbm>>
    %dma_wait3A_247 = arith.constant 0 : i32
    %dma_wait3A_248 = tpu.memref_slice %arg5[%add3A_207, %dma_wait3A_247] : memref<8192x1024xf32, #tpu.memory_space<hbm>> -> memref<8x1024xf32, #tpu.memory_space<hbm>>
    tpu.wait_dma2 semaphore(%arg24 : memref<!tpu.dma_semaphore, #tpu.memory_space<semaphore_mem>>) src(%arg8 : memref<8x1024xf32, #tpu.memory_space<vmem>>) dst(%dma_wait3A_248 : memref<8x1024xf32, #tpu.memory_space<hbm>>)
    %add3A_249 = arith.constant 72 : i32
    %add3A_250 = arith.addi %mul3A_2, %add3A_249 : i32
    %dma_start3A_251 = arith.constant 0 : i32
    %dma_start3A_252 = tpu.memref_slice %arg2[%add3A_250, %dma_start3A_251] : memref<8192x1024xf32, #tpu.memory_space<hbm>> -> memref<8x1024xf32, #tpu.memory_space<hbm>>
    %dma_start3A_253 = arith.constant 0 : i32
    %dma_start3A_254 = tpu.memref_slice %arg2[%add3A_250, %dma_start3A_253] : memref<8192x1024xf32, #tpu.memory_space<hbm>> -> memref<8x1024xf32, #tpu.memory_space<hbm>>
    tpu.enqueue_dma source(%dma_start3A_254 : memref<8x1024xf32, #tpu.memory_space<hbm>>) target(%arg8 : memref<8x1024xf32, #tpu.memory_space<vmem>>) target_semaphore(%arg16 : memref<!tpu.dma_semaphore, #tpu.memory_space<semaphore_mem>>)
    %dma_start3A_255 = arith.constant 72 : i32
    %dma_start3A_256 = tpu.memref_slice %arg6[%dma_start3A_255] : memref<256xi32, #tpu.memory_space<vmem>> -> memref<8xi32, #tpu.memory_space<vmem>>
    %dma_start3A_257 = arith.constant 0 : i32
    %dma_start3A_258 = arith.constant 0 : i32
    %dma_start3A_259 = tpu.memref_slice %arg4[%dma_start3A_257, %dma_start3A_258] : memref<2048x1024xf32, #tpu.memory_space<hbm>> -> memref<2048x1024xf32, #tpu.memory_space<hbm>>
    tpu.enqueue_indirect_dma source(%dma_start3A_259 : memref<2048x1024xf32, #tpu.memory_space<hbm>>) target(%arg12 : memref<8x1024xf32, #tpu.memory_space<vmem>>) offsets(%dma_start3A_256 : memref<8xi32, #tpu.memory_space<vmem>>) semaphore(%arg20 : memref<!tpu.dma_semaphore, #tpu.memory_space<semaphore_mem>>)
    %dma_wait3A_260 = arith.constant 0 : i32
    %dma_wait3A_261 = tpu.memref_slice %arg2[%add3A_184, %dma_wait3A_260] : memref<8192x1024xf32, #tpu.memory_space<hbm>> -> memref<8x1024xf32, #tpu.memory_space<hbm>>
    %dma_wait3A_262 = arith.constant 0 : i32
    %dma_wait3A_263 = tpu.memref_slice %arg2[%add3A_184, %dma_wait3A_262] : memref<8192x1024xf32, #tpu.memory_space<hbm>> -> memref<8x1024xf32, #tpu.memory_space<hbm>>
    tpu.wait_dma2 semaphore(%arg18 : memref<!tpu.dma_semaphore, #tpu.memory_space<semaphore_mem>>) src(%dma_wait3A_263 : memref<8x1024xf32, #tpu.memory_space<hbm>>) dst(%arg10 : memref<8x1024xf32, #tpu.memory_space<vmem>>)
    %dma_wait3A_264 = arith.constant 56 : i32
    %dma_wait3A_265 = tpu.memref_slice %arg6[%dma_wait3A_264] : memref<256xi32, #tpu.memory_space<vmem>> -> memref<8xi32, #tpu.memory_space<vmem>>
    %dma_wait3A_266 = arith.constant 0 : i32
    %dma_wait3A_267 = arith.constant 0 : i32
    %dma_wait3A_268 = tpu.memref_slice %arg4[%dma_wait3A_266, %dma_wait3A_267] : memref<2048x1024xf32, #tpu.memory_space<hbm>> -> memref<2048x1024xf32, #tpu.memory_space<hbm>>
    tpu.wait_indirect_dma semaphore(%arg22 : memref<!tpu.dma_semaphore, #tpu.memory_space<semaphore_mem>>) src(%dma_wait3A_268 : memref<2048x1024xf32, #tpu.memory_space<hbm>>) dst(%arg14 : memref<8x1024xf32, #tpu.memory_space<vmem>>)
    %parallel_loop3A_269 = arith.constant 0 : i32
    %parallel_loop3A_270 = arith.constant 512 : i32
    %parallel_loop3A_271 = arith.constant 1 : i32
    scf.for %parallel_loop3A_1056 = %parallel_loop3A_269 to %parallel_loop3A_270 step %parallel_loop3A_271  : i32 {
      %parallel_loop3A_1057 = arith.constant 64 : i32
      %parallel_loop3A_1058 = arith.divsi %parallel_loop3A_1056, %parallel_loop3A_1057 : i32
      %parallel_loop3A_1059 = arith.constant 0 : i32
      %parallel_loop3A_1060 = arith.cmpi sgt, %parallel_loop3A_1056, %parallel_loop3A_1059 : i32
      %parallel_loop3A_1061 = arith.extui %parallel_loop3A_1060 : i1 to i32
      %parallel_loop3A_1062 = arith.constant 0 : i32
      %parallel_loop3A_1063 = arith.cmpi slt, %parallel_loop3A_1056, %parallel_loop3A_1062 : i32
      %parallel_loop3A_1064 = arith.extui %parallel_loop3A_1063 : i1 to i32
      %parallel_loop3A_1065 = arith.subi %parallel_loop3A_1061, %parallel_loop3A_1064 : i32
      %parallel_loop3A_1066 = arith.constant 0 : i32
      %parallel_loop3A_1067 = arith.cmpi sgt, %parallel_loop3A_1057, %parallel_loop3A_1066 : i32
      %parallel_loop3A_1068 = arith.extui %parallel_loop3A_1067 : i1 to i32
      %parallel_loop3A_1069 = arith.constant 0 : i32
      %parallel_loop3A_1070 = arith.cmpi slt, %parallel_loop3A_1057, %parallel_loop3A_1069 : i32
      %parallel_loop3A_1071 = arith.extui %parallel_loop3A_1070 : i1 to i32
      %parallel_loop3A_1072 = arith.subi %parallel_loop3A_1068, %parallel_loop3A_1071 : i32
      %parallel_loop3A_1073 = arith.cmpi ne, %parallel_loop3A_1065, %parallel_loop3A_1072 : i32
      %parallel_loop3A_1074 = arith.remsi %parallel_loop3A_1056, %parallel_loop3A_1057 : i32
      %parallel_loop3A_1075 = arith.constant 0 : i32
      %parallel_loop3A_1076 = arith.cmpi ne, %parallel_loop3A_1074, %parallel_loop3A_1075 : i32
      %parallel_loop3A_1077 = arith.andi %parallel_loop3A_1073, %parallel_loop3A_1076 : i1
      %parallel_loop3A_1078 = arith.constant 1 : i32
      %parallel_loop3A_1079 = arith.subi %parallel_loop3A_1058, %parallel_loop3A_1078 : i32
      %parallel_loop3A_1080 = arith.select %parallel_loop3A_1077, %parallel_loop3A_1079, %parallel_loop3A_1058 : i32
      %parallel_loop3A_1081 = arith.constant 64 : i32
      %parallel_loop3A_1082 = arith.constant 0 : i32
      %parallel_loop3A_1083 = arith.cmpi eq, %parallel_loop3A_1081, %parallel_loop3A_1082 : i32
      %parallel_loop3A_1084 = arith.constant 1 : i32
      %parallel_loop3A_1085 = arith.select %parallel_loop3A_1083, %parallel_loop3A_1084, %parallel_loop3A_1081 : i32
      %parallel_loop3A_1086 = arith.remsi %parallel_loop3A_1056, %parallel_loop3A_1085 : i32
      %parallel_loop3A_1087 = arith.constant 0 : i32
      %parallel_loop3A_1088 = arith.cmpi ne, %parallel_loop3A_1086, %parallel_loop3A_1087 : i32
      %parallel_loop3A_1089 = arith.constant 0 : i32
      %parallel_loop3A_1090 = arith.cmpi slt, %parallel_loop3A_1086, %parallel_loop3A_1089 : i32
      %parallel_loop3A_1091 = arith.constant 0 : i32
      %parallel_loop3A_1092 = arith.cmpi slt, %parallel_loop3A_1085, %parallel_loop3A_1091 : i32
      %parallel_loop3A_1093 = arith.xori %parallel_loop3A_1090, %parallel_loop3A_1092 : i1
      %parallel_loop3A_1094 = arith.andi %parallel_loop3A_1093, %parallel_loop3A_1088 : i1
      %parallel_loop3A_1095 = arith.addi %parallel_loop3A_1086, %parallel_loop3A_1085 : i32
      %parallel_loop3A_1096 = arith.select %parallel_loop3A_1094, %parallel_loop3A_1095, %parallel_loop3A_1086 : i32
      %parallel_loop3A_1097 = arith.constant 16 : i32
      %parallel_loop3A_1098 = arith.muli %parallel_loop3A_1096, %parallel_loop3A_1097 : i32
      %parallel_loop3A_1099 = arith.index_cast %parallel_loop3A_1080 : i32 to index
      %parallel_loop3A_1100 = arith.index_cast %parallel_loop3A_1098 : i32 to index
      %parallel_loop3A_1101 = tpu.vector_load %arg14[%parallel_loop3A_1099, %parallel_loop3A_1100] {strides = array<i32>} : memref<8x1024xf32, #tpu.memory_space<vmem>>, vector<1x16xf32>,
      %parallel_loop3A_1102 = vector.shape_cast %parallel_loop3A_1101 : vector<1x16xf32> to vector<16xf32>
      %parallel_loop3A_1103 = arith.index_cast %parallel_loop3A_1080 : i32 to index
      %parallel_loop3A_1104 = arith.index_cast %parallel_loop3A_1098 : i32 to index
      %parallel_loop3A_1105 = tpu.vector_load %arg10[%parallel_loop3A_1103, %parallel_loop3A_1104] {strides = array<i32>} : memref<8x1024xf32, #tpu.memory_space<vmem>>, vector<1x16xf32>,
      %parallel_loop3A_1106 = vector.shape_cast %parallel_loop3A_1105 : vector<1x16xf32> to vector<16xf32>
      %parallel_loop3A_1107 = vector.shape_cast %parallel_loop3A_1102 : vector<16xf32> to vector<1x16xf32>
      tpu.vector_store %arg10[%parallel_loop3A_1103, %parallel_loop3A_1104], %parallel_loop3A_1107 {add = true, strides = array<i32>} : memref<8x1024xf32, #tpu.memory_space<vmem>>, vector<1x16xf32>,
    } {sc.loop_unroll_factor = 8 : i64, sc.parallel_access}
    %add3A_272 = arith.constant 56 : i32
    %add3A_273 = arith.addi %mul3A_2, %add3A_272 : i32
    %dma_start3A_274 = arith.constant 0 : i32
    %dma_start3A_275 = tpu.memref_slice %arg5[%add3A_273, %dma_start3A_274] : memref<8192x1024xf32, #tpu.memory_space<hbm>> -> memref<8x1024xf32, #tpu.memory_space<hbm>>
    %dma_start3A_276 = arith.constant 0 : i32
    %dma_start3A_277 = tpu.memref_slice %arg5[%add3A_273, %dma_start3A_276] : memref<8192x1024xf32, #tpu.memory_space<hbm>> -> memref<8x1024xf32, #tpu.memory_space<hbm>>
    tpu.enqueue_dma source(%arg10 : memref<8x1024xf32, #tpu.memory_space<vmem>>) target(%dma_start3A_277 : memref<8x1024xf32, #tpu.memory_space<hbm>>) target_semaphore(%arg26 : memref<!tpu.dma_semaphore, #tpu.memory_space<semaphore_mem>>)
    %dma_wait3A_278 = arith.constant 0 : i32
    %dma_wait3A_279 = tpu.memref_slice %arg5[%add3A_240, %dma_wait3A_278] : memref<8192x1024xf32, #tpu.memory_space<hbm>> -> memref<8x1024xf32, #tpu.memory_space<hbm>>
    %dma_wait3A_280 = arith.constant 0 : i32
    %dma_wait3A_281 = tpu.memref_slice %arg5[%add3A_240, %dma_wait3A_280] : memref<8192x1024xf32, #tpu.memory_space<hbm>> -> memref<8x1024xf32, #tpu.memory_space<hbm>>
    tpu.wait_dma2 semaphore(%arg25 : memref<!tpu.dma_semaphore, #tpu.memory_space<semaphore_mem>>) src(%arg9 : memref<8x1024xf32, #tpu.memory_space<vmem>>) dst(%dma_wait3A_281 : memref<8x1024xf32, #tpu.memory_space<hbm>>)
    %add3A_282 = arith.constant 80 : i32
    %add3A_283 = arith.addi %mul3A_2, %add3A_282 : i32
    %dma_start3A_284 = arith.constant 0 : i32
    %dma_start3A_285 = tpu.memref_slice %arg2[%add3A_283, %dma_start3A_284] : memref<8192x1024xf32, #tpu.memory_space<hbm>> -> memref<8x1024xf32, #tpu.memory_space<hbm>>
    %dma_start3A_286 = arith.constant 0 : i32
    %dma_start3A_287 = tpu.memref_slice %arg2[%add3A_283, %dma_start3A_286] : memref<8192x1024xf32, #tpu.memory_space<hbm>> -> memref<8x1024xf32, #tpu.memory_space<hbm>>
    tpu.enqueue_dma source(%dma_start3A_287 : memref<8x1024xf32, #tpu.memory_space<hbm>>) target(%arg9 : memref<8x1024xf32, #tpu.memory_space<vmem>>) target_semaphore(%arg17 : memref<!tpu.dma_semaphore, #tpu.memory_space<semaphore_mem>>)
    %dma_start3A_288 = arith.constant 80 : i32
    %dma_start3A_289 = tpu.memref_slice %arg6[%dma_start3A_288] : memref<256xi32, #tpu.memory_space<vmem>> -> memref<8xi32, #tpu.memory_space<vmem>>
    %dma_start3A_290 = arith.constant 0 : i32
    %dma_start3A_291 = arith.constant 0 : i32
    %dma_start3A_292 = tpu.memref_slice %arg4[%dma_start3A_290, %dma_start3A_291] : memref<2048x1024xf32, #tpu.memory_space<hbm>> -> memref<2048x1024xf32, #tpu.memory_space<hbm>>
    tpu.enqueue_indirect_dma source(%dma_start3A_292 : memref<2048x1024xf32, #tpu.memory_space<hbm>>) target(%arg13 : memref<8x1024xf32, #tpu.memory_space<vmem>>) offsets(%dma_start3A_289 : memref<8xi32, #tpu.memory_space<vmem>>) semaphore(%arg21 : memref<!tpu.dma_semaphore, #tpu.memory_space<semaphore_mem>>)
    %dma_wait3A_293 = arith.constant 0 : i32
    %dma_wait3A_294 = tpu.memref_slice %arg2[%add3A_217, %dma_wait3A_293] : memref<8192x1024xf32, #tpu.memory_space<hbm>> -> memref<8x1024xf32, #tpu.memory_space<hbm>>
    %dma_wait3A_295 = arith.constant 0 : i32
    %dma_wait3A_296 = tpu.memref_slice %arg2[%add3A_217, %dma_wait3A_295] : memref<8192x1024xf32, #tpu.memory_space<hbm>> -> memref<8x1024xf32, #tpu.memory_space<hbm>>
    tpu.wait_dma2 semaphore(%arg15 : memref<!tpu.dma_semaphore, #tpu.memory_space<semaphore_mem>>) src(%dma_wait3A_296 : memref<8x1024xf32, #tpu.memory_space<hbm>>) dst(%arg7 : memref<8x1024xf32, #tpu.memory_space<vmem>>)
    %dma_wait3A_297 = arith.constant 64 : i32
    %dma_wait3A_298 = tpu.memref_slice %arg6[%dma_wait3A_297] : memref<256xi32, #tpu.memory_space<vmem>> -> memref<8xi32, #tpu.memory_space<vmem>>
    %dma_wait3A_299 = arith.constant 0 : i32
    %dma_wait3A_300 = arith.constant 0 : i32
    %dma_wait3A_301 = tpu.memref_slice %arg4[%dma_wait3A_299, %dma_wait3A_300] : memref<2048x1024xf32, #tpu.memory_space<hbm>> -> memref<2048x1024xf32, #tpu.memory_space<hbm>>
    tpu.wait_indirect_dma semaphore(%arg19 : memref<!tpu.dma_semaphore, #tpu.memory_space<semaphore_mem>>) src(%dma_wait3A_301 : memref<2048x1024xf32, #tpu.memory_space<hbm>>) dst(%arg11 : memref<8x1024xf32, #tpu.memory_space<vmem>>)
    %parallel_loop3A_302 = arith.constant 0 : i32
    %parallel_loop3A_303 = arith.constant 512 : i32
    %parallel_loop3A_304 = arith.constant 1 : i32
    scf.for %parallel_loop3A_1056 = %parallel_loop3A_302 to %parallel_loop3A_303 step %parallel_loop3A_304  : i32 {
      %parallel_loop3A_1057 = arith.constant 64 : i32
      %parallel_loop3A_1058 = arith.divsi %parallel_loop3A_1056, %parallel_loop3A_1057 : i32
      %parallel_loop3A_1059 = arith.constant 0 : i32
      %parallel_loop3A_1060 = arith.cmpi sgt, %parallel_loop3A_1056, %parallel_loop3A_1059 : i32
      %parallel_loop3A_1061 = arith.extui %parallel_loop3A_1060 : i1 to i32
      %parallel_loop3A_1062 = arith.constant 0 : i32
      %parallel_loop3A_1063 = arith.cmpi slt, %parallel_loop3A_1056, %parallel_loop3A_1062 : i32
      %parallel_loop3A_1064 = arith.extui %parallel_loop3A_1063 : i1 to i32
      %parallel_loop3A_1065 = arith.subi %parallel_loop3A_1061, %parallel_loop3A_1064 : i32
      %parallel_loop3A_1066 = arith.constant 0 : i32
      %parallel_loop3A_1067 = arith.cmpi sgt, %parallel_loop3A_1057, %parallel_loop3A_1066 : i32
      %parallel_loop3A_1068 = arith.extui %parallel_loop3A_1067 : i1 to i32
      %parallel_loop3A_1069 = arith.constant 0 : i32
      %parallel_loop3A_1070 = arith.cmpi slt, %parallel_loop3A_1057, %parallel_loop3A_1069 : i32
      %parallel_loop3A_1071 = arith.extui %parallel_loop3A_1070 : i1 to i32
      %parallel_loop3A_1072 = arith.subi %parallel_loop3A_1068, %parallel_loop3A_1071 : i32
      %parallel_loop3A_1073 = arith.cmpi ne, %parallel_loop3A_1065, %parallel_loop3A_1072 : i32
      %parallel_loop3A_1074 = arith.remsi %parallel_loop3A_1056, %parallel_loop3A_1057 : i32
      %parallel_loop3A_1075 = arith.constant 0 : i32
      %parallel_loop3A_1076 = arith.cmpi ne, %parallel_loop3A_1074, %parallel_loop3A_1075 : i32
      %parallel_loop3A_1077 = arith.andi %parallel_loop3A_1073, %parallel_loop3A_1076 : i1
      %parallel_loop3A_1078 = arith.constant 1 : i32
      %parallel_loop3A_1079 = arith.subi %parallel_loop3A_1058, %parallel_loop3A_1078 : i32
      %parallel_loop3A_1080 = arith.select %parallel_loop3A_1077, %parallel_loop3A_1079, %parallel_loop3A_1058 : i32
      %parallel_loop3A_1081 = arith.constant 64 : i32
      %parallel_loop3A_1082 = arith.constant 0 : i32
      %parallel_loop3A_1083 = arith.cmpi eq, %parallel_loop3A_1081, %parallel_loop3A_1082 : i32
      %parallel_loop3A_1084 = arith.constant 1 : i32
      %parallel_loop3A_1085 = arith.select %parallel_loop3A_1083, %parallel_loop3A_1084, %parallel_loop3A_1081 : i32
      %parallel_loop3A_1086 = arith.remsi %parallel_loop3A_1056, %parallel_loop3A_1085 : i32
      %parallel_loop3A_1087 = arith.constant 0 : i32
      %parallel_loop3A_1088 = arith.cmpi ne, %parallel_loop3A_1086, %parallel_loop3A_1087 : i32
      %parallel_loop3A_1089 = arith.constant 0 : i32
      %parallel_loop3A_1090 = arith.cmpi slt, %parallel_loop3A_1086, %parallel_loop3A_1089 : i32
      %parallel_loop3A_1091 = arith.constant 0 : i32
      %parallel_loop3A_1092 = arith.cmpi slt, %parallel_loop3A_1085, %parallel_loop3A_1091 : i32
      %parallel_loop3A_1093 = arith.xori %parallel_loop3A_1090, %parallel_loop3A_1092 : i1
      %parallel_loop3A_1094 = arith.andi %parallel_loop3A_1093, %parallel_loop3A_1088 : i1
      %parallel_loop3A_1095 = arith.addi %parallel_loop3A_1086, %parallel_loop3A_1085 : i32
      %parallel_loop3A_1096 = arith.select %parallel_loop3A_1094, %parallel_loop3A_1095, %parallel_loop3A_1086 : i32
      %parallel_loop3A_1097 = arith.constant 16 : i32
      %parallel_loop3A_1098 = arith.muli %parallel_loop3A_1096, %parallel_loop3A_1097 : i32
      %parallel_loop3A_1099 = arith.index_cast %parallel_loop3A_1080 : i32 to index
      %parallel_loop3A_1100 = arith.index_cast %parallel_loop3A_1098 : i32 to index
      %parallel_loop3A_1101 = tpu.vector_load %arg11[%parallel_loop3A_1099, %parallel_loop3A_1100] {strides = array<i32>} : memref<8x1024xf32, #tpu.memory_space<vmem>>, vector<1x16xf32>,
      %parallel_loop3A_1102 = vector.shape_cast %parallel_loop3A_1101 : vector<1x16xf32> to vector<16xf32>
      %parallel_loop3A_1103 = arith.index_cast %parallel_loop3A_1080 : i32 to index
      %parallel_loop3A_1104 = arith.index_cast %parallel_loop3A_1098 : i32 to index
      %parallel_loop3A_1105 = tpu.vector_load %arg7[%parallel_loop3A_1103, %parallel_loop3A_1104] {strides = array<i32>} : memref<8x1024xf32, #tpu.memory_space<vmem>>, vector<1x16xf32>,
      %parallel_loop3A_1106 = vector.shape_cast %parallel_loop3A_1105 : vector<1x16xf32> to vector<16xf32>
      %parallel_loop3A_1107 = vector.shape_cast %parallel_loop3A_1102 : vector<16xf32> to vector<1x16xf32>
      tpu.vector_store %arg7[%parallel_loop3A_1103, %parallel_loop3A_1104], %parallel_loop3A_1107 {add = true, strides = array<i32>} : memref<8x1024xf32, #tpu.memory_space<vmem>>, vector<1x16xf32>,
    } {sc.loop_unroll_factor = 8 : i64, sc.parallel_access}
    %add3A_305 = arith.constant 64 : i32
    %add3A_306 = arith.addi %mul3A_2, %add3A_305 : i32
    %dma_start3A_307 = arith.constant 0 : i32
    %dma_start3A_308 = tpu.memref_slice %arg5[%add3A_306, %dma_start3A_307] : memref<8192x1024xf32, #tpu.memory_space<hbm>> -> memref<8x1024xf32, #tpu.memory_space<hbm>>
    %dma_start3A_309 = arith.constant 0 : i32
    %dma_start3A_310 = tpu.memref_slice %arg5[%add3A_306, %dma_start3A_309] : memref<8192x1024xf32, #tpu.memory_space<hbm>> -> memref<8x1024xf32, #tpu.memory_space<hbm>>
    tpu.enqueue_dma source(%arg7 : memref<8x1024xf32, #tpu.memory_space<vmem>>) target(%dma_start3A_310 : memref<8x1024xf32, #tpu.memory_space<hbm>>) target_semaphore(%arg23 : memref<!tpu.dma_semaphore, #tpu.memory_space<semaphore_mem>>)
    %dma_wait3A_311 = arith.constant 0 : i32
    %dma_wait3A_312 = tpu.memref_slice %arg5[%add3A_273, %dma_wait3A_311] : memref<8192x1024xf32, #tpu.memory_space<hbm>> -> memref<8x1024xf32, #tpu.memory_space<hbm>>
    %dma_wait3A_313 = arith.constant 0 : i32
    %dma_wait3A_314 = tpu.memref_slice %arg5[%add3A_273, %dma_wait3A_313] : memref<8192x1024xf32, #tpu.memory_space<hbm>> -> memref<8x1024xf32, #tpu.memory_space<hbm>>
    tpu.wait_dma2 semaphore(%arg26 : memref<!tpu.dma_semaphore, #tpu.memory_space<semaphore_mem>>) src(%arg10 : memref<8x1024xf32, #tpu.memory_space<vmem>>) dst(%dma_wait3A_314 : memref<8x1024xf32, #tpu.memory_space<hbm>>)
    %add3A_315 = arith.constant 88 : i32
    %add3A_316 = arith.addi %mul3A_2, %add3A_315 : i32
    %dma_start3A_317 = arith.constant 0 : i32
    %dma_start3A_318 = tpu.memref_slice %arg2[%add3A_316, %dma_start3A_317] : memref<8192x1024xf32, #tpu.memory_space<hbm>> -> memref<8x1024xf32, #tpu.memory_space<hbm>>
    %dma_start3A_319 = arith.constant 0 : i32
    %dma_start3A_320 = tpu.memref_slice %arg2[%add3A_316, %dma_start3A_319] : memref<8192x1024xf32, #tpu.memory_space<hbm>> -> memref<8x1024xf32, #tpu.memory_space<hbm>>
    tpu.enqueue_dma source(%dma_start3A_320 : memref<8x1024xf32, #tpu.memory_space<hbm>>) target(%arg10 : memref<8x1024xf32, #tpu.memory_space<vmem>>) target_semaphore(%arg18 : memref<!tpu.dma_semaphore, #tpu.memory_space<semaphore_mem>>)
    %dma_start3A_321 = arith.constant 88 : i32
    %dma_start3A_322 = tpu.memref_slice %arg6[%dma_start3A_321] : memref<256xi32, #tpu.memory_space<vmem>> -> memref<8xi32, #tpu.memory_space<vmem>>
    %dma_start3A_323 = arith.constant 0 : i32
    %dma_start3A_324 = arith.constant 0 : i32
    %dma_start3A_325 = tpu.memref_slice %arg4[%dma_start3A_323, %dma_start3A_324] : memref<2048x1024xf32, #tpu.memory_space<hbm>> -> memref<2048x1024xf32, #tpu.memory_space<hbm>>
    tpu.enqueue_indirect_dma source(%dma_start3A_325 : memref<2048x1024xf32, #tpu.memory_space<hbm>>) target(%arg14 : memref<8x1024xf32, #tpu.memory_space<vmem>>) offsets(%dma_start3A_322 : memref<8xi32, #tpu.memory_space<vmem>>) semaphore(%arg22 : memref<!tpu.dma_semaphore, #tpu.memory_space<semaphore_mem>>)
    %dma_wait3A_326 = arith.constant 0 : i32
    %dma_wait3A_327 = tpu.memref_slice %arg2[%add3A_250, %dma_wait3A_326] : memref<8192x1024xf32, #tpu.memory_space<hbm>> -> memref<8x1024xf32, #tpu.memory_space<hbm>>
    %dma_wait3A_328 = arith.constant 0 : i32
    %dma_wait3A_329 = tpu.memref_slice %arg2[%add3A_250, %dma_wait3A_328] : memref<8192x1024xf32, #tpu.memory_space<hbm>> -> memref<8x1024xf32, #tpu.memory_space<hbm>>
    tpu.wait_dma2 semaphore(%arg16 : memref<!tpu.dma_semaphore, #tpu.memory_space<semaphore_mem>>) src(%dma_wait3A_329 : memref<8x1024xf32, #tpu.memory_space<hbm>>) dst(%arg8 : memref<8x1024xf32, #tpu.memory_space<vmem>>)
    %dma_wait3A_330 = arith.constant 72 : i32
    %dma_wait3A_331 = tpu.memref_slice %arg6[%dma_wait3A_330] : memref<256xi32, #tpu.memory_space<vmem>> -> memref<8xi32, #tpu.memory_space<vmem>>
    %dma_wait3A_332 = arith.constant 0 : i32
    %dma_wait3A_333 = arith.constant 0 : i32
    %dma_wait3A_334 = tpu.memref_slice %arg4[%dma_wait3A_332, %dma_wait3A_333] : memref<2048x1024xf32, #tpu.memory_space<hbm>> -> memref<2048x1024xf32, #tpu.memory_space<hbm>>
    tpu.wait_indirect_dma semaphore(%arg20 : memref<!tpu.dma_semaphore, #tpu.memory_space<semaphore_mem>>) src(%dma_wait3A_334 : memref<2048x1024xf32, #tpu.memory_space<hbm>>) dst(%arg12 : memref<8x1024xf32, #tpu.memory_space<vmem>>)
    %parallel_loop3A_335 = arith.constant 0 : i32
    %parallel_loop3A_336 = arith.constant 512 : i32
    %parallel_loop3A_337 = arith.constant 1 : i32
    scf.for %parallel_loop3A_1056 = %parallel_loop3A_335 to %parallel_loop3A_336 step %parallel_loop3A_337  : i32 {
      %parallel_loop3A_1057 = arith.constant 64 : i32
      %parallel_loop3A_1058 = arith.divsi %parallel_loop3A_1056, %parallel_loop3A_1057 : i32
      %parallel_loop3A_1059 = arith.constant 0 : i32
      %parallel_loop3A_1060 = arith.cmpi sgt, %parallel_loop3A_1056, %parallel_loop3A_1059 : i32
      %parallel_loop3A_1061 = arith.extui %parallel_loop3A_1060 : i1 to i32
      %parallel_loop3A_1062 = arith.constant 0 : i32
      %parallel_loop3A_1063 = arith.cmpi slt, %parallel_loop3A_1056, %parallel_loop3A_1062 : i32
      %parallel_loop3A_1064 = arith.extui %parallel_loop3A_1063 : i1 to i32
      %parallel_loop3A_1065 = arith.subi %parallel_loop3A_1061, %parallel_loop3A_1064 : i32
      %parallel_loop3A_1066 = arith.constant 0 : i32
      %parallel_loop3A_1067 = arith.cmpi sgt, %parallel_loop3A_1057, %parallel_loop3A_1066 : i32
      %parallel_loop3A_1068 = arith.extui %parallel_loop3A_1067 : i1 to i32
      %parallel_loop3A_1069 = arith.constant 0 : i32
      %parallel_loop3A_1070 = arith.cmpi slt, %parallel_loop3A_1057, %parallel_loop3A_1069 : i32
      %parallel_loop3A_1071 = arith.extui %parallel_loop3A_1070 : i1 to i32
      %parallel_loop3A_1072 = arith.subi %parallel_loop3A_1068, %parallel_loop3A_1071 : i32
      %parallel_loop3A_1073 = arith.cmpi ne, %parallel_loop3A_1065, %parallel_loop3A_1072 : i32
      %parallel_loop3A_1074 = arith.remsi %parallel_loop3A_1056, %parallel_loop3A_1057 : i32
      %parallel_loop3A_1075 = arith.constant 0 : i32
      %parallel_loop3A_1076 = arith.cmpi ne, %parallel_loop3A_1074, %parallel_loop3A_1075 : i32
      %parallel_loop3A_1077 = arith.andi %parallel_loop3A_1073, %parallel_loop3A_1076 : i1
      %parallel_loop3A_1078 = arith.constant 1 : i32
      %parallel_loop3A_1079 = arith.subi %parallel_loop3A_1058, %parallel_loop3A_1078 : i32
      %parallel_loop3A_1080 = arith.select %parallel_loop3A_1077, %parallel_loop3A_1079, %parallel_loop3A_1058 : i32
      %parallel_loop3A_1081 = arith.constant 64 : i32
      %parallel_loop3A_1082 = arith.constant 0 : i32
      %parallel_loop3A_1083 = arith.cmpi eq, %parallel_loop3A_1081, %parallel_loop3A_1082 : i32
      %parallel_loop3A_1084 = arith.constant 1 : i32
      %parallel_loop3A_1085 = arith.select %parallel_loop3A_1083, %parallel_loop3A_1084, %parallel_loop3A_1081 : i32
      %parallel_loop3A_1086 = arith.remsi %parallel_loop3A_1056, %parallel_loop3A_1085 : i32
      %parallel_loop3A_1087 = arith.constant 0 : i32
      %parallel_loop3A_1088 = arith.cmpi ne, %parallel_loop3A_1086, %parallel_loop3A_1087 : i32
      %parallel_loop3A_1089 = arith.constant 0 : i32
      %parallel_loop3A_1090 = arith.cmpi slt, %parallel_loop3A_1086, %parallel_loop3A_1089 : i32
      %parallel_loop3A_1091 = arith.constant 0 : i32
      %parallel_loop3A_1092 = arith.cmpi slt, %parallel_loop3A_1085, %parallel_loop3A_1091 : i32
      %parallel_loop3A_1093 = arith.xori %parallel_loop3A_1090, %parallel_loop3A_1092 : i1
      %parallel_loop3A_1094 = arith.andi %parallel_loop3A_1093, %parallel_loop3A_1088 : i1
      %parallel_loop3A_1095 = arith.addi %parallel_loop3A_1086, %parallel_loop3A_1085 : i32
      %parallel_loop3A_1096 = arith.select %parallel_loop3A_1094, %parallel_loop3A_1095, %parallel_loop3A_1086 : i32
      %parallel_loop3A_1097 = arith.constant 16 : i32
      %parallel_loop3A_1098 = arith.muli %parallel_loop3A_1096, %parallel_loop3A_1097 : i32
      %parallel_loop3A_1099 = arith.index_cast %parallel_loop3A_1080 : i32 to index
      %parallel_loop3A_1100 = arith.index_cast %parallel_loop3A_1098 : i32 to index
      %parallel_loop3A_1101 = tpu.vector_load %arg12[%parallel_loop3A_1099, %parallel_loop3A_1100] {strides = array<i32>} : memref<8x1024xf32, #tpu.memory_space<vmem>>, vector<1x16xf32>,
      %parallel_loop3A_1102 = vector.shape_cast %parallel_loop3A_1101 : vector<1x16xf32> to vector<16xf32>
      %parallel_loop3A_1103 = arith.index_cast %parallel_loop3A_1080 : i32 to index
      %parallel_loop3A_1104 = arith.index_cast %parallel_loop3A_1098 : i32 to index
      %parallel_loop3A_1105 = tpu.vector_load %arg8[%parallel_loop3A_1103, %parallel_loop3A_1104] {strides = array<i32>} : memref<8x1024xf32, #tpu.memory_space<vmem>>, vector<1x16xf32>,
      %parallel_loop3A_1106 = vector.shape_cast %parallel_loop3A_1105 : vector<1x16xf32> to vector<16xf32>
      %parallel_loop3A_1107 = vector.shape_cast %parallel_loop3A_1102 : vector<16xf32> to vector<1x16xf32>
      tpu.vector_store %arg8[%parallel_loop3A_1103, %parallel_loop3A_1104], %parallel_loop3A_1107 {add = true, strides = array<i32>} : memref<8x1024xf32, #tpu.memory_space<vmem>>, vector<1x16xf32>,
    } {sc.loop_unroll_factor = 8 : i64, sc.parallel_access}
    %add3A_338 = arith.constant 72 : i32
    %add3A_339 = arith.addi %mul3A_2, %add3A_338 : i32
    %dma_start3A_340 = arith.constant 0 : i32
    %dma_start3A_341 = tpu.memref_slice %arg5[%add3A_339, %dma_start3A_340] : memref<8192x1024xf32, #tpu.memory_space<hbm>> -> memref<8x1024xf32, #tpu.memory_space<hbm>>
    %dma_start3A_342 = arith.constant 0 : i32
    %dma_start3A_343 = tpu.memref_slice %arg5[%add3A_339, %dma_start3A_342] : memref<8192x1024xf32, #tpu.memory_space<hbm>> -> memref<8x1024xf32, #tpu.memory_space<hbm>>
    tpu.enqueue_dma source(%arg8 : memref<8x1024xf32, #tpu.memory_space<vmem>>) target(%dma_start3A_343 : memref<8x1024xf32, #tpu.memory_space<hbm>>) target_semaphore(%arg24 : memref<!tpu.dma_semaphore, #tpu.memory_space<semaphore_mem>>)
    %dma_wait3A_344 = arith.constant 0 : i32
    %dma_wait3A_345 = tpu.memref_slice %arg5[%add3A_306, %dma_wait3A_344] : memref<8192x1024xf32, #tpu.memory_space<hbm>> -> memref<8x1024xf32, #tpu.memory_space<hbm>>
    %dma_wait3A_346 = arith.constant 0 : i32
    %dma_wait3A_347 = tpu.memref_slice %arg5[%add3A_306, %dma_wait3A_346] : memref<8192x1024xf32, #tpu.memory_space<hbm>> -> memref<8x1024xf32, #tpu.memory_space<hbm>>
    tpu.wait_dma2 semaphore(%arg23 : memref<!tpu.dma_semaphore, #tpu.memory_space<semaphore_mem>>) src(%arg7 : memref<8x1024xf32, #tpu.memory_space<vmem>>) dst(%dma_wait3A_347 : memref<8x1024xf32, #tpu.memory_space<hbm>>)
    %add3A_348 = arith.constant 96 : i32
    %add3A_349 = arith.addi %mul3A_2, %add3A_348 : i32
    %dma_start3A_350 = arith.constant 0 : i32
    %dma_start3A_351 = tpu.memref_slice %arg2[%add3A_349, %dma_start3A_350] : memref<8192x1024xf32, #tpu.memory_space<hbm>> -> memref<8x1024xf32, #tpu.memory_space<hbm>>
    %dma_start3A_352 = arith.constant 0 : i32
    %dma_start3A_353 = tpu.memref_slice %arg2[%add3A_349, %dma_start3A_352] : memref<8192x1024xf32, #tpu.memory_space<hbm>> -> memref<8x1024xf32, #tpu.memory_space<hbm>>
    tpu.enqueue_dma source(%dma_start3A_353 : memref<8x1024xf32, #tpu.memory_space<hbm>>) target(%arg7 : memref<8x1024xf32, #tpu.memory_space<vmem>>) target_semaphore(%arg15 : memref<!tpu.dma_semaphore, #tpu.memory_space<semaphore_mem>>)
    %dma_start3A_354 = arith.constant 96 : i32
    %dma_start3A_355 = tpu.memref_slice %arg6[%dma_start3A_354] : memref<256xi32, #tpu.memory_space<vmem>> -> memref<8xi32, #tpu.memory_space<vmem>>
    %dma_start3A_356 = arith.constant 0 : i32
    %dma_start3A_357 = arith.constant 0 : i32
    %dma_start3A_358 = tpu.memref_slice %arg4[%dma_start3A_356, %dma_start3A_357] : memref<2048x1024xf32, #tpu.memory_space<hbm>> -> memref<2048x1024xf32, #tpu.memory_space<hbm>>
    tpu.enqueue_indirect_dma source(%dma_start3A_358 : memref<2048x1024xf32, #tpu.memory_space<hbm>>) target(%arg11 : memref<8x1024xf32, #tpu.memory_space<vmem>>) offsets(%dma_start3A_355 : memref<8xi32, #tpu.memory_space<vmem>>) semaphore(%arg19 : memref<!tpu.dma_semaphore, #tpu.memory_space<semaphore_mem>>)
    %dma_wait3A_359 = arith.constant 0 : i32
    %dma_wait3A_360 = tpu.memref_slice %arg2[%add3A_283, %dma_wait3A_359] : memref<8192x1024xf32, #tpu.memory_space<hbm>> -> memref<8x1024xf32, #tpu.memory_space<hbm>>
    %dma_wait3A_361 = arith.constant 0 : i32
    %dma_wait3A_362 = tpu.memref_slice %arg2[%add3A_283, %dma_wait3A_361] : memref<8192x1024xf32, #tpu.memory_space<hbm>> -> memref<8x1024xf32, #tpu.memory_space<hbm>>
    tpu.wait_dma2 semaphore(%arg17 : memref<!tpu.dma_semaphore, #tpu.memory_space<semaphore_mem>>) src(%dma_wait3A_362 : memref<8x1024xf32, #tpu.memory_space<hbm>>) dst(%arg9 : memref<8x1024xf32, #tpu.memory_space<vmem>>)
    %dma_wait3A_363 = arith.constant 80 : i32
    %dma_wait3A_364 = tpu.memref_slice %arg6[%dma_wait3A_363] : memref<256xi32, #tpu.memory_space<vmem>> -> memref<8xi32, #tpu.memory_space<vmem>>
    %dma_wait3A_365 = arith.constant 0 : i32
    %dma_wait3A_366 = arith.constant 0 : i32
    %dma_wait3A_367 = tpu.memref_slice %arg4[%dma_wait3A_365, %dma_wait3A_366] : memref<2048x1024xf32, #tpu.memory_space<hbm>> -> memref<2048x1024xf32, #tpu.memory_space<hbm>>
    tpu.wait_indirect_dma semaphore(%arg21 : memref<!tpu.dma_semaphore, #tpu.memory_space<semaphore_mem>>) src(%dma_wait3A_367 : memref<2048x1024xf32, #tpu.memory_space<hbm>>) dst(%arg13 : memref<8x1024xf32, #tpu.memory_space<vmem>>)
    %parallel_loop3A_368 = arith.constant 0 : i32
    %parallel_loop3A_369 = arith.constant 512 : i32
    %parallel_loop3A_370 = arith.constant 1 : i32
    scf.for %parallel_loop3A_1056 = %parallel_loop3A_368 to %parallel_loop3A_369 step %parallel_loop3A_370  : i32 {
      %parallel_loop3A_1057 = arith.constant 64 : i32
      %parallel_loop3A_1058 = arith.divsi %parallel_loop3A_1056, %parallel_loop3A_1057 : i32
      %parallel_loop3A_1059 = arith.constant 0 : i32
      %parallel_loop3A_1060 = arith.cmpi sgt, %parallel_loop3A_1056, %parallel_loop3A_1059 : i32
      %parallel_loop3A_1061 = arith.extui %parallel_loop3A_1060 : i1 to i32
      %parallel_loop3A_1062 = arith.constant 0 : i32
      %parallel_loop3A_1063 = arith.cmpi slt, %parallel_loop3A_1056, %parallel_loop3A_1062 : i32
      %parallel_loop3A_1064 = arith.extui %parallel_loop3A_1063 : i1 to i32
      %parallel_loop3A_1065 = arith.subi %parallel_loop3A_1061, %parallel_loop3A_1064 : i32
      %parallel_loop3A_1066 = arith.constant 0 : i32
      %parallel_loop3A_1067 = arith.cmpi sgt, %parallel_loop3A_1057, %parallel_loop3A_1066 : i32
      %parallel_loop3A_1068 = arith.extui %parallel_loop3A_1067 : i1 to i32
      %parallel_loop3A_1069 = arith.constant 0 : i32
      %parallel_loop3A_1070 = arith.cmpi slt, %parallel_loop3A_1057, %parallel_loop3A_1069 : i32
      %parallel_loop3A_1071 = arith.extui %parallel_loop3A_1070 : i1 to i32
      %parallel_loop3A_1072 = arith.subi %parallel_loop3A_1068, %parallel_loop3A_1071 : i32
      %parallel_loop3A_1073 = arith.cmpi ne, %parallel_loop3A_1065, %parallel_loop3A_1072 : i32
      %parallel_loop3A_1074 = arith.remsi %parallel_loop3A_1056, %parallel_loop3A_1057 : i32
      %parallel_loop3A_1075 = arith.constant 0 : i32
      %parallel_loop3A_1076 = arith.cmpi ne, %parallel_loop3A_1074, %parallel_loop3A_1075 : i32
      %parallel_loop3A_1077 = arith.andi %parallel_loop3A_1073, %parallel_loop3A_1076 : i1
      %parallel_loop3A_1078 = arith.constant 1 : i32
      %parallel_loop3A_1079 = arith.subi %parallel_loop3A_1058, %parallel_loop3A_1078 : i32
      %parallel_loop3A_1080 = arith.select %parallel_loop3A_1077, %parallel_loop3A_1079, %parallel_loop3A_1058 : i32
      %parallel_loop3A_1081 = arith.constant 64 : i32
      %parallel_loop3A_1082 = arith.constant 0 : i32
      %parallel_loop3A_1083 = arith.cmpi eq, %parallel_loop3A_1081, %parallel_loop3A_1082 : i32
      %parallel_loop3A_1084 = arith.constant 1 : i32
      %parallel_loop3A_1085 = arith.select %parallel_loop3A_1083, %parallel_loop3A_1084, %parallel_loop3A_1081 : i32
      %parallel_loop3A_1086 = arith.remsi %parallel_loop3A_1056, %parallel_loop3A_1085 : i32
      %parallel_loop3A_1087 = arith.constant 0 : i32
      %parallel_loop3A_1088 = arith.cmpi ne, %parallel_loop3A_1086, %parallel_loop3A_1087 : i32
      %parallel_loop3A_1089 = arith.constant 0 : i32
      %parallel_loop3A_1090 = arith.cmpi slt, %parallel_loop3A_1086, %parallel_loop3A_1089 : i32
      %parallel_loop3A_1091 = arith.constant 0 : i32
      %parallel_loop3A_1092 = arith.cmpi slt, %parallel_loop3A_1085, %parallel_loop3A_1091 : i32
      %parallel_loop3A_1093 = arith.xori %parallel_loop3A_1090, %parallel_loop3A_1092 : i1
      %parallel_loop3A_1094 = arith.andi %parallel_loop3A_1093, %parallel_loop3A_1088 : i1
      %parallel_loop3A_1095 = arith.addi %parallel_loop3A_1086, %parallel_loop3A_1085 : i32
      %parallel_loop3A_1096 = arith.select %parallel_loop3A_1094, %parallel_loop3A_1095, %parallel_loop3A_1086 : i32
      %parallel_loop3A_1097 = arith.constant 16 : i32
      %parallel_loop3A_1098 = arith.muli %parallel_loop3A_1096, %parallel_loop3A_1097 : i32
      %parallel_loop3A_1099 = arith.index_cast %parallel_loop3A_1080 : i32 to index
      %parallel_loop3A_1100 = arith.index_cast %parallel_loop3A_1098 : i32 to index
      %parallel_loop3A_1101 = tpu.vector_load %arg13[%parallel_loop3A_1099, %parallel_loop3A_1100] {strides = array<i32>} : memref<8x1024xf32, #tpu.memory_space<vmem>>, vector<1x16xf32>,
      %parallel_loop3A_1102 = vector.shape_cast %parallel_loop3A_1101 : vector<1x16xf32> to vector<16xf32>
      %parallel_loop3A_1103 = arith.index_cast %parallel_loop3A_1080 : i32 to index
      %parallel_loop3A_1104 = arith.index_cast %parallel_loop3A_1098 : i32 to index
      %parallel_loop3A_1105 = tpu.vector_load %arg9[%parallel_loop3A_1103, %parallel_loop3A_1104] {strides = array<i32>} : memref<8x1024xf32, #tpu.memory_space<vmem>>, vector<1x16xf32>,
      %parallel_loop3A_1106 = vector.shape_cast %parallel_loop3A_1105 : vector<1x16xf32> to vector<16xf32>
      %parallel_loop3A_1107 = vector.shape_cast %parallel_loop3A_1102 : vector<16xf32> to vector<1x16xf32>
      tpu.vector_store %arg9[%parallel_loop3A_1103, %parallel_loop3A_1104], %parallel_loop3A_1107 {add = true, strides = array<i32>} : memref<8x1024xf32, #tpu.memory_space<vmem>>, vector<1x16xf32>,
    } {sc.loop_unroll_factor = 8 : i64, sc.parallel_access}
    %add3A_371 = arith.constant 80 : i32
    %add3A_372 = arith.addi %mul3A_2, %add3A_371 : i32
    %dma_start3A_373 = arith.constant 0 : i32
    %dma_start3A_374 = tpu.memref_slice %arg5[%add3A_372, %dma_start3A_373] : memref<8192x1024xf32, #tpu.memory_space<hbm>> -> memref<8x1024xf32, #tpu.memory_space<hbm>>
    %dma_start3A_375 = arith.constant 0 : i32
    %dma_start3A_376 = tpu.memref_slice %arg5[%add3A_372, %dma_start3A_375] : memref<8192x1024xf32, #tpu.memory_space<hbm>> -> memref<8x1024xf32, #tpu.memory_space<hbm>>
    tpu.enqueue_dma source(%arg9 : memref<8x1024xf32, #tpu.memory_space<vmem>>) target(%dma_start3A_376 : memref<8x1024xf32, #tpu.memory_space<hbm>>) target_semaphore(%arg25 : memref<!tpu.dma_semaphore, #tpu.memory_space<semaphore_mem>>)
    %dma_wait3A_377 = arith.constant 0 : i32
    %dma_wait3A_378 = tpu.memref_slice %arg5[%add3A_339, %dma_wait3A_377] : memref<8192x1024xf32, #tpu.memory_space<hbm>> -> memref<8x1024xf32, #tpu.memory_space<hbm>>
    %dma_wait3A_379 = arith.constant 0 : i32
    %dma_wait3A_380 = tpu.memref_slice %arg5[%add3A_339, %dma_wait3A_379] : memref<8192x1024xf32, #tpu.memory_space<hbm>> -> memref<8x1024xf32, #tpu.memory_space<hbm>>
    tpu.wait_dma2 semaphore(%arg24 : memref<!tpu.dma_semaphore, #tpu.memory_space<semaphore_mem>>) src(%arg8 : memref<8x1024xf32, #tpu.memory_space<vmem>>) dst(%dma_wait3A_380 : memref<8x1024xf32, #tpu.memory_space<hbm>>)
    %add3A_381 = arith.constant 104 : i32
    %add3A_382 = arith.addi %mul3A_2, %add3A_381 : i32
    %dma_start3A_383 = arith.constant 0 : i32
    %dma_start3A_384 = tpu.memref_slice %arg2[%add3A_382, %dma_start3A_383] : memref<8192x1024xf32, #tpu.memory_space<hbm>> -> memref<8x1024xf32, #tpu.memory_space<hbm>>
    %dma_start3A_385 = arith.constant 0 : i32
    %dma_start3A_386 = tpu.memref_slice %arg2[%add3A_382, %dma_start3A_385] : memref<8192x1024xf32, #tpu.memory_space<hbm>> -> memref<8x1024xf32, #tpu.memory_space<hbm>>
    tpu.enqueue_dma source(%dma_start3A_386 : memref<8x1024xf32, #tpu.memory_space<hbm>>) target(%arg8 : memref<8x1024xf32, #tpu.memory_space<vmem>>) target_semaphore(%arg16 : memref<!tpu.dma_semaphore, #tpu.memory_space<semaphore_mem>>)
    %dma_start3A_387 = arith.constant 104 : i32
    %dma_start3A_388 = tpu.memref_slice %arg6[%dma_start3A_387] : memref<256xi32, #tpu.memory_space<vmem>> -> memref<8xi32, #tpu.memory_space<vmem>>
    %dma_start3A_389 = arith.constant 0 : i32
    %dma_start3A_390 = arith.constant 0 : i32
    %dma_start3A_391 = tpu.memref_slice %arg4[%dma_start3A_389, %dma_start3A_390] : memref<2048x1024xf32, #tpu.memory_space<hbm>> -> memref<2048x1024xf32, #tpu.memory_space<hbm>>
    tpu.enqueue_indirect_dma source(%dma_start3A_391 : memref<2048x1024xf32, #tpu.memory_space<hbm>>) target(%arg12 : memref<8x1024xf32, #tpu.memory_space<vmem>>) offsets(%dma_start3A_388 : memref<8xi32, #tpu.memory_space<vmem>>) semaphore(%arg20 : memref<!tpu.dma_semaphore, #tpu.memory_space<semaphore_mem>>)
    %dma_wait3A_392 = arith.constant 0 : i32
    %dma_wait3A_393 = tpu.memref_slice %arg2[%add3A_316, %dma_wait3A_392] : memref<8192x1024xf32, #tpu.memory_space<hbm>> -> memref<8x1024xf32, #tpu.memory_space<hbm>>
    %dma_wait3A_394 = arith.constant 0 : i32
    %dma_wait3A_395 = tpu.memref_slice %arg2[%add3A_316, %dma_wait3A_394] : memref<8192x1024xf32, #tpu.memory_space<hbm>> -> memref<8x1024xf32, #tpu.memory_space<hbm>>
    tpu.wait_dma2 semaphore(%arg18 : memref<!tpu.dma_semaphore, #tpu.memory_space<semaphore_mem>>) src(%dma_wait3A_395 : memref<8x1024xf32, #tpu.memory_space<hbm>>) dst(%arg10 : memref<8x1024xf32, #tpu.memory_space<vmem>>)
    %dma_wait3A_396 = arith.constant 88 : i32
    %dma_wait3A_397 = tpu.memref_slice %arg6[%dma_wait3A_396] : memref<256xi32, #tpu.memory_space<vmem>> -> memref<8xi32, #tpu.memory_space<vmem>>
    %dma_wait3A_398 = arith.constant 0 : i32
    %dma_wait3A_399 = arith.constant 0 : i32
    %dma_wait3A_400 = tpu.memref_slice %arg4[%dma_wait3A_398, %dma_wait3A_399] : memref<2048x1024xf32, #tpu.memory_space<hbm>> -> memref<2048x1024xf32, #tpu.memory_space<hbm>>
    tpu.wait_indirect_dma semaphore(%arg22 : memref<!tpu.dma_semaphore, #tpu.memory_space<semaphore_mem>>) src(%dma_wait3A_400 : memref<2048x1024xf32, #tpu.memory_space<hbm>>) dst(%arg14 : memref<8x1024xf32, #tpu.memory_space<vmem>>)
    %parallel_loop3A_401 = arith.constant 0 : i32
    %parallel_loop3A_402 = arith.constant 512 : i32
    %parallel_loop3A_403 = arith.constant 1 : i32
    scf.for %parallel_loop3A_1056 = %parallel_loop3A_401 to %parallel_loop3A_402 step %parallel_loop3A_403  : i32 {
      %parallel_loop3A_1057 = arith.constant 64 : i32
      %parallel_loop3A_1058 = arith.divsi %parallel_loop3A_1056, %parallel_loop3A_1057 : i32
      %parallel_loop3A_1059 = arith.constant 0 : i32
      %parallel_loop3A_1060 = arith.cmpi sgt, %parallel_loop3A_1056, %parallel_loop3A_1059 : i32
      %parallel_loop3A_1061 = arith.extui %parallel_loop3A_1060 : i1 to i32
      %parallel_loop3A_1062 = arith.constant 0 : i32
      %parallel_loop3A_1063 = arith.cmpi slt, %parallel_loop3A_1056, %parallel_loop3A_1062 : i32
      %parallel_loop3A_1064 = arith.extui %parallel_loop3A_1063 : i1 to i32
      %parallel_loop3A_1065 = arith.subi %parallel_loop3A_1061, %parallel_loop3A_1064 : i32
      %parallel_loop3A_1066 = arith.constant 0 : i32
      %parallel_loop3A_1067 = arith.cmpi sgt, %parallel_loop3A_1057, %parallel_loop3A_1066 : i32
      %parallel_loop3A_1068 = arith.extui %parallel_loop3A_1067 : i1 to i32
      %parallel_loop3A_1069 = arith.constant 0 : i32
      %parallel_loop3A_1070 = arith.cmpi slt, %parallel_loop3A_1057, %parallel_loop3A_1069 : i32
      %parallel_loop3A_1071 = arith.extui %parallel_loop3A_1070 : i1 to i32
      %parallel_loop3A_1072 = arith.subi %parallel_loop3A_1068, %parallel_loop3A_1071 : i32
      %parallel_loop3A_1073 = arith.cmpi ne, %parallel_loop3A_1065, %parallel_loop3A_1072 : i32
      %parallel_loop3A_1074 = arith.remsi %parallel_loop3A_1056, %parallel_loop3A_1057 : i32
      %parallel_loop3A_1075 = arith.constant 0 : i32
      %parallel_loop3A_1076 = arith.cmpi ne, %parallel_loop3A_1074, %parallel_loop3A_1075 : i32
      %parallel_loop3A_1077 = arith.andi %parallel_loop3A_1073, %parallel_loop3A_1076 : i1
      %parallel_loop3A_1078 = arith.constant 1 : i32
      %parallel_loop3A_1079 = arith.subi %parallel_loop3A_1058, %parallel_loop3A_1078 : i32
      %parallel_loop3A_1080 = arith.select %parallel_loop3A_1077, %parallel_loop3A_1079, %parallel_loop3A_1058 : i32
      %parallel_loop3A_1081 = arith.constant 64 : i32
      %parallel_loop3A_1082 = arith.constant 0 : i32
      %parallel_loop3A_1083 = arith.cmpi eq, %parallel_loop3A_1081, %parallel_loop3A_1082 : i32
      %parallel_loop3A_1084 = arith.constant 1 : i32
      %parallel_loop3A_1085 = arith.select %parallel_loop3A_1083, %parallel_loop3A_1084, %parallel_loop3A_1081 : i32
      %parallel_loop3A_1086 = arith.remsi %parallel_loop3A_1056, %parallel_loop3A_1085 : i32
      %parallel_loop3A_1087 = arith.constant 0 : i32
      %parallel_loop3A_1088 = arith.cmpi ne, %parallel_loop3A_1086, %parallel_loop3A_1087 : i32
      %parallel_loop3A_1089 = arith.constant 0 : i32
      %parallel_loop3A_1090 = arith.cmpi slt, %parallel_loop3A_1086, %parallel_loop3A_1089 : i32
      %parallel_loop3A_1091 = arith.constant 0 : i32
      %parallel_loop3A_1092 = arith.cmpi slt, %parallel_loop3A_1085, %parallel_loop3A_1091 : i32
      %parallel_loop3A_1093 = arith.xori %parallel_loop3A_1090, %parallel_loop3A_1092 : i1
      %parallel_loop3A_1094 = arith.andi %parallel_loop3A_1093, %parallel_loop3A_1088 : i1
      %parallel_loop3A_1095 = arith.addi %parallel_loop3A_1086, %parallel_loop3A_1085 : i32
      %parallel_loop3A_1096 = arith.select %parallel_loop3A_1094, %parallel_loop3A_1095, %parallel_loop3A_1086 : i32
      %parallel_loop3A_1097 = arith.constant 16 : i32
      %parallel_loop3A_1098 = arith.muli %parallel_loop3A_1096, %parallel_loop3A_1097 : i32
      %parallel_loop3A_1099 = arith.index_cast %parallel_loop3A_1080 : i32 to index
      %parallel_loop3A_1100 = arith.index_cast %parallel_loop3A_1098 : i32 to index
      %parallel_loop3A_1101 = tpu.vector_load %arg14[%parallel_loop3A_1099, %parallel_loop3A_1100] {strides = array<i32>} : memref<8x1024xf32, #tpu.memory_space<vmem>>, vector<1x16xf32>,
      %parallel_loop3A_1102 = vector.shape_cast %parallel_loop3A_1101 : vector<1x16xf32> to vector<16xf32>
      %parallel_loop3A_1103 = arith.index_cast %parallel_loop3A_1080 : i32 to index
      %parallel_loop3A_1104 = arith.index_cast %parallel_loop3A_1098 : i32 to index
      %parallel_loop3A_1105 = tpu.vector_load %arg10[%parallel_loop3A_1103, %parallel_loop3A_1104] {strides = array<i32>} : memref<8x1024xf32, #tpu.memory_space<vmem>>, vector<1x16xf32>,
      %parallel_loop3A_1106 = vector.shape_cast %parallel_loop3A_1105 : vector<1x16xf32> to vector<16xf32>
      %parallel_loop3A_1107 = vector.shape_cast %parallel_loop3A_1102 : vector<16xf32> to vector<1x16xf32>
      tpu.vector_store %arg10[%parallel_loop3A_1103, %parallel_loop3A_1104], %parallel_loop3A_1107 {add = true, strides = array<i32>} : memref<8x1024xf32, #tpu.memory_space<vmem>>, vector<1x16xf32>,
    } {sc.loop_unroll_factor = 8 : i64, sc.parallel_access}
    %add3A_404 = arith.constant 88 : i32
    %add3A_405 = arith.addi %mul3A_2, %add3A_404 : i32
    %dma_start3A_406 = arith.constant 0 : i32
    %dma_start3A_407 = tpu.memref_slice %arg5[%add3A_405, %dma_start3A_406] : memref<8192x1024xf32, #tpu.memory_space<hbm>> -> memref<8x1024xf32, #tpu.memory_space<hbm>>
    %dma_start3A_408 = arith.constant 0 : i32
    %dma_start3A_409 = tpu.memref_slice %arg5[%add3A_405, %dma_start3A_408] : memref<8192x1024xf32, #tpu.memory_space<hbm>> -> memref<8x1024xf32, #tpu.memory_space<hbm>>
    tpu.enqueue_dma source(%arg10 : memref<8x1024xf32, #tpu.memory_space<vmem>>) target(%dma_start3A_409 : memref<8x1024xf32, #tpu.memory_space<hbm>>) target_semaphore(%arg26 : memref<!tpu.dma_semaphore, #tpu.memory_space<semaphore_mem>>)
    %dma_wait3A_410 = arith.constant 0 : i32
    %dma_wait3A_411 = tpu.memref_slice %arg5[%add3A_372, %dma_wait3A_410] : memref<8192x1024xf32, #tpu.memory_space<hbm>> -> memref<8x1024xf32, #tpu.memory_space<hbm>>
    %dma_wait3A_412 = arith.constant 0 : i32
    %dma_wait3A_413 = tpu.memref_slice %arg5[%add3A_372, %dma_wait3A_412] : memref<8192x1024xf32, #tpu.memory_space<hbm>> -> memref<8x1024xf32, #tpu.memory_space<hbm>>
    tpu.wait_dma2 semaphore(%arg25 : memref<!tpu.dma_semaphore, #tpu.memory_space<semaphore_mem>>) src(%arg9 : memref<8x1024xf32, #tpu.memory_space<vmem>>) dst(%dma_wait3A_413 : memref<8x1024xf32, #tpu.memory_space<hbm>>)
    %add3A_414 = arith.constant 112 : i32
    %add3A_415 = arith.addi %mul3A_2, %add3A_414 : i32
    %dma_start3A_416 = arith.constant 0 : i32
    %dma_start3A_417 = tpu.memref_slice %arg2[%add3A_415, %dma_start3A_416] : memref<8192x1024xf32, #tpu.memory_space<hbm>> -> memref<8x1024xf32, #tpu.memory_space<hbm>>
    %dma_start3A_418 = arith.constant 0 : i32
    %dma_start3A_419 = tpu.memref_slice %arg2[%add3A_415, %dma_start3A_418] : memref<8192x1024xf32, #tpu.memory_space<hbm>> -> memref<8x1024xf32, #tpu.memory_space<hbm>>
    tpu.enqueue_dma source(%dma_start3A_419 : memref<8x1024xf32, #tpu.memory_space<hbm>>) target(%arg9 : memref<8x1024xf32, #tpu.memory_space<vmem>>) target_semaphore(%arg17 : memref<!tpu.dma_semaphore, #tpu.memory_space<semaphore_mem>>)
    %dma_start3A_420 = arith.constant 112 : i32
    %dma_start3A_421 = tpu.memref_slice %arg6[%dma_start3A_420] : memref<256xi32, #tpu.memory_space<vmem>> -> memref<8xi32, #tpu.memory_space<vmem>>
    %dma_start3A_422 = arith.constant 0 : i32
    %dma_start3A_423 = arith.constant 0 : i32
    %dma_start3A_424 = tpu.memref_slice %arg4[%dma_start3A_422, %dma_start3A_423] : memref<2048x1024xf32, #tpu.memory_space<hbm>> -> memref<2048x1024xf32, #tpu.memory_space<hbm>>
    tpu.enqueue_indirect_dma source(%dma_start3A_424 : memref<2048x1024xf32, #tpu.memory_space<hbm>>) target(%arg13 : memref<8x1024xf32, #tpu.memory_space<vmem>>) offsets(%dma_start3A_421 : memref<8xi32, #tpu.memory_space<vmem>>) semaphore(%arg21 : memref<!tpu.dma_semaphore, #tpu.memory_space<semaphore_mem>>)
    %dma_wait3A_425 = arith.constant 0 : i32
    %dma_wait3A_426 = tpu.memref_slice %arg2[%add3A_349, %dma_wait3A_425] : memref<8192x1024xf32, #tpu.memory_space<hbm>> -> memref<8x1024xf32, #tpu.memory_space<hbm>>
    %dma_wait3A_427 = arith.constant 0 : i32
    %dma_wait3A_428 = tpu.memref_slice %arg2[%add3A_349, %dma_wait3A_427] : memref<8192x1024xf32, #tpu.memory_space<hbm>> -> memref<8x1024xf32, #tpu.memory_space<hbm>>
    tpu.wait_dma2 semaphore(%arg15 : memref<!tpu.dma_semaphore, #tpu.memory_space<semaphore_mem>>) src(%dma_wait3A_428 : memref<8x1024xf32, #tpu.memory_space<hbm>>) dst(%arg7 : memref<8x1024xf32, #tpu.memory_space<vmem>>)
    %dma_wait3A_429 = arith.constant 96 : i32
    %dma_wait3A_430 = tpu.memref_slice %arg6[%dma_wait3A_429] : memref<256xi32, #tpu.memory_space<vmem>> -> memref<8xi32, #tpu.memory_space<vmem>>
    %dma_wait3A_431 = arith.constant 0 : i32
    %dma_wait3A_432 = arith.constant 0 : i32
    %dma_wait3A_433 = tpu.memref_slice %arg4[%dma_wait3A_431, %dma_wait3A_432] : memref<2048x1024xf32, #tpu.memory_space<hbm>> -> memref<2048x1024xf32, #tpu.memory_space<hbm>>
    tpu.wait_indirect_dma semaphore(%arg19 : memref<!tpu.dma_semaphore, #tpu.memory_space<semaphore_mem>>) src(%dma_wait3A_433 : memref<2048x1024xf32, #tpu.memory_space<hbm>>) dst(%arg11 : memref<8x1024xf32, #tpu.memory_space<vmem>>)
    %parallel_loop3A_434 = arith.constant 0 : i32
    %parallel_loop3A_435 = arith.constant 512 : i32
    %parallel_loop3A_436 = arith.constant 1 : i32
    scf.for %parallel_loop3A_1056 = %parallel_loop3A_434 to %parallel_loop3A_435 step %parallel_loop3A_436  : i32 {
      %parallel_loop3A_1057 = arith.constant 64 : i32
      %parallel_loop3A_1058 = arith.divsi %parallel_loop3A_1056, %parallel_loop3A_1057 : i32
      %parallel_loop3A_1059 = arith.constant 0 : i32
      %parallel_loop3A_1060 = arith.cmpi sgt, %parallel_loop3A_1056, %parallel_loop3A_1059 : i32
      %parallel_loop3A_1061 = arith.extui %parallel_loop3A_1060 : i1 to i32
      %parallel_loop3A_1062 = arith.constant 0 : i32
      %parallel_loop3A_1063 = arith.cmpi slt, %parallel_loop3A_1056, %parallel_loop3A_1062 : i32
      %parallel_loop3A_1064 = arith.extui %parallel_loop3A_1063 : i1 to i32
      %parallel_loop3A_1065 = arith.subi %parallel_loop3A_1061, %parallel_loop3A_1064 : i32
      %parallel_loop3A_1066 = arith.constant 0 : i32
      %parallel_loop3A_1067 = arith.cmpi sgt, %parallel_loop3A_1057, %parallel_loop3A_1066 : i32
      %parallel_loop3A_1068 = arith.extui %parallel_loop3A_1067 : i1 to i32
      %parallel_loop3A_1069 = arith.constant 0 : i32
      %parallel_loop3A_1070 = arith.cmpi slt, %parallel_loop3A_1057, %parallel_loop3A_1069 : i32
      %parallel_loop3A_1071 = arith.extui %parallel_loop3A_1070 : i1 to i32
      %parallel_loop3A_1072 = arith.subi %parallel_loop3A_1068, %parallel_loop3A_1071 : i32
      %parallel_loop3A_1073 = arith.cmpi ne, %parallel_loop3A_1065, %parallel_loop3A_1072 : i32
      %parallel_loop3A_1074 = arith.remsi %parallel_loop3A_1056, %parallel_loop3A_1057 : i32
      %parallel_loop3A_1075 = arith.constant 0 : i32
      %parallel_loop3A_1076 = arith.cmpi ne, %parallel_loop3A_1074, %parallel_loop3A_1075 : i32
      %parallel_loop3A_1077 = arith.andi %parallel_loop3A_1073, %parallel_loop3A_1076 : i1
      %parallel_loop3A_1078 = arith.constant 1 : i32
      %parallel_loop3A_1079 = arith.subi %parallel_loop3A_1058, %parallel_loop3A_1078 : i32
      %parallel_loop3A_1080 = arith.select %parallel_loop3A_1077, %parallel_loop3A_1079, %parallel_loop3A_1058 : i32
      %parallel_loop3A_1081 = arith.constant 64 : i32
      %parallel_loop3A_1082 = arith.constant 0 : i32
      %parallel_loop3A_1083 = arith.cmpi eq, %parallel_loop3A_1081, %parallel_loop3A_1082 : i32
      %parallel_loop3A_1084 = arith.constant 1 : i32
      %parallel_loop3A_1085 = arith.select %parallel_loop3A_1083, %parallel_loop3A_1084, %parallel_loop3A_1081 : i32
      %parallel_loop3A_1086 = arith.remsi %parallel_loop3A_1056, %parallel_loop3A_1085 : i32
      %parallel_loop3A_1087 = arith.constant 0 : i32
      %parallel_loop3A_1088 = arith.cmpi ne, %parallel_loop3A_1086, %parallel_loop3A_1087 : i32
      %parallel_loop3A_1089 = arith.constant 0 : i32
      %parallel_loop3A_1090 = arith.cmpi slt, %parallel_loop3A_1086, %parallel_loop3A_1089 : i32
      %parallel_loop3A_1091 = arith.constant 0 : i32
      %parallel_loop3A_1092 = arith.cmpi slt, %parallel_loop3A_1085, %parallel_loop3A_1091 : i32
      %parallel_loop3A_1093 = arith.xori %parallel_loop3A_1090, %parallel_loop3A_1092 : i1
      %parallel_loop3A_1094 = arith.andi %parallel_loop3A_1093, %parallel_loop3A_1088 : i1
      %parallel_loop3A_1095 = arith.addi %parallel_loop3A_1086, %parallel_loop3A_1085 : i32
      %parallel_loop3A_1096 = arith.select %parallel_loop3A_1094, %parallel_loop3A_1095, %parallel_loop3A_1086 : i32
      %parallel_loop3A_1097 = arith.constant 16 : i32
      %parallel_loop3A_1098 = arith.muli %parallel_loop3A_1096, %parallel_loop3A_1097 : i32
      %parallel_loop3A_1099 = arith.index_cast %parallel_loop3A_1080 : i32 to index
      %parallel_loop3A_1100 = arith.index_cast %parallel_loop3A_1098 : i32 to index
      %parallel_loop3A_1101 = tpu.vector_load %arg11[%parallel_loop3A_1099, %parallel_loop3A_1100] {strides = array<i32>} : memref<8x1024xf32, #tpu.memory_space<vmem>>, vector<1x16xf32>,
      %parallel_loop3A_1102 = vector.shape_cast %parallel_loop3A_1101 : vector<1x16xf32> to vector<16xf32>
      %parallel_loop3A_1103 = arith.index_cast %parallel_loop3A_1080 : i32 to index
      %parallel_loop3A_1104 = arith.index_cast %parallel_loop3A_1098 : i32 to index
      %parallel_loop3A_1105 = tpu.vector_load %arg7[%parallel_loop3A_1103, %parallel_loop3A_1104] {strides = array<i32>} : memref<8x1024xf32, #tpu.memory_space<vmem>>, vector<1x16xf32>,
      %parallel_loop3A_1106 = vector.shape_cast %parallel_loop3A_1105 : vector<1x16xf32> to vector<16xf32>
      %parallel_loop3A_1107 = vector.shape_cast %parallel_loop3A_1102 : vector<16xf32> to vector<1x16xf32>
      tpu.vector_store %arg7[%parallel_loop3A_1103, %parallel_loop3A_1104], %parallel_loop3A_1107 {add = true, strides = array<i32>} : memref<8x1024xf32, #tpu.memory_space<vmem>>, vector<1x16xf32>,
    } {sc.loop_unroll_factor = 8 : i64, sc.parallel_access}
    %add3A_437 = arith.constant 96 : i32
    %add3A_438 = arith.addi %mul3A_2, %add3A_437 : i32
    %dma_start3A_439 = arith.constant 0 : i32
    %dma_start3A_440 = tpu.memref_slice %arg5[%add3A_438, %dma_start3A_439] : memref<8192x1024xf32, #tpu.memory_space<hbm>> -> memref<8x1024xf32, #tpu.memory_space<hbm>>
    %dma_start3A_441 = arith.constant 0 : i32
    %dma_start3A_442 = tpu.memref_slice %arg5[%add3A_438, %dma_start3A_441] : memref<8192x1024xf32, #tpu.memory_space<hbm>> -> memref<8x1024xf32, #tpu.memory_space<hbm>>
    tpu.enqueue_dma source(%arg7 : memref<8x1024xf32, #tpu.memory_space<vmem>>) target(%dma_start3A_442 : memref<8x1024xf32, #tpu.memory_space<hbm>>) target_semaphore(%arg23 : memref<!tpu.dma_semaphore, #tpu.memory_space<semaphore_mem>>)
    %dma_wait3A_443 = arith.constant 0 : i32
    %dma_wait3A_444 = tpu.memref_slice %arg5[%add3A_405, %dma_wait3A_443] : memref<8192x1024xf32, #tpu.memory_space<hbm>> -> memref<8x1024xf32, #tpu.memory_space<hbm>>
    %dma_wait3A_445 = arith.constant 0 : i32
    %dma_wait3A_446 = tpu.memref_slice %arg5[%add3A_405, %dma_wait3A_445] : memref<8192x1024xf32, #tpu.memory_space<hbm>> -> memref<8x1024xf32, #tpu.memory_space<hbm>>
    tpu.wait_dma2 semaphore(%arg26 : memref<!tpu.dma_semaphore, #tpu.memory_space<semaphore_mem>>) src(%arg10 : memref<8x1024xf32, #tpu.memory_space<vmem>>) dst(%dma_wait3A_446 : memref<8x1024xf32, #tpu.memory_space<hbm>>)
    %add3A_447 = arith.constant 120 : i32
    %add3A_448 = arith.addi %mul3A_2, %add3A_447 : i32
    %dma_start3A_449 = arith.constant 0 : i32
    %dma_start3A_450 = tpu.memref_slice %arg2[%add3A_448, %dma_start3A_449] : memref<8192x1024xf32, #tpu.memory_space<hbm>> -> memref<8x1024xf32, #tpu.memory_space<hbm>>
    %dma_start3A_451 = arith.constant 0 : i32
    %dma_start3A_452 = tpu.memref_slice %arg2[%add3A_448, %dma_start3A_451] : memref<8192x1024xf32, #tpu.memory_space<hbm>> -> memref<8x1024xf32, #tpu.memory_space<hbm>>
    tpu.enqueue_dma source(%dma_start3A_452 : memref<8x1024xf32, #tpu.memory_space<hbm>>) target(%arg10 : memref<8x1024xf32, #tpu.memory_space<vmem>>) target_semaphore(%arg18 : memref<!tpu.dma_semaphore, #tpu.memory_space<semaphore_mem>>)
    %dma_start3A_453 = arith.constant 120 : i32
    %dma_start3A_454 = tpu.memref_slice %arg6[%dma_start3A_453] : memref<256xi32, #tpu.memory_space<vmem>> -> memref<8xi32, #tpu.memory_space<vmem>>
    %dma_start3A_455 = arith.constant 0 : i32
    %dma_start3A_456 = arith.constant 0 : i32
    %dma_start3A_457 = tpu.memref_slice %arg4[%dma_start3A_455, %dma_start3A_456] : memref<2048x1024xf32, #tpu.memory_space<hbm>> -> memref<2048x1024xf32, #tpu.memory_space<hbm>>
    tpu.enqueue_indirect_dma source(%dma_start3A_457 : memref<2048x1024xf32, #tpu.memory_space<hbm>>) target(%arg14 : memref<8x1024xf32, #tpu.memory_space<vmem>>) offsets(%dma_start3A_454 : memref<8xi32, #tpu.memory_space<vmem>>) semaphore(%arg22 : memref<!tpu.dma_semaphore, #tpu.memory_space<semaphore_mem>>)
    %dma_wait3A_458 = arith.constant 0 : i32
    %dma_wait3A_459 = tpu.memref_slice %arg2[%add3A_382, %dma_wait3A_458] : memref<8192x1024xf32, #tpu.memory_space<hbm>> -> memref<8x1024xf32, #tpu.memory_space<hbm>>
    %dma_wait3A_460 = arith.constant 0 : i32
    %dma_wait3A_461 = tpu.memref_slice %arg2[%add3A_382, %dma_wait3A_460] : memref<8192x1024xf32, #tpu.memory_space<hbm>> -> memref<8x1024xf32, #tpu.memory_space<hbm>>
    tpu.wait_dma2 semaphore(%arg16 : memref<!tpu.dma_semaphore, #tpu.memory_space<semaphore_mem>>) src(%dma_wait3A_461 : memref<8x1024xf32, #tpu.memory_space<hbm>>) dst(%arg8 : memref<8x1024xf32, #tpu.memory_space<vmem>>)
    %dma_wait3A_462 = arith.constant 104 : i32
    %dma_wait3A_463 = tpu.memref_slice %arg6[%dma_wait3A_462] : memref<256xi32, #tpu.memory_space<vmem>> -> memref<8xi32, #tpu.memory_space<vmem>>
    %dma_wait3A_464 = arith.constant 0 : i32
    %dma_wait3A_465 = arith.constant 0 : i32
    %dma_wait3A_466 = tpu.memref_slice %arg4[%dma_wait3A_464, %dma_wait3A_465] : memref<2048x1024xf32, #tpu.memory_space<hbm>> -> memref<2048x1024xf32, #tpu.memory_space<hbm>>
    tpu.wait_indirect_dma semaphore(%arg20 : memref<!tpu.dma_semaphore, #tpu.memory_space<semaphore_mem>>) src(%dma_wait3A_466 : memref<2048x1024xf32, #tpu.memory_space<hbm>>) dst(%arg12 : memref<8x1024xf32, #tpu.memory_space<vmem>>)
    %parallel_loop3A_467 = arith.constant 0 : i32
    %parallel_loop3A_468 = arith.constant 512 : i32
    %parallel_loop3A_469 = arith.constant 1 : i32
    scf.for %parallel_loop3A_1056 = %parallel_loop3A_467 to %parallel_loop3A_468 step %parallel_loop3A_469  : i32 {
      %parallel_loop3A_1057 = arith.constant 64 : i32
      %parallel_loop3A_1058 = arith.divsi %parallel_loop3A_1056, %parallel_loop3A_1057 : i32
      %parallel_loop3A_1059 = arith.constant 0 : i32
      %parallel_loop3A_1060 = arith.cmpi sgt, %parallel_loop3A_1056, %parallel_loop3A_1059 : i32
      %parallel_loop3A_1061 = arith.extui %parallel_loop3A_1060 : i1 to i32
      %parallel_loop3A_1062 = arith.constant 0 : i32
      %parallel_loop3A_1063 = arith.cmpi slt, %parallel_loop3A_1056, %parallel_loop3A_1062 : i32
      %parallel_loop3A_1064 = arith.extui %parallel_loop3A_1063 : i1 to i32
      %parallel_loop3A_1065 = arith.subi %parallel_loop3A_1061, %parallel_loop3A_1064 : i32
      %parallel_loop3A_1066 = arith.constant 0 : i32
      %parallel_loop3A_1067 = arith.cmpi sgt, %parallel_loop3A_1057, %parallel_loop3A_1066 : i32
      %parallel_loop3A_1068 = arith.extui %parallel_loop3A_1067 : i1 to i32
      %parallel_loop3A_1069 = arith.constant 0 : i32
      %parallel_loop3A_1070 = arith.cmpi slt, %parallel_loop3A_1057, %parallel_loop3A_1069 : i32
      %parallel_loop3A_1071 = arith.extui %parallel_loop3A_1070 : i1 to i32
      %parallel_loop3A_1072 = arith.subi %parallel_loop3A_1068, %parallel_loop3A_1071 : i32
      %parallel_loop3A_1073 = arith.cmpi ne, %parallel_loop3A_1065, %parallel_loop3A_1072 : i32
      %parallel_loop3A_1074 = arith.remsi %parallel_loop3A_1056, %parallel_loop3A_1057 : i32
      %parallel_loop3A_1075 = arith.constant 0 : i32
      %parallel_loop3A_1076 = arith.cmpi ne, %parallel_loop3A_1074, %parallel_loop3A_1075 : i32
      %parallel_loop3A_1077 = arith.andi %parallel_loop3A_1073, %parallel_loop3A_1076 : i1
      %parallel_loop3A_1078 = arith.constant 1 : i32
      %parallel_loop3A_1079 = arith.subi %parallel_loop3A_1058, %parallel_loop3A_1078 : i32
      %parallel_loop3A_1080 = arith.select %parallel_loop3A_1077, %parallel_loop3A_1079, %parallel_loop3A_1058 : i32
      %parallel_loop3A_1081 = arith.constant 64 : i32
      %parallel_loop3A_1082 = arith.constant 0 : i32
      %parallel_loop3A_1083 = arith.cmpi eq, %parallel_loop3A_1081, %parallel_loop3A_1082 : i32
      %parallel_loop3A_1084 = arith.constant 1 : i32
      %parallel_loop3A_1085 = arith.select %parallel_loop3A_1083, %parallel_loop3A_1084, %parallel_loop3A_1081 : i32
      %parallel_loop3A_1086 = arith.remsi %parallel_loop3A_1056, %parallel_loop3A_1085 : i32
      %parallel_loop3A_1087 = arith.constant 0 : i32
      %parallel_loop3A_1088 = arith.cmpi ne, %parallel_loop3A_1086, %parallel_loop3A_1087 : i32
      %parallel_loop3A_1089 = arith.constant 0 : i32
      %parallel_loop3A_1090 = arith.cmpi slt, %parallel_loop3A_1086, %parallel_loop3A_1089 : i32
      %parallel_loop3A_1091 = arith.constant 0 : i32
      %parallel_loop3A_1092 = arith.cmpi slt, %parallel_loop3A_1085, %parallel_loop3A_1091 : i32
      %parallel_loop3A_1093 = arith.xori %parallel_loop3A_1090, %parallel_loop3A_1092 : i1
      %parallel_loop3A_1094 = arith.andi %parallel_loop3A_1093, %parallel_loop3A_1088 : i1
      %parallel_loop3A_1095 = arith.addi %parallel_loop3A_1086, %parallel_loop3A_1085 : i32
      %parallel_loop3A_1096 = arith.select %parallel_loop3A_1094, %parallel_loop3A_1095, %parallel_loop3A_1086 : i32
      %parallel_loop3A_1097 = arith.constant 16 : i32
      %parallel_loop3A_1098 = arith.muli %parallel_loop3A_1096, %parallel_loop3A_1097 : i32
      %parallel_loop3A_1099 = arith.index_cast %parallel_loop3A_1080 : i32 to index
      %parallel_loop3A_1100 = arith.index_cast %parallel_loop3A_1098 : i32 to index
      %parallel_loop3A_1101 = tpu.vector_load %arg12[%parallel_loop3A_1099, %parallel_loop3A_1100] {strides = array<i32>} : memref<8x1024xf32, #tpu.memory_space<vmem>>, vector<1x16xf32>,
      %parallel_loop3A_1102 = vector.shape_cast %parallel_loop3A_1101 : vector<1x16xf32> to vector<16xf32>
      %parallel_loop3A_1103 = arith.index_cast %parallel_loop3A_1080 : i32 to index
      %parallel_loop3A_1104 = arith.index_cast %parallel_loop3A_1098 : i32 to index
      %parallel_loop3A_1105 = tpu.vector_load %arg8[%parallel_loop3A_1103, %parallel_loop3A_1104] {strides = array<i32>} : memref<8x1024xf32, #tpu.memory_space<vmem>>, vector<1x16xf32>,
      %parallel_loop3A_1106 = vector.shape_cast %parallel_loop3A_1105 : vector<1x16xf32> to vector<16xf32>
      %parallel_loop3A_1107 = vector.shape_cast %parallel_loop3A_1102 : vector<16xf32> to vector<1x16xf32>
      tpu.vector_store %arg8[%parallel_loop3A_1103, %parallel_loop3A_1104], %parallel_loop3A_1107 {add = true, strides = array<i32>} : memref<8x1024xf32, #tpu.memory_space<vmem>>, vector<1x16xf32>,
    } {sc.loop_unroll_factor = 8 : i64, sc.parallel_access}
    %add3A_470 = arith.constant 104 : i32
    %add3A_471 = arith.addi %mul3A_2, %add3A_470 : i32
    %dma_start3A_472 = arith.constant 0 : i32
    %dma_start3A_473 = tpu.memref_slice %arg5[%add3A_471, %dma_start3A_472] : memref<8192x1024xf32, #tpu.memory_space<hbm>> -> memref<8x1024xf32, #tpu.memory_space<hbm>>
    %dma_start3A_474 = arith.constant 0 : i32
    %dma_start3A_475 = tpu.memref_slice %arg5[%add3A_471, %dma_start3A_474] : memref<8192x1024xf32, #tpu.memory_space<hbm>> -> memref<8x1024xf32, #tpu.memory_space<hbm>>
    tpu.enqueue_dma source(%arg8 : memref<8x1024xf32, #tpu.memory_space<vmem>>) target(%dma_start3A_475 : memref<8x1024xf32, #tpu.memory_space<hbm>>) target_semaphore(%arg24 : memref<!tpu.dma_semaphore, #tpu.memory_space<semaphore_mem>>)
    %dma_wait3A_476 = arith.constant 0 : i32
    %dma_wait3A_477 = tpu.memref_slice %arg5[%add3A_438, %dma_wait3A_476] : memref<8192x1024xf32, #tpu.memory_space<hbm>> -> memref<8x1024xf32, #tpu.memory_space<hbm>>
    %dma_wait3A_478 = arith.constant 0 : i32
    %dma_wait3A_479 = tpu.memref_slice %arg5[%add3A_438, %dma_wait3A_478] : memref<8192x1024xf32, #tpu.memory_space<hbm>> -> memref<8x1024xf32, #tpu.memory_space<hbm>>
    tpu.wait_dma2 semaphore(%arg23 : memref<!tpu.dma_semaphore, #tpu.memory_space<semaphore_mem>>) src(%arg7 : memref<8x1024xf32, #tpu.memory_space<vmem>>) dst(%dma_wait3A_479 : memref<8x1024xf32, #tpu.memory_space<hbm>>)
    %add3A_480 = arith.constant 128 : i32
    %add3A_481 = arith.addi %mul3A_2, %add3A_480 : i32
    %dma_start3A_482 = arith.constant 0 : i32
    %dma_start3A_483 = tpu.memref_slice %arg2[%add3A_481, %dma_start3A_482] : memref<8192x1024xf32, #tpu.memory_space<hbm>> -> memref<8x1024xf32, #tpu.memory_space<hbm>>
    %dma_start3A_484 = arith.constant 0 : i32
    %dma_start3A_485 = tpu.memref_slice %arg2[%add3A_481, %dma_start3A_484] : memref<8192x1024xf32, #tpu.memory_space<hbm>> -> memref<8x1024xf32, #tpu.memory_space<hbm>>
    tpu.enqueue_dma source(%dma_start3A_485 : memref<8x1024xf32, #tpu.memory_space<hbm>>) target(%arg7 : memref<8x1024xf32, #tpu.memory_space<vmem>>) target_semaphore(%arg15 : memref<!tpu.dma_semaphore, #tpu.memory_space<semaphore_mem>>)
    %dma_start3A_486 = arith.constant 128 : i32
    %dma_start3A_487 = tpu.memref_slice %arg6[%dma_start3A_486] : memref<256xi32, #tpu.memory_space<vmem>> -> memref<8xi32, #tpu.memory_space<vmem>>
    %dma_start3A_488 = arith.constant 0 : i32
    %dma_start3A_489 = arith.constant 0 : i32
    %dma_start3A_490 = tpu.memref_slice %arg4[%dma_start3A_488, %dma_start3A_489] : memref<2048x1024xf32, #tpu.memory_space<hbm>> -> memref<2048x1024xf32, #tpu.memory_space<hbm>>
    tpu.enqueue_indirect_dma source(%dma_start3A_490 : memref<2048x1024xf32, #tpu.memory_space<hbm>>) target(%arg11 : memref<8x1024xf32, #tpu.memory_space<vmem>>) offsets(%dma_start3A_487 : memref<8xi32, #tpu.memory_space<vmem>>) semaphore(%arg19 : memref<!tpu.dma_semaphore, #tpu.memory_space<semaphore_mem>>)
    %dma_wait3A_491 = arith.constant 0 : i32
    %dma_wait3A_492 = tpu.memref_slice %arg2[%add3A_415, %dma_wait3A_491] : memref<8192x1024xf32, #tpu.memory_space<hbm>> -> memref<8x1024xf32, #tpu.memory_space<hbm>>
    %dma_wait3A_493 = arith.constant 0 : i32
    %dma_wait3A_494 = tpu.memref_slice %arg2[%add3A_415, %dma_wait3A_493] : memref<8192x1024xf32, #tpu.memory_space<hbm>> -> memref<8x1024xf32, #tpu.memory_space<hbm>>
    tpu.wait_dma2 semaphore(%arg17 : memref<!tpu.dma_semaphore, #tpu.memory_space<semaphore_mem>>) src(%dma_wait3A_494 : memref<8x1024xf32, #tpu.memory_space<hbm>>) dst(%arg9 : memref<8x1024xf32, #tpu.memory_space<vmem>>)
    %dma_wait3A_495 = arith.constant 112 : i32
    %dma_wait3A_496 = tpu.memref_slice %arg6[%dma_wait3A_495] : memref<256xi32, #tpu.memory_space<vmem>> -> memref<8xi32, #tpu.memory_space<vmem>>
    %dma_wait3A_497 = arith.constant 0 : i32
    %dma_wait3A_498 = arith.constant 0 : i32
    %dma_wait3A_499 = tpu.memref_slice %arg4[%dma_wait3A_497, %dma_wait3A_498] : memref<2048x1024xf32, #tpu.memory_space<hbm>> -> memref<2048x1024xf32, #tpu.memory_space<hbm>>
    tpu.wait_indirect_dma semaphore(%arg21 : memref<!tpu.dma_semaphore, #tpu.memory_space<semaphore_mem>>) src(%dma_wait3A_499 : memref<2048x1024xf32, #tpu.memory_space<hbm>>) dst(%arg13 : memref<8x1024xf32, #tpu.memory_space<vmem>>)
    %parallel_loop3A_500 = arith.constant 0 : i32
    %parallel_loop3A_501 = arith.constant 512 : i32
    %parallel_loop3A_502 = arith.constant 1 : i32
    scf.for %parallel_loop3A_1056 = %parallel_loop3A_500 to %parallel_loop3A_501 step %parallel_loop3A_502  : i32 {
      %parallel_loop3A_1057 = arith.constant 64 : i32
      %parallel_loop3A_1058 = arith.divsi %parallel_loop3A_1056, %parallel_loop3A_1057 : i32
      %parallel_loop3A_1059 = arith.constant 0 : i32
      %parallel_loop3A_1060 = arith.cmpi sgt, %parallel_loop3A_1056, %parallel_loop3A_1059 : i32
      %parallel_loop3A_1061 = arith.extui %parallel_loop3A_1060 : i1 to i32
      %parallel_loop3A_1062 = arith.constant 0 : i32
      %parallel_loop3A_1063 = arith.cmpi slt, %parallel_loop3A_1056, %parallel_loop3A_1062 : i32
      %parallel_loop3A_1064 = arith.extui %parallel_loop3A_1063 : i1 to i32
      %parallel_loop3A_1065 = arith.subi %parallel_loop3A_1061, %parallel_loop3A_1064 : i32
      %parallel_loop3A_1066 = arith.constant 0 : i32
      %parallel_loop3A_1067 = arith.cmpi sgt, %parallel_loop3A_1057, %parallel_loop3A_1066 : i32
      %parallel_loop3A_1068 = arith.extui %parallel_loop3A_1067 : i1 to i32
      %parallel_loop3A_1069 = arith.constant 0 : i32
      %parallel_loop3A_1070 = arith.cmpi slt, %parallel_loop3A_1057, %parallel_loop3A_1069 : i32
      %parallel_loop3A_1071 = arith.extui %parallel_loop3A_1070 : i1 to i32
      %parallel_loop3A_1072 = arith.subi %parallel_loop3A_1068, %parallel_loop3A_1071 : i32
      %parallel_loop3A_1073 = arith.cmpi ne, %parallel_loop3A_1065, %parallel_loop3A_1072 : i32
      %parallel_loop3A_1074 = arith.remsi %parallel_loop3A_1056, %parallel_loop3A_1057 : i32
      %parallel_loop3A_1075 = arith.constant 0 : i32
      %parallel_loop3A_1076 = arith.cmpi ne, %parallel_loop3A_1074, %parallel_loop3A_1075 : i32
      %parallel_loop3A_1077 = arith.andi %parallel_loop3A_1073, %parallel_loop3A_1076 : i1
      %parallel_loop3A_1078 = arith.constant 1 : i32
      %parallel_loop3A_1079 = arith.subi %parallel_loop3A_1058, %parallel_loop3A_1078 : i32
      %parallel_loop3A_1080 = arith.select %parallel_loop3A_1077, %parallel_loop3A_1079, %parallel_loop3A_1058 : i32
      %parallel_loop3A_1081 = arith.constant 64 : i32
      %parallel_loop3A_1082 = arith.constant 0 : i32
      %parallel_loop3A_1083 = arith.cmpi eq, %parallel_loop3A_1081, %parallel_loop3A_1082 : i32
      %parallel_loop3A_1084 = arith.constant 1 : i32
      %parallel_loop3A_1085 = arith.select %parallel_loop3A_1083, %parallel_loop3A_1084, %parallel_loop3A_1081 : i32
      %parallel_loop3A_1086 = arith.remsi %parallel_loop3A_1056, %parallel_loop3A_1085 : i32
      %parallel_loop3A_1087 = arith.constant 0 : i32
      %parallel_loop3A_1088 = arith.cmpi ne, %parallel_loop3A_1086, %parallel_loop3A_1087 : i32
      %parallel_loop3A_1089 = arith.constant 0 : i32
      %parallel_loop3A_1090 = arith.cmpi slt, %parallel_loop3A_1086, %parallel_loop3A_1089 : i32
      %parallel_loop3A_1091 = arith.constant 0 : i32
      %parallel_loop3A_1092 = arith.cmpi slt, %parallel_loop3A_1085, %parallel_loop3A_1091 : i32
      %parallel_loop3A_1093 = arith.xori %parallel_loop3A_1090, %parallel_loop3A_1092 : i1
      %parallel_loop3A_1094 = arith.andi %parallel_loop3A_1093, %parallel_loop3A_1088 : i1
      %parallel_loop3A_1095 = arith.addi %parallel_loop3A_1086, %parallel_loop3A_1085 : i32
      %parallel_loop3A_1096 = arith.select %parallel_loop3A_1094, %parallel_loop3A_1095, %parallel_loop3A_1086 : i32
      %parallel_loop3A_1097 = arith.constant 16 : i32
      %parallel_loop3A_1098 = arith.muli %parallel_loop3A_1096, %parallel_loop3A_1097 : i32
      %parallel_loop3A_1099 = arith.index_cast %parallel_loop3A_1080 : i32 to index
      %parallel_loop3A_1100 = arith.index_cast %parallel_loop3A_1098 : i32 to index
      %parallel_loop3A_1101 = tpu.vector_load %arg13[%parallel_loop3A_1099, %parallel_loop3A_1100] {strides = array<i32>} : memref<8x1024xf32, #tpu.memory_space<vmem>>, vector<1x16xf32>,
      %parallel_loop3A_1102 = vector.shape_cast %parallel_loop3A_1101 : vector<1x16xf32> to vector<16xf32>
      %parallel_loop3A_1103 = arith.index_cast %parallel_loop3A_1080 : i32 to index
      %parallel_loop3A_1104 = arith.index_cast %parallel_loop3A_1098 : i32 to index
      %parallel_loop3A_1105 = tpu.vector_load %arg9[%parallel_loop3A_1103, %parallel_loop3A_1104] {strides = array<i32>} : memref<8x1024xf32, #tpu.memory_space<vmem>>, vector<1x16xf32>,
      %parallel_loop3A_1106 = vector.shape_cast %parallel_loop3A_1105 : vector<1x16xf32> to vector<16xf32>
      %parallel_loop3A_1107 = vector.shape_cast %parallel_loop3A_1102 : vector<16xf32> to vector<1x16xf32>
      tpu.vector_store %arg9[%parallel_loop3A_1103, %parallel_loop3A_1104], %parallel_loop3A_1107 {add = true, strides = array<i32>} : memref<8x1024xf32, #tpu.memory_space<vmem>>, vector<1x16xf32>,
    } {sc.loop_unroll_factor = 8 : i64, sc.parallel_access}
    %add3A_503 = arith.constant 112 : i32
    %add3A_504 = arith.addi %mul3A_2, %add3A_503 : i32
    %dma_start3A_505 = arith.constant 0 : i32
    %dma_start3A_506 = tpu.memref_slice %arg5[%add3A_504, %dma_start3A_505] : memref<8192x1024xf32, #tpu.memory_space<hbm>> -> memref<8x1024xf32, #tpu.memory_space<hbm>>
    %dma_start3A_507 = arith.constant 0 : i32
    %dma_start3A_508 = tpu.memref_slice %arg5[%add3A_504, %dma_start3A_507] : memref<8192x1024xf32, #tpu.memory_space<hbm>> -> memref<8x1024xf32, #tpu.memory_space<hbm>>
    tpu.enqueue_dma source(%arg9 : memref<8x1024xf32, #tpu.memory_space<vmem>>) target(%dma_start3A_508 : memref<8x1024xf32, #tpu.memory_space<hbm>>) target_semaphore(%arg25 : memref<!tpu.dma_semaphore, #tpu.memory_space<semaphore_mem>>)
    %dma_wait3A_509 = arith.constant 0 : i32
    %dma_wait3A_510 = tpu.memref_slice %arg5[%add3A_471, %dma_wait3A_509] : memref<8192x1024xf32, #tpu.memory_space<hbm>> -> memref<8x1024xf32, #tpu.memory_space<hbm>>
    %dma_wait3A_511 = arith.constant 0 : i32
    %dma_wait3A_512 = tpu.memref_slice %arg5[%add3A_471, %dma_wait3A_511] : memref<8192x1024xf32, #tpu.memory_space<hbm>> -> memref<8x1024xf32, #tpu.memory_space<hbm>>
    tpu.wait_dma2 semaphore(%arg24 : memref<!tpu.dma_semaphore, #tpu.memory_space<semaphore_mem>>) src(%arg8 : memref<8x1024xf32, #tpu.memory_space<vmem>>) dst(%dma_wait3A_512 : memref<8x1024xf32, #tpu.memory_space<hbm>>)
    %add3A_513 = arith.constant 136 : i32
    %add3A_514 = arith.addi %mul3A_2, %add3A_513 : i32
    %dma_start3A_515 = arith.constant 0 : i32
    %dma_start3A_516 = tpu.memref_slice %arg2[%add3A_514, %dma_start3A_515] : memref<8192x1024xf32, #tpu.memory_space<hbm>> -> memref<8x1024xf32, #tpu.memory_space<hbm>>
    %dma_start3A_517 = arith.constant 0 : i32
    %dma_start3A_518 = tpu.memref_slice %arg2[%add3A_514, %dma_start3A_517] : memref<8192x1024xf32, #tpu.memory_space<hbm>> -> memref<8x1024xf32, #tpu.memory_space<hbm>>
    tpu.enqueue_dma source(%dma_start3A_518 : memref<8x1024xf32, #tpu.memory_space<hbm>>) target(%arg8 : memref<8x1024xf32, #tpu.memory_space<vmem>>) target_semaphore(%arg16 : memref<!tpu.dma_semaphore, #tpu.memory_space<semaphore_mem>>)
    %dma_start3A_519 = arith.constant 136 : i32
    %dma_start3A_520 = tpu.memref_slice %arg6[%dma_start3A_519] : memref<256xi32, #tpu.memory_space<vmem>> -> memref<8xi32, #tpu.memory_space<vmem>>
    %dma_start3A_521 = arith.constant 0 : i32
    %dma_start3A_522 = arith.constant 0 : i32
    %dma_start3A_523 = tpu.memref_slice %arg4[%dma_start3A_521, %dma_start3A_522] : memref<2048x1024xf32, #tpu.memory_space<hbm>> -> memref<2048x1024xf32, #tpu.memory_space<hbm>>
    tpu.enqueue_indirect_dma source(%dma_start3A_523 : memref<2048x1024xf32, #tpu.memory_space<hbm>>) target(%arg12 : memref<8x1024xf32, #tpu.memory_space<vmem>>) offsets(%dma_start3A_520 : memref<8xi32, #tpu.memory_space<vmem>>) semaphore(%arg20 : memref<!tpu.dma_semaphore, #tpu.memory_space<semaphore_mem>>)
    %dma_wait3A_524 = arith.constant 0 : i32
    %dma_wait3A_525 = tpu.memref_slice %arg2[%add3A_448, %dma_wait3A_524] : memref<8192x1024xf32, #tpu.memory_space<hbm>> -> memref<8x1024xf32, #tpu.memory_space<hbm>>
    %dma_wait3A_526 = arith.constant 0 : i32
    %dma_wait3A_527 = tpu.memref_slice %arg2[%add3A_448, %dma_wait3A_526] : memref<8192x1024xf32, #tpu.memory_space<hbm>> -> memref<8x1024xf32, #tpu.memory_space<hbm>>
    tpu.wait_dma2 semaphore(%arg18 : memref<!tpu.dma_semaphore, #tpu.memory_space<semaphore_mem>>) src(%dma_wait3A_527 : memref<8x1024xf32, #tpu.memory_space<hbm>>) dst(%arg10 : memref<8x1024xf32, #tpu.memory_space<vmem>>)
    %dma_wait3A_528 = arith.constant 120 : i32
    %dma_wait3A_529 = tpu.memref_slice %arg6[%dma_wait3A_528] : memref<256xi32, #tpu.memory_space<vmem>> -> memref<8xi32, #tpu.memory_space<vmem>>
    %dma_wait3A_530 = arith.constant 0 : i32
    %dma_wait3A_531 = arith.constant 0 : i32
    %dma_wait3A_532 = tpu.memref_slice %arg4[%dma_wait3A_530, %dma_wait3A_531] : memref<2048x1024xf32, #tpu.memory_space<hbm>> -> memref<2048x1024xf32, #tpu.memory_space<hbm>>
    tpu.wait_indirect_dma semaphore(%arg22 : memref<!tpu.dma_semaphore, #tpu.memory_space<semaphore_mem>>) src(%dma_wait3A_532 : memref<2048x1024xf32, #tpu.memory_space<hbm>>) dst(%arg14 : memref<8x1024xf32, #tpu.memory_space<vmem>>)
    %parallel_loop3A_533 = arith.constant 0 : i32
    %parallel_loop3A_534 = arith.constant 512 : i32
    %parallel_loop3A_535 = arith.constant 1 : i32
    scf.for %parallel_loop3A_1056 = %parallel_loop3A_533 to %parallel_loop3A_534 step %parallel_loop3A_535  : i32 {
      %parallel_loop3A_1057 = arith.constant 64 : i32
      %parallel_loop3A_1058 = arith.divsi %parallel_loop3A_1056, %parallel_loop3A_1057 : i32
      %parallel_loop3A_1059 = arith.constant 0 : i32
      %parallel_loop3A_1060 = arith.cmpi sgt, %parallel_loop3A_1056, %parallel_loop3A_1059 : i32
      %parallel_loop3A_1061 = arith.extui %parallel_loop3A_1060 : i1 to i32
      %parallel_loop3A_1062 = arith.constant 0 : i32
      %parallel_loop3A_1063 = arith.cmpi slt, %parallel_loop3A_1056, %parallel_loop3A_1062 : i32
      %parallel_loop3A_1064 = arith.extui %parallel_loop3A_1063 : i1 to i32
      %parallel_loop3A_1065 = arith.subi %parallel_loop3A_1061, %parallel_loop3A_1064 : i32
      %parallel_loop3A_1066 = arith.constant 0 : i32
      %parallel_loop3A_1067 = arith.cmpi sgt, %parallel_loop3A_1057, %parallel_loop3A_1066 : i32
      %parallel_loop3A_1068 = arith.extui %parallel_loop3A_1067 : i1 to i32
      %parallel_loop3A_1069 = arith.constant 0 : i32
      %parallel_loop3A_1070 = arith.cmpi slt, %parallel_loop3A_1057, %parallel_loop3A_1069 : i32
      %parallel_loop3A_1071 = arith.extui %parallel_loop3A_1070 : i1 to i32
      %parallel_loop3A_1072 = arith.subi %parallel_loop3A_1068, %parallel_loop3A_1071 : i32
      %parallel_loop3A_1073 = arith.cmpi ne, %parallel_loop3A_1065, %parallel_loop3A_1072 : i32
      %parallel_loop3A_1074 = arith.remsi %parallel_loop3A_1056, %parallel_loop3A_1057 : i32
      %parallel_loop3A_1075 = arith.constant 0 : i32
      %parallel_loop3A_1076 = arith.cmpi ne, %parallel_loop3A_1074, %parallel_loop3A_1075 : i32
      %parallel_loop3A_1077 = arith.andi %parallel_loop3A_1073, %parallel_loop3A_1076 : i1
      %parallel_loop3A_1078 = arith.constant 1 : i32
      %parallel_loop3A_1079 = arith.subi %parallel_loop3A_1058, %parallel_loop3A_1078 : i32
      %parallel_loop3A_1080 = arith.select %parallel_loop3A_1077, %parallel_loop3A_1079, %parallel_loop3A_1058 : i32
      %parallel_loop3A_1081 = arith.constant 64 : i32
      %parallel_loop3A_1082 = arith.constant 0 : i32
      %parallel_loop3A_1083 = arith.cmpi eq, %parallel_loop3A_1081, %parallel_loop3A_1082 : i32
      %parallel_loop3A_1084 = arith.constant 1 : i32
      %parallel_loop3A_1085 = arith.select %parallel_loop3A_1083, %parallel_loop3A_1084, %parallel_loop3A_1081 : i32
      %parallel_loop3A_1086 = arith.remsi %parallel_loop3A_1056, %parallel_loop3A_1085 : i32
      %parallel_loop3A_1087 = arith.constant 0 : i32
      %parallel_loop3A_1088 = arith.cmpi ne, %parallel_loop3A_1086, %parallel_loop3A_1087 : i32
      %parallel_loop3A_1089 = arith.constant 0 : i32
      %parallel_loop3A_1090 = arith.cmpi slt, %parallel_loop3A_1086, %parallel_loop3A_1089 : i32
      %parallel_loop3A_1091 = arith.constant 0 : i32
      %parallel_loop3A_1092 = arith.cmpi slt, %parallel_loop3A_1085, %parallel_loop3A_1091 : i32
      %parallel_loop3A_1093 = arith.xori %parallel_loop3A_1090, %parallel_loop3A_1092 : i1
      %parallel_loop3A_1094 = arith.andi %parallel_loop3A_1093, %parallel_loop3A_1088 : i1
      %parallel_loop3A_1095 = arith.addi %parallel_loop3A_1086, %parallel_loop3A_1085 : i32
      %parallel_loop3A_1096 = arith.select %parallel_loop3A_1094, %parallel_loop3A_1095, %parallel_loop3A_1086 : i32
      %parallel_loop3A_1097 = arith.constant 16 : i32
      %parallel_loop3A_1098 = arith.muli %parallel_loop3A_1096, %parallel_loop3A_1097 : i32
      %parallel_loop3A_1099 = arith.index_cast %parallel_loop3A_1080 : i32 to index
      %parallel_loop3A_1100 = arith.index_cast %parallel_loop3A_1098 : i32 to index
      %parallel_loop3A_1101 = tpu.vector_load %arg14[%parallel_loop3A_1099, %parallel_loop3A_1100] {strides = array<i32>} : memref<8x1024xf32, #tpu.memory_space<vmem>>, vector<1x16xf32>,
      %parallel_loop3A_1102 = vector.shape_cast %parallel_loop3A_1101 : vector<1x16xf32> to vector<16xf32>
      %parallel_loop3A_1103 = arith.index_cast %parallel_loop3A_1080 : i32 to index
      %parallel_loop3A_1104 = arith.index_cast %parallel_loop3A_1098 : i32 to index
      %parallel_loop3A_1105 = tpu.vector_load %arg10[%parallel_loop3A_1103, %parallel_loop3A_1104] {strides = array<i32>} : memref<8x1024xf32, #tpu.memory_space<vmem>>, vector<1x16xf32>,
      %parallel_loop3A_1106 = vector.shape_cast %parallel_loop3A_1105 : vector<1x16xf32> to vector<16xf32>
      %parallel_loop3A_1107 = vector.shape_cast %parallel_loop3A_1102 : vector<16xf32> to vector<1x16xf32>
      tpu.vector_store %arg10[%parallel_loop3A_1103, %parallel_loop3A_1104], %parallel_loop3A_1107 {add = true, strides = array<i32>} : memref<8x1024xf32, #tpu.memory_space<vmem>>, vector<1x16xf32>,
    } {sc.loop_unroll_factor = 8 : i64, sc.parallel_access}
    %add3A_536 = arith.constant 120 : i32
    %add3A_537 = arith.addi %mul3A_2, %add3A_536 : i32
    %dma_start3A_538 = arith.constant 0 : i32
    %dma_start3A_539 = tpu.memref_slice %arg5[%add3A_537, %dma_start3A_538] : memref<8192x1024xf32, #tpu.memory_space<hbm>> -> memref<8x1024xf32, #tpu.memory_space<hbm>>
    %dma_start3A_540 = arith.constant 0 : i32
    %dma_start3A_541 = tpu.memref_slice %arg5[%add3A_537, %dma_start3A_540] : memref<8192x1024xf32, #tpu.memory_space<hbm>> -> memref<8x1024xf32, #tpu.memory_space<hbm>>
    tpu.enqueue_dma source(%arg10 : memref<8x1024xf32, #tpu.memory_space<vmem>>) target(%dma_start3A_541 : memref<8x1024xf32, #tpu.memory_space<hbm>>) target_semaphore(%arg26 : memref<!tpu.dma_semaphore, #tpu.memory_space<semaphore_mem>>)
    %dma_wait3A_542 = arith.constant 0 : i32
    %dma_wait3A_543 = tpu.memref_slice %arg5[%add3A_504, %dma_wait3A_542] : memref<8192x1024xf32, #tpu.memory_space<hbm>> -> memref<8x1024xf32, #tpu.memory_space<hbm>>
    %dma_wait3A_544 = arith.constant 0 : i32
    %dma_wait3A_545 = tpu.memref_slice %arg5[%add3A_504, %dma_wait3A_544] : memref<8192x1024xf32, #tpu.memory_space<hbm>> -> memref<8x1024xf32, #tpu.memory_space<hbm>>
    tpu.wait_dma2 semaphore(%arg25 : memref<!tpu.dma_semaphore, #tpu.memory_space<semaphore_mem>>) src(%arg9 : memref<8x1024xf32, #tpu.memory_space<vmem>>) dst(%dma_wait3A_545 : memref<8x1024xf32, #tpu.memory_space<hbm>>)
    %add3A_546 = arith.constant 144 : i32
    %add3A_547 = arith.addi %mul3A_2, %add3A_546 : i32
    %dma_start3A_548 = arith.constant 0 : i32
    %dma_start3A_549 = tpu.memref_slice %arg2[%add3A_547, %dma_start3A_548] : memref<8192x1024xf32, #tpu.memory_space<hbm>> -> memref<8x1024xf32, #tpu.memory_space<hbm>>
    %dma_start3A_550 = arith.constant 0 : i32
    %dma_start3A_551 = tpu.memref_slice %arg2[%add3A_547, %dma_start3A_550] : memref<8192x1024xf32, #tpu.memory_space<hbm>> -> memref<8x1024xf32, #tpu.memory_space<hbm>>
    tpu.enqueue_dma source(%dma_start3A_551 : memref<8x1024xf32, #tpu.memory_space<hbm>>) target(%arg9 : memref<8x1024xf32, #tpu.memory_space<vmem>>) target_semaphore(%arg17 : memref<!tpu.dma_semaphore, #tpu.memory_space<semaphore_mem>>)
    %dma_start3A_552 = arith.constant 144 : i32
    %dma_start3A_553 = tpu.memref_slice %arg6[%dma_start3A_552] : memref<256xi32, #tpu.memory_space<vmem>> -> memref<8xi32, #tpu.memory_space<vmem>>
    %dma_start3A_554 = arith.constant 0 : i32
    %dma_start3A_555 = arith.constant 0 : i32
    %dma_start3A_556 = tpu.memref_slice %arg4[%dma_start3A_554, %dma_start3A_555] : memref<2048x1024xf32, #tpu.memory_space<hbm>> -> memref<2048x1024xf32, #tpu.memory_space<hbm>>
    tpu.enqueue_indirect_dma source(%dma_start3A_556 : memref<2048x1024xf32, #tpu.memory_space<hbm>>) target(%arg13 : memref<8x1024xf32, #tpu.memory_space<vmem>>) offsets(%dma_start3A_553 : memref<8xi32, #tpu.memory_space<vmem>>) semaphore(%arg21 : memref<!tpu.dma_semaphore, #tpu.memory_space<semaphore_mem>>)
    %dma_wait3A_557 = arith.constant 0 : i32
    %dma_wait3A_558 = tpu.memref_slice %arg2[%add3A_481, %dma_wait3A_557] : memref<8192x1024xf32, #tpu.memory_space<hbm>> -> memref<8x1024xf32, #tpu.memory_space<hbm>>
    %dma_wait3A_559 = arith.constant 0 : i32
    %dma_wait3A_560 = tpu.memref_slice %arg2[%add3A_481, %dma_wait3A_559] : memref<8192x1024xf32, #tpu.memory_space<hbm>> -> memref<8x1024xf32, #tpu.memory_space<hbm>>
    tpu.wait_dma2 semaphore(%arg15 : memref<!tpu.dma_semaphore, #tpu.memory_space<semaphore_mem>>) src(%dma_wait3A_560 : memref<8x1024xf32, #tpu.memory_space<hbm>>) dst(%arg7 : memref<8x1024xf32, #tpu.memory_space<vmem>>)
    %dma_wait3A_561 = arith.constant 128 : i32
    %dma_wait3A_562 = tpu.memref_slice %arg6[%dma_wait3A_561] : memref<256xi32, #tpu.memory_space<vmem>> -> memref<8xi32, #tpu.memory_space<vmem>>
    %dma_wait3A_563 = arith.constant 0 : i32
    %dma_wait3A_564 = arith.constant 0 : i32
    %dma_wait3A_565 = tpu.memref_slice %arg4[%dma_wait3A_563, %dma_wait3A_564] : memref<2048x1024xf32, #tpu.memory_space<hbm>> -> memref<2048x1024xf32, #tpu.memory_space<hbm>>
    tpu.wait_indirect_dma semaphore(%arg19 : memref<!tpu.dma_semaphore, #tpu.memory_space<semaphore_mem>>) src(%dma_wait3A_565 : memref<2048x1024xf32, #tpu.memory_space<hbm>>) dst(%arg11 : memref<8x1024xf32, #tpu.memory_space<vmem>>)
    %parallel_loop3A_566 = arith.constant 0 : i32
    %parallel_loop3A_567 = arith.constant 512 : i32
    %parallel_loop3A_568 = arith.constant 1 : i32
    scf.for %parallel_loop3A_1056 = %parallel_loop3A_566 to %parallel_loop3A_567 step %parallel_loop3A_568  : i32 {
      %parallel_loop3A_1057 = arith.constant 64 : i32
      %parallel_loop3A_1058 = arith.divsi %parallel_loop3A_1056, %parallel_loop3A_1057 : i32
      %parallel_loop3A_1059 = arith.constant 0 : i32
      %parallel_loop3A_1060 = arith.cmpi sgt, %parallel_loop3A_1056, %parallel_loop3A_1059 : i32
      %parallel_loop3A_1061 = arith.extui %parallel_loop3A_1060 : i1 to i32
      %parallel_loop3A_1062 = arith.constant 0 : i32
      %parallel_loop3A_1063 = arith.cmpi slt, %parallel_loop3A_1056, %parallel_loop3A_1062 : i32
      %parallel_loop3A_1064 = arith.extui %parallel_loop3A_1063 : i1 to i32
      %parallel_loop3A_1065 = arith.subi %parallel_loop3A_1061, %parallel_loop3A_1064 : i32
      %parallel_loop3A_1066 = arith.constant 0 : i32
      %parallel_loop3A_1067 = arith.cmpi sgt, %parallel_loop3A_1057, %parallel_loop3A_1066 : i32
      %parallel_loop3A_1068 = arith.extui %parallel_loop3A_1067 : i1 to i32
      %parallel_loop3A_1069 = arith.constant 0 : i32
      %parallel_loop3A_1070 = arith.cmpi slt, %parallel_loop3A_1057, %parallel_loop3A_1069 : i32
      %parallel_loop3A_1071 = arith.extui %parallel_loop3A_1070 : i1 to i32
      %parallel_loop3A_1072 = arith.subi %parallel_loop3A_1068, %parallel_loop3A_1071 : i32
      %parallel_loop3A_1073 = arith.cmpi ne, %parallel_loop3A_1065, %parallel_loop3A_1072 : i32
      %parallel_loop3A_1074 = arith.remsi %parallel_loop3A_1056, %parallel_loop3A_1057 : i32
      %parallel_loop3A_1075 = arith.constant 0 : i32
      %parallel_loop3A_1076 = arith.cmpi ne, %parallel_loop3A_1074, %parallel_loop3A_1075 : i32
      %parallel_loop3A_1077 = arith.andi %parallel_loop3A_1073, %parallel_loop3A_1076 : i1
      %parallel_loop3A_1078 = arith.constant 1 : i32
      %parallel_loop3A_1079 = arith.subi %parallel_loop3A_1058, %parallel_loop3A_1078 : i32
      %parallel_loop3A_1080 = arith.select %parallel_loop3A_1077, %parallel_loop3A_1079, %parallel_loop3A_1058 : i32
      %parallel_loop3A_1081 = arith.constant 64 : i32
      %parallel_loop3A_1082 = arith.constant 0 : i32
      %parallel_loop3A_1083 = arith.cmpi eq, %parallel_loop3A_1081, %parallel_loop3A_1082 : i32
      %parallel_loop3A_1084 = arith.constant 1 : i32
      %parallel_loop3A_1085 = arith.select %parallel_loop3A_1083, %parallel_loop3A_1084, %parallel_loop3A_1081 : i32
      %parallel_loop3A_1086 = arith.remsi %parallel_loop3A_1056, %parallel_loop3A_1085 : i32
      %parallel_loop3A_1087 = arith.constant 0 : i32
      %parallel_loop3A_1088 = arith.cmpi ne, %parallel_loop3A_1086, %parallel_loop3A_1087 : i32
      %parallel_loop3A_1089 = arith.constant 0 : i32
      %parallel_loop3A_1090 = arith.cmpi slt, %parallel_loop3A_1086, %parallel_loop3A_1089 : i32
      %parallel_loop3A_1091 = arith.constant 0 : i32
      %parallel_loop3A_1092 = arith.cmpi slt, %parallel_loop3A_1085, %parallel_loop3A_1091 : i32
      %parallel_loop3A_1093 = arith.xori %parallel_loop3A_1090, %parallel_loop3A_1092 : i1
      %parallel_loop3A_1094 = arith.andi %parallel_loop3A_1093, %parallel_loop3A_1088 : i1
      %parallel_loop3A_1095 = arith.addi %parallel_loop3A_1086, %parallel_loop3A_1085 : i32
      %parallel_loop3A_1096 = arith.select %parallel_loop3A_1094, %parallel_loop3A_1095, %parallel_loop3A_1086 : i32
      %parallel_loop3A_1097 = arith.constant 16 : i32
      %parallel_loop3A_1098 = arith.muli %parallel_loop3A_1096, %parallel_loop3A_1097 : i32
      %parallel_loop3A_1099 = arith.index_cast %parallel_loop3A_1080 : i32 to index
      %parallel_loop3A_1100 = arith.index_cast %parallel_loop3A_1098 : i32 to index
      %parallel_loop3A_1101 = tpu.vector_load %arg11[%parallel_loop3A_1099, %parallel_loop3A_1100] {strides = array<i32>} : memref<8x1024xf32, #tpu.memory_space<vmem>>, vector<1x16xf32>,
      %parallel_loop3A_1102 = vector.shape_cast %parallel_loop3A_1101 : vector<1x16xf32> to vector<16xf32>
      %parallel_loop3A_1103 = arith.index_cast %parallel_loop3A_1080 : i32 to index
      %parallel_loop3A_1104 = arith.index_cast %parallel_loop3A_1098 : i32 to index
      %parallel_loop3A_1105 = tpu.vector_load %arg7[%parallel_loop3A_1103, %parallel_loop3A_1104] {strides = array<i32>} : memref<8x1024xf32, #tpu.memory_space<vmem>>, vector<1x16xf32>,
      %parallel_loop3A_1106 = vector.shape_cast %parallel_loop3A_1105 : vector<1x16xf32> to vector<16xf32>
      %parallel_loop3A_1107 = vector.shape_cast %parallel_loop3A_1102 : vector<16xf32> to vector<1x16xf32>
      tpu.vector_store %arg7[%parallel_loop3A_1103, %parallel_loop3A_1104], %parallel_loop3A_1107 {add = true, strides = array<i32>} : memref<8x1024xf32, #tpu.memory_space<vmem>>, vector<1x16xf32>,
    } {sc.loop_unroll_factor = 8 : i64, sc.parallel_access}
    %add3A_569 = arith.constant 128 : i32
    %add3A_570 = arith.addi %mul3A_2, %add3A_569 : i32
    %dma_start3A_571 = arith.constant 0 : i32
    %dma_start3A_572 = tpu.memref_slice %arg5[%add3A_570, %dma_start3A_571] : memref<8192x1024xf32, #tpu.memory_space<hbm>> -> memref<8x1024xf32, #tpu.memory_space<hbm>>
    %dma_start3A_573 = arith.constant 0 : i32
    %dma_start3A_574 = tpu.memref_slice %arg5[%add3A_570, %dma_start3A_573] : memref<8192x1024xf32, #tpu.memory_space<hbm>> -> memref<8x1024xf32, #tpu.memory_space<hbm>>
    tpu.enqueue_dma source(%arg7 : memref<8x1024xf32, #tpu.memory_space<vmem>>) target(%dma_start3A_574 : memref<8x1024xf32, #tpu.memory_space<hbm>>) target_semaphore(%arg23 : memref<!tpu.dma_semaphore, #tpu.memory_space<semaphore_mem>>)
    %dma_wait3A_575 = arith.constant 0 : i32
    %dma_wait3A_576 = tpu.memref_slice %arg5[%add3A_537, %dma_wait3A_575] : memref<8192x1024xf32, #tpu.memory_space<hbm>> -> memref<8x1024xf32, #tpu.memory_space<hbm>>
    %dma_wait3A_577 = arith.constant 0 : i32
    %dma_wait3A_578 = tpu.memref_slice %arg5[%add3A_537, %dma_wait3A_577] : memref<8192x1024xf32, #tpu.memory_space<hbm>> -> memref<8x1024xf32, #tpu.memory_space<hbm>>
    tpu.wait_dma2 semaphore(%arg26 : memref<!tpu.dma_semaphore, #tpu.memory_space<semaphore_mem>>) src(%arg10 : memref<8x1024xf32, #tpu.memory_space<vmem>>) dst(%dma_wait3A_578 : memref<8x1024xf32, #tpu.memory_space<hbm>>)
    %add3A_579 = arith.constant 152 : i32
    %add3A_580 = arith.addi %mul3A_2, %add3A_579 : i32
    %dma_start3A_581 = arith.constant 0 : i32
    %dma_start3A_582 = tpu.memref_slice %arg2[%add3A_580, %dma_start3A_581] : memref<8192x1024xf32, #tpu.memory_space<hbm>> -> memref<8x1024xf32, #tpu.memory_space<hbm>>
    %dma_start3A_583 = arith.constant 0 : i32
    %dma_start3A_584 = tpu.memref_slice %arg2[%add3A_580, %dma_start3A_583] : memref<8192x1024xf32, #tpu.memory_space<hbm>> -> memref<8x1024xf32, #tpu.memory_space<hbm>>
    tpu.enqueue_dma source(%dma_start3A_584 : memref<8x1024xf32, #tpu.memory_space<hbm>>) target(%arg10 : memref<8x1024xf32, #tpu.memory_space<vmem>>) target_semaphore(%arg18 : memref<!tpu.dma_semaphore, #tpu.memory_space<semaphore_mem>>)
    %dma_start3A_585 = arith.constant 152 : i32
    %dma_start3A_586 = tpu.memref_slice %arg6[%dma_start3A_585] : memref<256xi32, #tpu.memory_space<vmem>> -> memref<8xi32, #tpu.memory_space<vmem>>
    %dma_start3A_587 = arith.constant 0 : i32
    %dma_start3A_588 = arith.constant 0 : i32
    %dma_start3A_589 = tpu.memref_slice %arg4[%dma_start3A_587, %dma_start3A_588] : memref<2048x1024xf32, #tpu.memory_space<hbm>> -> memref<2048x1024xf32, #tpu.memory_space<hbm>>
    tpu.enqueue_indirect_dma source(%dma_start3A_589 : memref<2048x1024xf32, #tpu.memory_space<hbm>>) target(%arg14 : memref<8x1024xf32, #tpu.memory_space<vmem>>) offsets(%dma_start3A_586 : memref<8xi32, #tpu.memory_space<vmem>>) semaphore(%arg22 : memref<!tpu.dma_semaphore, #tpu.memory_space<semaphore_mem>>)
    %dma_wait3A_590 = arith.constant 0 : i32
    %dma_wait3A_591 = tpu.memref_slice %arg2[%add3A_514, %dma_wait3A_590] : memref<8192x1024xf32, #tpu.memory_space<hbm>> -> memref<8x1024xf32, #tpu.memory_space<hbm>>
    %dma_wait3A_592 = arith.constant 0 : i32
    %dma_wait3A_593 = tpu.memref_slice %arg2[%add3A_514, %dma_wait3A_592] : memref<8192x1024xf32, #tpu.memory_space<hbm>> -> memref<8x1024xf32, #tpu.memory_space<hbm>>
    tpu.wait_dma2 semaphore(%arg16 : memref<!tpu.dma_semaphore, #tpu.memory_space<semaphore_mem>>) src(%dma_wait3A_593 : memref<8x1024xf32, #tpu.memory_space<hbm>>) dst(%arg8 : memref<8x1024xf32, #tpu.memory_space<vmem>>)
    %dma_wait3A_594 = arith.constant 136 : i32
    %dma_wait3A_595 = tpu.memref_slice %arg6[%dma_wait3A_594] : memref<256xi32, #tpu.memory_space<vmem>> -> memref<8xi32, #tpu.memory_space<vmem>>
    %dma_wait3A_596 = arith.constant 0 : i32
    %dma_wait3A_597 = arith.constant 0 : i32
    %dma_wait3A_598 = tpu.memref_slice %arg4[%dma_wait3A_596, %dma_wait3A_597] : memref<2048x1024xf32, #tpu.memory_space<hbm>> -> memref<2048x1024xf32, #tpu.memory_space<hbm>>
    tpu.wait_indirect_dma semaphore(%arg20 : memref<!tpu.dma_semaphore, #tpu.memory_space<semaphore_mem>>) src(%dma_wait3A_598 : memref<2048x1024xf32, #tpu.memory_space<hbm>>) dst(%arg12 : memref<8x1024xf32, #tpu.memory_space<vmem>>)
    %parallel_loop3A_599 = arith.constant 0 : i32
    %parallel_loop3A_600 = arith.constant 512 : i32
    %parallel_loop3A_601 = arith.constant 1 : i32
    scf.for %parallel_loop3A_1056 = %parallel_loop3A_599 to %parallel_loop3A_600 step %parallel_loop3A_601  : i32 {
      %parallel_loop3A_1057 = arith.constant 64 : i32
      %parallel_loop3A_1058 = arith.divsi %parallel_loop3A_1056, %parallel_loop3A_1057 : i32
      %parallel_loop3A_1059 = arith.constant 0 : i32
      %parallel_loop3A_1060 = arith.cmpi sgt, %parallel_loop3A_1056, %parallel_loop3A_1059 : i32
      %parallel_loop3A_1061 = arith.extui %parallel_loop3A_1060 : i1 to i32
      %parallel_loop3A_1062 = arith.constant 0 : i32
      %parallel_loop3A_1063 = arith.cmpi slt, %parallel_loop3A_1056, %parallel_loop3A_1062 : i32
      %parallel_loop3A_1064 = arith.extui %parallel_loop3A_1063 : i1 to i32
      %parallel_loop3A_1065 = arith.subi %parallel_loop3A_1061, %parallel_loop3A_1064 : i32
      %parallel_loop3A_1066 = arith.constant 0 : i32
      %parallel_loop3A_1067 = arith.cmpi sgt, %parallel_loop3A_1057, %parallel_loop3A_1066 : i32
      %parallel_loop3A_1068 = arith.extui %parallel_loop3A_1067 : i1 to i32
      %parallel_loop3A_1069 = arith.constant 0 : i32
      %parallel_loop3A_1070 = arith.cmpi slt, %parallel_loop3A_1057, %parallel_loop3A_1069 : i32
      %parallel_loop3A_1071 = arith.extui %parallel_loop3A_1070 : i1 to i32
      %parallel_loop3A_1072 = arith.subi %parallel_loop3A_1068, %parallel_loop3A_1071 : i32
      %parallel_loop3A_1073 = arith.cmpi ne, %parallel_loop3A_1065, %parallel_loop3A_1072 : i32
      %parallel_loop3A_1074 = arith.remsi %parallel_loop3A_1056, %parallel_loop3A_1057 : i32
      %parallel_loop3A_1075 = arith.constant 0 : i32
      %parallel_loop3A_1076 = arith.cmpi ne, %parallel_loop3A_1074, %parallel_loop3A_1075 : i32
      %parallel_loop3A_1077 = arith.andi %parallel_loop3A_1073, %parallel_loop3A_1076 : i1
      %parallel_loop3A_1078 = arith.constant 1 : i32
      %parallel_loop3A_1079 = arith.subi %parallel_loop3A_1058, %parallel_loop3A_1078 : i32
      %parallel_loop3A_1080 = arith.select %parallel_loop3A_1077, %parallel_loop3A_1079, %parallel_loop3A_1058 : i32
      %parallel_loop3A_1081 = arith.constant 64 : i32
      %parallel_loop3A_1082 = arith.constant 0 : i32
      %parallel_loop3A_1083 = arith.cmpi eq, %parallel_loop3A_1081, %parallel_loop3A_1082 : i32
      %parallel_loop3A_1084 = arith.constant 1 : i32
      %parallel_loop3A_1085 = arith.select %parallel_loop3A_1083, %parallel_loop3A_1084, %parallel_loop3A_1081 : i32
      %parallel_loop3A_1086 = arith.remsi %parallel_loop3A_1056, %parallel_loop3A_1085 : i32
      %parallel_loop3A_1087 = arith.constant 0 : i32
      %parallel_loop3A_1088 = arith.cmpi ne, %parallel_loop3A_1086, %parallel_loop3A_1087 : i32
      %parallel_loop3A_1089 = arith.constant 0 : i32
      %parallel_loop3A_1090 = arith.cmpi slt, %parallel_loop3A_1086, %parallel_loop3A_1089 : i32
      %parallel_loop3A_1091 = arith.constant 0 : i32
      %parallel_loop3A_1092 = arith.cmpi slt, %parallel_loop3A_1085, %parallel_loop3A_1091 : i32
      %parallel_loop3A_1093 = arith.xori %parallel_loop3A_1090, %parallel_loop3A_1092 : i1
      %parallel_loop3A_1094 = arith.andi %parallel_loop3A_1093, %parallel_loop3A_1088 : i1
      %parallel_loop3A_1095 = arith.addi %parallel_loop3A_1086, %parallel_loop3A_1085 : i32
      %parallel_loop3A_1096 = arith.select %parallel_loop3A_1094, %parallel_loop3A_1095, %parallel_loop3A_1086 : i32
      %parallel_loop3A_1097 = arith.constant 16 : i32
      %parallel_loop3A_1098 = arith.muli %parallel_loop3A_1096, %parallel_loop3A_1097 : i32
      %parallel_loop3A_1099 = arith.index_cast %parallel_loop3A_1080 : i32 to index
      %parallel_loop3A_1100 = arith.index_cast %parallel_loop3A_1098 : i32 to index
      %parallel_loop3A_1101 = tpu.vector_load %arg12[%parallel_loop3A_1099, %parallel_loop3A_1100] {strides = array<i32>} : memref<8x1024xf32, #tpu.memory_space<vmem>>, vector<1x16xf32>,
      %parallel_loop3A_1102 = vector.shape_cast %parallel_loop3A_1101 : vector<1x16xf32> to vector<16xf32>
      %parallel_loop3A_1103 = arith.index_cast %parallel_loop3A_1080 : i32 to index
      %parallel_loop3A_1104 = arith.index_cast %parallel_loop3A_1098 : i32 to index
      %parallel_loop3A_1105 = tpu.vector_load %arg8[%parallel_loop3A_1103, %parallel_loop3A_1104] {strides = array<i32>} : memref<8x1024xf32, #tpu.memory_space<vmem>>, vector<1x16xf32>,
      %parallel_loop3A_1106 = vector.shape_cast %parallel_loop3A_1105 : vector<1x16xf32> to vector<16xf32>
      %parallel_loop3A_1107 = vector.shape_cast %parallel_loop3A_1102 : vector<16xf32> to vector<1x16xf32>
      tpu.vector_store %arg8[%parallel_loop3A_1103, %parallel_loop3A_1104], %parallel_loop3A_1107 {add = true, strides = array<i32>} : memref<8x1024xf32, #tpu.memory_space<vmem>>, vector<1x16xf32>,
    } {sc.loop_unroll_factor = 8 : i64, sc.parallel_access}
    %add3A_602 = arith.constant 136 : i32
    %add3A_603 = arith.addi %mul3A_2, %add3A_602 : i32
    %dma_start3A_604 = arith.constant 0 : i32
    %dma_start3A_605 = tpu.memref_slice %arg5[%add3A_603, %dma_start3A_604] : memref<8192x1024xf32, #tpu.memory_space<hbm>> -> memref<8x1024xf32, #tpu.memory_space<hbm>>
    %dma_start3A_606 = arith.constant 0 : i32
    %dma_start3A_607 = tpu.memref_slice %arg5[%add3A_603, %dma_start3A_606] : memref<8192x1024xf32, #tpu.memory_space<hbm>> -> memref<8x1024xf32, #tpu.memory_space<hbm>>
    tpu.enqueue_dma source(%arg8 : memref<8x1024xf32, #tpu.memory_space<vmem>>) target(%dma_start3A_607 : memref<8x1024xf32, #tpu.memory_space<hbm>>) target_semaphore(%arg24 : memref<!tpu.dma_semaphore, #tpu.memory_space<semaphore_mem>>)
    %dma_wait3A_608 = arith.constant 0 : i32
    %dma_wait3A_609 = tpu.memref_slice %arg5[%add3A_570, %dma_wait3A_608] : memref<8192x1024xf32, #tpu.memory_space<hbm>> -> memref<8x1024xf32, #tpu.memory_space<hbm>>
    %dma_wait3A_610 = arith.constant 0 : i32
    %dma_wait3A_611 = tpu.memref_slice %arg5[%add3A_570, %dma_wait3A_610] : memref<8192x1024xf32, #tpu.memory_space<hbm>> -> memref<8x1024xf32, #tpu.memory_space<hbm>>
    tpu.wait_dma2 semaphore(%arg23 : memref<!tpu.dma_semaphore, #tpu.memory_space<semaphore_mem>>) src(%arg7 : memref<8x1024xf32, #tpu.memory_space<vmem>>) dst(%dma_wait3A_611 : memref<8x1024xf32, #tpu.memory_space<hbm>>)
    %add3A_612 = arith.constant 160 : i32
    %add3A_613 = arith.addi %mul3A_2, %add3A_612 : i32
    %dma_start3A_614 = arith.constant 0 : i32
    %dma_start3A_615 = tpu.memref_slice %arg2[%add3A_613, %dma_start3A_614] : memref<8192x1024xf32, #tpu.memory_space<hbm>> -> memref<8x1024xf32, #tpu.memory_space<hbm>>
    %dma_start3A_616 = arith.constant 0 : i32
    %dma_start3A_617 = tpu.memref_slice %arg2[%add3A_613, %dma_start3A_616] : memref<8192x1024xf32, #tpu.memory_space<hbm>> -> memref<8x1024xf32, #tpu.memory_space<hbm>>
    tpu.enqueue_dma source(%dma_start3A_617 : memref<8x1024xf32, #tpu.memory_space<hbm>>) target(%arg7 : memref<8x1024xf32, #tpu.memory_space<vmem>>) target_semaphore(%arg15 : memref<!tpu.dma_semaphore, #tpu.memory_space<semaphore_mem>>)
    %dma_start3A_618 = arith.constant 160 : i32
    %dma_start3A_619 = tpu.memref_slice %arg6[%dma_start3A_618] : memref<256xi32, #tpu.memory_space<vmem>> -> memref<8xi32, #tpu.memory_space<vmem>>
    %dma_start3A_620 = arith.constant 0 : i32
    %dma_start3A_621 = arith.constant 0 : i32
    %dma_start3A_622 = tpu.memref_slice %arg4[%dma_start3A_620, %dma_start3A_621] : memref<2048x1024xf32, #tpu.memory_space<hbm>> -> memref<2048x1024xf32, #tpu.memory_space<hbm>>
    tpu.enqueue_indirect_dma source(%dma_start3A_622 : memref<2048x1024xf32, #tpu.memory_space<hbm>>) target(%arg11 : memref<8x1024xf32, #tpu.memory_space<vmem>>) offsets(%dma_start3A_619 : memref<8xi32, #tpu.memory_space<vmem>>) semaphore(%arg19 : memref<!tpu.dma_semaphore, #tpu.memory_space<semaphore_mem>>)
    %dma_wait3A_623 = arith.constant 0 : i32
    %dma_wait3A_624 = tpu.memref_slice %arg2[%add3A_547, %dma_wait3A_623] : memref<8192x1024xf32, #tpu.memory_space<hbm>> -> memref<8x1024xf32, #tpu.memory_space<hbm>>
    %dma_wait3A_625 = arith.constant 0 : i32
    %dma_wait3A_626 = tpu.memref_slice %arg2[%add3A_547, %dma_wait3A_625] : memref<8192x1024xf32, #tpu.memory_space<hbm>> -> memref<8x1024xf32, #tpu.memory_space<hbm>>
    tpu.wait_dma2 semaphore(%arg17 : memref<!tpu.dma_semaphore, #tpu.memory_space<semaphore_mem>>) src(%dma_wait3A_626 : memref<8x1024xf32, #tpu.memory_space<hbm>>) dst(%arg9 : memref<8x1024xf32, #tpu.memory_space<vmem>>)
    %dma_wait3A_627 = arith.constant 144 : i32
    %dma_wait3A_628 = tpu.memref_slice %arg6[%dma_wait3A_627] : memref<256xi32, #tpu.memory_space<vmem>> -> memref<8xi32, #tpu.memory_space<vmem>>
    %dma_wait3A_629 = arith.constant 0 : i32
    %dma_wait3A_630 = arith.constant 0 : i32
    %dma_wait3A_631 = tpu.memref_slice %arg4[%dma_wait3A_629, %dma_wait3A_630] : memref<2048x1024xf32, #tpu.memory_space<hbm>> -> memref<2048x1024xf32, #tpu.memory_space<hbm>>
    tpu.wait_indirect_dma semaphore(%arg21 : memref<!tpu.dma_semaphore, #tpu.memory_space<semaphore_mem>>) src(%dma_wait3A_631 : memref<2048x1024xf32, #tpu.memory_space<hbm>>) dst(%arg13 : memref<8x1024xf32, #tpu.memory_space<vmem>>)
    %parallel_loop3A_632 = arith.constant 0 : i32
    %parallel_loop3A_633 = arith.constant 512 : i32
    %parallel_loop3A_634 = arith.constant 1 : i32
    scf.for %parallel_loop3A_1056 = %parallel_loop3A_632 to %parallel_loop3A_633 step %parallel_loop3A_634  : i32 {
      %parallel_loop3A_1057 = arith.constant 64 : i32
      %parallel_loop3A_1058 = arith.divsi %parallel_loop3A_1056, %parallel_loop3A_1057 : i32
      %parallel_loop3A_1059 = arith.constant 0 : i32
      %parallel_loop3A_1060 = arith.cmpi sgt, %parallel_loop3A_1056, %parallel_loop3A_1059 : i32
      %parallel_loop3A_1061 = arith.extui %parallel_loop3A_1060 : i1 to i32
      %parallel_loop3A_1062 = arith.constant 0 : i32
      %parallel_loop3A_1063 = arith.cmpi slt, %parallel_loop3A_1056, %parallel_loop3A_1062 : i32
      %parallel_loop3A_1064 = arith.extui %parallel_loop3A_1063 : i1 to i32
      %parallel_loop3A_1065 = arith.subi %parallel_loop3A_1061, %parallel_loop3A_1064 : i32
      %parallel_loop3A_1066 = arith.constant 0 : i32
      %parallel_loop3A_1067 = arith.cmpi sgt, %parallel_loop3A_1057, %parallel_loop3A_1066 : i32
      %parallel_loop3A_1068 = arith.extui %parallel_loop3A_1067 : i1 to i32
      %parallel_loop3A_1069 = arith.constant 0 : i32
      %parallel_loop3A_1070 = arith.cmpi slt, %parallel_loop3A_1057, %parallel_loop3A_1069 : i32
      %parallel_loop3A_1071 = arith.extui %parallel_loop3A_1070 : i1 to i32
      %parallel_loop3A_1072 = arith.subi %parallel_loop3A_1068, %parallel_loop3A_1071 : i32
      %parallel_loop3A_1073 = arith.cmpi ne, %parallel_loop3A_1065, %parallel_loop3A_1072 : i32
      %parallel_loop3A_1074 = arith.remsi %parallel_loop3A_1056, %parallel_loop3A_1057 : i32
      %parallel_loop3A_1075 = arith.constant 0 : i32
      %parallel_loop3A_1076 = arith.cmpi ne, %parallel_loop3A_1074, %parallel_loop3A_1075 : i32
      %parallel_loop3A_1077 = arith.andi %parallel_loop3A_1073, %parallel_loop3A_1076 : i1
      %parallel_loop3A_1078 = arith.constant 1 : i32
      %parallel_loop3A_1079 = arith.subi %parallel_loop3A_1058, %parallel_loop3A_1078 : i32
      %parallel_loop3A_1080 = arith.select %parallel_loop3A_1077, %parallel_loop3A_1079, %parallel_loop3A_1058 : i32
      %parallel_loop3A_1081 = arith.constant 64 : i32
      %parallel_loop3A_1082 = arith.constant 0 : i32
      %parallel_loop3A_1083 = arith.cmpi eq, %parallel_loop3A_1081, %parallel_loop3A_1082 : i32
      %parallel_loop3A_1084 = arith.constant 1 : i32
      %parallel_loop3A_1085 = arith.select %parallel_loop3A_1083, %parallel_loop3A_1084, %parallel_loop3A_1081 : i32
      %parallel_loop3A_1086 = arith.remsi %parallel_loop3A_1056, %parallel_loop3A_1085 : i32
      %parallel_loop3A_1087 = arith.constant 0 : i32
      %parallel_loop3A_1088 = arith.cmpi ne, %parallel_loop3A_1086, %parallel_loop3A_1087 : i32
      %parallel_loop3A_1089 = arith.constant 0 : i32
      %parallel_loop3A_1090 = arith.cmpi slt, %parallel_loop3A_1086, %parallel_loop3A_1089 : i32
      %parallel_loop3A_1091 = arith.constant 0 : i32
      %parallel_loop3A_1092 = arith.cmpi slt, %parallel_loop3A_1085, %parallel_loop3A_1091 : i32
      %parallel_loop3A_1093 = arith.xori %parallel_loop3A_1090, %parallel_loop3A_1092 : i1
      %parallel_loop3A_1094 = arith.andi %parallel_loop3A_1093, %parallel_loop3A_1088 : i1
      %parallel_loop3A_1095 = arith.addi %parallel_loop3A_1086, %parallel_loop3A_1085 : i32
      %parallel_loop3A_1096 = arith.select %parallel_loop3A_1094, %parallel_loop3A_1095, %parallel_loop3A_1086 : i32
      %parallel_loop3A_1097 = arith.constant 16 : i32
      %parallel_loop3A_1098 = arith.muli %parallel_loop3A_1096, %parallel_loop3A_1097 : i32
      %parallel_loop3A_1099 = arith.index_cast %parallel_loop3A_1080 : i32 to index
      %parallel_loop3A_1100 = arith.index_cast %parallel_loop3A_1098 : i32 to index
      %parallel_loop3A_1101 = tpu.vector_load %arg13[%parallel_loop3A_1099, %parallel_loop3A_1100] {strides = array<i32>} : memref<8x1024xf32, #tpu.memory_space<vmem>>, vector<1x16xf32>,
      %parallel_loop3A_1102 = vector.shape_cast %parallel_loop3A_1101 : vector<1x16xf32> to vector<16xf32>
      %parallel_loop3A_1103 = arith.index_cast %parallel_loop3A_1080 : i32 to index
      %parallel_loop3A_1104 = arith.index_cast %parallel_loop3A_1098 : i32 to index
      %parallel_loop3A_1105 = tpu.vector_load %arg9[%parallel_loop3A_1103, %parallel_loop3A_1104] {strides = array<i32>} : memref<8x1024xf32, #tpu.memory_space<vmem>>, vector<1x16xf32>,
      %parallel_loop3A_1106 = vector.shape_cast %parallel_loop3A_1105 : vector<1x16xf32> to vector<16xf32>
      %parallel_loop3A_1107 = vector.shape_cast %parallel_loop3A_1102 : vector<16xf32> to vector<1x16xf32>
      tpu.vector_store %arg9[%parallel_loop3A_1103, %parallel_loop3A_1104], %parallel_loop3A_1107 {add = true, strides = array<i32>} : memref<8x1024xf32, #tpu.memory_space<vmem>>, vector<1x16xf32>,
    } {sc.loop_unroll_factor = 8 : i64, sc.parallel_access}
    %add3A_635 = arith.constant 144 : i32
    %add3A_636 = arith.addi %mul3A_2, %add3A_635 : i32
    %dma_start3A_637 = arith.constant 0 : i32
    %dma_start3A_638 = tpu.memref_slice %arg5[%add3A_636, %dma_start3A_637] : memref<8192x1024xf32, #tpu.memory_space<hbm>> -> memref<8x1024xf32, #tpu.memory_space<hbm>>
    %dma_start3A_639 = arith.constant 0 : i32
    %dma_start3A_640 = tpu.memref_slice %arg5[%add3A_636, %dma_start3A_639] : memref<8192x1024xf32, #tpu.memory_space<hbm>> -> memref<8x1024xf32, #tpu.memory_space<hbm>>
    tpu.enqueue_dma source(%arg9 : memref<8x1024xf32, #tpu.memory_space<vmem>>) target(%dma_start3A_640 : memref<8x1024xf32, #tpu.memory_space<hbm>>) target_semaphore(%arg25 : memref<!tpu.dma_semaphore, #tpu.memory_space<semaphore_mem>>)
    %dma_wait3A_641 = arith.constant 0 : i32
    %dma_wait3A_642 = tpu.memref_slice %arg5[%add3A_603, %dma_wait3A_641] : memref<8192x1024xf32, #tpu.memory_space<hbm>> -> memref<8x1024xf32, #tpu.memory_space<hbm>>
    %dma_wait3A_643 = arith.constant 0 : i32
    %dma_wait3A_644 = tpu.memref_slice %arg5[%add3A_603, %dma_wait3A_643] : memref<8192x1024xf32, #tpu.memory_space<hbm>> -> memref<8x1024xf32, #tpu.memory_space<hbm>>
    tpu.wait_dma2 semaphore(%arg24 : memref<!tpu.dma_semaphore, #tpu.memory_space<semaphore_mem>>) src(%arg8 : memref<8x1024xf32, #tpu.memory_space<vmem>>) dst(%dma_wait3A_644 : memref<8x1024xf32, #tpu.memory_space<hbm>>)
    %add3A_645 = arith.constant 168 : i32
    %add3A_646 = arith.addi %mul3A_2, %add3A_645 : i32
    %dma_start3A_647 = arith.constant 0 : i32
    %dma_start3A_648 = tpu.memref_slice %arg2[%add3A_646, %dma_start3A_647] : memref<8192x1024xf32, #tpu.memory_space<hbm>> -> memref<8x1024xf32, #tpu.memory_space<hbm>>
    %dma_start3A_649 = arith.constant 0 : i32
    %dma_start3A_650 = tpu.memref_slice %arg2[%add3A_646, %dma_start3A_649] : memref<8192x1024xf32, #tpu.memory_space<hbm>> -> memref<8x1024xf32, #tpu.memory_space<hbm>>
    tpu.enqueue_dma source(%dma_start3A_650 : memref<8x1024xf32, #tpu.memory_space<hbm>>) target(%arg8 : memref<8x1024xf32, #tpu.memory_space<vmem>>) target_semaphore(%arg16 : memref<!tpu.dma_semaphore, #tpu.memory_space<semaphore_mem>>)
    %dma_start3A_651 = arith.constant 168 : i32
    %dma_start3A_652 = tpu.memref_slice %arg6[%dma_start3A_651] : memref<256xi32, #tpu.memory_space<vmem>> -> memref<8xi32, #tpu.memory_space<vmem>>
    %dma_start3A_653 = arith.constant 0 : i32
    %dma_start3A_654 = arith.constant 0 : i32
    %dma_start3A_655 = tpu.memref_slice %arg4[%dma_start3A_653, %dma_start3A_654] : memref<2048x1024xf32, #tpu.memory_space<hbm>> -> memref<2048x1024xf32, #tpu.memory_space<hbm>>
    tpu.enqueue_indirect_dma source(%dma_start3A_655 : memref<2048x1024xf32, #tpu.memory_space<hbm>>) target(%arg12 : memref<8x1024xf32, #tpu.memory_space<vmem>>) offsets(%dma_start3A_652 : memref<8xi32, #tpu.memory_space<vmem>>) semaphore(%arg20 : memref<!tpu.dma_semaphore, #tpu.memory_space<semaphore_mem>>)
    %dma_wait3A_656 = arith.constant 0 : i32
    %dma_wait3A_657 = tpu.memref_slice %arg2[%add3A_580, %dma_wait3A_656] : memref<8192x1024xf32, #tpu.memory_space<hbm>> -> memref<8x1024xf32, #tpu.memory_space<hbm>>
    %dma_wait3A_658 = arith.constant 0 : i32
    %dma_wait3A_659 = tpu.memref_slice %arg2[%add3A_580, %dma_wait3A_658] : memref<8192x1024xf32, #tpu.memory_space<hbm>> -> memref<8x1024xf32, #tpu.memory_space<hbm>>
    tpu.wait_dma2 semaphore(%arg18 : memref<!tpu.dma_semaphore, #tpu.memory_space<semaphore_mem>>) src(%dma_wait3A_659 : memref<8x1024xf32, #tpu.memory_space<hbm>>) dst(%arg10 : memref<8x1024xf32, #tpu.memory_space<vmem>>)
    %dma_wait3A_660 = arith.constant 152 : i32
    %dma_wait3A_661 = tpu.memref_slice %arg6[%dma_wait3A_660] : memref<256xi32, #tpu.memory_space<vmem>> -> memref<8xi32, #tpu.memory_space<vmem>>
    %dma_wait3A_662 = arith.constant 0 : i32
    %dma_wait3A_663 = arith.constant 0 : i32
    %dma_wait3A_664 = tpu.memref_slice %arg4[%dma_wait3A_662, %dma_wait3A_663] : memref<2048x1024xf32, #tpu.memory_space<hbm>> -> memref<2048x1024xf32, #tpu.memory_space<hbm>>
    tpu.wait_indirect_dma semaphore(%arg22 : memref<!tpu.dma_semaphore, #tpu.memory_space<semaphore_mem>>) src(%dma_wait3A_664 : memref<2048x1024xf32, #tpu.memory_space<hbm>>) dst(%arg14 : memref<8x1024xf32, #tpu.memory_space<vmem>>)
    %parallel_loop3A_665 = arith.constant 0 : i32
    %parallel_loop3A_666 = arith.constant 512 : i32
    %parallel_loop3A_667 = arith.constant 1 : i32
    scf.for %parallel_loop3A_1056 = %parallel_loop3A_665 to %parallel_loop3A_666 step %parallel_loop3A_667  : i32 {
      %parallel_loop3A_1057 = arith.constant 64 : i32
      %parallel_loop3A_1058 = arith.divsi %parallel_loop3A_1056, %parallel_loop3A_1057 : i32
      %parallel_loop3A_1059 = arith.constant 0 : i32
      %parallel_loop3A_1060 = arith.cmpi sgt, %parallel_loop3A_1056, %parallel_loop3A_1059 : i32
      %parallel_loop3A_1061 = arith.extui %parallel_loop3A_1060 : i1 to i32
      %parallel_loop3A_1062 = arith.constant 0 : i32
      %parallel_loop3A_1063 = arith.cmpi slt, %parallel_loop3A_1056, %parallel_loop3A_1062 : i32
      %parallel_loop3A_1064 = arith.extui %parallel_loop3A_1063 : i1 to i32
      %parallel_loop3A_1065 = arith.subi %parallel_loop3A_1061, %parallel_loop3A_1064 : i32
      %parallel_loop3A_1066 = arith.constant 0 : i32
      %parallel_loop3A_1067 = arith.cmpi sgt, %parallel_loop3A_1057, %parallel_loop3A_1066 : i32
      %parallel_loop3A_1068 = arith.extui %parallel_loop3A_1067 : i1 to i32
      %parallel_loop3A_1069 = arith.constant 0 : i32
      %parallel_loop3A_1070 = arith.cmpi slt, %parallel_loop3A_1057, %parallel_loop3A_1069 : i32
      %parallel_loop3A_1071 = arith.extui %parallel_loop3A_1070 : i1 to i32
      %parallel_loop3A_1072 = arith.subi %parallel_loop3A_1068, %parallel_loop3A_1071 : i32
      %parallel_loop3A_1073 = arith.cmpi ne, %parallel_loop3A_1065, %parallel_loop3A_1072 : i32
      %parallel_loop3A_1074 = arith.remsi %parallel_loop3A_1056, %parallel_loop3A_1057 : i32
      %parallel_loop3A_1075 = arith.constant 0 : i32
      %parallel_loop3A_1076 = arith.cmpi ne, %parallel_loop3A_1074, %parallel_loop3A_1075 : i32
      %parallel_loop3A_1077 = arith.andi %parallel_loop3A_1073, %parallel_loop3A_1076 : i1
      %parallel_loop3A_1078 = arith.constant 1 : i32
      %parallel_loop3A_1079 = arith.subi %parallel_loop3A_1058, %parallel_loop3A_1078 : i32
      %parallel_loop3A_1080 = arith.select %parallel_loop3A_1077, %parallel_loop3A_1079, %parallel_loop3A_1058 : i32
      %parallel_loop3A_1081 = arith.constant 64 : i32
      %parallel_loop3A_1082 = arith.constant 0 : i32
      %parallel_loop3A_1083 = arith.cmpi eq, %parallel_loop3A_1081, %parallel_loop3A_1082 : i32
      %parallel_loop3A_1084 = arith.constant 1 : i32
      %parallel_loop3A_1085 = arith.select %parallel_loop3A_1083, %parallel_loop3A_1084, %parallel_loop3A_1081 : i32
      %parallel_loop3A_1086 = arith.remsi %parallel_loop3A_1056, %parallel_loop3A_1085 : i32
      %parallel_loop3A_1087 = arith.constant 0 : i32
      %parallel_loop3A_1088 = arith.cmpi ne, %parallel_loop3A_1086, %parallel_loop3A_1087 : i32
      %parallel_loop3A_1089 = arith.constant 0 : i32
      %parallel_loop3A_1090 = arith.cmpi slt, %parallel_loop3A_1086, %parallel_loop3A_1089 : i32
      %parallel_loop3A_1091 = arith.constant 0 : i32
      %parallel_loop3A_1092 = arith.cmpi slt, %parallel_loop3A_1085, %parallel_loop3A_1091 : i32
      %parallel_loop3A_1093 = arith.xori %parallel_loop3A_1090, %parallel_loop3A_1092 : i1
      %parallel_loop3A_1094 = arith.andi %parallel_loop3A_1093, %parallel_loop3A_1088 : i1
      %parallel_loop3A_1095 = arith.addi %parallel_loop3A_1086, %parallel_loop3A_1085 : i32
      %parallel_loop3A_1096 = arith.select %parallel_loop3A_1094, %parallel_loop3A_1095, %parallel_loop3A_1086 : i32
      %parallel_loop3A_1097 = arith.constant 16 : i32
      %parallel_loop3A_1098 = arith.muli %parallel_loop3A_1096, %parallel_loop3A_1097 : i32
      %parallel_loop3A_1099 = arith.index_cast %parallel_loop3A_1080 : i32 to index
      %parallel_loop3A_1100 = arith.index_cast %parallel_loop3A_1098 : i32 to index
      %parallel_loop3A_1101 = tpu.vector_load %arg14[%parallel_loop3A_1099, %parallel_loop3A_1100] {strides = array<i32>} : memref<8x1024xf32, #tpu.memory_space<vmem>>, vector<1x16xf32>,
      %parallel_loop3A_1102 = vector.shape_cast %parallel_loop3A_1101 : vector<1x16xf32> to vector<16xf32>
      %parallel_loop3A_1103 = arith.index_cast %parallel_loop3A_1080 : i32 to index
      %parallel_loop3A_1104 = arith.index_cast %parallel_loop3A_1098 : i32 to index
      %parallel_loop3A_1105 = tpu.vector_load %arg10[%parallel_loop3A_1103, %parallel_loop3A_1104] {strides = array<i32>} : memref<8x1024xf32, #tpu.memory_space<vmem>>, vector<1x16xf32>,
      %parallel_loop3A_1106 = vector.shape_cast %parallel_loop3A_1105 : vector<1x16xf32> to vector<16xf32>
      %parallel_loop3A_1107 = vector.shape_cast %parallel_loop3A_1102 : vector<16xf32> to vector<1x16xf32>
      tpu.vector_store %arg10[%parallel_loop3A_1103, %parallel_loop3A_1104], %parallel_loop3A_1107 {add = true, strides = array<i32>} : memref<8x1024xf32, #tpu.memory_space<vmem>>, vector<1x16xf32>,
    } {sc.loop_unroll_factor = 8 : i64, sc.parallel_access}
    %add3A_668 = arith.constant 152 : i32
    %add3A_669 = arith.addi %mul3A_2, %add3A_668 : i32
    %dma_start3A_670 = arith.constant 0 : i32
    %dma_start3A_671 = tpu.memref_slice %arg5[%add3A_669, %dma_start3A_670] : memref<8192x1024xf32, #tpu.memory_space<hbm>> -> memref<8x1024xf32, #tpu.memory_space<hbm>>
    %dma_start3A_672 = arith.constant 0 : i32
    %dma_start3A_673 = tpu.memref_slice %arg5[%add3A_669, %dma_start3A_672] : memref<8192x1024xf32, #tpu.memory_space<hbm>> -> memref<8x1024xf32, #tpu.memory_space<hbm>>
    tpu.enqueue_dma source(%arg10 : memref<8x1024xf32, #tpu.memory_space<vmem>>) target(%dma_start3A_673 : memref<8x1024xf32, #tpu.memory_space<hbm>>) target_semaphore(%arg26 : memref<!tpu.dma_semaphore, #tpu.memory_space<semaphore_mem>>)
    %dma_wait3A_674 = arith.constant 0 : i32
    %dma_wait3A_675 = tpu.memref_slice %arg5[%add3A_636, %dma_wait3A_674] : memref<8192x1024xf32, #tpu.memory_space<hbm>> -> memref<8x1024xf32, #tpu.memory_space<hbm>>
    %dma_wait3A_676 = arith.constant 0 : i32
    %dma_wait3A_677 = tpu.memref_slice %arg5[%add3A_636, %dma_wait3A_676] : memref<8192x1024xf32, #tpu.memory_space<hbm>> -> memref<8x1024xf32, #tpu.memory_space<hbm>>
    tpu.wait_dma2 semaphore(%arg25 : memref<!tpu.dma_semaphore, #tpu.memory_space<semaphore_mem>>) src(%arg9 : memref<8x1024xf32, #tpu.memory_space<vmem>>) dst(%dma_wait3A_677 : memref<8x1024xf32, #tpu.memory_space<hbm>>)
    %add3A_678 = arith.constant 176 : i32
    %add3A_679 = arith.addi %mul3A_2, %add3A_678 : i32
    %dma_start3A_680 = arith.constant 0 : i32
    %dma_start3A_681 = tpu.memref_slice %arg2[%add3A_679, %dma_start3A_680] : memref<8192x1024xf32, #tpu.memory_space<hbm>> -> memref<8x1024xf32, #tpu.memory_space<hbm>>
    %dma_start3A_682 = arith.constant 0 : i32
    %dma_start3A_683 = tpu.memref_slice %arg2[%add3A_679, %dma_start3A_682] : memref<8192x1024xf32, #tpu.memory_space<hbm>> -> memref<8x1024xf32, #tpu.memory_space<hbm>>
    tpu.enqueue_dma source(%dma_start3A_683 : memref<8x1024xf32, #tpu.memory_space<hbm>>) target(%arg9 : memref<8x1024xf32, #tpu.memory_space<vmem>>) target_semaphore(%arg17 : memref<!tpu.dma_semaphore, #tpu.memory_space<semaphore_mem>>)
    %dma_start3A_684 = arith.constant 176 : i32
    %dma_start3A_685 = tpu.memref_slice %arg6[%dma_start3A_684] : memref<256xi32, #tpu.memory_space<vmem>> -> memref<8xi32, #tpu.memory_space<vmem>>
    %dma_start3A_686 = arith.constant 0 : i32
    %dma_start3A_687 = arith.constant 0 : i32
    %dma_start3A_688 = tpu.memref_slice %arg4[%dma_start3A_686, %dma_start3A_687] : memref<2048x1024xf32, #tpu.memory_space<hbm>> -> memref<2048x1024xf32, #tpu.memory_space<hbm>>
    tpu.enqueue_indirect_dma source(%dma_start3A_688 : memref<2048x1024xf32, #tpu.memory_space<hbm>>) target(%arg13 : memref<8x1024xf32, #tpu.memory_space<vmem>>) offsets(%dma_start3A_685 : memref<8xi32, #tpu.memory_space<vmem>>) semaphore(%arg21 : memref<!tpu.dma_semaphore, #tpu.memory_space<semaphore_mem>>)
    %dma_wait3A_689 = arith.constant 0 : i32
    %dma_wait3A_690 = tpu.memref_slice %arg2[%add3A_613, %dma_wait3A_689] : memref<8192x1024xf32, #tpu.memory_space<hbm>> -> memref<8x1024xf32, #tpu.memory_space<hbm>>
    %dma_wait3A_691 = arith.constant 0 : i32
    %dma_wait3A_692 = tpu.memref_slice %arg2[%add3A_613, %dma_wait3A_691] : memref<8192x1024xf32, #tpu.memory_space<hbm>> -> memref<8x1024xf32, #tpu.memory_space<hbm>>
    tpu.wait_dma2 semaphore(%arg15 : memref<!tpu.dma_semaphore, #tpu.memory_space<semaphore_mem>>) src(%dma_wait3A_692 : memref<8x1024xf32, #tpu.memory_space<hbm>>) dst(%arg7 : memref<8x1024xf32, #tpu.memory_space<vmem>>)
    %dma_wait3A_693 = arith.constant 160 : i32
    %dma_wait3A_694 = tpu.memref_slice %arg6[%dma_wait3A_693] : memref<256xi32, #tpu.memory_space<vmem>> -> memref<8xi32, #tpu.memory_space<vmem>>
    %dma_wait3A_695 = arith.constant 0 : i32
    %dma_wait3A_696 = arith.constant 0 : i32
    %dma_wait3A_697 = tpu.memref_slice %arg4[%dma_wait3A_695, %dma_wait3A_696] : memref<2048x1024xf32, #tpu.memory_space<hbm>> -> memref<2048x1024xf32, #tpu.memory_space<hbm>>
    tpu.wait_indirect_dma semaphore(%arg19 : memref<!tpu.dma_semaphore, #tpu.memory_space<semaphore_mem>>) src(%dma_wait3A_697 : memref<2048x1024xf32, #tpu.memory_space<hbm>>) dst(%arg11 : memref<8x1024xf32, #tpu.memory_space<vmem>>)
    %parallel_loop3A_698 = arith.constant 0 : i32
    %parallel_loop3A_699 = arith.constant 512 : i32
    %parallel_loop3A_700 = arith.constant 1 : i32
    scf.for %parallel_loop3A_1056 = %parallel_loop3A_698 to %parallel_loop3A_699 step %parallel_loop3A_700  : i32 {
      %parallel_loop3A_1057 = arith.constant 64 : i32
      %parallel_loop3A_1058 = arith.divsi %parallel_loop3A_1056, %parallel_loop3A_1057 : i32
      %parallel_loop3A_1059 = arith.constant 0 : i32
      %parallel_loop3A_1060 = arith.cmpi sgt, %parallel_loop3A_1056, %parallel_loop3A_1059 : i32
      %parallel_loop3A_1061 = arith.extui %parallel_loop3A_1060 : i1 to i32
      %parallel_loop3A_1062 = arith.constant 0 : i32
      %parallel_loop3A_1063 = arith.cmpi slt, %parallel_loop3A_1056, %parallel_loop3A_1062 : i32
      %parallel_loop3A_1064 = arith.extui %parallel_loop3A_1063 : i1 to i32
      %parallel_loop3A_1065 = arith.subi %parallel_loop3A_1061, %parallel_loop3A_1064 : i32
      %parallel_loop3A_1066 = arith.constant 0 : i32
      %parallel_loop3A_1067 = arith.cmpi sgt, %parallel_loop3A_1057, %parallel_loop3A_1066 : i32
      %parallel_loop3A_1068 = arith.extui %parallel_loop3A_1067 : i1 to i32
      %parallel_loop3A_1069 = arith.constant 0 : i32
      %parallel_loop3A_1070 = arith.cmpi slt, %parallel_loop3A_1057, %parallel_loop3A_1069 : i32
      %parallel_loop3A_1071 = arith.extui %parallel_loop3A_1070 : i1 to i32
      %parallel_loop3A_1072 = arith.subi %parallel_loop3A_1068, %parallel_loop3A_1071 : i32
      %parallel_loop3A_1073 = arith.cmpi ne, %parallel_loop3A_1065, %parallel_loop3A_1072 : i32
      %parallel_loop3A_1074 = arith.remsi %parallel_loop3A_1056, %parallel_loop3A_1057 : i32
      %parallel_loop3A_1075 = arith.constant 0 : i32
      %parallel_loop3A_1076 = arith.cmpi ne, %parallel_loop3A_1074, %parallel_loop3A_1075 : i32
      %parallel_loop3A_1077 = arith.andi %parallel_loop3A_1073, %parallel_loop3A_1076 : i1
      %parallel_loop3A_1078 = arith.constant 1 : i32
      %parallel_loop3A_1079 = arith.subi %parallel_loop3A_1058, %parallel_loop3A_1078 : i32
      %parallel_loop3A_1080 = arith.select %parallel_loop3A_1077, %parallel_loop3A_1079, %parallel_loop3A_1058 : i32
      %parallel_loop3A_1081 = arith.constant 64 : i32
      %parallel_loop3A_1082 = arith.constant 0 : i32
      %parallel_loop3A_1083 = arith.cmpi eq, %parallel_loop3A_1081, %parallel_loop3A_1082 : i32
      %parallel_loop3A_1084 = arith.constant 1 : i32
      %parallel_loop3A_1085 = arith.select %parallel_loop3A_1083, %parallel_loop3A_1084, %parallel_loop3A_1081 : i32
      %parallel_loop3A_1086 = arith.remsi %parallel_loop3A_1056, %parallel_loop3A_1085 : i32
      %parallel_loop3A_1087 = arith.constant 0 : i32
      %parallel_loop3A_1088 = arith.cmpi ne, %parallel_loop3A_1086, %parallel_loop3A_1087 : i32
      %parallel_loop3A_1089 = arith.constant 0 : i32
      %parallel_loop3A_1090 = arith.cmpi slt, %parallel_loop3A_1086, %parallel_loop3A_1089 : i32
      %parallel_loop3A_1091 = arith.constant 0 : i32
      %parallel_loop3A_1092 = arith.cmpi slt, %parallel_loop3A_1085, %parallel_loop3A_1091 : i32
      %parallel_loop3A_1093 = arith.xori %parallel_loop3A_1090, %parallel_loop3A_1092 : i1
      %parallel_loop3A_1094 = arith.andi %parallel_loop3A_1093, %parallel_loop3A_1088 : i1
      %parallel_loop3A_1095 = arith.addi %parallel_loop3A_1086, %parallel_loop3A_1085 : i32
      %parallel_loop3A_1096 = arith.select %parallel_loop3A_1094, %parallel_loop3A_1095, %parallel_loop3A_1086 : i32
      %parallel_loop3A_1097 = arith.constant 16 : i32
      %parallel_loop3A_1098 = arith.muli %parallel_loop3A_1096, %parallel_loop3A_1097 : i32
      %parallel_loop3A_1099 = arith.index_cast %parallel_loop3A_1080 : i32 to index
      %parallel_loop3A_1100 = arith.index_cast %parallel_loop3A_1098 : i32 to index
      %parallel_loop3A_1101 = tpu.vector_load %arg11[%parallel_loop3A_1099, %parallel_loop3A_1100] {strides = array<i32>} : memref<8x1024xf32, #tpu.memory_space<vmem>>, vector<1x16xf32>,
      %parallel_loop3A_1102 = vector.shape_cast %parallel_loop3A_1101 : vector<1x16xf32> to vector<16xf32>
      %parallel_loop3A_1103 = arith.index_cast %parallel_loop3A_1080 : i32 to index
      %parallel_loop3A_1104 = arith.index_cast %parallel_loop3A_1098 : i32 to index
      %parallel_loop3A_1105 = tpu.vector_load %arg7[%parallel_loop3A_1103, %parallel_loop3A_1104] {strides = array<i32>} : memref<8x1024xf32, #tpu.memory_space<vmem>>, vector<1x16xf32>,
      %parallel_loop3A_1106 = vector.shape_cast %parallel_loop3A_1105 : vector<1x16xf32> to vector<16xf32>
      %parallel_loop3A_1107 = vector.shape_cast %parallel_loop3A_1102 : vector<16xf32> to vector<1x16xf32>
      tpu.vector_store %arg7[%parallel_loop3A_1103, %parallel_loop3A_1104], %parallel_loop3A_1107 {add = true, strides = array<i32>} : memref<8x1024xf32, #tpu.memory_space<vmem>>, vector<1x16xf32>,
    } {sc.loop_unroll_factor = 8 : i64, sc.parallel_access}
    %add3A_701 = arith.constant 160 : i32
    %add3A_702 = arith.addi %mul3A_2, %add3A_701 : i32
    %dma_start3A_703 = arith.constant 0 : i32
    %dma_start3A_704 = tpu.memref_slice %arg5[%add3A_702, %dma_start3A_703] : memref<8192x1024xf32, #tpu.memory_space<hbm>> -> memref<8x1024xf32, #tpu.memory_space<hbm>>
    %dma_start3A_705 = arith.constant 0 : i32
    %dma_start3A_706 = tpu.memref_slice %arg5[%add3A_702, %dma_start3A_705] : memref<8192x1024xf32, #tpu.memory_space<hbm>> -> memref<8x1024xf32, #tpu.memory_space<hbm>>
    tpu.enqueue_dma source(%arg7 : memref<8x1024xf32, #tpu.memory_space<vmem>>) target(%dma_start3A_706 : memref<8x1024xf32, #tpu.memory_space<hbm>>) target_semaphore(%arg23 : memref<!tpu.dma_semaphore, #tpu.memory_space<semaphore_mem>>)
    %dma_wait3A_707 = arith.constant 0 : i32
    %dma_wait3A_708 = tpu.memref_slice %arg5[%add3A_669, %dma_wait3A_707] : memref<8192x1024xf32, #tpu.memory_space<hbm>> -> memref<8x1024xf32, #tpu.memory_space<hbm>>
    %dma_wait3A_709 = arith.constant 0 : i32
    %dma_wait3A_710 = tpu.memref_slice %arg5[%add3A_669, %dma_wait3A_709] : memref<8192x1024xf32, #tpu.memory_space<hbm>> -> memref<8x1024xf32, #tpu.memory_space<hbm>>
    tpu.wait_dma2 semaphore(%arg26 : memref<!tpu.dma_semaphore, #tpu.memory_space<semaphore_mem>>) src(%arg10 : memref<8x1024xf32, #tpu.memory_space<vmem>>) dst(%dma_wait3A_710 : memref<8x1024xf32, #tpu.memory_space<hbm>>)
    %add3A_711 = arith.constant 184 : i32
    %add3A_712 = arith.addi %mul3A_2, %add3A_711 : i32
    %dma_start3A_713 = arith.constant 0 : i32
    %dma_start3A_714 = tpu.memref_slice %arg2[%add3A_712, %dma_start3A_713] : memref<8192x1024xf32, #tpu.memory_space<hbm>> -> memref<8x1024xf32, #tpu.memory_space<hbm>>
    %dma_start3A_715 = arith.constant 0 : i32
    %dma_start3A_716 = tpu.memref_slice %arg2[%add3A_712, %dma_start3A_715] : memref<8192x1024xf32, #tpu.memory_space<hbm>> -> memref<8x1024xf32, #tpu.memory_space<hbm>>
    tpu.enqueue_dma source(%dma_start3A_716 : memref<8x1024xf32, #tpu.memory_space<hbm>>) target(%arg10 : memref<8x1024xf32, #tpu.memory_space<vmem>>) target_semaphore(%arg18 : memref<!tpu.dma_semaphore, #tpu.memory_space<semaphore_mem>>)
    %dma_start3A_717 = arith.constant 184 : i32
    %dma_start3A_718 = tpu.memref_slice %arg6[%dma_start3A_717] : memref<256xi32, #tpu.memory_space<vmem>> -> memref<8xi32, #tpu.memory_space<vmem>>
    %dma_start3A_719 = arith.constant 0 : i32
    %dma_start3A_720 = arith.constant 0 : i32
    %dma_start3A_721 = tpu.memref_slice %arg4[%dma_start3A_719, %dma_start3A_720] : memref<2048x1024xf32, #tpu.memory_space<hbm>> -> memref<2048x1024xf32, #tpu.memory_space<hbm>>
    tpu.enqueue_indirect_dma source(%dma_start3A_721 : memref<2048x1024xf32, #tpu.memory_space<hbm>>) target(%arg14 : memref<8x1024xf32, #tpu.memory_space<vmem>>) offsets(%dma_start3A_718 : memref<8xi32, #tpu.memory_space<vmem>>) semaphore(%arg22 : memref<!tpu.dma_semaphore, #tpu.memory_space<semaphore_mem>>)
    %dma_wait3A_722 = arith.constant 0 : i32
    %dma_wait3A_723 = tpu.memref_slice %arg2[%add3A_646, %dma_wait3A_722] : memref<8192x1024xf32, #tpu.memory_space<hbm>> -> memref<8x1024xf32, #tpu.memory_space<hbm>>
    %dma_wait3A_724 = arith.constant 0 : i32
    %dma_wait3A_725 = tpu.memref_slice %arg2[%add3A_646, %dma_wait3A_724] : memref<8192x1024xf32, #tpu.memory_space<hbm>> -> memref<8x1024xf32, #tpu.memory_space<hbm>>
    tpu.wait_dma2 semaphore(%arg16 : memref<!tpu.dma_semaphore, #tpu.memory_space<semaphore_mem>>) src(%dma_wait3A_725 : memref<8x1024xf32, #tpu.memory_space<hbm>>) dst(%arg8 : memref<8x1024xf32, #tpu.memory_space<vmem>>)
    %dma_wait3A_726 = arith.constant 168 : i32
    %dma_wait3A_727 = tpu.memref_slice %arg6[%dma_wait3A_726] : memref<256xi32, #tpu.memory_space<vmem>> -> memref<8xi32, #tpu.memory_space<vmem>>
    %dma_wait3A_728 = arith.constant 0 : i32
    %dma_wait3A_729 = arith.constant 0 : i32
    %dma_wait3A_730 = tpu.memref_slice %arg4[%dma_wait3A_728, %dma_wait3A_729] : memref<2048x1024xf32, #tpu.memory_space<hbm>> -> memref<2048x1024xf32, #tpu.memory_space<hbm>>
    tpu.wait_indirect_dma semaphore(%arg20 : memref<!tpu.dma_semaphore, #tpu.memory_space<semaphore_mem>>) src(%dma_wait3A_730 : memref<2048x1024xf32, #tpu.memory_space<hbm>>) dst(%arg12 : memref<8x1024xf32, #tpu.memory_space<vmem>>)
    %parallel_loop3A_731 = arith.constant 0 : i32
    %parallel_loop3A_732 = arith.constant 512 : i32
    %parallel_loop3A_733 = arith.constant 1 : i32
    scf.for %parallel_loop3A_1056 = %parallel_loop3A_731 to %parallel_loop3A_732 step %parallel_loop3A_733  : i32 {
      %parallel_loop3A_1057 = arith.constant 64 : i32
      %parallel_loop3A_1058 = arith.divsi %parallel_loop3A_1056, %parallel_loop3A_1057 : i32
      %parallel_loop3A_1059 = arith.constant 0 : i32
      %parallel_loop3A_1060 = arith.cmpi sgt, %parallel_loop3A_1056, %parallel_loop3A_1059 : i32
      %parallel_loop3A_1061 = arith.extui %parallel_loop3A_1060 : i1 to i32
      %parallel_loop3A_1062 = arith.constant 0 : i32
      %parallel_loop3A_1063 = arith.cmpi slt, %parallel_loop3A_1056, %parallel_loop3A_1062 : i32
      %parallel_loop3A_1064 = arith.extui %parallel_loop3A_1063 : i1 to i32
      %parallel_loop3A_1065 = arith.subi %parallel_loop3A_1061, %parallel_loop3A_1064 : i32
      %parallel_loop3A_1066 = arith.constant 0 : i32
      %parallel_loop3A_1067 = arith.cmpi sgt, %parallel_loop3A_1057, %parallel_loop3A_1066 : i32
      %parallel_loop3A_1068 = arith.extui %parallel_loop3A_1067 : i1 to i32
      %parallel_loop3A_1069 = arith.constant 0 : i32
      %parallel_loop3A_1070 = arith.cmpi slt, %parallel_loop3A_1057, %parallel_loop3A_1069 : i32
      %parallel_loop3A_1071 = arith.extui %parallel_loop3A_1070 : i1 to i32
      %parallel_loop3A_1072 = arith.subi %parallel_loop3A_1068, %parallel_loop3A_1071 : i32
      %parallel_loop3A_1073 = arith.cmpi ne, %parallel_loop3A_1065, %parallel_loop3A_1072 : i32
      %parallel_loop3A_1074 = arith.remsi %parallel_loop3A_1056, %parallel_loop3A_1057 : i32
      %parallel_loop3A_1075 = arith.constant 0 : i32
      %parallel_loop3A_1076 = arith.cmpi ne, %parallel_loop3A_1074, %parallel_loop3A_1075 : i32
      %parallel_loop3A_1077 = arith.andi %parallel_loop3A_1073, %parallel_loop3A_1076 : i1
      %parallel_loop3A_1078 = arith.constant 1 : i32
      %parallel_loop3A_1079 = arith.subi %parallel_loop3A_1058, %parallel_loop3A_1078 : i32
      %parallel_loop3A_1080 = arith.select %parallel_loop3A_1077, %parallel_loop3A_1079, %parallel_loop3A_1058 : i32
      %parallel_loop3A_1081 = arith.constant 64 : i32
      %parallel_loop3A_1082 = arith.constant 0 : i32
      %parallel_loop3A_1083 = arith.cmpi eq, %parallel_loop3A_1081, %parallel_loop3A_1082 : i32
      %parallel_loop3A_1084 = arith.constant 1 : i32
      %parallel_loop3A_1085 = arith.select %parallel_loop3A_1083, %parallel_loop3A_1084, %parallel_loop3A_1081 : i32
      %parallel_loop3A_1086 = arith.remsi %parallel_loop3A_1056, %parallel_loop3A_1085 : i32
      %parallel_loop3A_1087 = arith.constant 0 : i32
      %parallel_loop3A_1088 = arith.cmpi ne, %parallel_loop3A_1086, %parallel_loop3A_1087 : i32
      %parallel_loop3A_1089 = arith.constant 0 : i32
      %parallel_loop3A_1090 = arith.cmpi slt, %parallel_loop3A_1086, %parallel_loop3A_1089 : i32
      %parallel_loop3A_1091 = arith.constant 0 : i32
      %parallel_loop3A_1092 = arith.cmpi slt, %parallel_loop3A_1085, %parallel_loop3A_1091 : i32
      %parallel_loop3A_1093 = arith.xori %parallel_loop3A_1090, %parallel_loop3A_1092 : i1
      %parallel_loop3A_1094 = arith.andi %parallel_loop3A_1093, %parallel_loop3A_1088 : i1
      %parallel_loop3A_1095 = arith.addi %parallel_loop3A_1086, %parallel_loop3A_1085 : i32
      %parallel_loop3A_1096 = arith.select %parallel_loop3A_1094, %parallel_loop3A_1095, %parallel_loop3A_1086 : i32
      %parallel_loop3A_1097 = arith.constant 16 : i32
      %parallel_loop3A_1098 = arith.muli %parallel_loop3A_1096, %parallel_loop3A_1097 : i32
      %parallel_loop3A_1099 = arith.index_cast %parallel_loop3A_1080 : i32 to index
      %parallel_loop3A_1100 = arith.index_cast %parallel_loop3A_1098 : i32 to index
      %parallel_loop3A_1101 = tpu.vector_load %arg12[%parallel_loop3A_1099, %parallel_loop3A_1100] {strides = array<i32>} : memref<8x1024xf32, #tpu.memory_space<vmem>>, vector<1x16xf32>,
      %parallel_loop3A_1102 = vector.shape_cast %parallel_loop3A_1101 : vector<1x16xf32> to vector<16xf32>
      %parallel_loop3A_1103 = arith.index_cast %parallel_loop3A_1080 : i32 to index
      %parallel_loop3A_1104 = arith.index_cast %parallel_loop3A_1098 : i32 to index
      %parallel_loop3A_1105 = tpu.vector_load %arg8[%parallel_loop3A_1103, %parallel_loop3A_1104] {strides = array<i32>} : memref<8x1024xf32, #tpu.memory_space<vmem>>, vector<1x16xf32>,
      %parallel_loop3A_1106 = vector.shape_cast %parallel_loop3A_1105 : vector<1x16xf32> to vector<16xf32>
      %parallel_loop3A_1107 = vector.shape_cast %parallel_loop3A_1102 : vector<16xf32> to vector<1x16xf32>
      tpu.vector_store %arg8[%parallel_loop3A_1103, %parallel_loop3A_1104], %parallel_loop3A_1107 {add = true, strides = array<i32>} : memref<8x1024xf32, #tpu.memory_space<vmem>>, vector<1x16xf32>,
    } {sc.loop_unroll_factor = 8 : i64, sc.parallel_access}
    %add3A_734 = arith.constant 168 : i32
    %add3A_735 = arith.addi %mul3A_2, %add3A_734 : i32
    %dma_start3A_736 = arith.constant 0 : i32
    %dma_start3A_737 = tpu.memref_slice %arg5[%add3A_735, %dma_start3A_736] : memref<8192x1024xf32, #tpu.memory_space<hbm>> -> memref<8x1024xf32, #tpu.memory_space<hbm>>
    %dma_start3A_738 = arith.constant 0 : i32
    %dma_start3A_739 = tpu.memref_slice %arg5[%add3A_735, %dma_start3A_738] : memref<8192x1024xf32, #tpu.memory_space<hbm>> -> memref<8x1024xf32, #tpu.memory_space<hbm>>
    tpu.enqueue_dma source(%arg8 : memref<8x1024xf32, #tpu.memory_space<vmem>>) target(%dma_start3A_739 : memref<8x1024xf32, #tpu.memory_space<hbm>>) target_semaphore(%arg24 : memref<!tpu.dma_semaphore, #tpu.memory_space<semaphore_mem>>)
    %dma_wait3A_740 = arith.constant 0 : i32
    %dma_wait3A_741 = tpu.memref_slice %arg5[%add3A_702, %dma_wait3A_740] : memref<8192x1024xf32, #tpu.memory_space<hbm>> -> memref<8x1024xf32, #tpu.memory_space<hbm>>
    %dma_wait3A_742 = arith.constant 0 : i32
    %dma_wait3A_743 = tpu.memref_slice %arg5[%add3A_702, %dma_wait3A_742] : memref<8192x1024xf32, #tpu.memory_space<hbm>> -> memref<8x1024xf32, #tpu.memory_space<hbm>>
    tpu.wait_dma2 semaphore(%arg23 : memref<!tpu.dma_semaphore, #tpu.memory_space<semaphore_mem>>) src(%arg7 : memref<8x1024xf32, #tpu.memory_space<vmem>>) dst(%dma_wait3A_743 : memref<8x1024xf32, #tpu.memory_space<hbm>>)
    %add3A_744 = arith.constant 192 : i32
    %add3A_745 = arith.addi %mul3A_2, %add3A_744 : i32
    %dma_start3A_746 = arith.constant 0 : i32
    %dma_start3A_747 = tpu.memref_slice %arg2[%add3A_745, %dma_start3A_746] : memref<8192x1024xf32, #tpu.memory_space<hbm>> -> memref<8x1024xf32, #tpu.memory_space<hbm>>
    %dma_start3A_748 = arith.constant 0 : i32
    %dma_start3A_749 = tpu.memref_slice %arg2[%add3A_745, %dma_start3A_748] : memref<8192x1024xf32, #tpu.memory_space<hbm>> -> memref<8x1024xf32, #tpu.memory_space<hbm>>
    tpu.enqueue_dma source(%dma_start3A_749 : memref<8x1024xf32, #tpu.memory_space<hbm>>) target(%arg7 : memref<8x1024xf32, #tpu.memory_space<vmem>>) target_semaphore(%arg15 : memref<!tpu.dma_semaphore, #tpu.memory_space<semaphore_mem>>)
    %dma_start3A_750 = arith.constant 192 : i32
    %dma_start3A_751 = tpu.memref_slice %arg6[%dma_start3A_750] : memref<256xi32, #tpu.memory_space<vmem>> -> memref<8xi32, #tpu.memory_space<vmem>>
    %dma_start3A_752 = arith.constant 0 : i32
    %dma_start3A_753 = arith.constant 0 : i32
    %dma_start3A_754 = tpu.memref_slice %arg4[%dma_start3A_752, %dma_start3A_753] : memref<2048x1024xf32, #tpu.memory_space<hbm>> -> memref<2048x1024xf32, #tpu.memory_space<hbm>>
    tpu.enqueue_indirect_dma source(%dma_start3A_754 : memref<2048x1024xf32, #tpu.memory_space<hbm>>) target(%arg11 : memref<8x1024xf32, #tpu.memory_space<vmem>>) offsets(%dma_start3A_751 : memref<8xi32, #tpu.memory_space<vmem>>) semaphore(%arg19 : memref<!tpu.dma_semaphore, #tpu.memory_space<semaphore_mem>>)
    %dma_wait3A_755 = arith.constant 0 : i32
    %dma_wait3A_756 = tpu.memref_slice %arg2[%add3A_679, %dma_wait3A_755] : memref<8192x1024xf32, #tpu.memory_space<hbm>> -> memref<8x1024xf32, #tpu.memory_space<hbm>>
    %dma_wait3A_757 = arith.constant 0 : i32
    %dma_wait3A_758 = tpu.memref_slice %arg2[%add3A_679, %dma_wait3A_757] : memref<8192x1024xf32, #tpu.memory_space<hbm>> -> memref<8x1024xf32, #tpu.memory_space<hbm>>
    tpu.wait_dma2 semaphore(%arg17 : memref<!tpu.dma_semaphore, #tpu.memory_space<semaphore_mem>>) src(%dma_wait3A_758 : memref<8x1024xf32, #tpu.memory_space<hbm>>) dst(%arg9 : memref<8x1024xf32, #tpu.memory_space<vmem>>)
    %dma_wait3A_759 = arith.constant 176 : i32
    %dma_wait3A_760 = tpu.memref_slice %arg6[%dma_wait3A_759] : memref<256xi32, #tpu.memory_space<vmem>> -> memref<8xi32, #tpu.memory_space<vmem>>
    %dma_wait3A_761 = arith.constant 0 : i32
    %dma_wait3A_762 = arith.constant 0 : i32
    %dma_wait3A_763 = tpu.memref_slice %arg4[%dma_wait3A_761, %dma_wait3A_762] : memref<2048x1024xf32, #tpu.memory_space<hbm>> -> memref<2048x1024xf32, #tpu.memory_space<hbm>>
    tpu.wait_indirect_dma semaphore(%arg21 : memref<!tpu.dma_semaphore, #tpu.memory_space<semaphore_mem>>) src(%dma_wait3A_763 : memref<2048x1024xf32, #tpu.memory_space<hbm>>) dst(%arg13 : memref<8x1024xf32, #tpu.memory_space<vmem>>)
    %parallel_loop3A_764 = arith.constant 0 : i32
    %parallel_loop3A_765 = arith.constant 512 : i32
    %parallel_loop3A_766 = arith.constant 1 : i32
    scf.for %parallel_loop3A_1056 = %parallel_loop3A_764 to %parallel_loop3A_765 step %parallel_loop3A_766  : i32 {
      %parallel_loop3A_1057 = arith.constant 64 : i32
      %parallel_loop3A_1058 = arith.divsi %parallel_loop3A_1056, %parallel_loop3A_1057 : i32
      %parallel_loop3A_1059 = arith.constant 0 : i32
      %parallel_loop3A_1060 = arith.cmpi sgt, %parallel_loop3A_1056, %parallel_loop3A_1059 : i32
      %parallel_loop3A_1061 = arith.extui %parallel_loop3A_1060 : i1 to i32
      %parallel_loop3A_1062 = arith.constant 0 : i32
      %parallel_loop3A_1063 = arith.cmpi slt, %parallel_loop3A_1056, %parallel_loop3A_1062 : i32
      %parallel_loop3A_1064 = arith.extui %parallel_loop3A_1063 : i1 to i32
      %parallel_loop3A_1065 = arith.subi %parallel_loop3A_1061, %parallel_loop3A_1064 : i32
      %parallel_loop3A_1066 = arith.constant 0 : i32
      %parallel_loop3A_1067 = arith.cmpi sgt, %parallel_loop3A_1057, %parallel_loop3A_1066 : i32
      %parallel_loop3A_1068 = arith.extui %parallel_loop3A_1067 : i1 to i32
      %parallel_loop3A_1069 = arith.constant 0 : i32
      %parallel_loop3A_1070 = arith.cmpi slt, %parallel_loop3A_1057, %parallel_loop3A_1069 : i32
      %parallel_loop3A_1071 = arith.extui %parallel_loop3A_1070 : i1 to i32
      %parallel_loop3A_1072 = arith.subi %parallel_loop3A_1068, %parallel_loop3A_1071 : i32
      %parallel_loop3A_1073 = arith.cmpi ne, %parallel_loop3A_1065, %parallel_loop3A_1072 : i32
      %parallel_loop3A_1074 = arith.remsi %parallel_loop3A_1056, %parallel_loop3A_1057 : i32
      %parallel_loop3A_1075 = arith.constant 0 : i32
      %parallel_loop3A_1076 = arith.cmpi ne, %parallel_loop3A_1074, %parallel_loop3A_1075 : i32
      %parallel_loop3A_1077 = arith.andi %parallel_loop3A_1073, %parallel_loop3A_1076 : i1
      %parallel_loop3A_1078 = arith.constant 1 : i32
      %parallel_loop3A_1079 = arith.subi %parallel_loop3A_1058, %parallel_loop3A_1078 : i32
      %parallel_loop3A_1080 = arith.select %parallel_loop3A_1077, %parallel_loop3A_1079, %parallel_loop3A_1058 : i32
      %parallel_loop3A_1081 = arith.constant 64 : i32
      %parallel_loop3A_1082 = arith.constant 0 : i32
      %parallel_loop3A_1083 = arith.cmpi eq, %parallel_loop3A_1081, %parallel_loop3A_1082 : i32
      %parallel_loop3A_1084 = arith.constant 1 : i32
      %parallel_loop3A_1085 = arith.select %parallel_loop3A_1083, %parallel_loop3A_1084, %parallel_loop3A_1081 : i32
      %parallel_loop3A_1086 = arith.remsi %parallel_loop3A_1056, %parallel_loop3A_1085 : i32
      %parallel_loop3A_1087 = arith.constant 0 : i32
      %parallel_loop3A_1088 = arith.cmpi ne, %parallel_loop3A_1086, %parallel_loop3A_1087 : i32
      %parallel_loop3A_1089 = arith.constant 0 : i32
      %parallel_loop3A_1090 = arith.cmpi slt, %parallel_loop3A_1086, %parallel_loop3A_1089 : i32
      %parallel_loop3A_1091 = arith.constant 0 : i32
      %parallel_loop3A_1092 = arith.cmpi slt, %parallel_loop3A_1085, %parallel_loop3A_1091 : i32
      %parallel_loop3A_1093 = arith.xori %parallel_loop3A_1090, %parallel_loop3A_1092 : i1
      %parallel_loop3A_1094 = arith.andi %parallel_loop3A_1093, %parallel_loop3A_1088 : i1
      %parallel_loop3A_1095 = arith.addi %parallel_loop3A_1086, %parallel_loop3A_1085 : i32
      %parallel_loop3A_1096 = arith.select %parallel_loop3A_1094, %parallel_loop3A_1095, %parallel_loop3A_1086 : i32
      %parallel_loop3A_1097 = arith.constant 16 : i32
      %parallel_loop3A_1098 = arith.muli %parallel_loop3A_1096, %parallel_loop3A_1097 : i32
      %parallel_loop3A_1099 = arith.index_cast %parallel_loop3A_1080 : i32 to index
      %parallel_loop3A_1100 = arith.index_cast %parallel_loop3A_1098 : i32 to index
      %parallel_loop3A_1101 = tpu.vector_load %arg13[%parallel_loop3A_1099, %parallel_loop3A_1100] {strides = array<i32>} : memref<8x1024xf32, #tpu.memory_space<vmem>>, vector<1x16xf32>,
      %parallel_loop3A_1102 = vector.shape_cast %parallel_loop3A_1101 : vector<1x16xf32> to vector<16xf32>
      %parallel_loop3A_1103 = arith.index_cast %parallel_loop3A_1080 : i32 to index
      %parallel_loop3A_1104 = arith.index_cast %parallel_loop3A_1098 : i32 to index
      %parallel_loop3A_1105 = tpu.vector_load %arg9[%parallel_loop3A_1103, %parallel_loop3A_1104] {strides = array<i32>} : memref<8x1024xf32, #tpu.memory_space<vmem>>, vector<1x16xf32>,
      %parallel_loop3A_1106 = vector.shape_cast %parallel_loop3A_1105 : vector<1x16xf32> to vector<16xf32>
      %parallel_loop3A_1107 = vector.shape_cast %parallel_loop3A_1102 : vector<16xf32> to vector<1x16xf32>
      tpu.vector_store %arg9[%parallel_loop3A_1103, %parallel_loop3A_1104], %parallel_loop3A_1107 {add = true, strides = array<i32>} : memref<8x1024xf32, #tpu.memory_space<vmem>>, vector<1x16xf32>,
    } {sc.loop_unroll_factor = 8 : i64, sc.parallel_access}
    %add3A_767 = arith.constant 176 : i32
    %add3A_768 = arith.addi %mul3A_2, %add3A_767 : i32
    %dma_start3A_769 = arith.constant 0 : i32
    %dma_start3A_770 = tpu.memref_slice %arg5[%add3A_768, %dma_start3A_769] : memref<8192x1024xf32, #tpu.memory_space<hbm>> -> memref<8x1024xf32, #tpu.memory_space<hbm>>
    %dma_start3A_771 = arith.constant 0 : i32
    %dma_start3A_772 = tpu.memref_slice %arg5[%add3A_768, %dma_start3A_771] : memref<8192x1024xf32, #tpu.memory_space<hbm>> -> memref<8x1024xf32, #tpu.memory_space<hbm>>
    tpu.enqueue_dma source(%arg9 : memref<8x1024xf32, #tpu.memory_space<vmem>>) target(%dma_start3A_772 : memref<8x1024xf32, #tpu.memory_space<hbm>>) target_semaphore(%arg25 : memref<!tpu.dma_semaphore, #tpu.memory_space<semaphore_mem>>)
    %dma_wait3A_773 = arith.constant 0 : i32
    %dma_wait3A_774 = tpu.memref_slice %arg5[%add3A_735, %dma_wait3A_773] : memref<8192x1024xf32, #tpu.memory_space<hbm>> -> memref<8x1024xf32, #tpu.memory_space<hbm>>
    %dma_wait3A_775 = arith.constant 0 : i32
    %dma_wait3A_776 = tpu.memref_slice %arg5[%add3A_735, %dma_wait3A_775] : memref<8192x1024xf32, #tpu.memory_space<hbm>> -> memref<8x1024xf32, #tpu.memory_space<hbm>>
    tpu.wait_dma2 semaphore(%arg24 : memref<!tpu.dma_semaphore, #tpu.memory_space<semaphore_mem>>) src(%arg8 : memref<8x1024xf32, #tpu.memory_space<vmem>>) dst(%dma_wait3A_776 : memref<8x1024xf32, #tpu.memory_space<hbm>>)
    %add3A_777 = arith.constant 200 : i32
    %add3A_778 = arith.addi %mul3A_2, %add3A_777 : i32
    %dma_start3A_779 = arith.constant 0 : i32
    %dma_start3A_780 = tpu.memref_slice %arg2[%add3A_778, %dma_start3A_779] : memref<8192x1024xf32, #tpu.memory_space<hbm>> -> memref<8x1024xf32, #tpu.memory_space<hbm>>
    %dma_start3A_781 = arith.constant 0 : i32
    %dma_start3A_782 = tpu.memref_slice %arg2[%add3A_778, %dma_start3A_781] : memref<8192x1024xf32, #tpu.memory_space<hbm>> -> memref<8x1024xf32, #tpu.memory_space<hbm>>
    tpu.enqueue_dma source(%dma_start3A_782 : memref<8x1024xf32, #tpu.memory_space<hbm>>) target(%arg8 : memref<8x1024xf32, #tpu.memory_space<vmem>>) target_semaphore(%arg16 : memref<!tpu.dma_semaphore, #tpu.memory_space<semaphore_mem>>)
    %dma_start3A_783 = arith.constant 200 : i32
    %dma_start3A_784 = tpu.memref_slice %arg6[%dma_start3A_783] : memref<256xi32, #tpu.memory_space<vmem>> -> memref<8xi32, #tpu.memory_space<vmem>>
    %dma_start3A_785 = arith.constant 0 : i32
    %dma_start3A_786 = arith.constant 0 : i32
    %dma_start3A_787 = tpu.memref_slice %arg4[%dma_start3A_785, %dma_start3A_786] : memref<2048x1024xf32, #tpu.memory_space<hbm>> -> memref<2048x1024xf32, #tpu.memory_space<hbm>>
    tpu.enqueue_indirect_dma source(%dma_start3A_787 : memref<2048x1024xf32, #tpu.memory_space<hbm>>) target(%arg12 : memref<8x1024xf32, #tpu.memory_space<vmem>>) offsets(%dma_start3A_784 : memref<8xi32, #tpu.memory_space<vmem>>) semaphore(%arg20 : memref<!tpu.dma_semaphore, #tpu.memory_space<semaphore_mem>>)
    %dma_wait3A_788 = arith.constant 0 : i32
    %dma_wait3A_789 = tpu.memref_slice %arg2[%add3A_712, %dma_wait3A_788] : memref<8192x1024xf32, #tpu.memory_space<hbm>> -> memref<8x1024xf32, #tpu.memory_space<hbm>>
    %dma_wait3A_790 = arith.constant 0 : i32
    %dma_wait3A_791 = tpu.memref_slice %arg2[%add3A_712, %dma_wait3A_790] : memref<8192x1024xf32, #tpu.memory_space<hbm>> -> memref<8x1024xf32, #tpu.memory_space<hbm>>
    tpu.wait_dma2 semaphore(%arg18 : memref<!tpu.dma_semaphore, #tpu.memory_space<semaphore_mem>>) src(%dma_wait3A_791 : memref<8x1024xf32, #tpu.memory_space<hbm>>) dst(%arg10 : memref<8x1024xf32, #tpu.memory_space<vmem>>)
    %dma_wait3A_792 = arith.constant 184 : i32
    %dma_wait3A_793 = tpu.memref_slice %arg6[%dma_wait3A_792] : memref<256xi32, #tpu.memory_space<vmem>> -> memref<8xi32, #tpu.memory_space<vmem>>
    %dma_wait3A_794 = arith.constant 0 : i32
    %dma_wait3A_795 = arith.constant 0 : i32
    %dma_wait3A_796 = tpu.memref_slice %arg4[%dma_wait3A_794, %dma_wait3A_795] : memref<2048x1024xf32, #tpu.memory_space<hbm>> -> memref<2048x1024xf32, #tpu.memory_space<hbm>>
    tpu.wait_indirect_dma semaphore(%arg22 : memref<!tpu.dma_semaphore, #tpu.memory_space<semaphore_mem>>) src(%dma_wait3A_796 : memref<2048x1024xf32, #tpu.memory_space<hbm>>) dst(%arg14 : memref<8x1024xf32, #tpu.memory_space<vmem>>)
    %parallel_loop3A_797 = arith.constant 0 : i32
    %parallel_loop3A_798 = arith.constant 512 : i32
    %parallel_loop3A_799 = arith.constant 1 : i32
    scf.for %parallel_loop3A_1056 = %parallel_loop3A_797 to %parallel_loop3A_798 step %parallel_loop3A_799  : i32 {
      %parallel_loop3A_1057 = arith.constant 64 : i32
      %parallel_loop3A_1058 = arith.divsi %parallel_loop3A_1056, %parallel_loop3A_1057 : i32
      %parallel_loop3A_1059 = arith.constant 0 : i32
      %parallel_loop3A_1060 = arith.cmpi sgt, %parallel_loop3A_1056, %parallel_loop3A_1059 : i32
      %parallel_loop3A_1061 = arith.extui %parallel_loop3A_1060 : i1 to i32
      %parallel_loop3A_1062 = arith.constant 0 : i32
      %parallel_loop3A_1063 = arith.cmpi slt, %parallel_loop3A_1056, %parallel_loop3A_1062 : i32
      %parallel_loop3A_1064 = arith.extui %parallel_loop3A_1063 : i1 to i32
      %parallel_loop3A_1065 = arith.subi %parallel_loop3A_1061, %parallel_loop3A_1064 : i32
      %parallel_loop3A_1066 = arith.constant 0 : i32
      %parallel_loop3A_1067 = arith.cmpi sgt, %parallel_loop3A_1057, %parallel_loop3A_1066 : i32
      %parallel_loop3A_1068 = arith.extui %parallel_loop3A_1067 : i1 to i32
      %parallel_loop3A_1069 = arith.constant 0 : i32
      %parallel_loop3A_1070 = arith.cmpi slt, %parallel_loop3A_1057, %parallel_loop3A_1069 : i32
      %parallel_loop3A_1071 = arith.extui %parallel_loop3A_1070 : i1 to i32
      %parallel_loop3A_1072 = arith.subi %parallel_loop3A_1068, %parallel_loop3A_1071 : i32
      %parallel_loop3A_1073 = arith.cmpi ne, %parallel_loop3A_1065, %parallel_loop3A_1072 : i32
      %parallel_loop3A_1074 = arith.remsi %parallel_loop3A_1056, %parallel_loop3A_1057 : i32
      %parallel_loop3A_1075 = arith.constant 0 : i32
      %parallel_loop3A_1076 = arith.cmpi ne, %parallel_loop3A_1074, %parallel_loop3A_1075 : i32
      %parallel_loop3A_1077 = arith.andi %parallel_loop3A_1073, %parallel_loop3A_1076 : i1
      %parallel_loop3A_1078 = arith.constant 1 : i32
      %parallel_loop3A_1079 = arith.subi %parallel_loop3A_1058, %parallel_loop3A_1078 : i32
      %parallel_loop3A_1080 = arith.select %parallel_loop3A_1077, %parallel_loop3A_1079, %parallel_loop3A_1058 : i32
      %parallel_loop3A_1081 = arith.constant 64 : i32
      %parallel_loop3A_1082 = arith.constant 0 : i32
      %parallel_loop3A_1083 = arith.cmpi eq, %parallel_loop3A_1081, %parallel_loop3A_1082 : i32
      %parallel_loop3A_1084 = arith.constant 1 : i32
      %parallel_loop3A_1085 = arith.select %parallel_loop3A_1083, %parallel_loop3A_1084, %parallel_loop3A_1081 : i32
      %parallel_loop3A_1086 = arith.remsi %parallel_loop3A_1056, %parallel_loop3A_1085 : i32
      %parallel_loop3A_1087 = arith.constant 0 : i32
      %parallel_loop3A_1088 = arith.cmpi ne, %parallel_loop3A_1086, %parallel_loop3A_1087 : i32
      %parallel_loop3A_1089 = arith.constant 0 : i32
      %parallel_loop3A_1090 = arith.cmpi slt, %parallel_loop3A_1086, %parallel_loop3A_1089 : i32
      %parallel_loop3A_1091 = arith.constant 0 : i32
      %parallel_loop3A_1092 = arith.cmpi slt, %parallel_loop3A_1085, %parallel_loop3A_1091 : i32
      %parallel_loop3A_1093 = arith.xori %parallel_loop3A_1090, %parallel_loop3A_1092 : i1
      %parallel_loop3A_1094 = arith.andi %parallel_loop3A_1093, %parallel_loop3A_1088 : i1
      %parallel_loop3A_1095 = arith.addi %parallel_loop3A_1086, %parallel_loop3A_1085 : i32
      %parallel_loop3A_1096 = arith.select %parallel_loop3A_1094, %parallel_loop3A_1095, %parallel_loop3A_1086 : i32
      %parallel_loop3A_1097 = arith.constant 16 : i32
      %parallel_loop3A_1098 = arith.muli %parallel_loop3A_1096, %parallel_loop3A_1097 : i32
      %parallel_loop3A_1099 = arith.index_cast %parallel_loop3A_1080 : i32 to index
      %parallel_loop3A_1100 = arith.index_cast %parallel_loop3A_1098 : i32 to index
      %parallel_loop3A_1101 = tpu.vector_load %arg14[%parallel_loop3A_1099, %parallel_loop3A_1100] {strides = array<i32>} : memref<8x1024xf32, #tpu.memory_space<vmem>>, vector<1x16xf32>,
      %parallel_loop3A_1102 = vector.shape_cast %parallel_loop3A_1101 : vector<1x16xf32> to vector<16xf32>
      %parallel_loop3A_1103 = arith.index_cast %parallel_loop3A_1080 : i32 to index
      %parallel_loop3A_1104 = arith.index_cast %parallel_loop3A_1098 : i32 to index
      %parallel_loop3A_1105 = tpu.vector_load %arg10[%parallel_loop3A_1103, %parallel_loop3A_1104] {strides = array<i32>} : memref<8x1024xf32, #tpu.memory_space<vmem>>, vector<1x16xf32>,
      %parallel_loop3A_1106 = vector.shape_cast %parallel_loop3A_1105 : vector<1x16xf32> to vector<16xf32>
      %parallel_loop3A_1107 = vector.shape_cast %parallel_loop3A_1102 : vector<16xf32> to vector<1x16xf32>
      tpu.vector_store %arg10[%parallel_loop3A_1103, %parallel_loop3A_1104], %parallel_loop3A_1107 {add = true, strides = array<i32>} : memref<8x1024xf32, #tpu.memory_space<vmem>>, vector<1x16xf32>,
    } {sc.loop_unroll_factor = 8 : i64, sc.parallel_access}
    %add3A_800 = arith.constant 184 : i32
    %add3A_801 = arith.addi %mul3A_2, %add3A_800 : i32
    %dma_start3A_802 = arith.constant 0 : i32
    %dma_start3A_803 = tpu.memref_slice %arg5[%add3A_801, %dma_start3A_802] : memref<8192x1024xf32, #tpu.memory_space<hbm>> -> memref<8x1024xf32, #tpu.memory_space<hbm>>
    %dma_start3A_804 = arith.constant 0 : i32
    %dma_start3A_805 = tpu.memref_slice %arg5[%add3A_801, %dma_start3A_804] : memref<8192x1024xf32, #tpu.memory_space<hbm>> -> memref<8x1024xf32, #tpu.memory_space<hbm>>
    tpu.enqueue_dma source(%arg10 : memref<8x1024xf32, #tpu.memory_space<vmem>>) target(%dma_start3A_805 : memref<8x1024xf32, #tpu.memory_space<hbm>>) target_semaphore(%arg26 : memref<!tpu.dma_semaphore, #tpu.memory_space<semaphore_mem>>)
    %dma_wait3A_806 = arith.constant 0 : i32
    %dma_wait3A_807 = tpu.memref_slice %arg5[%add3A_768, %dma_wait3A_806] : memref<8192x1024xf32, #tpu.memory_space<hbm>> -> memref<8x1024xf32, #tpu.memory_space<hbm>>
    %dma_wait3A_808 = arith.constant 0 : i32
    %dma_wait3A_809 = tpu.memref_slice %arg5[%add3A_768, %dma_wait3A_808] : memref<8192x1024xf32, #tpu.memory_space<hbm>> -> memref<8x1024xf32, #tpu.memory_space<hbm>>
    tpu.wait_dma2 semaphore(%arg25 : memref<!tpu.dma_semaphore, #tpu.memory_space<semaphore_mem>>) src(%arg9 : memref<8x1024xf32, #tpu.memory_space<vmem>>) dst(%dma_wait3A_809 : memref<8x1024xf32, #tpu.memory_space<hbm>>)
    %add3A_810 = arith.constant 208 : i32
    %add3A_811 = arith.addi %mul3A_2, %add3A_810 : i32
    %dma_start3A_812 = arith.constant 0 : i32
    %dma_start3A_813 = tpu.memref_slice %arg2[%add3A_811, %dma_start3A_812] : memref<8192x1024xf32, #tpu.memory_space<hbm>> -> memref<8x1024xf32, #tpu.memory_space<hbm>>
    %dma_start3A_814 = arith.constant 0 : i32
    %dma_start3A_815 = tpu.memref_slice %arg2[%add3A_811, %dma_start3A_814] : memref<8192x1024xf32, #tpu.memory_space<hbm>> -> memref<8x1024xf32, #tpu.memory_space<hbm>>
    tpu.enqueue_dma source(%dma_start3A_815 : memref<8x1024xf32, #tpu.memory_space<hbm>>) target(%arg9 : memref<8x1024xf32, #tpu.memory_space<vmem>>) target_semaphore(%arg17 : memref<!tpu.dma_semaphore, #tpu.memory_space<semaphore_mem>>)
    %dma_start3A_816 = arith.constant 208 : i32
    %dma_start3A_817 = tpu.memref_slice %arg6[%dma_start3A_816] : memref<256xi32, #tpu.memory_space<vmem>> -> memref<8xi32, #tpu.memory_space<vmem>>
    %dma_start3A_818 = arith.constant 0 : i32
    %dma_start3A_819 = arith.constant 0 : i32
    %dma_start3A_820 = tpu.memref_slice %arg4[%dma_start3A_818, %dma_start3A_819] : memref<2048x1024xf32, #tpu.memory_space<hbm>> -> memref<2048x1024xf32, #tpu.memory_space<hbm>>
    tpu.enqueue_indirect_dma source(%dma_start3A_820 : memref<2048x1024xf32, #tpu.memory_space<hbm>>) target(%arg13 : memref<8x1024xf32, #tpu.memory_space<vmem>>) offsets(%dma_start3A_817 : memref<8xi32, #tpu.memory_space<vmem>>) semaphore(%arg21 : memref<!tpu.dma_semaphore, #tpu.memory_space<semaphore_mem>>)
    %dma_wait3A_821 = arith.constant 0 : i32
    %dma_wait3A_822 = tpu.memref_slice %arg2[%add3A_745, %dma_wait3A_821] : memref<8192x1024xf32, #tpu.memory_space<hbm>> -> memref<8x1024xf32, #tpu.memory_space<hbm>>
    %dma_wait3A_823 = arith.constant 0 : i32
    %dma_wait3A_824 = tpu.memref_slice %arg2[%add3A_745, %dma_wait3A_823] : memref<8192x1024xf32, #tpu.memory_space<hbm>> -> memref<8x1024xf32, #tpu.memory_space<hbm>>
    tpu.wait_dma2 semaphore(%arg15 : memref<!tpu.dma_semaphore, #tpu.memory_space<semaphore_mem>>) src(%dma_wait3A_824 : memref<8x1024xf32, #tpu.memory_space<hbm>>) dst(%arg7 : memref<8x1024xf32, #tpu.memory_space<vmem>>)
    %dma_wait3A_825 = arith.constant 192 : i32
    %dma_wait3A_826 = tpu.memref_slice %arg6[%dma_wait3A_825] : memref<256xi32, #tpu.memory_space<vmem>> -> memref<8xi32, #tpu.memory_space<vmem>>
    %dma_wait3A_827 = arith.constant 0 : i32
    %dma_wait3A_828 = arith.constant 0 : i32
    %dma_wait3A_829 = tpu.memref_slice %arg4[%dma_wait3A_827, %dma_wait3A_828] : memref<2048x1024xf32, #tpu.memory_space<hbm>> -> memref<2048x1024xf32, #tpu.memory_space<hbm>>
    tpu.wait_indirect_dma semaphore(%arg19 : memref<!tpu.dma_semaphore, #tpu.memory_space<semaphore_mem>>) src(%dma_wait3A_829 : memref<2048x1024xf32, #tpu.memory_space<hbm>>) dst(%arg11 : memref<8x1024xf32, #tpu.memory_space<vmem>>)
    %parallel_loop3A_830 = arith.constant 0 : i32
    %parallel_loop3A_831 = arith.constant 512 : i32
    %parallel_loop3A_832 = arith.constant 1 : i32
    scf.for %parallel_loop3A_1056 = %parallel_loop3A_830 to %parallel_loop3A_831 step %parallel_loop3A_832  : i32 {
      %parallel_loop3A_1057 = arith.constant 64 : i32
      %parallel_loop3A_1058 = arith.divsi %parallel_loop3A_1056, %parallel_loop3A_1057 : i32
      %parallel_loop3A_1059 = arith.constant 0 : i32
      %parallel_loop3A_1060 = arith.cmpi sgt, %parallel_loop3A_1056, %parallel_loop3A_1059 : i32
      %parallel_loop3A_1061 = arith.extui %parallel_loop3A_1060 : i1 to i32
      %parallel_loop3A_1062 = arith.constant 0 : i32
      %parallel_loop3A_1063 = arith.cmpi slt, %parallel_loop3A_1056, %parallel_loop3A_1062 : i32
      %parallel_loop3A_1064 = arith.extui %parallel_loop3A_1063 : i1 to i32
      %parallel_loop3A_1065 = arith.subi %parallel_loop3A_1061, %parallel_loop3A_1064 : i32
      %parallel_loop3A_1066 = arith.constant 0 : i32
      %parallel_loop3A_1067 = arith.cmpi sgt, %parallel_loop3A_1057, %parallel_loop3A_1066 : i32
      %parallel_loop3A_1068 = arith.extui %parallel_loop3A_1067 : i1 to i32
      %parallel_loop3A_1069 = arith.constant 0 : i32
      %parallel_loop3A_1070 = arith.cmpi slt, %parallel_loop3A_1057, %parallel_loop3A_1069 : i32
      %parallel_loop3A_1071 = arith.extui %parallel_loop3A_1070 : i1 to i32
      %parallel_loop3A_1072 = arith.subi %parallel_loop3A_1068, %parallel_loop3A_1071 : i32
      %parallel_loop3A_1073 = arith.cmpi ne, %parallel_loop3A_1065, %parallel_loop3A_1072 : i32
      %parallel_loop3A_1074 = arith.remsi %parallel_loop3A_1056, %parallel_loop3A_1057 : i32
      %parallel_loop3A_1075 = arith.constant 0 : i32
      %parallel_loop3A_1076 = arith.cmpi ne, %parallel_loop3A_1074, %parallel_loop3A_1075 : i32
      %parallel_loop3A_1077 = arith.andi %parallel_loop3A_1073, %parallel_loop3A_1076 : i1
      %parallel_loop3A_1078 = arith.constant 1 : i32
      %parallel_loop3A_1079 = arith.subi %parallel_loop3A_1058, %parallel_loop3A_1078 : i32
      %parallel_loop3A_1080 = arith.select %parallel_loop3A_1077, %parallel_loop3A_1079, %parallel_loop3A_1058 : i32
      %parallel_loop3A_1081 = arith.constant 64 : i32
      %parallel_loop3A_1082 = arith.constant 0 : i32
      %parallel_loop3A_1083 = arith.cmpi eq, %parallel_loop3A_1081, %parallel_loop3A_1082 : i32
      %parallel_loop3A_1084 = arith.constant 1 : i32
      %parallel_loop3A_1085 = arith.select %parallel_loop3A_1083, %parallel_loop3A_1084, %parallel_loop3A_1081 : i32
      %parallel_loop3A_1086 = arith.remsi %parallel_loop3A_1056, %parallel_loop3A_1085 : i32
      %parallel_loop3A_1087 = arith.constant 0 : i32
      %parallel_loop3A_1088 = arith.cmpi ne, %parallel_loop3A_1086, %parallel_loop3A_1087 : i32
      %parallel_loop3A_1089 = arith.constant 0 : i32
      %parallel_loop3A_1090 = arith.cmpi slt, %parallel_loop3A_1086, %parallel_loop3A_1089 : i32
      %parallel_loop3A_1091 = arith.constant 0 : i32
      %parallel_loop3A_1092 = arith.cmpi slt, %parallel_loop3A_1085, %parallel_loop3A_1091 : i32
      %parallel_loop3A_1093 = arith.xori %parallel_loop3A_1090, %parallel_loop3A_1092 : i1
      %parallel_loop3A_1094 = arith.andi %parallel_loop3A_1093, %parallel_loop3A_1088 : i1
      %parallel_loop3A_1095 = arith.addi %parallel_loop3A_1086, %parallel_loop3A_1085 : i32
      %parallel_loop3A_1096 = arith.select %parallel_loop3A_1094, %parallel_loop3A_1095, %parallel_loop3A_1086 : i32
      %parallel_loop3A_1097 = arith.constant 16 : i32
      %parallel_loop3A_1098 = arith.muli %parallel_loop3A_1096, %parallel_loop3A_1097 : i32
      %parallel_loop3A_1099 = arith.index_cast %parallel_loop3A_1080 : i32 to index
      %parallel_loop3A_1100 = arith.index_cast %parallel_loop3A_1098 : i32 to index
      %parallel_loop3A_1101 = tpu.vector_load %arg11[%parallel_loop3A_1099, %parallel_loop3A_1100] {strides = array<i32>} : memref<8x1024xf32, #tpu.memory_space<vmem>>, vector<1x16xf32>,
      %parallel_loop3A_1102 = vector.shape_cast %parallel_loop3A_1101 : vector<1x16xf32> to vector<16xf32>
      %parallel_loop3A_1103 = arith.index_cast %parallel_loop3A_1080 : i32 to index
      %parallel_loop3A_1104 = arith.index_cast %parallel_loop3A_1098 : i32 to index
      %parallel_loop3A_1105 = tpu.vector_load %arg7[%parallel_loop3A_1103, %parallel_loop3A_1104] {strides = array<i32>} : memref<8x1024xf32, #tpu.memory_space<vmem>>, vector<1x16xf32>,
      %parallel_loop3A_1106 = vector.shape_cast %parallel_loop3A_1105 : vector<1x16xf32> to vector<16xf32>
      %parallel_loop3A_1107 = vector.shape_cast %parallel_loop3A_1102 : vector<16xf32> to vector<1x16xf32>
      tpu.vector_store %arg7[%parallel_loop3A_1103, %parallel_loop3A_1104], %parallel_loop3A_1107 {add = true, strides = array<i32>} : memref<8x1024xf32, #tpu.memory_space<vmem>>, vector<1x16xf32>,
    } {sc.loop_unroll_factor = 8 : i64, sc.parallel_access}
    %add3A_833 = arith.constant 192 : i32
    %add3A_834 = arith.addi %mul3A_2, %add3A_833 : i32
    %dma_start3A_835 = arith.constant 0 : i32
    %dma_start3A_836 = tpu.memref_slice %arg5[%add3A_834, %dma_start3A_835] : memref<8192x1024xf32, #tpu.memory_space<hbm>> -> memref<8x1024xf32, #tpu.memory_space<hbm>>
    %dma_start3A_837 = arith.constant 0 : i32
    %dma_start3A_838 = tpu.memref_slice %arg5[%add3A_834, %dma_start3A_837] : memref<8192x1024xf32, #tpu.memory_space<hbm>> -> memref<8x1024xf32, #tpu.memory_space<hbm>>
    tpu.enqueue_dma source(%arg7 : memref<8x1024xf32, #tpu.memory_space<vmem>>) target(%dma_start3A_838 : memref<8x1024xf32, #tpu.memory_space<hbm>>) target_semaphore(%arg23 : memref<!tpu.dma_semaphore, #tpu.memory_space<semaphore_mem>>)
    %dma_wait3A_839 = arith.constant 0 : i32
    %dma_wait3A_840 = tpu.memref_slice %arg5[%add3A_801, %dma_wait3A_839] : memref<8192x1024xf32, #tpu.memory_space<hbm>> -> memref<8x1024xf32, #tpu.memory_space<hbm>>
    %dma_wait3A_841 = arith.constant 0 : i32
    %dma_wait3A_842 = tpu.memref_slice %arg5[%add3A_801, %dma_wait3A_841] : memref<8192x1024xf32, #tpu.memory_space<hbm>> -> memref<8x1024xf32, #tpu.memory_space<hbm>>
    tpu.wait_dma2 semaphore(%arg26 : memref<!tpu.dma_semaphore, #tpu.memory_space<semaphore_mem>>) src(%arg10 : memref<8x1024xf32, #tpu.memory_space<vmem>>) dst(%dma_wait3A_842 : memref<8x1024xf32, #tpu.memory_space<hbm>>)
    %add3A_843 = arith.constant 216 : i32
    %add3A_844 = arith.addi %mul3A_2, %add3A_843 : i32
    %dma_start3A_845 = arith.constant 0 : i32
    %dma_start3A_846 = tpu.memref_slice %arg2[%add3A_844, %dma_start3A_845] : memref<8192x1024xf32, #tpu.memory_space<hbm>> -> memref<8x1024xf32, #tpu.memory_space<hbm>>
    %dma_start3A_847 = arith.constant 0 : i32
    %dma_start3A_848 = tpu.memref_slice %arg2[%add3A_844, %dma_start3A_847] : memref<8192x1024xf32, #tpu.memory_space<hbm>> -> memref<8x1024xf32, #tpu.memory_space<hbm>>
    tpu.enqueue_dma source(%dma_start3A_848 : memref<8x1024xf32, #tpu.memory_space<hbm>>) target(%arg10 : memref<8x1024xf32, #tpu.memory_space<vmem>>) target_semaphore(%arg18 : memref<!tpu.dma_semaphore, #tpu.memory_space<semaphore_mem>>)
    %dma_start3A_849 = arith.constant 216 : i32
    %dma_start3A_850 = tpu.memref_slice %arg6[%dma_start3A_849] : memref<256xi32, #tpu.memory_space<vmem>> -> memref<8xi32, #tpu.memory_space<vmem>>
    %dma_start3A_851 = arith.constant 0 : i32
    %dma_start3A_852 = arith.constant 0 : i32
    %dma_start3A_853 = tpu.memref_slice %arg4[%dma_start3A_851, %dma_start3A_852] : memref<2048x1024xf32, #tpu.memory_space<hbm>> -> memref<2048x1024xf32, #tpu.memory_space<hbm>>
    tpu.enqueue_indirect_dma source(%dma_start3A_853 : memref<2048x1024xf32, #tpu.memory_space<hbm>>) target(%arg14 : memref<8x1024xf32, #tpu.memory_space<vmem>>) offsets(%dma_start3A_850 : memref<8xi32, #tpu.memory_space<vmem>>) semaphore(%arg22 : memref<!tpu.dma_semaphore, #tpu.memory_space<semaphore_mem>>)
    %dma_wait3A_854 = arith.constant 0 : i32
    %dma_wait3A_855 = tpu.memref_slice %arg2[%add3A_778, %dma_wait3A_854] : memref<8192x1024xf32, #tpu.memory_space<hbm>> -> memref<8x1024xf32, #tpu.memory_space<hbm>>
    %dma_wait3A_856 = arith.constant 0 : i32
    %dma_wait3A_857 = tpu.memref_slice %arg2[%add3A_778, %dma_wait3A_856] : memref<8192x1024xf32, #tpu.memory_space<hbm>> -> memref<8x1024xf32, #tpu.memory_space<hbm>>
    tpu.wait_dma2 semaphore(%arg16 : memref<!tpu.dma_semaphore, #tpu.memory_space<semaphore_mem>>) src(%dma_wait3A_857 : memref<8x1024xf32, #tpu.memory_space<hbm>>) dst(%arg8 : memref<8x1024xf32, #tpu.memory_space<vmem>>)
    %dma_wait3A_858 = arith.constant 200 : i32
    %dma_wait3A_859 = tpu.memref_slice %arg6[%dma_wait3A_858] : memref<256xi32, #tpu.memory_space<vmem>> -> memref<8xi32, #tpu.memory_space<vmem>>
    %dma_wait3A_860 = arith.constant 0 : i32
    %dma_wait3A_861 = arith.constant 0 : i32
    %dma_wait3A_862 = tpu.memref_slice %arg4[%dma_wait3A_860, %dma_wait3A_861] : memref<2048x1024xf32, #tpu.memory_space<hbm>> -> memref<2048x1024xf32, #tpu.memory_space<hbm>>
    tpu.wait_indirect_dma semaphore(%arg20 : memref<!tpu.dma_semaphore, #tpu.memory_space<semaphore_mem>>) src(%dma_wait3A_862 : memref<2048x1024xf32, #tpu.memory_space<hbm>>) dst(%arg12 : memref<8x1024xf32, #tpu.memory_space<vmem>>)
    %parallel_loop3A_863 = arith.constant 0 : i32
    %parallel_loop3A_864 = arith.constant 512 : i32
    %parallel_loop3A_865 = arith.constant 1 : i32
    scf.for %parallel_loop3A_1056 = %parallel_loop3A_863 to %parallel_loop3A_864 step %parallel_loop3A_865  : i32 {
      %parallel_loop3A_1057 = arith.constant 64 : i32
      %parallel_loop3A_1058 = arith.divsi %parallel_loop3A_1056, %parallel_loop3A_1057 : i32
      %parallel_loop3A_1059 = arith.constant 0 : i32
      %parallel_loop3A_1060 = arith.cmpi sgt, %parallel_loop3A_1056, %parallel_loop3A_1059 : i32
      %parallel_loop3A_1061 = arith.extui %parallel_loop3A_1060 : i1 to i32
      %parallel_loop3A_1062 = arith.constant 0 : i32
      %parallel_loop3A_1063 = arith.cmpi slt, %parallel_loop3A_1056, %parallel_loop3A_1062 : i32
      %parallel_loop3A_1064 = arith.extui %parallel_loop3A_1063 : i1 to i32
      %parallel_loop3A_1065 = arith.subi %parallel_loop3A_1061, %parallel_loop3A_1064 : i32
      %parallel_loop3A_1066 = arith.constant 0 : i32
      %parallel_loop3A_1067 = arith.cmpi sgt, %parallel_loop3A_1057, %parallel_loop3A_1066 : i32
      %parallel_loop3A_1068 = arith.extui %parallel_loop3A_1067 : i1 to i32
      %parallel_loop3A_1069 = arith.constant 0 : i32
      %parallel_loop3A_1070 = arith.cmpi slt, %parallel_loop3A_1057, %parallel_loop3A_1069 : i32
      %parallel_loop3A_1071 = arith.extui %parallel_loop3A_1070 : i1 to i32
      %parallel_loop3A_1072 = arith.subi %parallel_loop3A_1068, %parallel_loop3A_1071 : i32
      %parallel_loop3A_1073 = arith.cmpi ne, %parallel_loop3A_1065, %parallel_loop3A_1072 : i32
      %parallel_loop3A_1074 = arith.remsi %parallel_loop3A_1056, %parallel_loop3A_1057 : i32
      %parallel_loop3A_1075 = arith.constant 0 : i32
      %parallel_loop3A_1076 = arith.cmpi ne, %parallel_loop3A_1074, %parallel_loop3A_1075 : i32
      %parallel_loop3A_1077 = arith.andi %parallel_loop3A_1073, %parallel_loop3A_1076 : i1
      %parallel_loop3A_1078 = arith.constant 1 : i32
      %parallel_loop3A_1079 = arith.subi %parallel_loop3A_1058, %parallel_loop3A_1078 : i32
      %parallel_loop3A_1080 = arith.select %parallel_loop3A_1077, %parallel_loop3A_1079, %parallel_loop3A_1058 : i32
      %parallel_loop3A_1081 = arith.constant 64 : i32
      %parallel_loop3A_1082 = arith.constant 0 : i32
      %parallel_loop3A_1083 = arith.cmpi eq, %parallel_loop3A_1081, %parallel_loop3A_1082 : i32
      %parallel_loop3A_1084 = arith.constant 1 : i32
      %parallel_loop3A_1085 = arith.select %parallel_loop3A_1083, %parallel_loop3A_1084, %parallel_loop3A_1081 : i32
      %parallel_loop3A_1086 = arith.remsi %parallel_loop3A_1056, %parallel_loop3A_1085 : i32
      %parallel_loop3A_1087 = arith.constant 0 : i32
      %parallel_loop3A_1088 = arith.cmpi ne, %parallel_loop3A_1086, %parallel_loop3A_1087 : i32
      %parallel_loop3A_1089 = arith.constant 0 : i32
      %parallel_loop3A_1090 = arith.cmpi slt, %parallel_loop3A_1086, %parallel_loop3A_1089 : i32
      %parallel_loop3A_1091 = arith.constant 0 : i32
      %parallel_loop3A_1092 = arith.cmpi slt, %parallel_loop3A_1085, %parallel_loop3A_1091 : i32
      %parallel_loop3A_1093 = arith.xori %parallel_loop3A_1090, %parallel_loop3A_1092 : i1
      %parallel_loop3A_1094 = arith.andi %parallel_loop3A_1093, %parallel_loop3A_1088 : i1
      %parallel_loop3A_1095 = arith.addi %parallel_loop3A_1086, %parallel_loop3A_1085 : i32
      %parallel_loop3A_1096 = arith.select %parallel_loop3A_1094, %parallel_loop3A_1095, %parallel_loop3A_1086 : i32
      %parallel_loop3A_1097 = arith.constant 16 : i32
      %parallel_loop3A_1098 = arith.muli %parallel_loop3A_1096, %parallel_loop3A_1097 : i32
      %parallel_loop3A_1099 = arith.index_cast %parallel_loop3A_1080 : i32 to index
      %parallel_loop3A_1100 = arith.index_cast %parallel_loop3A_1098 : i32 to index
      %parallel_loop3A_1101 = tpu.vector_load %arg12[%parallel_loop3A_1099, %parallel_loop3A_1100] {strides = array<i32>} : memref<8x1024xf32, #tpu.memory_space<vmem>>, vector<1x16xf32>,
      %parallel_loop3A_1102 = vector.shape_cast %parallel_loop3A_1101 : vector<1x16xf32> to vector<16xf32>
      %parallel_loop3A_1103 = arith.index_cast %parallel_loop3A_1080 : i32 to index
      %parallel_loop3A_1104 = arith.index_cast %parallel_loop3A_1098 : i32 to index
      %parallel_loop3A_1105 = tpu.vector_load %arg8[%parallel_loop3A_1103, %parallel_loop3A_1104] {strides = array<i32>} : memref<8x1024xf32, #tpu.memory_space<vmem>>, vector<1x16xf32>,
      %parallel_loop3A_1106 = vector.shape_cast %parallel_loop3A_1105 : vector<1x16xf32> to vector<16xf32>
      %parallel_loop3A_1107 = vector.shape_cast %parallel_loop3A_1102 : vector<16xf32> to vector<1x16xf32>
      tpu.vector_store %arg8[%parallel_loop3A_1103, %parallel_loop3A_1104], %parallel_loop3A_1107 {add = true, strides = array<i32>} : memref<8x1024xf32, #tpu.memory_space<vmem>>, vector<1x16xf32>,
    } {sc.loop_unroll_factor = 8 : i64, sc.parallel_access}
    %add3A_866 = arith.constant 200 : i32
    %add3A_867 = arith.addi %mul3A_2, %add3A_866 : i32
    %dma_start3A_868 = arith.constant 0 : i32
    %dma_start3A_869 = tpu.memref_slice %arg5[%add3A_867, %dma_start3A_868] : memref<8192x1024xf32, #tpu.memory_space<hbm>> -> memref<8x1024xf32, #tpu.memory_space<hbm>>
    %dma_start3A_870 = arith.constant 0 : i32
    %dma_start3A_871 = tpu.memref_slice %arg5[%add3A_867, %dma_start3A_870] : memref<8192x1024xf32, #tpu.memory_space<hbm>> -> memref<8x1024xf32, #tpu.memory_space<hbm>>
    tpu.enqueue_dma source(%arg8 : memref<8x1024xf32, #tpu.memory_space<vmem>>) target(%dma_start3A_871 : memref<8x1024xf32, #tpu.memory_space<hbm>>) target_semaphore(%arg24 : memref<!tpu.dma_semaphore, #tpu.memory_space<semaphore_mem>>)
    %dma_wait3A_872 = arith.constant 0 : i32
    %dma_wait3A_873 = tpu.memref_slice %arg5[%add3A_834, %dma_wait3A_872] : memref<8192x1024xf32, #tpu.memory_space<hbm>> -> memref<8x1024xf32, #tpu.memory_space<hbm>>
    %dma_wait3A_874 = arith.constant 0 : i32
    %dma_wait3A_875 = tpu.memref_slice %arg5[%add3A_834, %dma_wait3A_874] : memref<8192x1024xf32, #tpu.memory_space<hbm>> -> memref<8x1024xf32, #tpu.memory_space<hbm>>
    tpu.wait_dma2 semaphore(%arg23 : memref<!tpu.dma_semaphore, #tpu.memory_space<semaphore_mem>>) src(%arg7 : memref<8x1024xf32, #tpu.memory_space<vmem>>) dst(%dma_wait3A_875 : memref<8x1024xf32, #tpu.memory_space<hbm>>)
    %add3A_876 = arith.constant 224 : i32
    %add3A_877 = arith.addi %mul3A_2, %add3A_876 : i32
    %dma_start3A_878 = arith.constant 0 : i32
    %dma_start3A_879 = tpu.memref_slice %arg2[%add3A_877, %dma_start3A_878] : memref<8192x1024xf32, #tpu.memory_space<hbm>> -> memref<8x1024xf32, #tpu.memory_space<hbm>>
    %dma_start3A_880 = arith.constant 0 : i32
    %dma_start3A_881 = tpu.memref_slice %arg2[%add3A_877, %dma_start3A_880] : memref<8192x1024xf32, #tpu.memory_space<hbm>> -> memref<8x1024xf32, #tpu.memory_space<hbm>>
    tpu.enqueue_dma source(%dma_start3A_881 : memref<8x1024xf32, #tpu.memory_space<hbm>>) target(%arg7 : memref<8x1024xf32, #tpu.memory_space<vmem>>) target_semaphore(%arg15 : memref<!tpu.dma_semaphore, #tpu.memory_space<semaphore_mem>>)
    %dma_start3A_882 = arith.constant 224 : i32
    %dma_start3A_883 = tpu.memref_slice %arg6[%dma_start3A_882] : memref<256xi32, #tpu.memory_space<vmem>> -> memref<8xi32, #tpu.memory_space<vmem>>
    %dma_start3A_884 = arith.constant 0 : i32
    %dma_start3A_885 = arith.constant 0 : i32
    %dma_start3A_886 = tpu.memref_slice %arg4[%dma_start3A_884, %dma_start3A_885] : memref<2048x1024xf32, #tpu.memory_space<hbm>> -> memref<2048x1024xf32, #tpu.memory_space<hbm>>
    tpu.enqueue_indirect_dma source(%dma_start3A_886 : memref<2048x1024xf32, #tpu.memory_space<hbm>>) target(%arg11 : memref<8x1024xf32, #tpu.memory_space<vmem>>) offsets(%dma_start3A_883 : memref<8xi32, #tpu.memory_space<vmem>>) semaphore(%arg19 : memref<!tpu.dma_semaphore, #tpu.memory_space<semaphore_mem>>)
    %dma_wait3A_887 = arith.constant 0 : i32
    %dma_wait3A_888 = tpu.memref_slice %arg2[%add3A_811, %dma_wait3A_887] : memref<8192x1024xf32, #tpu.memory_space<hbm>> -> memref<8x1024xf32, #tpu.memory_space<hbm>>
    %dma_wait3A_889 = arith.constant 0 : i32
    %dma_wait3A_890 = tpu.memref_slice %arg2[%add3A_811, %dma_wait3A_889] : memref<8192x1024xf32, #tpu.memory_space<hbm>> -> memref<8x1024xf32, #tpu.memory_space<hbm>>
    tpu.wait_dma2 semaphore(%arg17 : memref<!tpu.dma_semaphore, #tpu.memory_space<semaphore_mem>>) src(%dma_wait3A_890 : memref<8x1024xf32, #tpu.memory_space<hbm>>) dst(%arg9 : memref<8x1024xf32, #tpu.memory_space<vmem>>)
    %dma_wait3A_891 = arith.constant 208 : i32
    %dma_wait3A_892 = tpu.memref_slice %arg6[%dma_wait3A_891] : memref<256xi32, #tpu.memory_space<vmem>> -> memref<8xi32, #tpu.memory_space<vmem>>
    %dma_wait3A_893 = arith.constant 0 : i32
    %dma_wait3A_894 = arith.constant 0 : i32
    %dma_wait3A_895 = tpu.memref_slice %arg4[%dma_wait3A_893, %dma_wait3A_894] : memref<2048x1024xf32, #tpu.memory_space<hbm>> -> memref<2048x1024xf32, #tpu.memory_space<hbm>>
    tpu.wait_indirect_dma semaphore(%arg21 : memref<!tpu.dma_semaphore, #tpu.memory_space<semaphore_mem>>) src(%dma_wait3A_895 : memref<2048x1024xf32, #tpu.memory_space<hbm>>) dst(%arg13 : memref<8x1024xf32, #tpu.memory_space<vmem>>)
    %parallel_loop3A_896 = arith.constant 0 : i32
    %parallel_loop3A_897 = arith.constant 512 : i32
    %parallel_loop3A_898 = arith.constant 1 : i32
    scf.for %parallel_loop3A_1056 = %parallel_loop3A_896 to %parallel_loop3A_897 step %parallel_loop3A_898  : i32 {
      %parallel_loop3A_1057 = arith.constant 64 : i32
      %parallel_loop3A_1058 = arith.divsi %parallel_loop3A_1056, %parallel_loop3A_1057 : i32
      %parallel_loop3A_1059 = arith.constant 0 : i32
      %parallel_loop3A_1060 = arith.cmpi sgt, %parallel_loop3A_1056, %parallel_loop3A_1059 : i32
      %parallel_loop3A_1061 = arith.extui %parallel_loop3A_1060 : i1 to i32
      %parallel_loop3A_1062 = arith.constant 0 : i32
      %parallel_loop3A_1063 = arith.cmpi slt, %parallel_loop3A_1056, %parallel_loop3A_1062 : i32
      %parallel_loop3A_1064 = arith.extui %parallel_loop3A_1063 : i1 to i32
      %parallel_loop3A_1065 = arith.subi %parallel_loop3A_1061, %parallel_loop3A_1064 : i32
      %parallel_loop3A_1066 = arith.constant 0 : i32
      %parallel_loop3A_1067 = arith.cmpi sgt, %parallel_loop3A_1057, %parallel_loop3A_1066 : i32
      %parallel_loop3A_1068 = arith.extui %parallel_loop3A_1067 : i1 to i32
      %parallel_loop3A_1069 = arith.constant 0 : i32
      %parallel_loop3A_1070 = arith.cmpi slt, %parallel_loop3A_1057, %parallel_loop3A_1069 : i32
      %parallel_loop3A_1071 = arith.extui %parallel_loop3A_1070 : i1 to i32
      %parallel_loop3A_1072 = arith.subi %parallel_loop3A_1068, %parallel_loop3A_1071 : i32
      %parallel_loop3A_1073 = arith.cmpi ne, %parallel_loop3A_1065, %parallel_loop3A_1072 : i32
      %parallel_loop3A_1074 = arith.remsi %parallel_loop3A_1056, %parallel_loop3A_1057 : i32
      %parallel_loop3A_1075 = arith.constant 0 : i32
      %parallel_loop3A_1076 = arith.cmpi ne, %parallel_loop3A_1074, %parallel_loop3A_1075 : i32
      %parallel_loop3A_1077 = arith.andi %parallel_loop3A_1073, %parallel_loop3A_1076 : i1
      %parallel_loop3A_1078 = arith.constant 1 : i32
      %parallel_loop3A_1079 = arith.subi %parallel_loop3A_1058, %parallel_loop3A_1078 : i32
      %parallel_loop3A_1080 = arith.select %parallel_loop3A_1077, %parallel_loop3A_1079, %parallel_loop3A_1058 : i32
      %parallel_loop3A_1081 = arith.constant 64 : i32
      %parallel_loop3A_1082 = arith.constant 0 : i32
      %parallel_loop3A_1083 = arith.cmpi eq, %parallel_loop3A_1081, %parallel_loop3A_1082 : i32
      %parallel_loop3A_1084 = arith.constant 1 : i32
      %parallel_loop3A_1085 = arith.select %parallel_loop3A_1083, %parallel_loop3A_1084, %parallel_loop3A_1081 : i32
      %parallel_loop3A_1086 = arith.remsi %parallel_loop3A_1056, %parallel_loop3A_1085 : i32
      %parallel_loop3A_1087 = arith.constant 0 : i32
      %parallel_loop3A_1088 = arith.cmpi ne, %parallel_loop3A_1086, %parallel_loop3A_1087 : i32
      %parallel_loop3A_1089 = arith.constant 0 : i32
      %parallel_loop3A_1090 = arith.cmpi slt, %parallel_loop3A_1086, %parallel_loop3A_1089 : i32
      %parallel_loop3A_1091 = arith.constant 0 : i32
      %parallel_loop3A_1092 = arith.cmpi slt, %parallel_loop3A_1085, %parallel_loop3A_1091 : i32
      %parallel_loop3A_1093 = arith.xori %parallel_loop3A_1090, %parallel_loop3A_1092 : i1
      %parallel_loop3A_1094 = arith.andi %parallel_loop3A_1093, %parallel_loop3A_1088 : i1
      %parallel_loop3A_1095 = arith.addi %parallel_loop3A_1086, %parallel_loop3A_1085 : i32
      %parallel_loop3A_1096 = arith.select %parallel_loop3A_1094, %parallel_loop3A_1095, %parallel_loop3A_1086 : i32
      %parallel_loop3A_1097 = arith.constant 16 : i32
      %parallel_loop3A_1098 = arith.muli %parallel_loop3A_1096, %parallel_loop3A_1097 : i32
      %parallel_loop3A_1099 = arith.index_cast %parallel_loop3A_1080 : i32 to index
      %parallel_loop3A_1100 = arith.index_cast %parallel_loop3A_1098 : i32 to index
      %parallel_loop3A_1101 = tpu.vector_load %arg13[%parallel_loop3A_1099, %parallel_loop3A_1100] {strides = array<i32>} : memref<8x1024xf32, #tpu.memory_space<vmem>>, vector<1x16xf32>,
      %parallel_loop3A_1102 = vector.shape_cast %parallel_loop3A_1101 : vector<1x16xf32> to vector<16xf32>
      %parallel_loop3A_1103 = arith.index_cast %parallel_loop3A_1080 : i32 to index
      %parallel_loop3A_1104 = arith.index_cast %parallel_loop3A_1098 : i32 to index
      %parallel_loop3A_1105 = tpu.vector_load %arg9[%parallel_loop3A_1103, %parallel_loop3A_1104] {strides = array<i32>} : memref<8x1024xf32, #tpu.memory_space<vmem>>, vector<1x16xf32>,
      %parallel_loop3A_1106 = vector.shape_cast %parallel_loop3A_1105 : vector<1x16xf32> to vector<16xf32>
      %parallel_loop3A_1107 = vector.shape_cast %parallel_loop3A_1102 : vector<16xf32> to vector<1x16xf32>
      tpu.vector_store %arg9[%parallel_loop3A_1103, %parallel_loop3A_1104], %parallel_loop3A_1107 {add = true, strides = array<i32>} : memref<8x1024xf32, #tpu.memory_space<vmem>>, vector<1x16xf32>,
    } {sc.loop_unroll_factor = 8 : i64, sc.parallel_access}
    %add3A_899 = arith.constant 208 : i32
    %add3A_900 = arith.addi %mul3A_2, %add3A_899 : i32
    %dma_start3A_901 = arith.constant 0 : i32
    %dma_start3A_902 = tpu.memref_slice %arg5[%add3A_900, %dma_start3A_901] : memref<8192x1024xf32, #tpu.memory_space<hbm>> -> memref<8x1024xf32, #tpu.memory_space<hbm>>
    %dma_start3A_903 = arith.constant 0 : i32
    %dma_start3A_904 = tpu.memref_slice %arg5[%add3A_900, %dma_start3A_903] : memref<8192x1024xf32, #tpu.memory_space<hbm>> -> memref<8x1024xf32, #tpu.memory_space<hbm>>
    tpu.enqueue_dma source(%arg9 : memref<8x1024xf32, #tpu.memory_space<vmem>>) target(%dma_start3A_904 : memref<8x1024xf32, #tpu.memory_space<hbm>>) target_semaphore(%arg25 : memref<!tpu.dma_semaphore, #tpu.memory_space<semaphore_mem>>)
    %dma_wait3A_905 = arith.constant 0 : i32
    %dma_wait3A_906 = tpu.memref_slice %arg5[%add3A_867, %dma_wait3A_905] : memref<8192x1024xf32, #tpu.memory_space<hbm>> -> memref<8x1024xf32, #tpu.memory_space<hbm>>
    %dma_wait3A_907 = arith.constant 0 : i32
    %dma_wait3A_908 = tpu.memref_slice %arg5[%add3A_867, %dma_wait3A_907] : memref<8192x1024xf32, #tpu.memory_space<hbm>> -> memref<8x1024xf32, #tpu.memory_space<hbm>>
    tpu.wait_dma2 semaphore(%arg24 : memref<!tpu.dma_semaphore, #tpu.memory_space<semaphore_mem>>) src(%arg8 : memref<8x1024xf32, #tpu.memory_space<vmem>>) dst(%dma_wait3A_908 : memref<8x1024xf32, #tpu.memory_space<hbm>>)
    %add3A_909 = arith.constant 232 : i32
    %add3A_910 = arith.addi %mul3A_2, %add3A_909 : i32
    %dma_start3A_911 = arith.constant 0 : i32
    %dma_start3A_912 = tpu.memref_slice %arg2[%add3A_910, %dma_start3A_911] : memref<8192x1024xf32, #tpu.memory_space<hbm>> -> memref<8x1024xf32, #tpu.memory_space<hbm>>
    %dma_start3A_913 = arith.constant 0 : i32
    %dma_start3A_914 = tpu.memref_slice %arg2[%add3A_910, %dma_start3A_913] : memref<8192x1024xf32, #tpu.memory_space<hbm>> -> memref<8x1024xf32, #tpu.memory_space<hbm>>
    tpu.enqueue_dma source(%dma_start3A_914 : memref<8x1024xf32, #tpu.memory_space<hbm>>) target(%arg8 : memref<8x1024xf32, #tpu.memory_space<vmem>>) target_semaphore(%arg16 : memref<!tpu.dma_semaphore, #tpu.memory_space<semaphore_mem>>)
    %dma_start3A_915 = arith.constant 232 : i32
    %dma_start3A_916 = tpu.memref_slice %arg6[%dma_start3A_915] : memref<256xi32, #tpu.memory_space<vmem>> -> memref<8xi32, #tpu.memory_space<vmem>>
    %dma_start3A_917 = arith.constant 0 : i32
    %dma_start3A_918 = arith.constant 0 : i32
    %dma_start3A_919 = tpu.memref_slice %arg4[%dma_start3A_917, %dma_start3A_918] : memref<2048x1024xf32, #tpu.memory_space<hbm>> -> memref<2048x1024xf32, #tpu.memory_space<hbm>>
    tpu.enqueue_indirect_dma source(%dma_start3A_919 : memref<2048x1024xf32, #tpu.memory_space<hbm>>) target(%arg12 : memref<8x1024xf32, #tpu.memory_space<vmem>>) offsets(%dma_start3A_916 : memref<8xi32, #tpu.memory_space<vmem>>) semaphore(%arg20 : memref<!tpu.dma_semaphore, #tpu.memory_space<semaphore_mem>>)
    %dma_wait3A_920 = arith.constant 0 : i32
    %dma_wait3A_921 = tpu.memref_slice %arg2[%add3A_844, %dma_wait3A_920] : memref<8192x1024xf32, #tpu.memory_space<hbm>> -> memref<8x1024xf32, #tpu.memory_space<hbm>>
    %dma_wait3A_922 = arith.constant 0 : i32
    %dma_wait3A_923 = tpu.memref_slice %arg2[%add3A_844, %dma_wait3A_922] : memref<8192x1024xf32, #tpu.memory_space<hbm>> -> memref<8x1024xf32, #tpu.memory_space<hbm>>
    tpu.wait_dma2 semaphore(%arg18 : memref<!tpu.dma_semaphore, #tpu.memory_space<semaphore_mem>>) src(%dma_wait3A_923 : memref<8x1024xf32, #tpu.memory_space<hbm>>) dst(%arg10 : memref<8x1024xf32, #tpu.memory_space<vmem>>)
    %dma_wait3A_924 = arith.constant 216 : i32
    %dma_wait3A_925 = tpu.memref_slice %arg6[%dma_wait3A_924] : memref<256xi32, #tpu.memory_space<vmem>> -> memref<8xi32, #tpu.memory_space<vmem>>
    %dma_wait3A_926 = arith.constant 0 : i32
    %dma_wait3A_927 = arith.constant 0 : i32
    %dma_wait3A_928 = tpu.memref_slice %arg4[%dma_wait3A_926, %dma_wait3A_927] : memref<2048x1024xf32, #tpu.memory_space<hbm>> -> memref<2048x1024xf32, #tpu.memory_space<hbm>>
    tpu.wait_indirect_dma semaphore(%arg22 : memref<!tpu.dma_semaphore, #tpu.memory_space<semaphore_mem>>) src(%dma_wait3A_928 : memref<2048x1024xf32, #tpu.memory_space<hbm>>) dst(%arg14 : memref<8x1024xf32, #tpu.memory_space<vmem>>)
    %parallel_loop3A_929 = arith.constant 0 : i32
    %parallel_loop3A_930 = arith.constant 512 : i32
    %parallel_loop3A_931 = arith.constant 1 : i32
    scf.for %parallel_loop3A_1056 = %parallel_loop3A_929 to %parallel_loop3A_930 step %parallel_loop3A_931  : i32 {
      %parallel_loop3A_1057 = arith.constant 64 : i32
      %parallel_loop3A_1058 = arith.divsi %parallel_loop3A_1056, %parallel_loop3A_1057 : i32
      %parallel_loop3A_1059 = arith.constant 0 : i32
      %parallel_loop3A_1060 = arith.cmpi sgt, %parallel_loop3A_1056, %parallel_loop3A_1059 : i32
      %parallel_loop3A_1061 = arith.extui %parallel_loop3A_1060 : i1 to i32
      %parallel_loop3A_1062 = arith.constant 0 : i32
      %parallel_loop3A_1063 = arith.cmpi slt, %parallel_loop3A_1056, %parallel_loop3A_1062 : i32
      %parallel_loop3A_1064 = arith.extui %parallel_loop3A_1063 : i1 to i32
      %parallel_loop3A_1065 = arith.subi %parallel_loop3A_1061, %parallel_loop3A_1064 : i32
      %parallel_loop3A_1066 = arith.constant 0 : i32
      %parallel_loop3A_1067 = arith.cmpi sgt, %parallel_loop3A_1057, %parallel_loop3A_1066 : i32
      %parallel_loop3A_1068 = arith.extui %parallel_loop3A_1067 : i1 to i32
      %parallel_loop3A_1069 = arith.constant 0 : i32
      %parallel_loop3A_1070 = arith.cmpi slt, %parallel_loop3A_1057, %parallel_loop3A_1069 : i32
      %parallel_loop3A_1071 = arith.extui %parallel_loop3A_1070 : i1 to i32
      %parallel_loop3A_1072 = arith.subi %parallel_loop3A_1068, %parallel_loop3A_1071 : i32
      %parallel_loop3A_1073 = arith.cmpi ne, %parallel_loop3A_1065, %parallel_loop3A_1072 : i32
      %parallel_loop3A_1074 = arith.remsi %parallel_loop3A_1056, %parallel_loop3A_1057 : i32
      %parallel_loop3A_1075 = arith.constant 0 : i32
      %parallel_loop3A_1076 = arith.cmpi ne, %parallel_loop3A_1074, %parallel_loop3A_1075 : i32
      %parallel_loop3A_1077 = arith.andi %parallel_loop3A_1073, %parallel_loop3A_1076 : i1
      %parallel_loop3A_1078 = arith.constant 1 : i32
      %parallel_loop3A_1079 = arith.subi %parallel_loop3A_1058, %parallel_loop3A_1078 : i32
      %parallel_loop3A_1080 = arith.select %parallel_loop3A_1077, %parallel_loop3A_1079, %parallel_loop3A_1058 : i32
      %parallel_loop3A_1081 = arith.constant 64 : i32
      %parallel_loop3A_1082 = arith.constant 0 : i32
      %parallel_loop3A_1083 = arith.cmpi eq, %parallel_loop3A_1081, %parallel_loop3A_1082 : i32
      %parallel_loop3A_1084 = arith.constant 1 : i32
      %parallel_loop3A_1085 = arith.select %parallel_loop3A_1083, %parallel_loop3A_1084, %parallel_loop3A_1081 : i32
      %parallel_loop3A_1086 = arith.remsi %parallel_loop3A_1056, %parallel_loop3A_1085 : i32
      %parallel_loop3A_1087 = arith.constant 0 : i32
      %parallel_loop3A_1088 = arith.cmpi ne, %parallel_loop3A_1086, %parallel_loop3A_1087 : i32
      %parallel_loop3A_1089 = arith.constant 0 : i32
      %parallel_loop3A_1090 = arith.cmpi slt, %parallel_loop3A_1086, %parallel_loop3A_1089 : i32
      %parallel_loop3A_1091 = arith.constant 0 : i32
      %parallel_loop3A_1092 = arith.cmpi slt, %parallel_loop3A_1085, %parallel_loop3A_1091 : i32
      %parallel_loop3A_1093 = arith.xori %parallel_loop3A_1090, %parallel_loop3A_1092 : i1
      %parallel_loop3A_1094 = arith.andi %parallel_loop3A_1093, %parallel_loop3A_1088 : i1
      %parallel_loop3A_1095 = arith.addi %parallel_loop3A_1086, %parallel_loop3A_1085 : i32
      %parallel_loop3A_1096 = arith.select %parallel_loop3A_1094, %parallel_loop3A_1095, %parallel_loop3A_1086 : i32
      %parallel_loop3A_1097 = arith.constant 16 : i32
      %parallel_loop3A_1098 = arith.muli %parallel_loop3A_1096, %parallel_loop3A_1097 : i32
      %parallel_loop3A_1099 = arith.index_cast %parallel_loop3A_1080 : i32 to index
      %parallel_loop3A_1100 = arith.index_cast %parallel_loop3A_1098 : i32 to index
      %parallel_loop3A_1101 = tpu.vector_load %arg14[%parallel_loop3A_1099, %parallel_loop3A_1100] {strides = array<i32>} : memref<8x1024xf32, #tpu.memory_space<vmem>>, vector<1x16xf32>,
      %parallel_loop3A_1102 = vector.shape_cast %parallel_loop3A_1101 : vector<1x16xf32> to vector<16xf32>
      %parallel_loop3A_1103 = arith.index_cast %parallel_loop3A_1080 : i32 to index
      %parallel_loop3A_1104 = arith.index_cast %parallel_loop3A_1098 : i32 to index
      %parallel_loop3A_1105 = tpu.vector_load %arg10[%parallel_loop3A_1103, %parallel_loop3A_1104] {strides = array<i32>} : memref<8x1024xf32, #tpu.memory_space<vmem>>, vector<1x16xf32>,
      %parallel_loop3A_1106 = vector.shape_cast %parallel_loop3A_1105 : vector<1x16xf32> to vector<16xf32>
      %parallel_loop3A_1107 = vector.shape_cast %parallel_loop3A_1102 : vector<16xf32> to vector<1x16xf32>
      tpu.vector_store %arg10[%parallel_loop3A_1103, %parallel_loop3A_1104], %parallel_loop3A_1107 {add = true, strides = array<i32>} : memref<8x1024xf32, #tpu.memory_space<vmem>>, vector<1x16xf32>,
    } {sc.loop_unroll_factor = 8 : i64, sc.parallel_access}
    %add3A_932 = arith.constant 216 : i32
    %add3A_933 = arith.addi %mul3A_2, %add3A_932 : i32
    %dma_start3A_934 = arith.constant 0 : i32
    %dma_start3A_935 = tpu.memref_slice %arg5[%add3A_933, %dma_start3A_934] : memref<8192x1024xf32, #tpu.memory_space<hbm>> -> memref<8x1024xf32, #tpu.memory_space<hbm>>
    %dma_start3A_936 = arith.constant 0 : i32
    %dma_start3A_937 = tpu.memref_slice %arg5[%add3A_933, %dma_start3A_936] : memref<8192x1024xf32, #tpu.memory_space<hbm>> -> memref<8x1024xf32, #tpu.memory_space<hbm>>
    tpu.enqueue_dma source(%arg10 : memref<8x1024xf32, #tpu.memory_space<vmem>>) target(%dma_start3A_937 : memref<8x1024xf32, #tpu.memory_space<hbm>>) target_semaphore(%arg26 : memref<!tpu.dma_semaphore, #tpu.memory_space<semaphore_mem>>)
    %dma_wait3A_938 = arith.constant 0 : i32
    %dma_wait3A_939 = tpu.memref_slice %arg5[%add3A_900, %dma_wait3A_938] : memref<8192x1024xf32, #tpu.memory_space<hbm>> -> memref<8x1024xf32, #tpu.memory_space<hbm>>
    %dma_wait3A_940 = arith.constant 0 : i32
    %dma_wait3A_941 = tpu.memref_slice %arg5[%add3A_900, %dma_wait3A_940] : memref<8192x1024xf32, #tpu.memory_space<hbm>> -> memref<8x1024xf32, #tpu.memory_space<hbm>>
    tpu.wait_dma2 semaphore(%arg25 : memref<!tpu.dma_semaphore, #tpu.memory_space<semaphore_mem>>) src(%arg9 : memref<8x1024xf32, #tpu.memory_space<vmem>>) dst(%dma_wait3A_941 : memref<8x1024xf32, #tpu.memory_space<hbm>>)
    %add3A_942 = arith.constant 240 : i32
    %add3A_943 = arith.addi %mul3A_2, %add3A_942 : i32
    %dma_start3A_944 = arith.constant 0 : i32
    %dma_start3A_945 = tpu.memref_slice %arg2[%add3A_943, %dma_start3A_944] : memref<8192x1024xf32, #tpu.memory_space<hbm>> -> memref<8x1024xf32, #tpu.memory_space<hbm>>
    %dma_start3A_946 = arith.constant 0 : i32
    %dma_start3A_947 = tpu.memref_slice %arg2[%add3A_943, %dma_start3A_946] : memref<8192x1024xf32, #tpu.memory_space<hbm>> -> memref<8x1024xf32, #tpu.memory_space<hbm>>
    tpu.enqueue_dma source(%dma_start3A_947 : memref<8x1024xf32, #tpu.memory_space<hbm>>) target(%arg9 : memref<8x1024xf32, #tpu.memory_space<vmem>>) target_semaphore(%arg17 : memref<!tpu.dma_semaphore, #tpu.memory_space<semaphore_mem>>)
    %dma_start3A_948 = arith.constant 240 : i32
    %dma_start3A_949 = tpu.memref_slice %arg6[%dma_start3A_948] : memref<256xi32, #tpu.memory_space<vmem>> -> memref<8xi32, #tpu.memory_space<vmem>>
    %dma_start3A_950 = arith.constant 0 : i32
    %dma_start3A_951 = arith.constant 0 : i32
    %dma_start3A_952 = tpu.memref_slice %arg4[%dma_start3A_950, %dma_start3A_951] : memref<2048x1024xf32, #tpu.memory_space<hbm>> -> memref<2048x1024xf32, #tpu.memory_space<hbm>>
    tpu.enqueue_indirect_dma source(%dma_start3A_952 : memref<2048x1024xf32, #tpu.memory_space<hbm>>) target(%arg13 : memref<8x1024xf32, #tpu.memory_space<vmem>>) offsets(%dma_start3A_949 : memref<8xi32, #tpu.memory_space<vmem>>) semaphore(%arg21 : memref<!tpu.dma_semaphore, #tpu.memory_space<semaphore_mem>>)
    %dma_wait3A_953 = arith.constant 0 : i32
    %dma_wait3A_954 = tpu.memref_slice %arg2[%add3A_877, %dma_wait3A_953] : memref<8192x1024xf32, #tpu.memory_space<hbm>> -> memref<8x1024xf32, #tpu.memory_space<hbm>>
    %dma_wait3A_955 = arith.constant 0 : i32
    %dma_wait3A_956 = tpu.memref_slice %arg2[%add3A_877, %dma_wait3A_955] : memref<8192x1024xf32, #tpu.memory_space<hbm>> -> memref<8x1024xf32, #tpu.memory_space<hbm>>
    tpu.wait_dma2 semaphore(%arg15 : memref<!tpu.dma_semaphore, #tpu.memory_space<semaphore_mem>>) src(%dma_wait3A_956 : memref<8x1024xf32, #tpu.memory_space<hbm>>) dst(%arg7 : memref<8x1024xf32, #tpu.memory_space<vmem>>)
    %dma_wait3A_957 = arith.constant 224 : i32
    %dma_wait3A_958 = tpu.memref_slice %arg6[%dma_wait3A_957] : memref<256xi32, #tpu.memory_space<vmem>> -> memref<8xi32, #tpu.memory_space<vmem>>
    %dma_wait3A_959 = arith.constant 0 : i32
    %dma_wait3A_960 = arith.constant 0 : i32
    %dma_wait3A_961 = tpu.memref_slice %arg4[%dma_wait3A_959, %dma_wait3A_960] : memref<2048x1024xf32, #tpu.memory_space<hbm>> -> memref<2048x1024xf32, #tpu.memory_space<hbm>>
    tpu.wait_indirect_dma semaphore(%arg19 : memref<!tpu.dma_semaphore, #tpu.memory_space<semaphore_mem>>) src(%dma_wait3A_961 : memref<2048x1024xf32, #tpu.memory_space<hbm>>) dst(%arg11 : memref<8x1024xf32, #tpu.memory_space<vmem>>)
    %parallel_loop3A_962 = arith.constant 0 : i32
    %parallel_loop3A_963 = arith.constant 512 : i32
    %parallel_loop3A_964 = arith.constant 1 : i32
    scf.for %parallel_loop3A_1056 = %parallel_loop3A_962 to %parallel_loop3A_963 step %parallel_loop3A_964  : i32 {
      %parallel_loop3A_1057 = arith.constant 64 : i32
      %parallel_loop3A_1058 = arith.divsi %parallel_loop3A_1056, %parallel_loop3A_1057 : i32
      %parallel_loop3A_1059 = arith.constant 0 : i32
      %parallel_loop3A_1060 = arith.cmpi sgt, %parallel_loop3A_1056, %parallel_loop3A_1059 : i32
      %parallel_loop3A_1061 = arith.extui %parallel_loop3A_1060 : i1 to i32
      %parallel_loop3A_1062 = arith.constant 0 : i32
      %parallel_loop3A_1063 = arith.cmpi slt, %parallel_loop3A_1056, %parallel_loop3A_1062 : i32
      %parallel_loop3A_1064 = arith.extui %parallel_loop3A_1063 : i1 to i32
      %parallel_loop3A_1065 = arith.subi %parallel_loop3A_1061, %parallel_loop3A_1064 : i32
      %parallel_loop3A_1066 = arith.constant 0 : i32
      %parallel_loop3A_1067 = arith.cmpi sgt, %parallel_loop3A_1057, %parallel_loop3A_1066 : i32
      %parallel_loop3A_1068 = arith.extui %parallel_loop3A_1067 : i1 to i32
      %parallel_loop3A_1069 = arith.constant 0 : i32
      %parallel_loop3A_1070 = arith.cmpi slt, %parallel_loop3A_1057, %parallel_loop3A_1069 : i32
      %parallel_loop3A_1071 = arith.extui %parallel_loop3A_1070 : i1 to i32
      %parallel_loop3A_1072 = arith.subi %parallel_loop3A_1068, %parallel_loop3A_1071 : i32
      %parallel_loop3A_1073 = arith.cmpi ne, %parallel_loop3A_1065, %parallel_loop3A_1072 : i32
      %parallel_loop3A_1074 = arith.remsi %parallel_loop3A_1056, %parallel_loop3A_1057 : i32
      %parallel_loop3A_1075 = arith.constant 0 : i32
      %parallel_loop3A_1076 = arith.cmpi ne, %parallel_loop3A_1074, %parallel_loop3A_1075 : i32
      %parallel_loop3A_1077 = arith.andi %parallel_loop3A_1073, %parallel_loop3A_1076 : i1
      %parallel_loop3A_1078 = arith.constant 1 : i32
      %parallel_loop3A_1079 = arith.subi %parallel_loop3A_1058, %parallel_loop3A_1078 : i32
      %parallel_loop3A_1080 = arith.select %parallel_loop3A_1077, %parallel_loop3A_1079, %parallel_loop3A_1058 : i32
      %parallel_loop3A_1081 = arith.constant 64 : i32
      %parallel_loop3A_1082 = arith.constant 0 : i32
      %parallel_loop3A_1083 = arith.cmpi eq, %parallel_loop3A_1081, %parallel_loop3A_1082 : i32
      %parallel_loop3A_1084 = arith.constant 1 : i32
      %parallel_loop3A_1085 = arith.select %parallel_loop3A_1083, %parallel_loop3A_1084, %parallel_loop3A_1081 : i32
      %parallel_loop3A_1086 = arith.remsi %parallel_loop3A_1056, %parallel_loop3A_1085 : i32
      %parallel_loop3A_1087 = arith.constant 0 : i32
      %parallel_loop3A_1088 = arith.cmpi ne, %parallel_loop3A_1086, %parallel_loop3A_1087 : i32
      %parallel_loop3A_1089 = arith.constant 0 : i32
      %parallel_loop3A_1090 = arith.cmpi slt, %parallel_loop3A_1086, %parallel_loop3A_1089 : i32
      %parallel_loop3A_1091 = arith.constant 0 : i32
      %parallel_loop3A_1092 = arith.cmpi slt, %parallel_loop3A_1085, %parallel_loop3A_1091 : i32
      %parallel_loop3A_1093 = arith.xori %parallel_loop3A_1090, %parallel_loop3A_1092 : i1
      %parallel_loop3A_1094 = arith.andi %parallel_loop3A_1093, %parallel_loop3A_1088 : i1
      %parallel_loop3A_1095 = arith.addi %parallel_loop3A_1086, %parallel_loop3A_1085 : i32
      %parallel_loop3A_1096 = arith.select %parallel_loop3A_1094, %parallel_loop3A_1095, %parallel_loop3A_1086 : i32
      %parallel_loop3A_1097 = arith.constant 16 : i32
      %parallel_loop3A_1098 = arith.muli %parallel_loop3A_1096, %parallel_loop3A_1097 : i32
      %parallel_loop3A_1099 = arith.index_cast %parallel_loop3A_1080 : i32 to index
      %parallel_loop3A_1100 = arith.index_cast %parallel_loop3A_1098 : i32 to index
      %parallel_loop3A_1101 = tpu.vector_load %arg11[%parallel_loop3A_1099, %parallel_loop3A_1100] {strides = array<i32>} : memref<8x1024xf32, #tpu.memory_space<vmem>>, vector<1x16xf32>,
      %parallel_loop3A_1102 = vector.shape_cast %parallel_loop3A_1101 : vector<1x16xf32> to vector<16xf32>
      %parallel_loop3A_1103 = arith.index_cast %parallel_loop3A_1080 : i32 to index
      %parallel_loop3A_1104 = arith.index_cast %parallel_loop3A_1098 : i32 to index
      %parallel_loop3A_1105 = tpu.vector_load %arg7[%parallel_loop3A_1103, %parallel_loop3A_1104] {strides = array<i32>} : memref<8x1024xf32, #tpu.memory_space<vmem>>, vector<1x16xf32>,
      %parallel_loop3A_1106 = vector.shape_cast %parallel_loop3A_1105 : vector<1x16xf32> to vector<16xf32>
      %parallel_loop3A_1107 = vector.shape_cast %parallel_loop3A_1102 : vector<16xf32> to vector<1x16xf32>
      tpu.vector_store %arg7[%parallel_loop3A_1103, %parallel_loop3A_1104], %parallel_loop3A_1107 {add = true, strides = array<i32>} : memref<8x1024xf32, #tpu.memory_space<vmem>>, vector<1x16xf32>,
    } {sc.loop_unroll_factor = 8 : i64, sc.parallel_access}
    %add3A_965 = arith.constant 224 : i32
    %add3A_966 = arith.addi %mul3A_2, %add3A_965 : i32
    %dma_start3A_967 = arith.constant 0 : i32
    %dma_start3A_968 = tpu.memref_slice %arg5[%add3A_966, %dma_start3A_967] : memref<8192x1024xf32, #tpu.memory_space<hbm>> -> memref<8x1024xf32, #tpu.memory_space<hbm>>
    %dma_start3A_969 = arith.constant 0 : i32
    %dma_start3A_970 = tpu.memref_slice %arg5[%add3A_966, %dma_start3A_969] : memref<8192x1024xf32, #tpu.memory_space<hbm>> -> memref<8x1024xf32, #tpu.memory_space<hbm>>
    tpu.enqueue_dma source(%arg7 : memref<8x1024xf32, #tpu.memory_space<vmem>>) target(%dma_start3A_970 : memref<8x1024xf32, #tpu.memory_space<hbm>>) target_semaphore(%arg23 : memref<!tpu.dma_semaphore, #tpu.memory_space<semaphore_mem>>)
    %dma_wait3A_971 = arith.constant 0 : i32
    %dma_wait3A_972 = tpu.memref_slice %arg5[%add3A_933, %dma_wait3A_971] : memref<8192x1024xf32, #tpu.memory_space<hbm>> -> memref<8x1024xf32, #tpu.memory_space<hbm>>
    %dma_wait3A_973 = arith.constant 0 : i32
    %dma_wait3A_974 = tpu.memref_slice %arg5[%add3A_933, %dma_wait3A_973] : memref<8192x1024xf32, #tpu.memory_space<hbm>> -> memref<8x1024xf32, #tpu.memory_space<hbm>>
    tpu.wait_dma2 semaphore(%arg26 : memref<!tpu.dma_semaphore, #tpu.memory_space<semaphore_mem>>) src(%arg10 : memref<8x1024xf32, #tpu.memory_space<vmem>>) dst(%dma_wait3A_974 : memref<8x1024xf32, #tpu.memory_space<hbm>>)
    %add3A_975 = arith.constant 248 : i32
    %add3A_976 = arith.addi %mul3A_2, %add3A_975 : i32
    %dma_start3A_977 = arith.constant 0 : i32
    %dma_start3A_978 = tpu.memref_slice %arg2[%add3A_976, %dma_start3A_977] : memref<8192x1024xf32, #tpu.memory_space<hbm>> -> memref<8x1024xf32, #tpu.memory_space<hbm>>
    %dma_start3A_979 = arith.constant 0 : i32
    %dma_start3A_980 = tpu.memref_slice %arg2[%add3A_976, %dma_start3A_979] : memref<8192x1024xf32, #tpu.memory_space<hbm>> -> memref<8x1024xf32, #tpu.memory_space<hbm>>
    tpu.enqueue_dma source(%dma_start3A_980 : memref<8x1024xf32, #tpu.memory_space<hbm>>) target(%arg10 : memref<8x1024xf32, #tpu.memory_space<vmem>>) target_semaphore(%arg18 : memref<!tpu.dma_semaphore, #tpu.memory_space<semaphore_mem>>)
    %dma_start3A_981 = arith.constant 248 : i32
    %dma_start3A_982 = tpu.memref_slice %arg6[%dma_start3A_981] : memref<256xi32, #tpu.memory_space<vmem>> -> memref<8xi32, #tpu.memory_space<vmem>>
    %dma_start3A_983 = arith.constant 0 : i32
    %dma_start3A_984 = arith.constant 0 : i32
    %dma_start3A_985 = tpu.memref_slice %arg4[%dma_start3A_983, %dma_start3A_984] : memref<2048x1024xf32, #tpu.memory_space<hbm>> -> memref<2048x1024xf32, #tpu.memory_space<hbm>>
    tpu.enqueue_indirect_dma source(%dma_start3A_985 : memref<2048x1024xf32, #tpu.memory_space<hbm>>) target(%arg14 : memref<8x1024xf32, #tpu.memory_space<vmem>>) offsets(%dma_start3A_982 : memref<8xi32, #tpu.memory_space<vmem>>) semaphore(%arg22 : memref<!tpu.dma_semaphore, #tpu.memory_space<semaphore_mem>>)
    %dma_wait3A_986 = arith.constant 0 : i32
    %dma_wait3A_987 = tpu.memref_slice %arg2[%add3A_910, %dma_wait3A_986] : memref<8192x1024xf32, #tpu.memory_space<hbm>> -> memref<8x1024xf32, #tpu.memory_space<hbm>>
    %dma_wait3A_988 = arith.constant 0 : i32
    %dma_wait3A_989 = tpu.memref_slice %arg2[%add3A_910, %dma_wait3A_988] : memref<8192x1024xf32, #tpu.memory_space<hbm>> -> memref<8x1024xf32, #tpu.memory_space<hbm>>
    tpu.wait_dma2 semaphore(%arg16 : memref<!tpu.dma_semaphore, #tpu.memory_space<semaphore_mem>>) src(%dma_wait3A_989 : memref<8x1024xf32, #tpu.memory_space<hbm>>) dst(%arg8 : memref<8x1024xf32, #tpu.memory_space<vmem>>)
    %dma_wait3A_990 = arith.constant 232 : i32
    %dma_wait3A_991 = tpu.memref_slice %arg6[%dma_wait3A_990] : memref<256xi32, #tpu.memory_space<vmem>> -> memref<8xi32, #tpu.memory_space<vmem>>
    %dma_wait3A_992 = arith.constant 0 : i32
    %dma_wait3A_993 = arith.constant 0 : i32
    %dma_wait3A_994 = tpu.memref_slice %arg4[%dma_wait3A_992, %dma_wait3A_993] : memref<2048x1024xf32, #tpu.memory_space<hbm>> -> memref<2048x1024xf32, #tpu.memory_space<hbm>>
    tpu.wait_indirect_dma semaphore(%arg20 : memref<!tpu.dma_semaphore, #tpu.memory_space<semaphore_mem>>) src(%dma_wait3A_994 : memref<2048x1024xf32, #tpu.memory_space<hbm>>) dst(%arg12 : memref<8x1024xf32, #tpu.memory_space<vmem>>)
    %parallel_loop3A_995 = arith.constant 0 : i32
    %parallel_loop3A_996 = arith.constant 512 : i32
    %parallel_loop3A_997 = arith.constant 1 : i32
    scf.for %parallel_loop3A_1056 = %parallel_loop3A_995 to %parallel_loop3A_996 step %parallel_loop3A_997  : i32 {
      %parallel_loop3A_1057 = arith.constant 64 : i32
      %parallel_loop3A_1058 = arith.divsi %parallel_loop3A_1056, %parallel_loop3A_1057 : i32
      %parallel_loop3A_1059 = arith.constant 0 : i32
      %parallel_loop3A_1060 = arith.cmpi sgt, %parallel_loop3A_1056, %parallel_loop3A_1059 : i32
      %parallel_loop3A_1061 = arith.extui %parallel_loop3A_1060 : i1 to i32
      %parallel_loop3A_1062 = arith.constant 0 : i32
      %parallel_loop3A_1063 = arith.cmpi slt, %parallel_loop3A_1056, %parallel_loop3A_1062 : i32
      %parallel_loop3A_1064 = arith.extui %parallel_loop3A_1063 : i1 to i32
      %parallel_loop3A_1065 = arith.subi %parallel_loop3A_1061, %parallel_loop3A_1064 : i32
      %parallel_loop3A_1066 = arith.constant 0 : i32
      %parallel_loop3A_1067 = arith.cmpi sgt, %parallel_loop3A_1057, %parallel_loop3A_1066 : i32
      %parallel_loop3A_1068 = arith.extui %parallel_loop3A_1067 : i1 to i32
      %parallel_loop3A_1069 = arith.constant 0 : i32
      %parallel_loop3A_1070 = arith.cmpi slt, %parallel_loop3A_1057, %parallel_loop3A_1069 : i32
      %parallel_loop3A_1071 = arith.extui %parallel_loop3A_1070 : i1 to i32
      %parallel_loop3A_1072 = arith.subi %parallel_loop3A_1068, %parallel_loop3A_1071 : i32
      %parallel_loop3A_1073 = arith.cmpi ne, %parallel_loop3A_1065, %parallel_loop3A_1072 : i32
      %parallel_loop3A_1074 = arith.remsi %parallel_loop3A_1056, %parallel_loop3A_1057 : i32
      %parallel_loop3A_1075 = arith.constant 0 : i32
      %parallel_loop3A_1076 = arith.cmpi ne, %parallel_loop3A_1074, %parallel_loop3A_1075 : i32
      %parallel_loop3A_1077 = arith.andi %parallel_loop3A_1073, %parallel_loop3A_1076 : i1
      %parallel_loop3A_1078 = arith.constant 1 : i32
      %parallel_loop3A_1079 = arith.subi %parallel_loop3A_1058, %parallel_loop3A_1078 : i32
      %parallel_loop3A_1080 = arith.select %parallel_loop3A_1077, %parallel_loop3A_1079, %parallel_loop3A_1058 : i32
      %parallel_loop3A_1081 = arith.constant 64 : i32
      %parallel_loop3A_1082 = arith.constant 0 : i32
      %parallel_loop3A_1083 = arith.cmpi eq, %parallel_loop3A_1081, %parallel_loop3A_1082 : i32
      %parallel_loop3A_1084 = arith.constant 1 : i32
      %parallel_loop3A_1085 = arith.select %parallel_loop3A_1083, %parallel_loop3A_1084, %parallel_loop3A_1081 : i32
      %parallel_loop3A_1086 = arith.remsi %parallel_loop3A_1056, %parallel_loop3A_1085 : i32
      %parallel_loop3A_1087 = arith.constant 0 : i32
      %parallel_loop3A_1088 = arith.cmpi ne, %parallel_loop3A_1086, %parallel_loop3A_1087 : i32
      %parallel_loop3A_1089 = arith.constant 0 : i32
      %parallel_loop3A_1090 = arith.cmpi slt, %parallel_loop3A_1086, %parallel_loop3A_1089 : i32
      %parallel_loop3A_1091 = arith.constant 0 : i32
      %parallel_loop3A_1092 = arith.cmpi slt, %parallel_loop3A_1085, %parallel_loop3A_1091 : i32
      %parallel_loop3A_1093 = arith.xori %parallel_loop3A_1090, %parallel_loop3A_1092 : i1
      %parallel_loop3A_1094 = arith.andi %parallel_loop3A_1093, %parallel_loop3A_1088 : i1
      %parallel_loop3A_1095 = arith.addi %parallel_loop3A_1086, %parallel_loop3A_1085 : i32
      %parallel_loop3A_1096 = arith.select %parallel_loop3A_1094, %parallel_loop3A_1095, %parallel_loop3A_1086 : i32
      %parallel_loop3A_1097 = arith.constant 16 : i32
      %parallel_loop3A_1098 = arith.muli %parallel_loop3A_1096, %parallel_loop3A_1097 : i32
      %parallel_loop3A_1099 = arith.index_cast %parallel_loop3A_1080 : i32 to index
      %parallel_loop3A_1100 = arith.index_cast %parallel_loop3A_1098 : i32 to index
      %parallel_loop3A_1101 = tpu.vector_load %arg12[%parallel_loop3A_1099, %parallel_loop3A_1100] {strides = array<i32>} : memref<8x1024xf32, #tpu.memory_space<vmem>>, vector<1x16xf32>,
      %parallel_loop3A_1102 = vector.shape_cast %parallel_loop3A_1101 : vector<1x16xf32> to vector<16xf32>
      %parallel_loop3A_1103 = arith.index_cast %parallel_loop3A_1080 : i32 to index
      %parallel_loop3A_1104 = arith.index_cast %parallel_loop3A_1098 : i32 to index
      %parallel_loop3A_1105 = tpu.vector_load %arg8[%parallel_loop3A_1103, %parallel_loop3A_1104] {strides = array<i32>} : memref<8x1024xf32, #tpu.memory_space<vmem>>, vector<1x16xf32>,
      %parallel_loop3A_1106 = vector.shape_cast %parallel_loop3A_1105 : vector<1x16xf32> to vector<16xf32>
      %parallel_loop3A_1107 = vector.shape_cast %parallel_loop3A_1102 : vector<16xf32> to vector<1x16xf32>
      tpu.vector_store %arg8[%parallel_loop3A_1103, %parallel_loop3A_1104], %parallel_loop3A_1107 {add = true, strides = array<i32>} : memref<8x1024xf32, #tpu.memory_space<vmem>>, vector<1x16xf32>,
    } {sc.loop_unroll_factor = 8 : i64, sc.parallel_access}
    %add3A_998 = arith.constant 232 : i32
    %add3A_999 = arith.addi %mul3A_2, %add3A_998 : i32
    %dma_start3A_1000 = arith.constant 0 : i32
    %dma_start3A_1001 = tpu.memref_slice %arg5[%add3A_999, %dma_start3A_1000] : memref<8192x1024xf32, #tpu.memory_space<hbm>> -> memref<8x1024xf32, #tpu.memory_space<hbm>>
    %dma_start3A_1002 = arith.constant 0 : i32
    %dma_start3A_1003 = tpu.memref_slice %arg5[%add3A_999, %dma_start3A_1002] : memref<8192x1024xf32, #tpu.memory_space<hbm>> -> memref<8x1024xf32, #tpu.memory_space<hbm>>
    tpu.enqueue_dma source(%arg8 : memref<8x1024xf32, #tpu.memory_space<vmem>>) target(%dma_start3A_1003 : memref<8x1024xf32, #tpu.memory_space<hbm>>) target_semaphore(%arg24 : memref<!tpu.dma_semaphore, #tpu.memory_space<semaphore_mem>>)
    %dma_wait3A_1004 = arith.constant 0 : i32
    %dma_wait3A_1005 = tpu.memref_slice %arg2[%add3A_943, %dma_wait3A_1004] : memref<8192x1024xf32, #tpu.memory_space<hbm>> -> memref<8x1024xf32, #tpu.memory_space<hbm>>
    %dma_wait3A_1006 = arith.constant 0 : i32
    %dma_wait3A_1007 = tpu.memref_slice %arg2[%add3A_943, %dma_wait3A_1006] : memref<8192x1024xf32, #tpu.memory_space<hbm>> -> memref<8x1024xf32, #tpu.memory_space<hbm>>
    tpu.wait_dma2 semaphore(%arg17 : memref<!tpu.dma_semaphore, #tpu.memory_space<semaphore_mem>>) src(%dma_wait3A_1007 : memref<8x1024xf32, #tpu.memory_space<hbm>>) dst(%arg9 : memref<8x1024xf32, #tpu.memory_space<vmem>>)
    %dma_wait3A_1008 = arith.constant 240 : i32
    %dma_wait3A_1009 = tpu.memref_slice %arg6[%dma_wait3A_1008] : memref<256xi32, #tpu.memory_space<vmem>> -> memref<8xi32, #tpu.memory_space<vmem>>
    %dma_wait3A_1010 = arith.constant 0 : i32
    %dma_wait3A_1011 = arith.constant 0 : i32
    %dma_wait3A_1012 = tpu.memref_slice %arg4[%dma_wait3A_1010, %dma_wait3A_1011] : memref<2048x1024xf32, #tpu.memory_space<hbm>> -> memref<2048x1024xf32, #tpu.memory_space<hbm>>
    tpu.wait_indirect_dma semaphore(%arg21 : memref<!tpu.dma_semaphore, #tpu.memory_space<semaphore_mem>>) src(%dma_wait3A_1012 : memref<2048x1024xf32, #tpu.memory_space<hbm>>) dst(%arg13 : memref<8x1024xf32, #tpu.memory_space<vmem>>)
    %parallel_loop3A_1013 = arith.constant 0 : i32
    %parallel_loop3A_1014 = arith.constant 512 : i32
    %parallel_loop3A_1015 = arith.constant 1 : i32
    scf.for %parallel_loop3A_1056 = %parallel_loop3A_1013 to %parallel_loop3A_1014 step %parallel_loop3A_1015  : i32 {
      %parallel_loop3A_1057 = arith.constant 64 : i32
      %parallel_loop3A_1058 = arith.divsi %parallel_loop3A_1056, %parallel_loop3A_1057 : i32
      %parallel_loop3A_1059 = arith.constant 0 : i32
      %parallel_loop3A_1060 = arith.cmpi sgt, %parallel_loop3A_1056, %parallel_loop3A_1059 : i32
      %parallel_loop3A_1061 = arith.extui %parallel_loop3A_1060 : i1 to i32
      %parallel_loop3A_1062 = arith.constant 0 : i32
      %parallel_loop3A_1063 = arith.cmpi slt, %parallel_loop3A_1056, %parallel_loop3A_1062 : i32
      %parallel_loop3A_1064 = arith.extui %parallel_loop3A_1063 : i1 to i32
      %parallel_loop3A_1065 = arith.subi %parallel_loop3A_1061, %parallel_loop3A_1064 : i32
      %parallel_loop3A_1066 = arith.constant 0 : i32
      %parallel_loop3A_1067 = arith.cmpi sgt, %parallel_loop3A_1057, %parallel_loop3A_1066 : i32
      %parallel_loop3A_1068 = arith.extui %parallel_loop3A_1067 : i1 to i32
      %parallel_loop3A_1069 = arith.constant 0 : i32
      %parallel_loop3A_1070 = arith.cmpi slt, %parallel_loop3A_1057, %parallel_loop3A_1069 : i32
      %parallel_loop3A_1071 = arith.extui %parallel_loop3A_1070 : i1 to i32
      %parallel_loop3A_1072 = arith.subi %parallel_loop3A_1068, %parallel_loop3A_1071 : i32
      %parallel_loop3A_1073 = arith.cmpi ne, %parallel_loop3A_1065, %parallel_loop3A_1072 : i32
      %parallel_loop3A_1074 = arith.remsi %parallel_loop3A_1056, %parallel_loop3A_1057 : i32
      %parallel_loop3A_1075 = arith.constant 0 : i32
      %parallel_loop3A_1076 = arith.cmpi ne, %parallel_loop3A_1074, %parallel_loop3A_1075 : i32
      %parallel_loop3A_1077 = arith.andi %parallel_loop3A_1073, %parallel_loop3A_1076 : i1
      %parallel_loop3A_1078 = arith.constant 1 : i32
      %parallel_loop3A_1079 = arith.subi %parallel_loop3A_1058, %parallel_loop3A_1078 : i32
      %parallel_loop3A_1080 = arith.select %parallel_loop3A_1077, %parallel_loop3A_1079, %parallel_loop3A_1058 : i32
      %parallel_loop3A_1081 = arith.constant 64 : i32
      %parallel_loop3A_1082 = arith.constant 0 : i32
      %parallel_loop3A_1083 = arith.cmpi eq, %parallel_loop3A_1081, %parallel_loop3A_1082 : i32
      %parallel_loop3A_1084 = arith.constant 1 : i32
      %parallel_loop3A_1085 = arith.select %parallel_loop3A_1083, %parallel_loop3A_1084, %parallel_loop3A_1081 : i32
      %parallel_loop3A_1086 = arith.remsi %parallel_loop3A_1056, %parallel_loop3A_1085 : i32
      %parallel_loop3A_1087 = arith.constant 0 : i32
      %parallel_loop3A_1088 = arith.cmpi ne, %parallel_loop3A_1086, %parallel_loop3A_1087 : i32
      %parallel_loop3A_1089 = arith.constant 0 : i32
      %parallel_loop3A_1090 = arith.cmpi slt, %parallel_loop3A_1086, %parallel_loop3A_1089 : i32
      %parallel_loop3A_1091 = arith.constant 0 : i32
      %parallel_loop3A_1092 = arith.cmpi slt, %parallel_loop3A_1085, %parallel_loop3A_1091 : i32
      %parallel_loop3A_1093 = arith.xori %parallel_loop3A_1090, %parallel_loop3A_1092 : i1
      %parallel_loop3A_1094 = arith.andi %parallel_loop3A_1093, %parallel_loop3A_1088 : i1
      %parallel_loop3A_1095 = arith.addi %parallel_loop3A_1086, %parallel_loop3A_1085 : i32
      %parallel_loop3A_1096 = arith.select %parallel_loop3A_1094, %parallel_loop3A_1095, %parallel_loop3A_1086 : i32
      %parallel_loop3A_1097 = arith.constant 16 : i32
      %parallel_loop3A_1098 = arith.muli %parallel_loop3A_1096, %parallel_loop3A_1097 : i32
      %parallel_loop3A_1099 = arith.index_cast %parallel_loop3A_1080 : i32 to index
      %parallel_loop3A_1100 = arith.index_cast %parallel_loop3A_1098 : i32 to index
      %parallel_loop3A_1101 = tpu.vector_load %arg13[%parallel_loop3A_1099, %parallel_loop3A_1100] {strides = array<i32>} : memref<8x1024xf32, #tpu.memory_space<vmem>>, vector<1x16xf32>,
      %parallel_loop3A_1102 = vector.shape_cast %parallel_loop3A_1101 : vector<1x16xf32> to vector<16xf32>
      %parallel_loop3A_1103 = arith.index_cast %parallel_loop3A_1080 : i32 to index
      %parallel_loop3A_1104 = arith.index_cast %parallel_loop3A_1098 : i32 to index
      %parallel_loop3A_1105 = tpu.vector_load %arg9[%parallel_loop3A_1103, %parallel_loop3A_1104] {strides = array<i32>} : memref<8x1024xf32, #tpu.memory_space<vmem>>, vector<1x16xf32>,
      %parallel_loop3A_1106 = vector.shape_cast %parallel_loop3A_1105 : vector<1x16xf32> to vector<16xf32>
      %parallel_loop3A_1107 = vector.shape_cast %parallel_loop3A_1102 : vector<16xf32> to vector<1x16xf32>
      tpu.vector_store %arg9[%parallel_loop3A_1103, %parallel_loop3A_1104], %parallel_loop3A_1107 {add = true, strides = array<i32>} : memref<8x1024xf32, #tpu.memory_space<vmem>>, vector<1x16xf32>,
    } {sc.loop_unroll_factor = 8 : i64, sc.parallel_access}
    %add3A_1016 = arith.constant 240 : i32
    %add3A_1017 = arith.addi %mul3A_2, %add3A_1016 : i32
    %dma_start3A_1018 = arith.constant 0 : i32
    %dma_start3A_1019 = tpu.memref_slice %arg5[%add3A_1017, %dma_start3A_1018] : memref<8192x1024xf32, #tpu.memory_space<hbm>> -> memref<8x1024xf32, #tpu.memory_space<hbm>>
    %dma_start3A_1020 = arith.constant 0 : i32
    %dma_start3A_1021 = tpu.memref_slice %arg5[%add3A_1017, %dma_start3A_1020] : memref<8192x1024xf32, #tpu.memory_space<hbm>> -> memref<8x1024xf32, #tpu.memory_space<hbm>>
    tpu.enqueue_dma source(%arg9 : memref<8x1024xf32, #tpu.memory_space<vmem>>) target(%dma_start3A_1021 : memref<8x1024xf32, #tpu.memory_space<hbm>>) target_semaphore(%arg25 : memref<!tpu.dma_semaphore, #tpu.memory_space<semaphore_mem>>)
    %dma_wait3A_1022 = arith.constant 0 : i32
    %dma_wait3A_1023 = tpu.memref_slice %arg2[%add3A_976, %dma_wait3A_1022] : memref<8192x1024xf32, #tpu.memory_space<hbm>> -> memref<8x1024xf32, #tpu.memory_space<hbm>>
    %dma_wait3A_1024 = arith.constant 0 : i32
    %dma_wait3A_1025 = tpu.memref_slice %arg2[%add3A_976, %dma_wait3A_1024] : memref<8192x1024xf32, #tpu.memory_space<hbm>> -> memref<8x1024xf32, #tpu.memory_space<hbm>>
    tpu.wait_dma2 semaphore(%arg18 : memref<!tpu.dma_semaphore, #tpu.memory_space<semaphore_mem>>) src(%dma_wait3A_1025 : memref<8x1024xf32, #tpu.memory_space<hbm>>) dst(%arg10 : memref<8x1024xf32, #tpu.memory_space<vmem>>)
    %dma_wait3A_1026 = arith.constant 248 : i32
    %dma_wait3A_1027 = tpu.memref_slice %arg6[%dma_wait3A_1026] : memref<256xi32, #tpu.memory_space<vmem>> -> memref<8xi32, #tpu.memory_space<vmem>>
    %dma_wait3A_1028 = arith.constant 0 : i32
    %dma_wait3A_1029 = arith.constant 0 : i32
    %dma_wait3A_1030 = tpu.memref_slice %arg4[%dma_wait3A_1028, %dma_wait3A_1029] : memref<2048x1024xf32, #tpu.memory_space<hbm>> -> memref<2048x1024xf32, #tpu.memory_space<hbm>>
    tpu.wait_indirect_dma semaphore(%arg22 : memref<!tpu.dma_semaphore, #tpu.memory_space<semaphore_mem>>) src(%dma_wait3A_1030 : memref<2048x1024xf32, #tpu.memory_space<hbm>>) dst(%arg14 : memref<8x1024xf32, #tpu.memory_space<vmem>>)
    %parallel_loop3A_1031 = arith.constant 0 : i32
    %parallel_loop3A_1032 = arith.constant 512 : i32
    %parallel_loop3A_1033 = arith.constant 1 : i32
    scf.for %parallel_loop3A_1056 = %parallel_loop3A_1031 to %parallel_loop3A_1032 step %parallel_loop3A_1033  : i32 {
      %parallel_loop3A_1057 = arith.constant 64 : i32
      %parallel_loop3A_1058 = arith.divsi %parallel_loop3A_1056, %parallel_loop3A_1057 : i32
      %parallel_loop3A_1059 = arith.constant 0 : i32
      %parallel_loop3A_1060 = arith.cmpi sgt, %parallel_loop3A_1056, %parallel_loop3A_1059 : i32
      %parallel_loop3A_1061 = arith.extui %parallel_loop3A_1060 : i1 to i32
      %parallel_loop3A_1062 = arith.constant 0 : i32
      %parallel_loop3A_1063 = arith.cmpi slt, %parallel_loop3A_1056, %parallel_loop3A_1062 : i32
      %parallel_loop3A_1064 = arith.extui %parallel_loop3A_1063 : i1 to i32
      %parallel_loop3A_1065 = arith.subi %parallel_loop3A_1061, %parallel_loop3A_1064 : i32
      %parallel_loop3A_1066 = arith.constant 0 : i32
      %parallel_loop3A_1067 = arith.cmpi sgt, %parallel_loop3A_1057, %parallel_loop3A_1066 : i32
      %parallel_loop3A_1068 = arith.extui %parallel_loop3A_1067 : i1 to i32
      %parallel_loop3A_1069 = arith.constant 0 : i32
      %parallel_loop3A_1070 = arith.cmpi slt, %parallel_loop3A_1057, %parallel_loop3A_1069 : i32
      %parallel_loop3A_1071 = arith.extui %parallel_loop3A_1070 : i1 to i32
      %parallel_loop3A_1072 = arith.subi %parallel_loop3A_1068, %parallel_loop3A_1071 : i32
      %parallel_loop3A_1073 = arith.cmpi ne, %parallel_loop3A_1065, %parallel_loop3A_1072 : i32
      %parallel_loop3A_1074 = arith.remsi %parallel_loop3A_1056, %parallel_loop3A_1057 : i32
      %parallel_loop3A_1075 = arith.constant 0 : i32
      %parallel_loop3A_1076 = arith.cmpi ne, %parallel_loop3A_1074, %parallel_loop3A_1075 : i32
      %parallel_loop3A_1077 = arith.andi %parallel_loop3A_1073, %parallel_loop3A_1076 : i1
      %parallel_loop3A_1078 = arith.constant 1 : i32
      %parallel_loop3A_1079 = arith.subi %parallel_loop3A_1058, %parallel_loop3A_1078 : i32
      %parallel_loop3A_1080 = arith.select %parallel_loop3A_1077, %parallel_loop3A_1079, %parallel_loop3A_1058 : i32
      %parallel_loop3A_1081 = arith.constant 64 : i32
      %parallel_loop3A_1082 = arith.constant 0 : i32
      %parallel_loop3A_1083 = arith.cmpi eq, %parallel_loop3A_1081, %parallel_loop3A_1082 : i32
      %parallel_loop3A_1084 = arith.constant 1 : i32
      %parallel_loop3A_1085 = arith.select %parallel_loop3A_1083, %parallel_loop3A_1084, %parallel_loop3A_1081 : i32
      %parallel_loop3A_1086 = arith.remsi %parallel_loop3A_1056, %parallel_loop3A_1085 : i32
      %parallel_loop3A_1087 = arith.constant 0 : i32
      %parallel_loop3A_1088 = arith.cmpi ne, %parallel_loop3A_1086, %parallel_loop3A_1087 : i32
      %parallel_loop3A_1089 = arith.constant 0 : i32
      %parallel_loop3A_1090 = arith.cmpi slt, %parallel_loop3A_1086, %parallel_loop3A_1089 : i32
      %parallel_loop3A_1091 = arith.constant 0 : i32
      %parallel_loop3A_1092 = arith.cmpi slt, %parallel_loop3A_1085, %parallel_loop3A_1091 : i32
      %parallel_loop3A_1093 = arith.xori %parallel_loop3A_1090, %parallel_loop3A_1092 : i1
      %parallel_loop3A_1094 = arith.andi %parallel_loop3A_1093, %parallel_loop3A_1088 : i1
      %parallel_loop3A_1095 = arith.addi %parallel_loop3A_1086, %parallel_loop3A_1085 : i32
      %parallel_loop3A_1096 = arith.select %parallel_loop3A_1094, %parallel_loop3A_1095, %parallel_loop3A_1086 : i32
      %parallel_loop3A_1097 = arith.constant 16 : i32
      %parallel_loop3A_1098 = arith.muli %parallel_loop3A_1096, %parallel_loop3A_1097 : i32
      %parallel_loop3A_1099 = arith.index_cast %parallel_loop3A_1080 : i32 to index
      %parallel_loop3A_1100 = arith.index_cast %parallel_loop3A_1098 : i32 to index
      %parallel_loop3A_1101 = tpu.vector_load %arg14[%parallel_loop3A_1099, %parallel_loop3A_1100] {strides = array<i32>} : memref<8x1024xf32, #tpu.memory_space<vmem>>, vector<1x16xf32>,
      %parallel_loop3A_1102 = vector.shape_cast %parallel_loop3A_1101 : vector<1x16xf32> to vector<16xf32>
      %parallel_loop3A_1103 = arith.index_cast %parallel_loop3A_1080 : i32 to index
      %parallel_loop3A_1104 = arith.index_cast %parallel_loop3A_1098 : i32 to index
      %parallel_loop3A_1105 = tpu.vector_load %arg10[%parallel_loop3A_1103, %parallel_loop3A_1104] {strides = array<i32>} : memref<8x1024xf32, #tpu.memory_space<vmem>>, vector<1x16xf32>,
      %parallel_loop3A_1106 = vector.shape_cast %parallel_loop3A_1105 : vector<1x16xf32> to vector<16xf32>
      %parallel_loop3A_1107 = vector.shape_cast %parallel_loop3A_1102 : vector<16xf32> to vector<1x16xf32>
      tpu.vector_store %arg10[%parallel_loop3A_1103, %parallel_loop3A_1104], %parallel_loop3A_1107 {add = true, strides = array<i32>} : memref<8x1024xf32, #tpu.memory_space<vmem>>, vector<1x16xf32>,
    } {sc.loop_unroll_factor = 8 : i64, sc.parallel_access}
    %add3A_1034 = arith.constant 248 : i32
    %add3A_1035 = arith.addi %mul3A_2, %add3A_1034 : i32
    %dma_start3A_1036 = arith.constant 0 : i32
    %dma_start3A_1037 = tpu.memref_slice %arg5[%add3A_1035, %dma_start3A_1036] : memref<8192x1024xf32, #tpu.memory_space<hbm>> -> memref<8x1024xf32, #tpu.memory_space<hbm>>
    %dma_start3A_1038 = arith.constant 0 : i32
    %dma_start3A_1039 = tpu.memref_slice %arg5[%add3A_1035, %dma_start3A_1038] : memref<8192x1024xf32, #tpu.memory_space<hbm>> -> memref<8x1024xf32, #tpu.memory_space<hbm>>
    tpu.enqueue_dma source(%arg10 : memref<8x1024xf32, #tpu.memory_space<vmem>>) target(%dma_start3A_1039 : memref<8x1024xf32, #tpu.memory_space<hbm>>) target_semaphore(%arg26 : memref<!tpu.dma_semaphore, #tpu.memory_space<semaphore_mem>>)
    %dma_wait3A_1040 = arith.constant 0 : i32
    %dma_wait3A_1041 = tpu.memref_slice %arg5[%add3A_966, %dma_wait3A_1040] : memref<8192x1024xf32, #tpu.memory_space<hbm>> -> memref<8x1024xf32, #tpu.memory_space<hbm>>
    %dma_wait3A_1042 = arith.constant 0 : i32
    %dma_wait3A_1043 = tpu.memref_slice %arg5[%add3A_966, %dma_wait3A_1042] : memref<8192x1024xf32, #tpu.memory_space<hbm>> -> memref<8x1024xf32, #tpu.memory_space<hbm>>
    tpu.wait_dma2 semaphore(%arg23 : memref<!tpu.dma_semaphore, #tpu.memory_space<semaphore_mem>>) src(%arg7 : memref<8x1024xf32, #tpu.memory_space<vmem>>) dst(%dma_wait3A_1043 : memref<8x1024xf32, #tpu.memory_space<hbm>>)
    %dma_wait3A_1044 = arith.constant 0 : i32
    %dma_wait3A_1045 = tpu.memref_slice %arg5[%add3A_999, %dma_wait3A_1044] : memref<8192x1024xf32, #tpu.memory_space<hbm>> -> memref<8x1024xf32, #tpu.memory_space<hbm>>
    %dma_wait3A_1046 = arith.constant 0 : i32
    %dma_wait3A_1047 = tpu.memref_slice %arg5[%add3A_999, %dma_wait3A_1046] : memref<8192x1024xf32, #tpu.memory_space<hbm>> -> memref<8x1024xf32, #tpu.memory_space<hbm>>
    tpu.wait_dma2 semaphore(%arg24 : memref<!tpu.dma_semaphore, #tpu.memory_space<semaphore_mem>>) src(%arg8 : memref<8x1024xf32, #tpu.memory_space<vmem>>) dst(%dma_wait3A_1047 : memref<8x1024xf32, #tpu.memory_space<hbm>>)
    %dma_wait3A_1048 = arith.constant 0 : i32
    %dma_wait3A_1049 = tpu.memref_slice %arg5[%add3A_1017, %dma_wait3A_1048] : memref<8192x1024xf32, #tpu.memory_space<hbm>> -> memref<8x1024xf32, #tpu.memory_space<hbm>>
    %dma_wait3A_1050 = arith.constant 0 : i32
    %dma_wait3A_1051 = tpu.memref_slice %arg5[%add3A_1017, %dma_wait3A_1050] : memref<8192x1024xf32, #tpu.memory_space<hbm>> -> memref<8x1024xf32, #tpu.memory_space<hbm>>
    tpu.wait_dma2 semaphore(%arg25 : memref<!tpu.dma_semaphore, #tpu.memory_space<semaphore_mem>>) src(%arg9 : memref<8x1024xf32, #tpu.memory_space<vmem>>) dst(%dma_wait3A_1051 : memref<8x1024xf32, #tpu.memory_space<hbm>>)
    %dma_wait3A_1052 = arith.constant 0 : i32
    %dma_wait3A_1053 = tpu.memref_slice %arg5[%add3A_1035, %dma_wait3A_1052] : memref<8192x1024xf32, #tpu.memory_space<hbm>> -> memref<8x1024xf32, #tpu.memory_space<hbm>>
    %dma_wait3A_1054 = arith.constant 0 : i32
    %dma_wait3A_1055 = tpu.memref_slice %arg5[%add3A_1035, %dma_wait3A_1054] : memref<8192x1024xf32, #tpu.memory_space<hbm>> -> memref<8x1024xf32, #tpu.memory_space<hbm>>
    tpu.wait_dma2 semaphore(%arg26 : memref<!tpu.dma_semaphore, #tpu.memory_space<semaphore_mem>>) src(%arg10 : memref<8x1024xf32, #tpu.memory_space<vmem>>) dst(%dma_wait3A_1055 : memref<8x1024xf32, #tpu.memory_space<hbm>>)
    return
  }
}

</mosaic_0001>

<sc_bundles>
// kernel: kernel.3.cloned.1.call-start
scs
__scs_entry_jumppad:
0x0: {  	(pc) =	sbr.rel $0x88, $3  }
0x1: {  	(tag) =	ssettag $0x0;
	lr =	simm.s32 $0x1  }
0x2: {  	[smem:$0x3F9E] =	sst lr;
	_ =	strace $0xD0000000  }
0x3: {  	_ = 	snop  }
0x4: {  	_ = 	snop  }
0x5: {  	_ = 	snop  }
0x6: {  	_ = 	snop  }
0x7: {  	_ = 	snop  }
__scs_overlays_trampoline_lowered:
0x8: {  	[smem:$0x3FAD] =	sst s0  }
0x9: {  	[smem:$0x3FAE] =	sst s1  }
0xa: {  	[smem:$0x3FAF] =	sst s2  }
0xb: {  	[smem:$0x3FB0] =	sst s3  }
0xc: {  	[smem:$0x3FB1] =	sst s4  }
0xd: {  	[smem:$0x3FB2] =	sst s5  }
0xe: {  	[smem:$0x3FB3] =	sst s6  }
0xf: {  	[smem:$0x3FB4] =	sst s7  }
0x10: {  	[smem:$0x3FB5] =	sst s8  }
0x11: {  	[smem:$0x3FB6] =	sst s9;
	s0 =	simm.s32 @!p0 $0x0  }
0x12: {  	s1 =	sld [smem:$0x3F9C];
	s0 =	simm.s32 @p0 $0x1  }
0x13: {  	[smem:$0x3FB7] =	sst s0;
	s0 =	simm.s32 @!p1 $0x0  }
0x14: {  	s2 =	sld [smem:$0x3F9B];
	s0 =	simm.s32 @p1 $0x1  }
0x15: {  	[smem:$0x3FB8] =	sst s0;
	s0 =	simm.s32 @!p2 $0x0  }
0x16: {  	s3 =	sld [smem:$0x3FDB];
	s0 =	simm.s32 @p2 $0x1  }
0x17: {  	s4 =	simm.s32 $0x1BF5;
	[smem:$0x3FBA] =	sst s0  }
0x18: {  	s0 =	sld [smem:$0x3F9D];
	_ =	swait.ge [sflag:s4], $0x0  }
0x19: {  	s7 =	sld [smem:$0x3F9E]  }
0x1a: {  	s8 =	sadd.s32 $0xFFFFE003, lr  }
0x1b: {  	s9 =	sadd.s32 $0xFFFFFEF7, lr;
	s5 =	simm.s32 $0xFFFFFFFF;
	p2 =	slt.u32 s8, $0xFFFFF086  }
0x1c: {  	p1 =	slt.u32 s9, $0xF7A;
	s5 =	simm.s32 @!p2 $0x0  }
0x1d: {  	s5 =	simm.s32 @p1 $0x1;
	p0 =	seq.s32 s7, s2  }
0x1e: {  	s7 =	smul.u32 @!p0 $0xF7A, s2;
	p2 =	seq.s32 @!p0 s5, $0x0  }
0x1f: {  	s9 =	smul.u32 $0xF7A, s1;
	s8 =	simm.s32 @!p0 $0x1BF5;
	p2 =	por !p2, p0  }
0x20: {  	[sflag:s8] =	ssyncset.s32 @!p0 $0xFFFFF086;
	s6 =	sadd.s32 @!p0 s3, s7;
	s7 =	simm.s32 @!p0 $0x108  }
0x21: {  	s3 =	sadd.s32 s3, s9;
	s6 =	sadd.s32 @!p0 $0x88, s6;
	s7 =	simm.s32 @p2 $0x1082  }
0x22: {  	[simem:s7], [sflag:s8] =	dma.local @!p0 [hbm:s6], $0xF7A  }
0x23: {  	s9 =	sor.u32 $0xD0000000, s2;
	s6 =	simm.s32 $0x108;
	_ =	swait.ge @!p0 [sflag:s8], $0x0  }
0x24: {  	s3 =	sadd.s32 $0x88, s3;
	s6 =	simm.s32 @!p1 $0x1082;
	[sflag:s4] =	ssyncset.s32 $0xFFFFF086  }
0x25: {  	[simem:s6], [sflag:s4] =	dma.local [hbm:s3], $0xF7A  }
0x26: {  	[smem:$0x3F9E] =	sst s1;
	(tag) =	ssettag s2;
	_ =	strace s9  }
0x27: {  	s1 =	sld [smem:$0x3FAE]  }
0x28: {  	s2 =	sld [smem:$0x3FAF]  }
0x29: {  	s4 =	sld [smem:$0x3FB1]  }
0x2a: {  	p0 =	seq.s32 s5, $0x0;
	s5 =	sld [smem:$0x3FB2]  }
0x2b: {  	s6 =	sld [smem:$0x3FB3]  }
0x2c: {  	s7 =	sld [smem:$0x3FB4]  }
0x2d: {  	s3 =	simm.s32 $0x108;
	s8 =	sld [smem:$0x3FB5]  }
0x2e: {  	s3 =	simm.s32 @!p0 $0x1082;
	s9 =	sld [smem:$0x3FB6]  }
0x2f: {  	lr =	sadd.s32 s0, s3;
	s0 =	sld [smem:$0x3FAD]  }
0x30: {  	s3 =	sld [smem:$0x3FB0]  }
0x31: {  	[smem:$0x3FB9] =	sst s10  }
0x32: {  	s10 =	sld [smem:$0x3FB7];
	_ =	sdelay $0x3  }
0x33: {  	p0 =	seq.s32 s10, $0x1;
	s10 =	sld [smem:$0x3FB9];
	_ =	sdelay $0x3  }
0x34: {  	[smem:$0x3FB9] =	sst s10  }
0x35: {  	s10 =	sld [smem:$0x3FB8];
	_ =	sdelay $0x3  }
0x36: {  	p1 =	seq.s32 s10, $0x1;
	s10 =	sld [smem:$0x3FB9];
	_ =	sdelay $0x3  }
0x37: {  	[smem:$0x3FB9] =	sst s10  }
0x38: {  	s10 =	sld [smem:$0x3FBA]  }
0x39: {  	_ = 	snop;
	(pc) =	sbr.ind lr, $3  }
0x3a: {  	_ = 	snop  }
0x3b: {  	_ = 	snop  }
0x3c: {  	p2 =	seq.s32 s10, $0x1;
	s10 =	sld [smem:$0x3FB9]  }
0x3d: {  	_ =	shalt  }
0x3e: {  	_ =	shalt  }
0x3f: {  	_ =	shalt  }
0x40: {  	_ =	shalt  }
0x41: {  	_ =	shalt  }
0x42: {  	_ =	shalt  }
0x43: {  	_ =	shalt  }
0x44: {  	_ =	shalt  }
0x45: {  	_ =	shalt  }
0x46: {  	_ =	shalt  }
0x47: {  	_ =	shalt  }
0x48: {  	_ =	shalt  }
0x49: {  	_ =	shalt  }
0x4a: {  	_ =	shalt  }
0x4b: {  	_ =	shalt  }
0x4c: {  	_ =	shalt  }
0x4d: {  	_ =	shalt  }
0x4e: {  	_ =	shalt  }
0x4f: {  	_ =	shalt  }
0x50: {  	_ =	shalt  }
0x51: {  	_ =	shalt  }
0x52: {  	_ =	shalt  }
0x53: {  	_ =	shalt  }
0x54: {  	_ =	shalt  }
0x55: {  	_ =	shalt  }
0x56: {  	_ =	shalt  }
0x57: {  	_ =	shalt  }
0x58: {  	_ =	shalt  }
0x59: {  	_ =	shalt  }
0x5a: {  	_ =	shalt  }
0x5b: {  	_ =	shalt  }
0x5c: {  	_ =	shalt  }
0x5d: {  	_ =	shalt  }
0x5e: {  	_ =	shalt  }
0x5f: {  	_ =	shalt  }
0x60: {  	_ =	shalt  }
0x61: {  	_ =	shalt  }
0x62: {  	_ =	shalt  }
0x63: {  	_ =	shalt  }
0x64: {  	_ =	shalt  }
0x65: {  	_ =	shalt  }
0x66: {  	_ =	shalt  }
0x67: {  	_ =	shalt  }
0x68: {  	_ =	shalt  }
0x69: {  	_ =	shalt  }
0x6a: {  	_ =	shalt  }
0x6b: {  	_ =	shalt  }
0x6c: {  	_ =	shalt  }
0x6d: {  	_ =	shalt  }
0x6e: {  	_ =	shalt  }
0x6f: {  	_ =	shalt  }
0x70: {  	_ =	shalt  }
0x71: {  	_ =	shalt  }
0x72: {  	_ =	shalt  }
0x73: {  	_ =	shalt  }
0x74: {  	_ =	shalt  }
0x75: {  	_ =	shalt  }
0x76: {  	_ =	shalt  }
0x77: {  	_ =	shalt  }
0x78: {  	_ =	shalt  }
0x79: {  	_ =	shalt  }
0x7a: {  	_ =	shalt  }
0x7b: {  	_ =	shalt  }
0x7c: {  	_ =	shalt  }
0x7d: {  	_ =	shalt  }
0x7e: {  	_ =	shalt  }
0x7f: {  	_ =	shalt  }
0x80: {  	_ =	shalt  }
0x81: {  	_ =	shalt  }
0x82: {  	_ =	shalt  }
0x83: {  	_ =	shalt  }
0x84: {  	_ =	shalt  }
0x85: {  	_ =	shalt  }
0x86: {  	_ =	shalt  }
0x87: {  	_ =	shalt  }
.Lfunc_end0:
.L_simem_size_0:
called_computation_lowered:
.L_overlay_start_0:
0x88: {  	s2 =	sld [smem:$0x3FD9]  }
0x89: {  	s3 =	sld [smem:$0x3FFE];
	_ =	sdelay $0x1  }
0x8a: {  	s1 =	srdreg.scid  }
0x8b: {  	s0 =	sand.u32 $0x1, s1  }
0x8c: {  	s17 =	sshll.u32 s0, $0xA;
	s2 =	sadd.s32 s3, s2  }
0x8d: {  	s2 =	sadd.s32 s2, s17  }
0x8e: {  	[smem:$0x3FC5] =	sst s2  }
0x8f: {  	_ = 	snop  }
0x90: {  	s2 =	sld [smem:$0x3FC9]  }
0x91: {  	s18 =	sld [smem:$0x3FC7]  }
0x92: {  	s4 =	sld [smem:$0x3FD0];
	(tm) =	ssettm $0x1  }
0x93: {  	s5 =	sld [smem:$0x3FFB];
	_ =	sdelay $0x3  }
0x94: {  	_ =	strace s5  }
0x95: {  	s5 =	sld [smem:$0x3FFC];
	_ =	sdelay $0x3  }
0x96: {  	_ =	strace s5  }
0x97: {  	s5 =	sld [smem:$0x3FFD];
	_ =	sdelay $0x3  }
0x98: {  	_ =	strace s5  }
0x99: {  	_ =	strace $0x8FFFFFFF  }
0x9a: {  	s19 =	sld [smem:$0x3FDB];
	_ =	sdelay $0x1  }
0x9b: {  	s6 =	simm.s32 $_scs_section_size  }
0x9c: {  	s7 =	simm.s32 $_size__tile_overlayer_lowered;
	s8 =	simm.s32 $_tile_overlayer_lowered  }
0x9d: {  	s22 =	simm.s32 $0x1BFF;
	s21 =	sshll.u32 s8, $0x1;
	s5 =	sadd.s32 s6, s19  }
0x9e: {  	s9 =	simm.s32 $0x0;
	s20 =	sshll.u32 s7, $0x1;
	s7 =	sadd.s32 s21, s5  }
0x9f: {  	[timem:s9], [sflag:s22] =	dma.local [hbm:s7], s20  }
0xa0: {  	_ =	swait.ge [sflag:s22], s20  }
0xa1: {  	s6 =	ssub.s32 $0x0, s20;
	[sflag:s22] =	ssyncset.done $0x0  }
0xa2: {  	[sflag:s22] =	ssyncadd.s32 s6;
	_ =	sdelay $0x1  }
0xa3: {  	s23 =	simm.s32 $0x1B8B  }
0xa4: {  	_ =	swait.ge [sflag:s23], $0x1  }
0xa5: {  	[sflag:s23] =	ssyncset.done $0x0  }
0xa6: {  	s25 =	simm.s32 $0x1B8E;
	s24 =	sld [smem:$0x3FFE];
	[sflag:s23] =	ssyncadd.s32 $0xFFFFFFFF  }
0xa7: {  	s26 =	simm.s32 $execute0_lowered;
	[smem:$0x3FD2] =	sst s25  }
0xa8: {  	s7 =	sshll.u32 s26, $0x1;
	_ =	strace $0x80000046;
	[dreg:$0x1] =	wrdreg $0xFFFFFFFF  }
0xa9: {  	s28 =	simm.s32 $_size_execute0_lowered;
	s5 =	sadd.s32 s5, s7;
	[dreg:$0x0] =	wrdreg $0x0  }
0xaa: {  	s7 =	sshll.u32 s28, $0x1;
	[dreg:$0x2] =	wrdreg s5  }
0xab: {  	[dreg:$0x3] =	wrdreg s7  }
0xac: {  	[dreg:$0x4] =	wrdreg $0xC0  }
0xad: {  	_ =	task [dreg:s9], $0x5FFFF  }
0xae: {  	[dreg:$0x1] =	wrdreg $0xFFFFFFFF  }
0xaf: {  	[dreg:$0x0] =	wrdreg $0x60  }
0xb0: {  	[dreg:$0x2] =	wrdreg s2  }
0xb1: {  	[dreg:$0x3] =	wrdreg s24  }
0xb2: {  	[dreg:$0x4] =	wrdreg s18  }
0xb3: {  	[dreg:$0x5] =	wrdreg s4  }
0xb4: {  	[dreg:$0x6] =	wrdreg $0x9  }
0xb5: {  	_ =	task.clear_ibuf [dreg:s9], $0x7FFFF;
	_ =	strace $0x90000046  }
0xb6: {  	s29 =	simm.s32 $0x9;
	_ =	strace $0x80000048  }
0xb7: {  	_ =	swait.ge [sflag:s29], $0x1  }
0xb8: {  	[sflag:s29] =	ssyncadd.s32 $0xFFFFFFFF  }
0xb9: {  	_ =	strace $0x90000048  }
0xba: {  	_ =	sfence  }
0xbb: {  	s30 =	sld [smem:$0x0];
	_ =	sdelay $0x2  }
0xbc: {  	s31 =	sshll.u32 s1, $0xD;
	s1 =	sshrl.u32 s1, $0x2  }
0xbd: {  	s3 =	sand.u32 $0x4000, s31;
	s1 =	sadd.s32 s1, s30  }
0xbe: {  	s0 =	sor.u32 s3, s0;
	s1 =	sshll.u32 s1, $0x11  }
0xbf: {  	s0 =	sor.u32 s1, s0  }
0xc0: {  	s0 =	sadd.s32 $0x8F2B, s0  }
0xc1: {  	[sflag:s0] =	ssyncadd.remote.s32 $0x1  }
0xc2: {  	_ =	sfence.sel $0xFFFF  }
0xc3: {  	[dreg:$0x0] =	wrdreg $0xFFFFFFFF;
	(pc) =	sbr.abs _section_cstart, $3  }
0xc4: {  	[dreg:$0x1] =	wrdreg $0xFFFFFFFF  }
0xc5: {  	_ =	task.clear_ibuf [dreg:s9], $0x2FFFF;
	_ =	strace $0x9FFFFFFF  }
0xc6: {  	(tm) =	ssettm $0x7FFFFFFF  }
0xc7: {  	_ =	shalt  }
tec
execute0_lowered:
.L_overlay_start_1:
0x0: {  	(tag) =	ssettag $0x1  }
0x1: {  	s1 =	srdreg.scid;
	s0 =	rddreg [dreg:$0x0]  }
0x2: {  	s2 =	stileid.u32;
	s4 =	rddreg [dreg:$0x1];
	s3 =	sand.u32 $0x1, s1  }
0x3: {  	s31 =	rddreg [dreg:$0x2];
	s5 =	sshll.u32 s2, $0x9;
	s6 =	sshll.u32 s3, $0x8  }
0x4: {  	s2 =	rddreg [dreg:$0x3];
	s5 =	sor.u32 s6, s5  }
0x5: {  	s1 =	simm.s32 $0x0;
	s6 =	sshrl.u32 s5, $0x3;
	s5 =	sshll.u32 s5, $0x7  }
0x6: {  	[smem:$0x7FF] =	sst s1;
	s7 =	ssub.s32 $0x2, s3;
	s11 =	sor.u32 $0x400, s5  }
0x7: {  	s10 =	sshrl.u32 s7, $0x1;
	s12 =	sor.u32 $0x800, s5;
	s8 =	sadd.s32 s0, s11  }
0x8: {  	s14 =	sor.u32 $0xC00, s5;
	s13 =	sadd.s32 s0, s12;
	[dreg:$0x5] =	wrdreg s8  }
0x9: {  	s3 =	sadd.s32 s6, s4;
	s9 =	sadd.s32 s0, s14;
	[dreg:$0x6] =	wrdreg s13  }
0xa: {  	s15 =	sor.u32 $0x1000, s5;
	s6 =	sadd.s32 s2, s11;
	[dreg:$0x7] =	wrdreg s9  }
0xb: {  	s4 =	ssub.s32 s7, s10;
	s16 =	sadd.s32 s0, s15;
	[dreg:$0x8] =	wrdreg s6  }
0xc: {  	s17 =	sor.u32 $0x1400, s5;
	s7 =	sadd.s32 s2, s12;
	[dreg:$0x9] =	wrdreg s16  }
0xd: {  	s19 =	sor.u32 $0x1800, s5;
	s18 =	sadd.s32 s0, s17;
	[dreg:$0xa] =	wrdreg s7  }
0xe: {  	s21 =	sor.u32 $0x1C00, s5;
	s20 =	sadd.s32 s0, s19;
	[dreg:$0xb] =	wrdreg s18  }
0xf: {  	s23 =	sor.u32 $0x2000, s5;
	s22 =	sadd.s32 s0, s21;
	[dreg:$0xd] =	wrdreg s20  }
0x10: {  	s25 =	sor.u32 $0x2400, s5;
	s24 =	sadd.s32 s0, s23;
	[dreg:$0xf] =	wrdreg s22  }
0x11: {  	s10 =	sor.u32 $0x2C00, s5;
	s26 =	sadd.s32 s0, s25;
	[dreg:$0x11] =	wrdreg s24  }
0x12: {  	s12 =	sadd.s32 s0, s10;
	[dreg:$0x13] =	wrdreg s26  }
0x13: {  	s8 =	sadd.s32 s2, s14;
	[dreg:$0x19] =	wrdreg s12  }
0x14: {  	s6 =	sadd.s32 s2, s15;
	[dreg:$0xc] =	wrdreg s8  }
0x15: {  	s28 =	sor.u32 $0x2800, s5;
	s7 =	sadd.s32 s2, s17;
	[dreg:$0xe] =	wrdreg s6  }
0x16: {  	s11 =	sor.u32 $0x3000, s5;
	s9 =	sadd.s32 s0, s28;
	[dreg:$0x10] =	wrdreg s7  }
0x17: {  	s13 =	sadd.s32 s0, s11;
	[dreg:$0x17] =	wrdreg s9  }
0x18: {  	s14 =	sadd.s32 s2, s11;
	[dreg:$0x1b] =	wrdreg s13  }
0x19: {  	s8 =	sadd.s32 s2, s19;
	[dreg:$0x1c] =	wrdreg s14  }
0x1a: {  	s6 =	sadd.s32 s2, s21;
	[dreg:$0x12] =	wrdreg s8  }
0x1b: {  	s15 =	sor.u32 $0x3400, s5;
	s7 =	sadd.s32 s2, s23;
	[dreg:$0x14] =	wrdreg s6  }
0x1c: {  	s16 =	sor.u32 $0x3800, s5;
	s17 =	sadd.s32 s0, s15;
	[dreg:$0x15] =	wrdreg s7  }
0x1d: {  	s18 =	sadd.s32 s0, s16;
	[dreg:$0x1d] =	wrdreg s17  }
0x1e: {  	s20 =	sor.u32 $0x3C00, s5;
	s19 =	sadd.s32 s2, s16;
	[dreg:$0x1f] =	wrdreg s18  }
0x1f: {  	s26 =	sor.u32 $0x4800, s5;
	s22 =	sadd.s32 s0, s20;
	[smem:$0x7D7] =	sst s19  }
0x20: {  	s11 =	sor.u32 $0x4C00, s5;
	s9 =	sadd.s32 s0, s26;
	[smem:$0x7D8] =	sst s22  }
0x21: {  	s12 =	sor.u32 $0x5000, s5;
	s13 =	sadd.s32 s0, s11;
	[smem:$0x7DE] =	sst s9  }
0x22: {  	s14 =	sadd.s32 s0, s12;
	[smem:$0x7E0] =	sst s13  }
0x23: {  	s8 =	sadd.s32 s2, s25;
	[smem:$0x7E2] =	sst s14  }
0x24: {  	s21 =	sor.u32 $0x4000, s5;
	s6 =	sadd.s32 s2, s28;
	[dreg:$0x16] =	wrdreg s8  }
0x25: {  	s23 =	sadd.s32 s0, s21;
	[dreg:$0x18] =	wrdreg s6  }
0x26: {  	s16 =	sor.u32 $0x5400, s5;
	s24 =	sadd.s32 s2, s21;
	[smem:$0x7DA] =	sst s23  }
0x27: {  	s18 =	sadd.s32 s0, s16;
	[smem:$0x7DB] =	sst s24  }
0x28: {  	s25 =	sor.u32 $0x4400, s5;
	s6 =	sadd.s32 s2, s10;
	[smem:$0x7E4] =	sst s18  }
0x29: {  	s28 =	sadd.s32 s0, s25;
	[dreg:$0x1a] =	wrdreg s6  }
0x2a: {  	s17 =	sor.u32 $0x5800, s5;
	s10 =	sadd.s32 s2, s26;
	[smem:$0x7DC] =	sst s28  }
0x2b: {  	s21 =	sor.u32 $0x5C00, s5;
	s19 =	sadd.s32 s0, s17;
	[smem:$0x7DF] =	sst s10  }
0x2c: {  	s22 =	sor.u32 $0x6000, s5;
	s23 =	sadd.s32 s0, s21;
	[smem:$0x7E6] =	sst s19  }
0x2d: {  	s29 =	simm.s32 $0x1;
	s24 =	sadd.s32 s0, s22;
	[smem:$0x7E8] =	sst s23  }
0x2e: {  	s30 =	simm.s32 $0x5;
	s18 =	sadd.s32 s2, s5;
	[smem:$0x7EA] =	sst s24  }
0x2f: {  	s13 =	sor.u32 $0x7000, s5;
	s6 =	sadd.s32 s2, s15;
	[smem:$0x7F5] =	sst s18  }
0x30: {  	s26 =	sor.u32 $0x6400, s5;
	s15 =	sadd.s32 s2, s12;
	[dreg:$0x1e] =	wrdreg s6  }
0x31: {  	s7 =	simm.s32 $0x6;
	s9 =	sadd.s32 s0, s26;
	[smem:$0x7E3] =	sst s15  }
0x32: {  	s8 =	simm.s32 $0x9;
	s6 =	sadd.s32 s2, s20;
	[smem:$0x7EC] =	sst s9  }
0x33: {  	s28 =	sor.u32 $0x6800, s5;
	s20 =	sadd.s32 s2, s17;
	[smem:$0x7D9] =	sst s6  }
0x34: {  	s12 =	sor.u32 $0x6C00, s5;
	s10 =	sadd.s32 s0, s28;
	[smem:$0x7E7] =	sst s20  }
0x35: {  	s19 =	sor.u32 $0x7400, s5;
	s14 =	sadd.s32 s0, s12;
	[smem:$0x7EE] =	sst s10  }
0x36: {  	s18 =	simm.s32 $0x2100;
	s15 =	sadd.s32 s0, s13;
	[smem:$0x7F0] =	sst s14  }
0x37: {  	s17 =	sadd.s32 s0, s5;
	s23 =	sadd.s32 s2, s19;
	[smem:$0x7F2] =	sst s15  }
0x38: {  	s9 =	sadd.s32 $0x100, s31;
	s6 =	sadd.s32 s2, s25;
	[smem:$0x7F4] =	sst s17  }
0x39: {  	s25 =	sadd.s32 s2, s22;
	s20 =	sor.u32 $0x7800, s5;
	[smem:$0x7F9] =	sst s23  }
0x3a: {  	s5 =	sor.u32 $0x7C00, s5;
	s10 =	sadd.s32 $0x200, s31;
	[smem:$0x7DD] =	sst s6  }
0x3b: {  	s23 =	simm.s32 $0x4100;
	s6 =	sadd.s32 s2, s11;
	[smem:$0x7EB] =	sst s25  }
0x3c: {  	s14 =	simm.s32 $0x7;
	s11 =	sadd.s32 s2, s28;
	[smem:$0x7E1] =	sst s6  }
0x3d: {  	s15 =	simm.s32 $0xA;
	s22 =	sadd.s32 s0, s20;
	[smem:$0x7EF] =	sst s11  }
0x3e: {  	s17 =	simm.s32 $0x8;
	s24 =	sadd.s32 s2, s20;
	[smem:$0x7F7] =	sst s22  }
0x3f: {  	s25 =	sadd.s32 s2, s5;
	s28 =	smax.u32 s4, $0x1;
	[smem:$0x7FA] =	sst s24  }
0x40: {  	s4 =	simm.s32 $0xF100;
	s6 =	sadd.s32 s2, s16;
	[smem:$0x7FB] =	sst s25  }
0x41: {  	s20 =	simm.s32 $0xC;
	s16 =	sadd.s32 s2, s13;
	[smem:$0x7E5] =	sst s6  }
0x42: {  	s11 =	sadd.s32 $0x300, s31;
	s6 =	sadd.s32 s2, s21;
	[smem:$0x7F3] =	sst s16  }
0x43: {  	s13 =	simm.s32 $0x100;
	s21 =	sadd.s32 s0, s19;
	[smem:$0x7E9] =	sst s6  }
0x44: {  	s0 =	sadd.s32 s0, s5;
	s5 =	simm.s32 $0xF900;
	[smem:$0x7F6] =	sst s21  }
0x45: {  	s16 =	simm.s32 $0x4;
	s6 =	sadd.s32 s2, s26;
	[smem:$0x7F8] =	sst s0  }
0x46: {  	s19 =	simm.s32 $0xB;
	[smem:$0x7ED] =	sst s6;
	s6 =	sadd.s32 s2, s12  }
0x47: {  	v0 =	vlaneseq.u32;
	s26 =	sadd.s32 $0x400, s3;
	s0 =	simm.s32 $0x6100;
	[smem:$0x7F1] =	sst s6  }
0x48: {  	v1 =	vshrl.u32 v0, $0x3;
	s21 =	simm.s32 $0x0;
	_ =	strace $0x80000047;
	[smem:$0x7FC] =	sst s26  }
0x49: {  	vm0 =	vmmov $0xffff;
	v0 =	vand.u32 $0x7, v0;
	v1 =	vmul.u32 $0x8, v1;
	s12 =	simm.s32 $0x3;
	s6 =	simm.s32 $0x2;
	[smem:$0x7FD] =	sst s28  }
.LBB2_1:
0x4a: {  	s2 =	sld [smem:$0x7FC];
	_ =	sdelay $0x1  }
0x4b: {  	s24 =	simm.s32 $0xD  }
0x4c: {  	[tilespmem:s1], [sflag:$0xD] =	stream.linear.gather [hbm4b:s2+s1], $0x100, $0x38;
	[tilespmem:$0x10100] =	vst v63  }
0x4d: {  	_ =	swait.ge [sflag:s24], $0x100  }
0x4e: {  	s25 =	sld [smem:$0x7F4]  }
0x4f: {  	[sflag:s24] =	ssyncset.done $0x0  }
0x50: {  	[sflag:s24] =	ssyncadd.s32 $0xFFFFFF00  }
0x51: {  	[tilespmem:s13], [sflag:$0x1] =	stream.linear.gather [hbm4b:s25+s1], $0x2000, $0x38;
	[tilespmem:$0x10100] =	vst v63  }
0x52: {  	v2 =	vld.msk [tilespmem:$0x0], $0xff;
	_ =	sdelay $0x4  }
0x53: {  	v3 =	vshll.u32 v2, $0x3  }
0x54: {  	v2 =	vand.u32 $0x7, v2;
	v3 =	vand.u32 $0xFFFFFFC0, v3  }
0x55: {  	v2 =	vor.u32 v2, v3  }
0x56: {  	v2 =	vperm.xlane v2, v0;
	_ =	sdelay $0x1  }
0x57: {  	v2 =	vadd.s32 v1, v2;
	_ =	sdelay $0x3  }
0x58: {  	s26 =	simm.s32 $0x8100  }
0x59: {  	[tilespmem:s26], [sflag:$0x5] =	stream.indirect_vreg.gather [hbm4b:s31+s1], $0x80, v2, vm0, $0xb8;
	[tilespmem:$0x10100] =	vst v63  }
0x5a: {  	s28 =	simm.s32 $0x8900  }
0x5b: {  	[tilespmem:s28], [sflag:$0x5] =	stream.indirect_vreg.gather [hbm4b:s9+s1], $0x80, v2, vm0, $0xb8;
	[tilespmem:$0x10100] =	vst v63  }
0x5c: {  	s3 =	simm.s32 $0x9100  }
0x5d: {  	[tilespmem:s3], [sflag:$0x5] =	stream.indirect_vreg.gather [hbm4b:s10+s1], $0x80, v2, vm0, $0xb8;
	[tilespmem:$0x10100] =	vst v63  }
0x5e: {  	s22 =	simm.s32 $0x9900  }
0x5f: {  	[tilespmem:s22], [sflag:$0x5] =	stream.indirect_vreg.gather [hbm4b:s11+s1], $0x80, v2, vm0, $0xb8;
	[tilespmem:$0x10100] =	vst v63  }
0x60: {  	s24 =	rddreg [dreg:$0x5]  }
0x61: {  	[tilespmem:s18], [sflag:$0x2] =	stream.linear.gather [hbm4b:s24+s1], $0x2000, $0x38;
	[tilespmem:$0x10100] =	vst v63  }
0x62: {  	v2 =	vld.msk [tilespmem:$0x8], $0xff;
	_ =	sdelay $0x4  }
0x63: {  	v3 =	vshll.u32 v2, $0x3  }
0x64: {  	v2 =	vand.u32 $0x7, v2;
	v3 =	vand.u32 $0xFFFFFFC0, v3  }
0x65: {  	v2 =	vor.u32 v2, v3  }
0x66: {  	v2 =	vperm.xlane v2, v0;
	_ =	sdelay $0x1  }
0x67: {  	v2 =	vadd.s32 v1, v2;
	_ =	sdelay $0x3  }
0x68: {  	s25 =	simm.s32 $0xA100  }
0x69: {  	[tilespmem:s25], [sflag:$0x6] =	stream.indirect_vreg.gather [hbm4b:s31+s1], $0x80, v2, vm0, $0xb8;
	[tilespmem:$0x10100] =	vst v63  }
0x6a: {  	s26 =	simm.s32 $0xA900  }
0x6b: {  	[tilespmem:s26], [sflag:$0x6] =	stream.indirect_vreg.gather [hbm4b:s9+s1], $0x80, v2, vm0, $0xb8;
	[tilespmem:$0x10100] =	vst v63  }
0x6c: {  	s28 =	simm.s32 $0xB100  }
0x6d: {  	[tilespmem:s28], [sflag:$0x6] =	stream.indirect_vreg.gather [hbm4b:s10+s1], $0x80, v2, vm0, $0xb8;
	[tilespmem:$0x10100] =	vst v63  }
0x6e: {  	s3 =	simm.s32 $0xB900  }
0x6f: {  	[tilespmem:s3], [sflag:$0x6] =	stream.indirect_vreg.gather [hbm4b:s11+s1], $0x80, v2, vm0, $0xb8;
	[tilespmem:$0x10100] =	vst v63  }
0x70: {  	s22 =	rddreg [dreg:$0x6]  }
0x71: {  	[tilespmem:s23], [sflag:$0x3] =	stream.linear.gather [hbm4b:s22+s1], $0x2000, $0x38;
	[tilespmem:$0x10100] =	vst v63  }
0x72: {  	v2 =	vld.msk [tilespmem:$0x10], $0xff;
	_ =	sdelay $0x4  }
0x73: {  	v3 =	vshll.u32 v2, $0x3  }
0x74: {  	v2 =	vand.u32 $0x7, v2;
	v3 =	vand.u32 $0xFFFFFFC0, v3  }
0x75: {  	v2 =	vor.u32 v2, v3  }
0x76: {  	v2 =	vperm.xlane v2, v0;
	_ =	sdelay $0x1  }
0x77: {  	v2 =	vadd.s32 v1, v2;
	_ =	sdelay $0x3  }
0x78: {  	s24 =	simm.s32 $0xC100  }
0x79: {  	[tilespmem:s24], [sflag:$0x7] =	stream.indirect_vreg.gather [hbm4b:s31+s1], $0x80, v2, vm0, $0xb8;
	[tilespmem:$0x10100] =	vst v63  }
0x7a: {  	s25 =	simm.s32 $0xC900  }
0x7b: {  	[tilespmem:s25], [sflag:$0x7] =	stream.indirect_vreg.gather [hbm4b:s9+s1], $0x80, v2, vm0, $0xb8;
	[tilespmem:$0x10100] =	vst v63  }
0x7c: {  	s26 =	simm.s32 $0xD100  }
0x7d: {  	[tilespmem:s26], [sflag:$0x7] =	stream.indirect_vreg.gather [hbm4b:s10+s1], $0x80, v2, vm0, $0xb8;
	[tilespmem:$0x10100] =	vst v63  }
0x7e: {  	s28 =	simm.s32 $0xD900  }
0x7f: {  	[tilespmem:s28], [sflag:$0x7] =	stream.indirect_vreg.gather [hbm4b:s11+s1], $0x80, v2, vm0, $0xb8;
	[tilespmem:$0x10100] =	vst v63  }
0x80: {  	_ =	swait.ge [sflag:s29], $0x2000  }
0x81: {  	[sflag:s29] =	ssyncset.done $0x0  }
0x82: {  	[sflag:s29] =	ssyncadd.s32 $0xFFFFE000  }
0x83: {  	s22 =	sand.u32 $0x1C00, s1;
	_ =	swait.ge [sflag:s30], $0x2000  }
0x84: {  	s24 =	sor.u32 s22, s1;
	[sflag:s30] =	ssyncset.done $0x0  }
0x85: {  	s24 =	sor.u32 $0x70, s24;
	s25 =	sand.u32 $0x380, s1;
	[sflag:s30] =	ssyncadd.s32 $0xFFFFE000  }
0x86: {  	s22 =	sor.u32 s25, s22;
	v2 =	vld [tilespmem:s24+$0x8100]  }
0x87: {  	v5 =	vld [tilespmem:s22+$0x8100]  }
0x88: {  	v6 =	vld [tilespmem:s22+$0x8110]  }
0x89: {  	v7 =	vld [tilespmem:s22+$0x8120]  }
0x8a: {  	v8 =	vld [tilespmem:s22+$0x8130]  }
0x8b: {  	v4 =	vld [tilespmem:s22+$0x8140]  }
0x8c: {  	v3 =	vld [tilespmem:s22+$0x8150]  }
0x8d: {  	[tilespmem:s24+$0x100] =	vst.add.f32.msk $0xffff, v2  }
0x8e: {  	v2 =	vld [tilespmem:s22+$0x8160]  }
0x8f: {  	[tilespmem:s22+$0x100] =	vst.add.f32.msk $0xffff, v5  }
0x90: {  	[tilespmem:s22+$0x110] =	vst.add.f32.msk $0xffff, v6  }
0x91: {  	[tilespmem:s22+$0x120] =	vst.add.f32.msk $0xffff, v7  }
0x92: {  	s25 =	simm.s32 $0x400;
	s26 =	simm.s32 $0x0;
	s24 =	simm.s32 $0x0;
	[tilespmem:s22+$0x130] =	vst.add.f32.msk $0xffff, v8  }
.LBB2_2:
0x93: {  	s28 =	sand.u32 $0x1C00, s25;
	s24 =	sadd.s32 $0x8, s24;
	[tilespmem:s22+$0x140] =	vst.add.f32.msk $0xffff, v4;
	s26 =	sadd.s32 $0x10, s26  }
0x94: {  	s2 =	sand.u32 $0x380, s26;
	s3 =	sor.u32 s28, s26;
	p0 =	slt.u32 s24, $0x1F8;
	[tilespmem:s22+$0x150] =	vst.add.f32.msk $0xffff, v3  }
0x95: {  	s3 =	sor.u32 $0x70, s3;
	[tilespmem:s22+$0x160] =	vst.add.f32.msk $0xffff, v2;
	s22 =	sor.u32 s2, s28  }
0x96: {  	v2 =	vld [tilespmem:s3+$0x8100]  }
0x97: {  	v5 =	vld [tilespmem:s22+$0x8100]  }
0x98: {  	v6 =	vld [tilespmem:s22+$0x8110]  }
0x99: {  	v7 =	vld [tilespmem:s22+$0x8120]  }
0x9a: {  	v8 =	vld [tilespmem:s22+$0x8130]  }
0x9b: {  	[tilespmem:s3+$0x100] =	vst.add.f32.msk $0xffff, v2  }
0x9c: {  	v4 =	vld [tilespmem:s22+$0x8140]  }
0x9d: {  	v3 =	vld [tilespmem:s22+$0x8150]  }
.Ltmp0:
0x9e: {  	v2 =	vld [tilespmem:s22+$0x8160];
	(pc) =	sbr.rel @p0 .LBB2_2-.Ltmp0, $4  }
0x9f: {  	[tilespmem:s22+$0x100] =	vst.add.f32.msk $0xffff, v5  }
0xa0: {  	[tilespmem:s22+$0x110] =	vst.add.f32.msk $0xffff, v6  }
0xa1: {  	[tilespmem:s22+$0x120] =	vst.add.f32.msk $0xffff, v7  }
0xa2: {  	s25 =	sadd.s32 $0x400, s25;
	[tilespmem:s22+$0x130] =	vst.add.f32.msk $0xffff, v8  }
0xa3: {  	[tilespmem:s22+$0x140] =	vst.add.f32.msk $0xffff, v4  }
0xa4: {  	[tilespmem:s22+$0x150] =	vst.add.f32.msk $0xffff, v3  }
0xa5: {  	[tilespmem:s22+$0x160] =	vst.add.f32.msk $0xffff, v2  }
0xa6: {  	s2 =	sld [smem:$0x7F5];
	_ =	sdelay $0x1  }
0xa7: {  	s22 =	simm.s32 $0x0  }
0xa8: {  	[hbm4b:s2+s22] =	stream.linear.scatter [tilespmem:s13], [sflag:$0x9], $0x2000, $0x38;
	[tilespmem:$0x10100] =	vst v63  }
0xa9: {  	s24 =	rddreg [dreg:$0x7]  }
0xaa: {  	[tilespmem:s0], [sflag:$0x4] =	stream.linear.gather [hbm4b:s24+s22], $0x2000, $0x38;
	[tilespmem:$0x10100] =	vst v63  }
0xab: {  	v2 =	vld.msk [tilespmem:$0x18], $0xff;
	_ =	sdelay $0x4  }
0xac: {  	v3 =	vshll.u32 v2, $0x3  }
0xad: {  	v2 =	vand.u32 $0x7, v2;
	v3 =	vand.u32 $0xFFFFFFC0, v3  }
0xae: {  	v2 =	vor.u32 v2, v3  }
0xaf: {  	v2 =	vperm.xlane v2, v0;
	_ =	sdelay $0x1  }
0xb0: {  	v2 =	vadd.s32 v1, v2;
	_ =	sdelay $0x3  }
0xb1: {  	s25 =	simm.s32 $0xE100  }
0xb2: {  	[tilespmem:s25], [sflag:$0x8] =	stream.indirect_vreg.gather [hbm4b:s31+s22], $0x80, v2, vm0, $0xb8;
	[tilespmem:$0x10100] =	vst v63  }
0xb3: {  	s26 =	simm.s32 $0xE900  }
0xb4: {  	[tilespmem:s26], [sflag:$0x8] =	stream.indirect_vreg.gather [hbm4b:s9+s22], $0x80, v2, vm0, $0xb8;
	[tilespmem:$0x10100] =	vst v63  }
0xb5: {  	_ = 	snop  }
0xb6: {  	[tilespmem:s4], [sflag:$0x8] =	stream.indirect_vreg.gather [hbm4b:s10+s22], $0x80, v2, vm0, $0xb8;
	[tilespmem:$0x10100] =	vst v63  }
0xb7: {  	_ = 	snop  }
0xb8: {  	[tilespmem:s5], [sflag:$0x8] =	stream.indirect_vreg.gather [hbm4b:s11+s22], $0x80, v2, vm0, $0xb8;
	[tilespmem:$0x10100] =	vst v63  }
0xb9: {  	_ =	swait.ge [sflag:s6], $0x2000  }
0xba: {  	[sflag:s6] =	ssyncset.done $0x0  }
0xbb: {  	[sflag:s6] =	ssyncadd.s32 $0xFFFFE000  }
0xbc: {  	s28 =	sand.u32 $0x1C00, s22;
	_ =	swait.ge [sflag:s7], $0x2000  }
0xbd: {  	s3 =	sor.u32 s28, s22;
	[sflag:s7] =	ssyncset.done $0x0  }
0xbe: {  	s3 =	sor.u32 $0x70, s3;
	s24 =	sand.u32 $0x380, s22;
	[sflag:s7] =	ssyncadd.s32 $0xFFFFE000  }
0xbf: {  	s24 =	sor.u32 s24, s28;
	v2 =	vld [tilespmem:s3+$0xA100]  }
0xc0: {  	v5 =	vld [tilespmem:s24+$0xA100]  }
0xc1: {  	v6 =	vld [tilespmem:s24+$0xA110]  }
0xc2: {  	v7 =	vld [tilespmem:s24+$0xA120]  }
0xc3: {  	v8 =	vld [tilespmem:s24+$0xA130]  }
0xc4: {  	v4 =	vld [tilespmem:s24+$0xA140]  }
0xc5: {  	v3 =	vld [tilespmem:s24+$0xA150]  }
0xc6: {  	[tilespmem:s3+$0x2100] =	vst.add.f32.msk $0xffff, v2  }
0xc7: {  	v2 =	vld [tilespmem:s24+$0xA160]  }
0xc8: {  	[tilespmem:s24+$0x2100] =	vst.add.f32.msk $0xffff, v5  }
0xc9: {  	[tilespmem:s24+$0x2110] =	vst.add.f32.msk $0xffff, v6  }
0xca: {  	[tilespmem:s24+$0x2120] =	vst.add.f32.msk $0xffff, v7  }
0xcb: {  	s25 =	simm.s32 $0x0;
	s26 =	simm.s32 $0x400;
	[tilespmem:s24+$0x2130] =	vst.add.f32.msk $0xffff, v8  }
.LBB2_4:
0xcc: {  	s2 =	sand.u32 $0x1C00, s26;
	s25 =	sadd.s32 $0x8, s25;
	[tilespmem:s24+$0x2140] =	vst.add.f32.msk $0xffff, v4;
	s22 =	sadd.s32 $0x10, s22  }
0xcd: {  	s3 =	sand.u32 $0x380, s22;
	s28 =	sor.u32 s2, s22;
	p0 =	slt.u32 s25, $0x1F8;
	[tilespmem:s24+$0x2150] =	vst.add.f32.msk $0xffff, v3  }
0xce: {  	s28 =	sor.u32 $0x70, s28;
	[tilespmem:s24+$0x2160] =	vst.add.f32.msk $0xffff, v2;
	s24 =	sor.u32 s3, s2  }
0xcf: {  	v2 =	vld [tilespmem:s28+$0xA100]  }
0xd0: {  	v5 =	vld [tilespmem:s24+$0xA100]  }
0xd1: {  	v6 =	vld [tilespmem:s24+$0xA110]  }
0xd2: {  	v7 =	vld [tilespmem:s24+$0xA120]  }
0xd3: {  	v8 =	vld [tilespmem:s24+$0xA130]  }
0xd4: {  	[tilespmem:s28+$0x2100] =	vst.add.f32.msk $0xffff, v2  }
0xd5: {  	v4 =	vld [tilespmem:s24+$0xA140]  }
0xd6: {  	v3 =	vld [tilespmem:s24+$0xA150]  }
.Ltmp1:
0xd7: {  	v2 =	vld [tilespmem:s24+$0xA160];
	(pc) =	sbr.rel @p0 .LBB2_4-.Ltmp1, $4  }
0xd8: {  	[tilespmem:s24+$0x2100] =	vst.add.f32.msk $0xffff, v5  }
0xd9: {  	[tilespmem:s24+$0x2110] =	vst.add.f32.msk $0xffff, v6  }
0xda: {  	[tilespmem:s24+$0x2120] =	vst.add.f32.msk $0xffff, v7  }
0xdb: {  	s26 =	sadd.s32 $0x400, s26;
	[tilespmem:s24+$0x2130] =	vst.add.f32.msk $0xffff, v8  }
0xdc: {  	[tilespmem:s24+$0x2140] =	vst.add.f32.msk $0xffff, v4  }
0xdd: {  	[tilespmem:s24+$0x2150] =	vst.add.f32.msk $0xffff, v3  }
0xde: {  	[tilespmem:s24+$0x2160] =	vst.add.f32.msk $0xffff, v2  }
0xdf: {  	s22 =	simm.s32 $0x0;
	s2 =	rddreg [dreg:$0x8]  }
0xe0: {  	[hbm4b:s2+s22] =	stream.linear.scatter [tilespmem:s18], [sflag:$0xA], $0x2000, $0x38;
	[tilespmem:$0x10100] =	vst v63  }
0xe1: {  	_ =	swait.ge [sflag:s8], $0x2000  }
0xe2: {  	[sflag:s8] =	ssyncset.done $0x0  }
0xe3: {  	s26 =	rddreg [dreg:$0x9];
	[sflag:s8] =	ssyncadd.s32 $0xFFFFE000  }
0xe4: {  	[tilespmem:s13], [sflag:$0x1] =	stream.linear.gather [hbm4b:s26+s22], $0x2000, $0x38;
	[tilespmem:$0x10100] =	vst v63  }
0xe5: {  	v2 =	vld.msk [tilespmem:$0x20], $0xff;
	_ =	sdelay $0x4  }
0xe6: {  	v3 =	vshll.u32 v2, $0x3  }
0xe7: {  	v2 =	vand.u32 $0x7, v2;
	v3 =	vand.u32 $0xFFFFFFC0, v3  }
0xe8: {  	v2 =	vor.u32 v2, v3  }
0xe9: {  	v2 =	vperm.xlane v2, v0;
	_ =	sdelay $0x1  }
0xea: {  	v2 =	vadd.s32 v1, v2;
	_ =	sdelay $0x3  }
0xeb: {  	s28 =	simm.s32 $0x8100  }
0xec: {  	[tilespmem:s28], [sflag:$0x5] =	stream.indirect_vreg.gather [hbm4b:s31+s22], $0x80, v2, vm0, $0xb8;
	[tilespmem:$0x10100] =	vst v63  }
0xed: {  	s3 =	simm.s32 $0x8900  }
0xee: {  	[tilespmem:s3], [sflag:$0x5] =	stream.indirect_vreg.gather [hbm4b:s9+s22], $0x80, v2, vm0, $0xb8;
	[tilespmem:$0x10100] =	vst v63  }
0xef: {  	s24 =	simm.s32 $0x9100  }
0xf0: {  	[tilespmem:s24], [sflag:$0x5] =	stream.indirect_vreg.gather [hbm4b:s10+s22], $0x80, v2, vm0, $0xb8;
	[tilespmem:$0x10100] =	vst v63  }
0xf1: {  	s25 =	simm.s32 $0x9900  }
0xf2: {  	[tilespmem:s25], [sflag:$0x5] =	stream.indirect_vreg.gather [hbm4b:s11+s22], $0x80, v2, vm0, $0xb8;
	[tilespmem:$0x10100] =	vst v63  }
0xf3: {  	_ =	swait.ge [sflag:s12], $0x2000  }
0xf4: {  	[sflag:s12] =	ssyncset.done $0x0  }
0xf5: {  	[sflag:s12] =	ssyncadd.s32 $0xFFFFE000  }
0xf6: {  	s26 =	sand.u32 $0x1C00, s22;
	_ =	swait.ge [sflag:s14], $0x2000  }
0xf7: {  	s3 =	sor.u32 s26, s22;
	[sflag:s14] =	ssyncset.done $0x0  }
0xf8: {  	s28 =	sand.u32 $0x380, s22;
	s3 =	sor.u32 $0x70, s3;
	[sflag:s14] =	ssyncadd.s32 $0xFFFFE000  }
0xf9: {  	s24 =	sor.u32 s28, s26;
	v2 =	vld [tilespmem:s3+$0xC100]  }
0xfa: {  	v5 =	vld [tilespmem:s24+$0xC100]  }
0xfb: {  	v6 =	vld [tilespmem:s24+$0xC110]  }
0xfc: {  	v7 =	vld [tilespmem:s24+$0xC120]  }
0xfd: {  	v8 =	vld [tilespmem:s24+$0xC130]  }
0xfe: {  	v4 =	vld [tilespmem:s24+$0xC140]  }
0xff: {  	v3 =	vld [tilespmem:s24+$0xC150]  }
0x100: {  	[tilespmem:s3+$0x4100] =	vst.add.f32.msk $0xffff, v2  }
0x101: {  	v2 =	vld [tilespmem:s24+$0xC160]  }
0x102: {  	[tilespmem:s24+$0x4100] =	vst.add.f32.msk $0xffff, v5  }
0x103: {  	[tilespmem:s24+$0x4110] =	vst.add.f32.msk $0xffff, v6  }
0x104: {  	[tilespmem:s24+$0x4120] =	vst.add.f32.msk $0xffff, v7  }
0x105: {  	s26 =	simm.s32 $0x400;
	s25 =	simm.s32 $0x0;
	[tilespmem:s24+$0x4130] =	vst.add.f32.msk $0xffff, v8  }
.LBB2_6:
0x106: {  	s2 =	sand.u32 $0x1C00, s26;
	s25 =	sadd.s32 $0x8, s25;
	[tilespmem:s24+$0x4140] =	vst.add.f32.msk $0xffff, v4;
	s22 =	sadd.s32 $0x10, s22  }
0x107: {  	s3 =	sand.u32 $0x380, s22;
	s28 =	sor.u32 s2, s22;
	p0 =	slt.u32 s25, $0x1F8;
	[tilespmem:s24+$0x4150] =	vst.add.f32.msk $0xffff, v3  }
0x108: {  	s28 =	sor.u32 $0x70, s28;
	[tilespmem:s24+$0x4160] =	vst.add.f32.msk $0xffff, v2;
	s24 =	sor.u32 s3, s2  }
0x109: {  	v2 =	vld [tilespmem:s28+$0xC100]  }
0x10a: {  	v5 =	vld [tilespmem:s24+$0xC100]  }
0x10b: {  	v6 =	vld [tilespmem:s24+$0xC110]  }
0x10c: {  	v7 =	vld [tilespmem:s24+$0xC120]  }
0x10d: {  	v8 =	vld [tilespmem:s24+$0xC130]  }
0x10e: {  	[tilespmem:s28+$0x4100] =	vst.add.f32.msk $0xffff, v2  }
0x10f: {  	v4 =	vld [tilespmem:s24+$0xC140]  }
0x110: {  	v3 =	vld [tilespmem:s24+$0xC150]  }
.Ltmp2:
0x111: {  	v2 =	vld [tilespmem:s24+$0xC160];
	(pc) =	sbr.rel @p0 .LBB2_6-.Ltmp2, $4  }
0x112: {  	[tilespmem:s24+$0x4100] =	vst.add.f32.msk $0xffff, v5  }
0x113: {  	[tilespmem:s24+$0x4110] =	vst.add.f32.msk $0xffff, v6  }
0x114: {  	[tilespmem:s24+$0x4120] =	vst.add.f32.msk $0xffff, v7  }
0x115: {  	s26 =	sadd.s32 $0x400, s26;
	[tilespmem:s24+$0x4130] =	vst.add.f32.msk $0xffff, v8  }
0x116: {  	[tilespmem:s24+$0x4140] =	vst.add.f32.msk $0xffff, v4  }
0x117: {  	[tilespmem:s24+$0x4150] =	vst.add.f32.msk $0xffff, v3  }
0x118: {  	[tilespmem:s24+$0x4160] =	vst.add.f32.msk $0xffff, v2  }
0x119: {  	s22 =	simm.s32 $0x0;
	s2 =	rddreg [dreg:$0xa]  }
0x11a: {  	[hbm4b:s2+s22] =	stream.linear.scatter [tilespmem:s23], [sflag:$0xB], $0x2000, $0x38;
	[tilespmem:$0x10100] =	vst v63  }
0x11b: {  	_ =	swait.ge [sflag:s15], $0x2000  }
0x11c: {  	[sflag:s15] =	ssyncset.done $0x0  }
0x11d: {  	s26 =	rddreg [dreg:$0xb];
	[sflag:s15] =	ssyncadd.s32 $0xFFFFE000  }
0x11e: {  	[tilespmem:s18], [sflag:$0x2] =	stream.linear.gather [hbm4b:s26+s22], $0x2000, $0x38;
	[tilespmem:$0x10100] =	vst v63  }
0x11f: {  	v2 =	vld.msk [tilespmem:$0x28], $0xff;
	_ =	sdelay $0x4  }
0x120: {  	v3 =	vshll.u32 v2, $0x3  }
0x121: {  	v2 =	vand.u32 $0x7, v2;
	v3 =	vand.u32 $0xFFFFFFC0, v3  }
0x122: {  	v2 =	vor.u32 v2, v3  }
0x123: {  	v2 =	vperm.xlane v2, v0;
	_ =	sdelay $0x1  }
0x124: {  	v2 =	vadd.s32 v1, v2;
	_ =	sdelay $0x3  }
0x125: {  	s28 =	simm.s32 $0xA100  }
0x126: {  	[tilespmem:s28], [sflag:$0x6] =	stream.indirect_vreg.gather [hbm4b:s31+s22], $0x80, v2, vm0, $0xb8;
	[tilespmem:$0x10100] =	vst v63  }
0x127: {  	s3 =	simm.s32 $0xA900  }
0x128: {  	[tilespmem:s3], [sflag:$0x6] =	stream.indirect_vreg.gather [hbm4b:s9+s22], $0x80, v2, vm0, $0xb8;
	[tilespmem:$0x10100] =	vst v63  }
0x129: {  	s24 =	simm.s32 $0xB100  }
0x12a: {  	[tilespmem:s24], [sflag:$0x6] =	stream.indirect_vreg.gather [hbm4b:s10+s22], $0x80, v2, vm0, $0xb8;
	[tilespmem:$0x10100] =	vst v63  }
0x12b: {  	s25 =	simm.s32 $0xB900  }
0x12c: {  	[tilespmem:s25], [sflag:$0x6] =	stream.indirect_vreg.gather [hbm4b:s11+s22], $0x80, v2, vm0, $0xb8;
	[tilespmem:$0x10100] =	vst v63  }
0x12d: {  	_ =	swait.ge [sflag:s16], $0x2000  }
0x12e: {  	[sflag:s16] =	ssyncset.done $0x0  }
0x12f: {  	[sflag:s16] =	ssyncadd.s32 $0xFFFFE000  }
0x130: {  	s26 =	sand.u32 $0x1C00, s22;
	_ =	swait.ge [sflag:s17], $0x2000  }
0x131: {  	s3 =	sor.u32 s26, s22;
	[sflag:s17] =	ssyncset.done $0x0  }
0x132: {  	s28 =	sand.u32 $0x380, s22;
	s3 =	sor.u32 $0x70, s3;
	[sflag:s17] =	ssyncadd.s32 $0xFFFFE000  }
0x133: {  	s24 =	sor.u32 s28, s26;
	v2 =	vld [tilespmem:s3+$0xE100]  }
0x134: {  	v5 =	vld [tilespmem:s24+$0xE100]  }
0x135: {  	v6 =	vld [tilespmem:s24+$0xE110]  }
0x136: {  	v7 =	vld [tilespmem:s24+$0xE120]  }
0x137: {  	v8 =	vld [tilespmem:s24+$0xE130]  }
0x138: {  	v4 =	vld [tilespmem:s24+$0xE140]  }
0x139: {  	v3 =	vld [tilespmem:s24+$0xE150]  }
0x13a: {  	[tilespmem:s3+$0x6100] =	vst.add.f32.msk $0xffff, v2  }
0x13b: {  	v2 =	vld [tilespmem:s24+$0xE160]  }
0x13c: {  	[tilespmem:s24+$0x6100] =	vst.add.f32.msk $0xffff, v5  }
0x13d: {  	[tilespmem:s24+$0x6110] =	vst.add.f32.msk $0xffff, v6  }
0x13e: {  	[tilespmem:s24+$0x6120] =	vst.add.f32.msk $0xffff, v7  }
0x13f: {  	s26 =	simm.s32 $0x400;
	s25 =	simm.s32 $0x0;
	[tilespmem:s24+$0x6130] =	vst.add.f32.msk $0xffff, v8  }
.LBB2_8:
0x140: {  	s2 =	sand.u32 $0x1C00, s26;
	s25 =	sadd.s32 $0x8, s25;
	[tilespmem:s24+$0x6140] =	vst.add.f32.msk $0xffff, v4;
	s22 =	sadd.s32 $0x10, s22  }
0x141: {  	s3 =	sand.u32 $0x380, s22;
	s28 =	sor.u32 s2, s22;
	p0 =	slt.u32 s25, $0x1F8;
	[tilespmem:s24+$0x6150] =	vst.add.f32.msk $0xffff, v3  }
0x142: {  	s28 =	sor.u32 $0x70, s28;
	[tilespmem:s24+$0x6160] =	vst.add.f32.msk $0xffff, v2;
	s24 =	sor.u32 s3, s2  }
0x143: {  	v2 =	vld [tilespmem:s28+$0xE100]  }
0x144: {  	v5 =	vld [tilespmem:s24+$0xE100]  }
0x145: {  	v6 =	vld [tilespmem:s24+$0xE110]  }
0x146: {  	v7 =	vld [tilespmem:s24+$0xE120]  }
0x147: {  	v8 =	vld [tilespmem:s24+$0xE130]  }
0x148: {  	[tilespmem:s28+$0x6100] =	vst.add.f32.msk $0xffff, v2  }
0x149: {  	v4 =	vld [tilespmem:s24+$0xE140]  }
0x14a: {  	v3 =	vld [tilespmem:s24+$0xE150]  }
.Ltmp3:
0x14b: {  	v2 =	vld [tilespmem:s24+$0xE160];
	(pc) =	sbr.rel @p0 .LBB2_8-.Ltmp3, $4  }
0x14c: {  	[tilespmem:s24+$0x6100] =	vst.add.f32.msk $0xffff, v5  }
0x14d: {  	[tilespmem:s24+$0x6110] =	vst.add.f32.msk $0xffff, v6  }
0x14e: {  	[tilespmem:s24+$0x6120] =	vst.add.f32.msk $0xffff, v7  }
0x14f: {  	s26 =	sadd.s32 $0x400, s26;
	[tilespmem:s24+$0x6130] =	vst.add.f32.msk $0xffff, v8  }
0x150: {  	[tilespmem:s24+$0x6140] =	vst.add.f32.msk $0xffff, v4  }
0x151: {  	[tilespmem:s24+$0x6150] =	vst.add.f32.msk $0xffff, v3  }
0x152: {  	[tilespmem:s24+$0x6160] =	vst.add.f32.msk $0xffff, v2  }
0x153: {  	s22 =	simm.s32 $0x0;
	s2 =	rddreg [dreg:$0xc]  }
0x154: {  	[hbm4b:s2+s22] =	stream.linear.scatter [tilespmem:s0], [sflag:$0xC], $0x2000, $0x38;
	[tilespmem:$0x10100] =	vst v63  }
0x155: {  	_ =	swait.ge [sflag:s19], $0x2000  }
0x156: {  	[sflag:s19] =	ssyncset.done $0x0  }
0x157: {  	s26 =	rddreg [dreg:$0xd];
	[sflag:s19] =	ssyncadd.s32 $0xFFFFE000  }
0x158: {  	[tilespmem:s23], [sflag:$0x3] =	stream.linear.gather [hbm4b:s26+s22], $0x2000, $0x38;
	[tilespmem:$0x10100] =	vst v63  }
0x159: {  	v2 =	vld.msk [tilespmem:$0x30], $0xff;
	_ =	sdelay $0x4  }
0x15a: {  	v3 =	vshll.u32 v2, $0x3  }
0x15b: {  	v2 =	vand.u32 $0x7, v2;
	v3 =	vand.u32 $0xFFFFFFC0, v3  }
0x15c: {  	v2 =	vor.u32 v2, v3  }
0x15d: {  	v2 =	vperm.xlane v2, v0;
	_ =	sdelay $0x1  }
0x15e: {  	v2 =	vadd.s32 v1, v2;
	_ =	sdelay $0x3  }
0x15f: {  	s28 =	simm.s32 $0xC100  }
0x160: {  	[tilespmem:s28], [sflag:$0x7] =	stream.indirect_vreg.gather [hbm4b:s31+s22], $0x80, v2, vm0, $0xb8;
	[tilespmem:$0x10100] =	vst v63  }
0x161: {  	s3 =	simm.s32 $0xC900  }
0x162: {  	[tilespmem:s3], [sflag:$0x7] =	stream.indirect_vreg.gather [hbm4b:s9+s22], $0x80, v2, vm0, $0xb8;
	[tilespmem:$0x10100] =	vst v63  }
0x163: {  	s24 =	simm.s32 $0xD100  }
0x164: {  	[tilespmem:s24], [sflag:$0x7] =	stream.indirect_vreg.gather [hbm4b:s10+s22], $0x80, v2, vm0, $0xb8;
	[tilespmem:$0x10100] =	vst v63  }
0x165: {  	s25 =	simm.s32 $0xD900  }
0x166: {  	[tilespmem:s25], [sflag:$0x7] =	stream.indirect_vreg.gather [hbm4b:s11+s22], $0x80, v2, vm0, $0xb8;
	[tilespmem:$0x10100] =	vst v63  }
0x167: {  	_ =	swait.ge [sflag:s29], $0x2000  }
0x168: {  	[sflag:s29] =	ssyncset.done $0x0  }
0x169: {  	[sflag:s29] =	ssyncadd.s32 $0xFFFFE000  }
0x16a: {  	s26 =	sand.u32 $0x1C00, s22;
	_ =	swait.ge [sflag:s30], $0x2000  }
0x16b: {  	s3 =	sor.u32 s26, s22;
	[sflag:s30] =	ssyncset.done $0x0  }
0x16c: {  	s28 =	sand.u32 $0x380, s22;
	s3 =	sor.u32 $0x70, s3;
	[sflag:s30] =	ssyncadd.s32 $0xFFFFE000  }
0x16d: {  	s24 =	sor.u32 s28, s26;
	v2 =	vld [tilespmem:s3+$0x8100]  }
0x16e: {  	v5 =	vld [tilespmem:s24+$0x8100]  }
0x16f: {  	v6 =	vld [tilespmem:s24+$0x8110]  }
0x170: {  	v7 =	vld [tilespmem:s24+$0x8120]  }
0x171: {  	v8 =	vld [tilespmem:s24+$0x8130]  }
0x172: {  	v4 =	vld [tilespmem:s24+$0x8140]  }
0x173: {  	v3 =	vld [tilespmem:s24+$0x8150]  }
0x174: {  	[tilespmem:s3+$0x100] =	vst.add.f32.msk $0xffff, v2  }
0x175: {  	v2 =	vld [tilespmem:s24+$0x8160]  }
0x176: {  	[tilespmem:s24+$0x100] =	vst.add.f32.msk $0xffff, v5  }
0x177: {  	[tilespmem:s24+$0x110] =	vst.add.f32.msk $0xffff, v6  }
0x178: {  	[tilespmem:s24+$0x120] =	vst.add.f32.msk $0xffff, v7  }
0x179: {  	s26 =	simm.s32 $0x400;
	s25 =	simm.s32 $0x0;
	[tilespmem:s24+$0x130] =	vst.add.f32.msk $0xffff, v8  }
.LBB2_10:
0x17a: {  	s2 =	sand.u32 $0x1C00, s26;
	s25 =	sadd.s32 $0x8, s25;
	[tilespmem:s24+$0x140] =	vst.add.f32.msk $0xffff, v4;
	s22 =	sadd.s32 $0x10, s22  }
0x17b: {  	s3 =	sand.u32 $0x380, s22;
	s28 =	sor.u32 s2, s22;
	p0 =	slt.u32 s25, $0x1F8;
	[tilespmem:s24+$0x150] =	vst.add.f32.msk $0xffff, v3  }
0x17c: {  	s28 =	sor.u32 $0x70, s28;
	[tilespmem:s24+$0x160] =	vst.add.f32.msk $0xffff, v2;
	s24 =	sor.u32 s3, s2  }
0x17d: {  	v2 =	vld [tilespmem:s28+$0x8100]  }
0x17e: {  	v5 =	vld [tilespmem:s24+$0x8100]  }
0x17f: {  	v6 =	vld [tilespmem:s24+$0x8110]  }
0x180: {  	v7 =	vld [tilespmem:s24+$0x8120]  }
0x181: {  	v8 =	vld [tilespmem:s24+$0x8130]  }
0x182: {  	[tilespmem:s28+$0x100] =	vst.add.f32.msk $0xffff, v2  }
0x183: {  	v4 =	vld [tilespmem:s24+$0x8140]  }
0x184: {  	v3 =	vld [tilespmem:s24+$0x8150]  }
.Ltmp4:
0x185: {  	v2 =	vld [tilespmem:s24+$0x8160];
	(pc) =	sbr.rel @p0 .LBB2_10-.Ltmp4, $4  }
0x186: {  	[tilespmem:s24+$0x100] =	vst.add.f32.msk $0xffff, v5  }
0x187: {  	[tilespmem:s24+$0x110] =	vst.add.f32.msk $0xffff, v6  }
0x188: {  	[tilespmem:s24+$0x120] =	vst.add.f32.msk $0xffff, v7  }
0x189: {  	s26 =	sadd.s32 $0x400, s26;
	[tilespmem:s24+$0x130] =	vst.add.f32.msk $0xffff, v8  }
0x18a: {  	[tilespmem:s24+$0x140] =	vst.add.f32.msk $0xffff, v4  }
0x18b: {  	[tilespmem:s24+$0x150] =	vst.add.f32.msk $0xffff, v3  }
0x18c: {  	[tilespmem:s24+$0x160] =	vst.add.f32.msk $0xffff, v2  }
0x18d: {  	s22 =	simm.s32 $0x0;
	s2 =	rddreg [dreg:$0xe]  }
0x18e: {  	[hbm4b:s2+s22] =	stream.linear.scatter [tilespmem:s13], [sflag:$0x9], $0x2000, $0x38;
	[tilespmem:$0x10100] =	vst v63  }
0x18f: {  	_ =	swait.ge [sflag:s20], $0x2000  }
0x190: {  	[sflag:s20] =	ssyncset.done $0x0  }
0x191: {  	s3 =	rddreg [dreg:$0xf];
	[sflag:s20] =	ssyncadd.s32 $0xFFFFE000  }
0x192: {  	[tilespmem:s0], [sflag:$0x4] =	stream.linear.gather [hbm4b:s3+s22], $0x2000, $0x38;
	[tilespmem:$0x10100] =	vst v63  }
0x193: {  	v2 =	vld.msk [tilespmem:$0x38], $0xff;
	_ =	sdelay $0x4  }
0x194: {  	v3 =	vshll.u32 v2, $0x3  }
0x195: {  	v2 =	vand.u32 $0x7, v2;
	v3 =	vand.u32 $0xFFFFFFC0, v3  }
0x196: {  	v2 =	vor.u32 v2, v3  }
0x197: {  	v2 =	vperm.xlane v2, v0;
	_ =	sdelay $0x1  }
0x198: {  	v2 =	vadd.s32 v1, v2;
	_ =	sdelay $0x3  }
0x199: {  	s24 =	simm.s32 $0xE100  }
0x19a: {  	[tilespmem:s24], [sflag:$0x8] =	stream.indirect_vreg.gather [hbm4b:s31+s22], $0x80, v2, vm0, $0xb8;
	[tilespmem:$0x10100] =	vst v63  }
0x19b: {  	s25 =	simm.s32 $0xE900  }
0x19c: {  	[tilespmem:s25], [sflag:$0x8] =	stream.indirect_vreg.gather [hbm4b:s9+s22], $0x80, v2, vm0, $0xb8;
	[tilespmem:$0x10100] =	vst v63  }
0x19d: {  	_ = 	snop  }
0x19e: {  	[tilespmem:s4], [sflag:$0x8] =	stream.indirect_vreg.gather [hbm4b:s10+s22], $0x80, v2, vm0, $0xb8;
	[tilespmem:$0x10100] =	vst v63  }
0x19f: {  	_ = 	snop  }
0x1a0: {  	[tilespmem:s5], [sflag:$0x8] =	stream.indirect_vreg.gather [hbm4b:s11+s22], $0x80, v2, vm0, $0xb8;
	[tilespmem:$0x10100] =	vst v63  }
0x1a1: {  	_ =	swait.ge [sflag:s6], $0x2000  }
0x1a2: {  	[sflag:s6] =	ssyncset.done $0x0  }
0x1a3: {  	[sflag:s6] =	ssyncadd.s32 $0xFFFFE000  }
0x1a4: {  	s26 =	sand.u32 $0x1C00, s22;
	_ =	swait.ge [sflag:s7], $0x2000  }
0x1a5: {  	s3 =	sor.u32 s26, s22;
	[sflag:s7] =	ssyncset.done $0x0  }
0x1a6: {  	s28 =	sand.u32 $0x380, s22;
	s3 =	sor.u32 $0x70, s3;
	[sflag:s7] =	ssyncadd.s32 $0xFFFFE000  }
0x1a7: {  	s24 =	sor.u32 s28, s26;
	v2 =	vld [tilespmem:s3+$0xA100]  }
0x1a8: {  	v5 =	vld [tilespmem:s24+$0xA100]  }
0x1a9: {  	v6 =	vld [tilespmem:s24+$0xA110]  }
0x1aa: {  	v7 =	vld [tilespmem:s24+$0xA120]  }
0x1ab: {  	v8 =	vld [tilespmem:s24+$0xA130]  }
0x1ac: {  	v4 =	vld [tilespmem:s24+$0xA140]  }
0x1ad: {  	v3 =	vld [tilespmem:s24+$0xA150]  }
0x1ae: {  	[tilespmem:s3+$0x2100] =	vst.add.f32.msk $0xffff, v2  }
0x1af: {  	v2 =	vld [tilespmem:s24+$0xA160]  }
0x1b0: {  	[tilespmem:s24+$0x2100] =	vst.add.f32.msk $0xffff, v5  }
0x1b1: {  	[tilespmem:s24+$0x2110] =	vst.add.f32.msk $0xffff, v6  }
0x1b2: {  	[tilespmem:s24+$0x2120] =	vst.add.f32.msk $0xffff, v7  }
0x1b3: {  	s26 =	simm.s32 $0x400;
	s25 =	simm.s32 $0x0;
	[tilespmem:s24+$0x2130] =	vst.add.f32.msk $0xffff, v8  }
.LBB2_12:
0x1b4: {  	s2 =	sand.u32 $0x1C00, s26;
	s25 =	sadd.s32 $0x8, s25;
	[tilespmem:s24+$0x2140] =	vst.add.f32.msk $0xffff, v4;
	s22 =	sadd.s32 $0x10, s22  }
0x1b5: {  	s3 =	sand.u32 $0x380, s22;
	s28 =	sor.u32 s2, s22;
	p0 =	slt.u32 s25, $0x1F8;
	[tilespmem:s24+$0x2150] =	vst.add.f32.msk $0xffff, v3  }
0x1b6: {  	s28 =	sor.u32 $0x70, s28;
	[tilespmem:s24+$0x2160] =	vst.add.f32.msk $0xffff, v2;
	s24 =	sor.u32 s3, s2  }
0x1b7: {  	v2 =	vld [tilespmem:s28+$0xA100]  }
0x1b8: {  	v5 =	vld [tilespmem:s24+$0xA100]  }
0x1b9: {  	v6 =	vld [tilespmem:s24+$0xA110]  }
0x1ba: {  	v7 =	vld [tilespmem:s24+$0xA120]  }
0x1bb: {  	v8 =	vld [tilespmem:s24+$0xA130]  }
0x1bc: {  	[tilespmem:s28+$0x2100] =	vst.add.f32.msk $0xffff, v2  }
0x1bd: {  	v4 =	vld [tilespmem:s24+$0xA140]  }
0x1be: {  	v3 =	vld [tilespmem:s24+$0xA150]  }
.Ltmp5:
0x1bf: {  	v2 =	vld [tilespmem:s24+$0xA160];
	(pc) =	sbr.rel @p0 .LBB2_12-.Ltmp5, $4  }
0x1c0: {  	[tilespmem:s24+$0x2100] =	vst.add.f32.msk $0xffff, v5  }
0x1c1: {  	[tilespmem:s24+$0x2110] =	vst.add.f32.msk $0xffff, v6  }
0x1c2: {  	[tilespmem:s24+$0x2120] =	vst.add.f32.msk $0xffff, v7  }
0x1c3: {  	s26 =	sadd.s32 $0x400, s26;
	[tilespmem:s24+$0x2130] =	vst.add.f32.msk $0xffff, v8  }
0x1c4: {  	[tilespmem:s24+$0x2140] =	vst.add.f32.msk $0xffff, v4  }
0x1c5: {  	[tilespmem:s24+$0x2150] =	vst.add.f32.msk $0xffff, v3  }
0x1c6: {  	[tilespmem:s24+$0x2160] =	vst.add.f32.msk $0xffff, v2  }
0x1c7: {  	s22 =	simm.s32 $0x0;
	s2 =	rddreg [dreg:$0x10]  }
0x1c8: {  	[hbm4b:s2+s22] =	stream.linear.scatter [tilespmem:s18], [sflag:$0xA], $0x2000, $0x38;
	[tilespmem:$0x10100] =	vst v63  }
0x1c9: {  	_ =	swait.ge [sflag:s8], $0x2000  }
0x1ca: {  	[sflag:s8] =	ssyncset.done $0x0  }
0x1cb: {  	s26 =	rddreg [dreg:$0x11];
	[sflag:s8] =	ssyncadd.s32 $0xFFFFE000  }
0x1cc: {  	[tilespmem:s13], [sflag:$0x1] =	stream.linear.gather [hbm4b:s26+s22], $0x2000, $0x38;
	[tilespmem:$0x10100] =	vst v63  }
0x1cd: {  	v2 =	vld.msk [tilespmem:$0x40], $0xff;
	_ =	sdelay $0x4  }
0x1ce: {  	v3 =	vshll.u32 v2, $0x3  }
0x1cf: {  	v2 =	vand.u32 $0x7, v2;
	v3 =	vand.u32 $0xFFFFFFC0, v3  }
0x1d0: {  	v2 =	vor.u32 v2, v3  }
0x1d1: {  	v2 =	vperm.xlane v2, v0;
	_ =	sdelay $0x1  }
0x1d2: {  	v2 =	vadd.s32 v1, v2;
	_ =	sdelay $0x3  }
0x1d3: {  	s28 =	simm.s32 $0x8100  }
0x1d4: {  	[tilespmem:s28], [sflag:$0x5] =	stream.indirect_vreg.gather [hbm4b:s31+s22], $0x80, v2, vm0, $0xb8;
	[tilespmem:$0x10100] =	vst v63  }
0x1d5: {  	s3 =	simm.s32 $0x8900  }
0x1d6: {  	[tilespmem:s3], [sflag:$0x5] =	stream.indirect_vreg.gather [hbm4b:s9+s22], $0x80, v2, vm0, $0xb8;
	[tilespmem:$0x10100] =	vst v63  }
0x1d7: {  	s24 =	simm.s32 $0x9100  }
0x1d8: {  	[tilespmem:s24], [sflag:$0x5] =	stream.indirect_vreg.gather [hbm4b:s10+s22], $0x80, v2, vm0, $0xb8;
	[tilespmem:$0x10100] =	vst v63  }
0x1d9: {  	s25 =	simm.s32 $0x9900  }
0x1da: {  	[tilespmem:s25], [sflag:$0x5] =	stream.indirect_vreg.gather [hbm4b:s11+s22], $0x80, v2, vm0, $0xb8;
	[tilespmem:$0x10100] =	vst v63  }
0x1db: {  	_ =	swait.ge [sflag:s12], $0x2000  }
0x1dc: {  	[sflag:s12] =	ssyncset.done $0x0  }
0x1dd: {  	[sflag:s12] =	ssyncadd.s32 $0xFFFFE000  }
0x1de: {  	s26 =	sand.u32 $0x1C00, s22;
	_ =	swait.ge [sflag:s14], $0x2000  }
0x1df: {  	s3 =	sor.u32 s26, s22;
	[sflag:s14] =	ssyncset.done $0x0  }
0x1e0: {  	s28 =	sand.u32 $0x380, s22;
	s3 =	sor.u32 $0x70, s3;
	[sflag:s14] =	ssyncadd.s32 $0xFFFFE000  }
0x1e1: {  	s24 =	sor.u32 s28, s26;
	v2 =	vld [tilespmem:s3+$0xC100]  }
0x1e2: {  	v5 =	vld [tilespmem:s24+$0xC100]  }
0x1e3: {  	v6 =	vld [tilespmem:s24+$0xC110]  }
0x1e4: {  	v7 =	vld [tilespmem:s24+$0xC120]  }
0x1e5: {  	v8 =	vld [tilespmem:s24+$0xC130]  }
0x1e6: {  	v4 =	vld [tilespmem:s24+$0xC140]  }
0x1e7: {  	v3 =	vld [tilespmem:s24+$0xC150]  }
0x1e8: {  	[tilespmem:s3+$0x4100] =	vst.add.f32.msk $0xffff, v2  }
0x1e9: {  	v2 =	vld [tilespmem:s24+$0xC160]  }
0x1ea: {  	[tilespmem:s24+$0x4100] =	vst.add.f32.msk $0xffff, v5  }
0x1eb: {  	[tilespmem:s24+$0x4110] =	vst.add.f32.msk $0xffff, v6  }
0x1ec: {  	[tilespmem:s24+$0x4120] =	vst.add.f32.msk $0xffff, v7  }
0x1ed: {  	s26 =	simm.s32 $0x400;
	s25 =	simm.s32 $0x0;
	[tilespmem:s24+$0x4130] =	vst.add.f32.msk $0xffff, v8  }
.LBB2_14:
0x1ee: {  	s2 =	sand.u32 $0x1C00, s26;
	s25 =	sadd.s32 $0x8, s25;
	[tilespmem:s24+$0x4140] =	vst.add.f32.msk $0xffff, v4;
	s22 =	sadd.s32 $0x10, s22  }
0x1ef: {  	s3 =	sand.u32 $0x380, s22;
	s28 =	sor.u32 s2, s22;
	p0 =	slt.u32 s25, $0x1F8;
	[tilespmem:s24+$0x4150] =	vst.add.f32.msk $0xffff, v3  }
0x1f0: {  	s28 =	sor.u32 $0x70, s28;
	[tilespmem:s24+$0x4160] =	vst.add.f32.msk $0xffff, v2;
	s24 =	sor.u32 s3, s2  }
0x1f1: {  	v2 =	vld [tilespmem:s28+$0xC100]  }
0x1f2: {  	v5 =	vld [tilespmem:s24+$0xC100]  }
0x1f3: {  	v6 =	vld [tilespmem:s24+$0xC110]  }
0x1f4: {  	v7 =	vld [tilespmem:s24+$0xC120]  }
0x1f5: {  	v8 =	vld [tilespmem:s24+$0xC130]  }
0x1f6: {  	[tilespmem:s28+$0x4100] =	vst.add.f32.msk $0xffff, v2  }
0x1f7: {  	v4 =	vld [tilespmem:s24+$0xC140]  }
0x1f8: {  	v3 =	vld [tilespmem:s24+$0xC150]  }
.Ltmp6:
0x1f9: {  	v2 =	vld [tilespmem:s24+$0xC160];
	(pc) =	sbr.rel @p0 .LBB2_14-.Ltmp6, $4  }
0x1fa: {  	[tilespmem:s24+$0x4100] =	vst.add.f32.msk $0xffff, v5  }
0x1fb: {  	[tilespmem:s24+$0x4110] =	vst.add.f32.msk $0xffff, v6  }
0x1fc: {  	[tilespmem:s24+$0x4120] =	vst.add.f32.msk $0xffff, v7  }
0x1fd: {  	s26 =	sadd.s32 $0x400, s26;
	[tilespmem:s24+$0x4130] =	vst.add.f32.msk $0xffff, v8  }
0x1fe: {  	[tilespmem:s24+$0x4140] =	vst.add.f32.msk $0xffff, v4  }
0x1ff: {  	[tilespmem:s24+$0x4150] =	vst.add.f32.msk $0xffff, v3  }
0x200: {  	[tilespmem:s24+$0x4160] =	vst.add.f32.msk $0xffff, v2  }
0x201: {  	s22 =	simm.s32 $0x0;
	s2 =	rddreg [dreg:$0x12]  }
0x202: {  	[hbm4b:s2+s22] =	stream.linear.scatter [tilespmem:s23], [sflag:$0xB], $0x2000, $0x38;
	[tilespmem:$0x10100] =	vst v63  }
0x203: {  	_ =	swait.ge [sflag:s15], $0x2000  }
0x204: {  	[sflag:s15] =	ssyncset.done $0x0  }
0x205: {  	s26 =	rddreg [dreg:$0x13];
	[sflag:s15] =	ssyncadd.s32 $0xFFFFE000  }
0x206: {  	[tilespmem:s18], [sflag:$0x2] =	stream.linear.gather [hbm4b:s26+s22], $0x2000, $0x38;
	[tilespmem:$0x10100] =	vst v63  }
0x207: {  	v2 =	vld.msk [tilespmem:$0x48], $0xff;
	_ =	sdelay $0x4  }
0x208: {  	v3 =	vshll.u32 v2, $0x3  }
0x209: {  	v2 =	vand.u32 $0x7, v2;
	v3 =	vand.u32 $0xFFFFFFC0, v3  }
0x20a: {  	v2 =	vor.u32 v2, v3  }
0x20b: {  	v2 =	vperm.xlane v2, v0;
	_ =	sdelay $0x1  }
0x20c: {  	v2 =	vadd.s32 v1, v2;
	_ =	sdelay $0x3  }
0x20d: {  	s28 =	simm.s32 $0xA100  }
0x20e: {  	[tilespmem:s28], [sflag:$0x6] =	stream.indirect_vreg.gather [hbm4b:s31+s22], $0x80, v2, vm0, $0xb8;
	[tilespmem:$0x10100] =	vst v63  }
0x20f: {  	s3 =	simm.s32 $0xA900  }
0x210: {  	[tilespmem:s3], [sflag:$0x6] =	stream.indirect_vreg.gather [hbm4b:s9+s22], $0x80, v2, vm0, $0xb8;
	[tilespmem:$0x10100] =	vst v63  }
0x211: {  	s24 =	simm.s32 $0xB100  }
0x212: {  	[tilespmem:s24], [sflag:$0x6] =	stream.indirect_vreg.gather [hbm4b:s10+s22], $0x80, v2, vm0, $0xb8;
	[tilespmem:$0x10100] =	vst v63  }
0x213: {  	s25 =	simm.s32 $0xB900  }
0x214: {  	[tilespmem:s25], [sflag:$0x6] =	stream.indirect_vreg.gather [hbm4b:s11+s22], $0x80, v2, vm0, $0xb8;
	[tilespmem:$0x10100] =	vst v63  }
0x215: {  	_ =	swait.ge [sflag:s16], $0x2000  }
0x216: {  	[sflag:s16] =	ssyncset.done $0x0  }
0x217: {  	[sflag:s16] =	ssyncadd.s32 $0xFFFFE000  }
0x218: {  	s26 =	sand.u32 $0x1C00, s22;
	_ =	swait.ge [sflag:s17], $0x2000  }
0x219: {  	s3 =	sor.u32 s26, s22;
	[sflag:s17] =	ssyncset.done $0x0  }
0x21a: {  	s28 =	sand.u32 $0x380, s22;
	s3 =	sor.u32 $0x70, s3;
	[sflag:s17] =	ssyncadd.s32 $0xFFFFE000  }
0x21b: {  	s24 =	sor.u32 s28, s26;
	v2 =	vld [tilespmem:s3+$0xE100]  }
0x21c: {  	v5 =	vld [tilespmem:s24+$0xE100]  }
0x21d: {  	v6 =	vld [tilespmem:s24+$0xE110]  }
0x21e: {  	v7 =	vld [tilespmem:s24+$0xE120]  }
0x21f: {  	v8 =	vld [tilespmem:s24+$0xE130]  }
0x220: {  	v4 =	vld [tilespmem:s24+$0xE140]  }
0x221: {  	v3 =	vld [tilespmem:s24+$0xE150]  }
0x222: {  	[tilespmem:s3+$0x6100] =	vst.add.f32.msk $0xffff, v2  }
0x223: {  	v2 =	vld [tilespmem:s24+$0xE160]  }
0x224: {  	[tilespmem:s24+$0x6100] =	vst.add.f32.msk $0xffff, v5  }
0x225: {  	[tilespmem:s24+$0x6110] =	vst.add.f32.msk $0xffff, v6  }
0x226: {  	[tilespmem:s24+$0x6120] =	vst.add.f32.msk $0xffff, v7  }
0x227: {  	s26 =	simm.s32 $0x400;
	s25 =	simm.s32 $0x0;
	[tilespmem:s24+$0x6130] =	vst.add.f32.msk $0xffff, v8  }
.LBB2_16:
0x228: {  	s2 =	sand.u32 $0x1C00, s26;
	s25 =	sadd.s32 $0x8, s25;
	[tilespmem:s24+$0x6140] =	vst.add.f32.msk $0xffff, v4;
	s22 =	sadd.s32 $0x10, s22  }
0x229: {  	s3 =	sand.u32 $0x380, s22;
	s28 =	sor.u32 s2, s22;
	p0 =	slt.u32 s25, $0x1F8;
	[tilespmem:s24+$0x6150] =	vst.add.f32.msk $0xffff, v3  }
0x22a: {  	s28 =	sor.u32 $0x70, s28;
	[tilespmem:s24+$0x6160] =	vst.add.f32.msk $0xffff, v2;
	s24 =	sor.u32 s3, s2  }
0x22b: {  	v2 =	vld [tilespmem:s28+$0xE100]  }
0x22c: {  	v5 =	vld [tilespmem:s24+$0xE100]  }
0x22d: {  	v6 =	vld [tilespmem:s24+$0xE110]  }
0x22e: {  	v7 =	vld [tilespmem:s24+$0xE120]  }
0x22f: {  	v8 =	vld [tilespmem:s24+$0xE130]  }
0x230: {  	[tilespmem:s28+$0x6100] =	vst.add.f32.msk $0xffff, v2  }
0x231: {  	v4 =	vld [tilespmem:s24+$0xE140]  }
0x232: {  	v3 =	vld [tilespmem:s24+$0xE150]  }
.Ltmp7:
0x233: {  	v2 =	vld [tilespmem:s24+$0xE160];
	(pc) =	sbr.rel @p0 .LBB2_16-.Ltmp7, $4  }
0x234: {  	[tilespmem:s24+$0x6100] =	vst.add.f32.msk $0xffff, v5  }
0x235: {  	[tilespmem:s24+$0x6110] =	vst.add.f32.msk $0xffff, v6  }
0x236: {  	[tilespmem:s24+$0x6120] =	vst.add.f32.msk $0xffff, v7  }
0x237: {  	s26 =	sadd.s32 $0x400, s26;
	[tilespmem:s24+$0x6130] =	vst.add.f32.msk $0xffff, v8  }
0x238: {  	[tilespmem:s24+$0x6140] =	vst.add.f32.msk $0xffff, v4  }
0x239: {  	[tilespmem:s24+$0x6150] =	vst.add.f32.msk $0xffff, v3  }
0x23a: {  	[tilespmem:s24+$0x6160] =	vst.add.f32.msk $0xffff, v2  }
0x23b: {  	s22 =	simm.s32 $0x0;
	s2 =	rddreg [dreg:$0x14]  }
0x23c: {  	[hbm4b:s2+s22] =	stream.linear.scatter [tilespmem:s0], [sflag:$0xC], $0x2000, $0x38;
	[tilespmem:$0x10100] =	vst v63  }
0x23d: {  	_ =	swait.ge [sflag:s19], $0x2000  }
0x23e: {  	[sflag:s19] =	ssyncset.done $0x0  }
0x23f: {  	s26 =	rddreg [dreg:$0x17];
	[sflag:s19] =	ssyncadd.s32 $0xFFFFE000  }
0x240: {  	[tilespmem:s23], [sflag:$0x3] =	stream.linear.gather [hbm4b:s26+s22], $0x2000, $0x38;
	[tilespmem:$0x10100] =	vst v63  }
0x241: {  	v2 =	vld.msk [tilespmem:$0x50], $0xff;
	_ =	sdelay $0x4  }
0x242: {  	v3 =	vshll.u32 v2, $0x3  }
0x243: {  	v2 =	vand.u32 $0x7, v2;
	v3 =	vand.u32 $0xFFFFFFC0, v3  }
0x244: {  	v2 =	vor.u32 v2, v3  }
0x245: {  	v2 =	vperm.xlane v2, v0;
	_ =	sdelay $0x1  }
0x246: {  	v2 =	vadd.s32 v1, v2;
	_ =	sdelay $0x3  }
0x247: {  	s28 =	simm.s32 $0xC100  }
0x248: {  	[tilespmem:s28], [sflag:$0x7] =	stream.indirect_vreg.gather [hbm4b:s31+s22], $0x80, v2, vm0, $0xb8;
	[tilespmem:$0x10100] =	vst v63  }
0x249: {  	s3 =	simm.s32 $0xC900  }
0x24a: {  	[tilespmem:s3], [sflag:$0x7] =	stream.indirect_vreg.gather [hbm4b:s9+s22], $0x80, v2, vm0, $0xb8;
	[tilespmem:$0x10100] =	vst v63  }
0x24b: {  	s24 =	simm.s32 $0xD100  }
0x24c: {  	[tilespmem:s24], [sflag:$0x7] =	stream.indirect_vreg.gather [hbm4b:s10+s22], $0x80, v2, vm0, $0xb8;
	[tilespmem:$0x10100] =	vst v63  }
0x24d: {  	s25 =	simm.s32 $0xD900  }
0x24e: {  	[tilespmem:s25], [sflag:$0x7] =	stream.indirect_vreg.gather [hbm4b:s11+s22], $0x80, v2, vm0, $0xb8;
	[tilespmem:$0x10100] =	vst v63  }
0x24f: {  	_ =	swait.ge [sflag:s29], $0x2000  }
0x250: {  	[sflag:s29] =	ssyncset.done $0x0  }
0x251: {  	[sflag:s29] =	ssyncadd.s32 $0xFFFFE000  }
0x252: {  	s26 =	sand.u32 $0x1C00, s22;
	_ =	swait.ge [sflag:s30], $0x2000  }
0x253: {  	s3 =	sor.u32 s26, s22;
	[sflag:s30] =	ssyncset.done $0x0  }
0x254: {  	s28 =	sand.u32 $0x380, s22;
	s3 =	sor.u32 $0x70, s3;
	[sflag:s30] =	ssyncadd.s32 $0xFFFFE000  }
0x255: {  	s24 =	sor.u32 s28, s26;
	v2 =	vld [tilespmem:s3+$0x8100]  }
0x256: {  	v5 =	vld [tilespmem:s24+$0x8100]  }
0x257: {  	v6 =	vld [tilespmem:s24+$0x8110]  }
0x258: {  	v7 =	vld [tilespmem:s24+$0x8120]  }
0x259: {  	v8 =	vld [tilespmem:s24+$0x8130]  }
0x25a: {  	v4 =	vld [tilespmem:s24+$0x8140]  }
0x25b: {  	v3 =	vld [tilespmem:s24+$0x8150]  }
0x25c: {  	[tilespmem:s3+$0x100] =	vst.add.f32.msk $0xffff, v2  }
0x25d: {  	v2 =	vld [tilespmem:s24+$0x8160]  }
0x25e: {  	[tilespmem:s24+$0x100] =	vst.add.f32.msk $0xffff, v5  }
0x25f: {  	[tilespmem:s24+$0x110] =	vst.add.f32.msk $0xffff, v6  }
0x260: {  	[tilespmem:s24+$0x120] =	vst.add.f32.msk $0xffff, v7  }
0x261: {  	s26 =	simm.s32 $0x400;
	s25 =	simm.s32 $0x0;
	[tilespmem:s24+$0x130] =	vst.add.f32.msk $0xffff, v8  }
.LBB2_18:
0x262: {  	s2 =	sand.u32 $0x1C00, s26;
	s25 =	sadd.s32 $0x8, s25;
	[tilespmem:s24+$0x140] =	vst.add.f32.msk $0xffff, v4;
	s22 =	sadd.s32 $0x10, s22  }
0x263: {  	s3 =	sand.u32 $0x380, s22;
	s28 =	sor.u32 s2, s22;
	p0 =	slt.u32 s25, $0x1F8;
	[tilespmem:s24+$0x150] =	vst.add.f32.msk $0xffff, v3  }
0x264: {  	s28 =	sor.u32 $0x70, s28;
	[tilespmem:s24+$0x160] =	vst.add.f32.msk $0xffff, v2;
	s24 =	sor.u32 s3, s2  }
0x265: {  	v2 =	vld [tilespmem:s28+$0x8100]  }
0x266: {  	v5 =	vld [tilespmem:s24+$0x8100]  }
0x267: {  	v6 =	vld [tilespmem:s24+$0x8110]  }
0x268: {  	v7 =	vld [tilespmem:s24+$0x8120]  }
0x269: {  	v8 =	vld [tilespmem:s24+$0x8130]  }
0x26a: {  	[tilespmem:s28+$0x100] =	vst.add.f32.msk $0xffff, v2  }
0x26b: {  	v4 =	vld [tilespmem:s24+$0x8140]  }
0x26c: {  	v3 =	vld [tilespmem:s24+$0x8150]  }
.Ltmp8:
0x26d: {  	v2 =	vld [tilespmem:s24+$0x8160];
	(pc) =	sbr.rel @p0 .LBB2_18-.Ltmp8, $4  }
0x26e: {  	[tilespmem:s24+$0x100] =	vst.add.f32.msk $0xffff, v5  }
0x26f: {  	[tilespmem:s24+$0x110] =	vst.add.f32.msk $0xffff, v6  }
0x270: {  	[tilespmem:s24+$0x120] =	vst.add.f32.msk $0xffff, v7  }
0x271: {  	s26 =	sadd.s32 $0x400, s26;
	[tilespmem:s24+$0x130] =	vst.add.f32.msk $0xffff, v8  }
0x272: {  	[tilespmem:s24+$0x140] =	vst.add.f32.msk $0xffff, v4  }
0x273: {  	[tilespmem:s24+$0x150] =	vst.add.f32.msk $0xffff, v3  }
0x274: {  	[tilespmem:s24+$0x160] =	vst.add.f32.msk $0xffff, v2  }
0x275: {  	s22 =	simm.s32 $0x0;
	s2 =	rddreg [dreg:$0x15]  }
0x276: {  	[hbm4b:s2+s22] =	stream.linear.scatter [tilespmem:s13], [sflag:$0x9], $0x2000, $0x38;
	[tilespmem:$0x10100] =	vst v63  }
0x277: {  	_ =	swait.ge [sflag:s20], $0x2000  }
0x278: {  	[sflag:s20] =	ssyncset.done $0x0  }
0x279: {  	s3 =	rddreg [dreg:$0x19];
	[sflag:s20] =	ssyncadd.s32 $0xFFFFE000  }
0x27a: {  	[tilespmem:s0], [sflag:$0x4] =	stream.linear.gather [hbm4b:s3+s22], $0x2000, $0x38;
	[tilespmem:$0x10100] =	vst v63  }
0x27b: {  	v2 =	vld.msk [tilespmem:$0x58], $0xff;
	_ =	sdelay $0x4  }
0x27c: {  	v3 =	vshll.u32 v2, $0x3  }
0x27d: {  	v2 =	vand.u32 $0x7, v2;
	v3 =	vand.u32 $0xFFFFFFC0, v3  }
0x27e: {  	v2 =	vor.u32 v2, v3  }
0x27f: {  	v2 =	vperm.xlane v2, v0;
	_ =	sdelay $0x1  }
0x280: {  	v2 =	vadd.s32 v1, v2;
	_ =	sdelay $0x3  }
0x281: {  	s24 =	simm.s32 $0xE100  }
0x282: {  	[tilespmem:s24], [sflag:$0x8] =	stream.indirect_vreg.gather [hbm4b:s31+s22], $0x80, v2, vm0, $0xb8;
	[tilespmem:$0x10100] =	vst v63  }
0x283: {  	s25 =	simm.s32 $0xE900  }
0x284: {  	[tilespmem:s25], [sflag:$0x8] =	stream.indirect_vreg.gather [hbm4b:s9+s22], $0x80, v2, vm0, $0xb8;
	[tilespmem:$0x10100] =	vst v63  }
0x285: {  	_ = 	snop  }
0x286: {  	[tilespmem:s4], [sflag:$0x8] =	stream.indirect_vreg.gather [hbm4b:s10+s22], $0x80, v2, vm0, $0xb8;
	[tilespmem:$0x10100] =	vst v63  }
0x287: {  	_ = 	snop  }
0x288: {  	[tilespmem:s5], [sflag:$0x8] =	stream.indirect_vreg.gather [hbm4b:s11+s22], $0x80, v2, vm0, $0xb8;
	[tilespmem:$0x10100] =	vst v63  }
0x289: {  	_ =	swait.ge [sflag:s6], $0x2000  }
0x28a: {  	[sflag:s6] =	ssyncset.done $0x0  }
0x28b: {  	[sflag:s6] =	ssyncadd.s32 $0xFFFFE000  }
0x28c: {  	s26 =	sand.u32 $0x1C00, s22;
	_ =	swait.ge [sflag:s7], $0x2000  }
0x28d: {  	s3 =	sor.u32 s26, s22;
	[sflag:s7] =	ssyncset.done $0x0  }
0x28e: {  	s28 =	sand.u32 $0x380, s22;
	s3 =	sor.u32 $0x70, s3;
	[sflag:s7] =	ssyncadd.s32 $0xFFFFE000  }
0x28f: {  	s24 =	sor.u32 s28, s26;
	v2 =	vld [tilespmem:s3+$0xA100]  }
0x290: {  	v5 =	vld [tilespmem:s24+$0xA100]  }
0x291: {  	v6 =	vld [tilespmem:s24+$0xA110]  }
0x292: {  	v7 =	vld [tilespmem:s24+$0xA120]  }
0x293: {  	v8 =	vld [tilespmem:s24+$0xA130]  }
0x294: {  	v4 =	vld [tilespmem:s24+$0xA140]  }
0x295: {  	v3 =	vld [tilespmem:s24+$0xA150]  }
0x296: {  	[tilespmem:s3+$0x2100] =	vst.add.f32.msk $0xffff, v2  }
0x297: {  	v2 =	vld [tilespmem:s24+$0xA160]  }
0x298: {  	[tilespmem:s24+$0x2100] =	vst.add.f32.msk $0xffff, v5  }
0x299: {  	[tilespmem:s24+$0x2110] =	vst.add.f32.msk $0xffff, v6  }
0x29a: {  	[tilespmem:s24+$0x2120] =	vst.add.f32.msk $0xffff, v7  }
0x29b: {  	s26 =	simm.s32 $0x400;
	s25 =	simm.s32 $0x0;
	[tilespmem:s24+$0x2130] =	vst.add.f32.msk $0xffff, v8  }
.LBB2_20:
0x29c: {  	s2 =	sand.u32 $0x1C00, s26;
	s25 =	sadd.s32 $0x8, s25;
	[tilespmem:s24+$0x2140] =	vst.add.f32.msk $0xffff, v4;
	s22 =	sadd.s32 $0x10, s22  }
0x29d: {  	s3 =	sand.u32 $0x380, s22;
	s28 =	sor.u32 s2, s22;
	p0 =	slt.u32 s25, $0x1F8;
	[tilespmem:s24+$0x2150] =	vst.add.f32.msk $0xffff, v3  }
0x29e: {  	s28 =	sor.u32 $0x70, s28;
	[tilespmem:s24+$0x2160] =	vst.add.f32.msk $0xffff, v2;
	s24 =	sor.u32 s3, s2  }
0x29f: {  	v2 =	vld [tilespmem:s28+$0xA100]  }
0x2a0: {  	v5 =	vld [tilespmem:s24+$0xA100]  }
0x2a1: {  	v6 =	vld [tilespmem:s24+$0xA110]  }
0x2a2: {  	v7 =	vld [tilespmem:s24+$0xA120]  }
0x2a3: {  	v8 =	vld [tilespmem:s24+$0xA130]  }
0x2a4: {  	[tilespmem:s28+$0x2100] =	vst.add.f32.msk $0xffff, v2  }
0x2a5: {  	v4 =	vld [tilespmem:s24+$0xA140]  }
0x2a6: {  	v3 =	vld [tilespmem:s24+$0xA150]  }
.Ltmp9:
0x2a7: {  	v2 =	vld [tilespmem:s24+$0xA160];
	(pc) =	sbr.rel @p0 .LBB2_20-.Ltmp9, $4  }
0x2a8: {  	[tilespmem:s24+$0x2100] =	vst.add.f32.msk $0xffff, v5  }
0x2a9: {  	[tilespmem:s24+$0x2110] =	vst.add.f32.msk $0xffff, v6  }
0x2aa: {  	[tilespmem:s24+$0x2120] =	vst.add.f32.msk $0xffff, v7  }
0x2ab: {  	s26 =	sadd.s32 $0x400, s26;
	[tilespmem:s24+$0x2130] =	vst.add.f32.msk $0xffff, v8  }
0x2ac: {  	[tilespmem:s24+$0x2140] =	vst.add.f32.msk $0xffff, v4  }
0x2ad: {  	[tilespmem:s24+$0x2150] =	vst.add.f32.msk $0xffff, v3  }
0x2ae: {  	[tilespmem:s24+$0x2160] =	vst.add.f32.msk $0xffff, v2  }
0x2af: {  	s22 =	simm.s32 $0x0;
	s2 =	rddreg [dreg:$0x16]  }
0x2b0: {  	[hbm4b:s2+s22] =	stream.linear.scatter [tilespmem:s18], [sflag:$0xA], $0x2000, $0x38;
	[tilespmem:$0x10100] =	vst v63  }
0x2b1: {  	_ =	swait.ge [sflag:s8], $0x2000  }
0x2b2: {  	[sflag:s8] =	ssyncset.done $0x0  }
0x2b3: {  	s26 =	rddreg [dreg:$0x1b];
	[sflag:s8] =	ssyncadd.s32 $0xFFFFE000  }
0x2b4: {  	[tilespmem:s13], [sflag:$0x1] =	stream.linear.gather [hbm4b:s26+s22], $0x2000, $0x38;
	[tilespmem:$0x10100] =	vst v63  }
0x2b5: {  	v2 =	vld.msk [tilespmem:$0x60], $0xff;
	_ =	sdelay $0x4  }
0x2b6: {  	v3 =	vshll.u32 v2, $0x3  }
0x2b7: {  	v2 =	vand.u32 $0x7, v2;
	v3 =	vand.u32 $0xFFFFFFC0, v3  }
0x2b8: {  	v2 =	vor.u32 v2, v3  }
0x2b9: {  	v2 =	vperm.xlane v2, v0;
	_ =	sdelay $0x1  }
0x2ba: {  	v2 =	vadd.s32 v1, v2;
	_ =	sdelay $0x3  }
0x2bb: {  	s28 =	simm.s32 $0x8100  }
0x2bc: {  	[tilespmem:s28], [sflag:$0x5] =	stream.indirect_vreg.gather [hbm4b:s31+s22], $0x80, v2, vm0, $0xb8;
	[tilespmem:$0x10100] =	vst v63  }
0x2bd: {  	s3 =	simm.s32 $0x8900  }
0x2be: {  	[tilespmem:s3], [sflag:$0x5] =	stream.indirect_vreg.gather [hbm4b:s9+s22], $0x80, v2, vm0, $0xb8;
	[tilespmem:$0x10100] =	vst v63  }
0x2bf: {  	s24 =	simm.s32 $0x9100  }
0x2c0: {  	[tilespmem:s24], [sflag:$0x5] =	stream.indirect_vreg.gather [hbm4b:s10+s22], $0x80, v2, vm0, $0xb8;
	[tilespmem:$0x10100] =	vst v63  }
0x2c1: {  	s25 =	simm.s32 $0x9900  }
0x2c2: {  	[tilespmem:s25], [sflag:$0x5] =	stream.indirect_vreg.gather [hbm4b:s11+s22], $0x80, v2, vm0, $0xb8;
	[tilespmem:$0x10100] =	vst v63  }
0x2c3: {  	_ =	swait.ge [sflag:s12], $0x2000  }
0x2c4: {  	[sflag:s12] =	ssyncset.done $0x0  }
0x2c5: {  	[sflag:s12] =	ssyncadd.s32 $0xFFFFE000  }
0x2c6: {  	s26 =	sand.u32 $0x1C00, s22;
	_ =	swait.ge [sflag:s14], $0x2000  }
0x2c7: {  	s3 =	sor.u32 s26, s22;
	[sflag:s14] =	ssyncset.done $0x0  }
0x2c8: {  	s28 =	sand.u32 $0x380, s22;
	s3 =	sor.u32 $0x70, s3;
	[sflag:s14] =	ssyncadd.s32 $0xFFFFE000  }
0x2c9: {  	s24 =	sor.u32 s28, s26;
	v2 =	vld [tilespmem:s3+$0xC100]  }
0x2ca: {  	v5 =	vld [tilespmem:s24+$0xC100]  }
0x2cb: {  	v6 =	vld [tilespmem:s24+$0xC110]  }
0x2cc: {  	v7 =	vld [tilespmem:s24+$0xC120]  }
0x2cd: {  	v8 =	vld [tilespmem:s24+$0xC130]  }
0x2ce: {  	v4 =	vld [tilespmem:s24+$0xC140]  }
0x2cf: {  	v3 =	vld [tilespmem:s24+$0xC150]  }
0x2d0: {  	[tilespmem:s3+$0x4100] =	vst.add.f32.msk $0xffff, v2  }
0x2d1: {  	v2 =	vld [tilespmem:s24+$0xC160]  }
0x2d2: {  	[tilespmem:s24+$0x4100] =	vst.add.f32.msk $0xffff, v5  }
0x2d3: {  	[tilespmem:s24+$0x4110] =	vst.add.f32.msk $0xffff, v6  }
0x2d4: {  	[tilespmem:s24+$0x4120] =	vst.add.f32.msk $0xffff, v7  }
0x2d5: {  	s26 =	simm.s32 $0x400;
	s25 =	simm.s32 $0x0;
	[tilespmem:s24+$0x4130] =	vst.add.f32.msk $0xffff, v8  }
.LBB2_22:
0x2d6: {  	s2 =	sand.u32 $0x1C00, s26;
	s25 =	sadd.s32 $0x8, s25;
	[tilespmem:s24+$0x4140] =	vst.add.f32.msk $0xffff, v4;
	s22 =	sadd.s32 $0x10, s22  }
0x2d7: {  	s3 =	sand.u32 $0x380, s22;
	s28 =	sor.u32 s2, s22;
	p0 =	slt.u32 s25, $0x1F8;
	[tilespmem:s24+$0x4150] =	vst.add.f32.msk $0xffff, v3  }
0x2d8: {  	s28 =	sor.u32 $0x70, s28;
	[tilespmem:s24+$0x4160] =	vst.add.f32.msk $0xffff, v2;
	s24 =	sor.u32 s3, s2  }
0x2d9: {  	v2 =	vld [tilespmem:s28+$0xC100]  }
0x2da: {  	v5 =	vld [tilespmem:s24+$0xC100]  }
0x2db: {  	v6 =	vld [tilespmem:s24+$0xC110]  }
0x2dc: {  	v7 =	vld [tilespmem:s24+$0xC120]  }
0x2dd: {  	v8 =	vld [tilespmem:s24+$0xC130]  }
0x2de: {  	[tilespmem:s28+$0x4100] =	vst.add.f32.msk $0xffff, v2  }
0x2df: {  	v4 =	vld [tilespmem:s24+$0xC140]  }
0x2e0: {  	v3 =	vld [tilespmem:s24+$0xC150]  }
.Ltmp10:
0x2e1: {  	v2 =	vld [tilespmem:s24+$0xC160];
	(pc) =	sbr.rel @p0 .LBB2_22-.Ltmp10, $4  }
0x2e2: {  	[tilespmem:s24+$0x4100] =	vst.add.f32.msk $0xffff, v5  }
0x2e3: {  	[tilespmem:s24+$0x4110] =	vst.add.f32.msk $0xffff, v6  }
0x2e4: {  	[tilespmem:s24+$0x4120] =	vst.add.f32.msk $0xffff, v7  }
0x2e5: {  	s26 =	sadd.s32 $0x400, s26;
	[tilespmem:s24+$0x4130] =	vst.add.f32.msk $0xffff, v8  }
0x2e6: {  	[tilespmem:s24+$0x4140] =	vst.add.f32.msk $0xffff, v4  }
0x2e7: {  	[tilespmem:s24+$0x4150] =	vst.add.f32.msk $0xffff, v3  }
0x2e8: {  	[tilespmem:s24+$0x4160] =	vst.add.f32.msk $0xffff, v2  }
0x2e9: {  	s22 =	simm.s32 $0x0;
	s2 =	rddreg [dreg:$0x18]  }
0x2ea: {  	[hbm4b:s2+s22] =	stream.linear.scatter [tilespmem:s23], [sflag:$0xB], $0x2000, $0x38;
	[tilespmem:$0x10100] =	vst v63  }
0x2eb: {  	_ =	swait.ge [sflag:s15], $0x2000  }
0x2ec: {  	[sflag:s15] =	ssyncset.done $0x0  }
0x2ed: {  	s26 =	rddreg [dreg:$0x1d];
	[sflag:s15] =	ssyncadd.s32 $0xFFFFE000  }
0x2ee: {  	[tilespmem:s18], [sflag:$0x2] =	stream.linear.gather [hbm4b:s26+s22], $0x2000, $0x38;
	[tilespmem:$0x10100] =	vst v63  }
0x2ef: {  	v2 =	vld.msk [tilespmem:$0x68], $0xff;
	_ =	sdelay $0x4  }
0x2f0: {  	v3 =	vshll.u32 v2, $0x3  }
0x2f1: {  	v2 =	vand.u32 $0x7, v2;
	v3 =	vand.u32 $0xFFFFFFC0, v3  }
0x2f2: {  	v2 =	vor.u32 v2, v3  }
0x2f3: {  	v2 =	vperm.xlane v2, v0;
	_ =	sdelay $0x1  }
0x2f4: {  	v2 =	vadd.s32 v1, v2;
	_ =	sdelay $0x3  }
0x2f5: {  	s28 =	simm.s32 $0xA100  }
0x2f6: {  	[tilespmem:s28], [sflag:$0x6] =	stream.indirect_vreg.gather [hbm4b:s31+s22], $0x80, v2, vm0, $0xb8;
	[tilespmem:$0x10100] =	vst v63  }
0x2f7: {  	s3 =	simm.s32 $0xA900  }
0x2f8: {  	[tilespmem:s3], [sflag:$0x6] =	stream.indirect_vreg.gather [hbm4b:s9+s22], $0x80, v2, vm0, $0xb8;
	[tilespmem:$0x10100] =	vst v63  }
0x2f9: {  	s24 =	simm.s32 $0xB100  }
0x2fa: {  	[tilespmem:s24], [sflag:$0x6] =	stream.indirect_vreg.gather [hbm4b:s10+s22], $0x80, v2, vm0, $0xb8;
	[tilespmem:$0x10100] =	vst v63  }
0x2fb: {  	s25 =	simm.s32 $0xB900  }
0x2fc: {  	[tilespmem:s25], [sflag:$0x6] =	stream.indirect_vreg.gather [hbm4b:s11+s22], $0x80, v2, vm0, $0xb8;
	[tilespmem:$0x10100] =	vst v63  }
0x2fd: {  	_ =	swait.ge [sflag:s16], $0x2000  }
0x2fe: {  	[sflag:s16] =	ssyncset.done $0x0  }
0x2ff: {  	[sflag:s16] =	ssyncadd.s32 $0xFFFFE000  }
0x300: {  	s26 =	sand.u32 $0x1C00, s22;
	_ =	swait.ge [sflag:s17], $0x2000  }
0x301: {  	s3 =	sor.u32 s26, s22;
	[sflag:s17] =	ssyncset.done $0x0  }
0x302: {  	s28 =	sand.u32 $0x380, s22;
	s3 =	sor.u32 $0x70, s3;
	[sflag:s17] =	ssyncadd.s32 $0xFFFFE000  }
0x303: {  	s24 =	sor.u32 s28, s26;
	v2 =	vld [tilespmem:s3+$0xE100]  }
0x304: {  	v5 =	vld [tilespmem:s24+$0xE100]  }
0x305: {  	v6 =	vld [tilespmem:s24+$0xE110]  }
0x306: {  	v7 =	vld [tilespmem:s24+$0xE120]  }
0x307: {  	v8 =	vld [tilespmem:s24+$0xE130]  }
0x308: {  	v4 =	vld [tilespmem:s24+$0xE140]  }
0x309: {  	v3 =	vld [tilespmem:s24+$0xE150]  }
0x30a: {  	[tilespmem:s3+$0x6100] =	vst.add.f32.msk $0xffff, v2  }
0x30b: {  	v2 =	vld [tilespmem:s24+$0xE160]  }
0x30c: {  	[tilespmem:s24+$0x6100] =	vst.add.f32.msk $0xffff, v5  }
0x30d: {  	[tilespmem:s24+$0x6110] =	vst.add.f32.msk $0xffff, v6  }
0x30e: {  	[tilespmem:s24+$0x6120] =	vst.add.f32.msk $0xffff, v7  }
0x30f: {  	s26 =	simm.s32 $0x400;
	s25 =	simm.s32 $0x0;
	[tilespmem:s24+$0x6130] =	vst.add.f32.msk $0xffff, v8  }
.LBB2_24:
0x310: {  	s2 =	sand.u32 $0x1C00, s26;
	s25 =	sadd.s32 $0x8, s25;
	[tilespmem:s24+$0x6140] =	vst.add.f32.msk $0xffff, v4;
	s22 =	sadd.s32 $0x10, s22  }
0x311: {  	s3 =	sand.u32 $0x380, s22;
	s28 =	sor.u32 s2, s22;
	p0 =	slt.u32 s25, $0x1F8;
	[tilespmem:s24+$0x6150] =	vst.add.f32.msk $0xffff, v3  }
0x312: {  	s28 =	sor.u32 $0x70, s28;
	[tilespmem:s24+$0x6160] =	vst.add.f32.msk $0xffff, v2;
	s24 =	sor.u32 s3, s2  }
0x313: {  	v2 =	vld [tilespmem:s28+$0xE100]  }
0x314: {  	v5 =	vld [tilespmem:s24+$0xE100]  }
0x315: {  	v6 =	vld [tilespmem:s24+$0xE110]  }
0x316: {  	v7 =	vld [tilespmem:s24+$0xE120]  }
0x317: {  	v8 =	vld [tilespmem:s24+$0xE130]  }
0x318: {  	[tilespmem:s28+$0x6100] =	vst.add.f32.msk $0xffff, v2  }
0x319: {  	v4 =	vld [tilespmem:s24+$0xE140]  }
0x31a: {  	v3 =	vld [tilespmem:s24+$0xE150]  }
.Ltmp11:
0x31b: {  	v2 =	vld [tilespmem:s24+$0xE160];
	(pc) =	sbr.rel @p0 .LBB2_24-.Ltmp11, $4  }
0x31c: {  	[tilespmem:s24+$0x6100] =	vst.add.f32.msk $0xffff, v5  }
0x31d: {  	[tilespmem:s24+$0x6110] =	vst.add.f32.msk $0xffff, v6  }
0x31e: {  	[tilespmem:s24+$0x6120] =	vst.add.f32.msk $0xffff, v7  }
0x31f: {  	s26 =	sadd.s32 $0x400, s26;
	[tilespmem:s24+$0x6130] =	vst.add.f32.msk $0xffff, v8  }
0x320: {  	[tilespmem:s24+$0x6140] =	vst.add.f32.msk $0xffff, v4  }
0x321: {  	[tilespmem:s24+$0x6150] =	vst.add.f32.msk $0xffff, v3  }
0x322: {  	[tilespmem:s24+$0x6160] =	vst.add.f32.msk $0xffff, v2  }
0x323: {  	s22 =	simm.s32 $0x0;
	s2 =	rddreg [dreg:$0x1a]  }
0x324: {  	[hbm4b:s2+s22] =	stream.linear.scatter [tilespmem:s0], [sflag:$0xC], $0x2000, $0x38;
	[tilespmem:$0x10100] =	vst v63  }
0x325: {  	_ =	swait.ge [sflag:s19], $0x2000  }
0x326: {  	[sflag:s19] =	ssyncset.done $0x0  }
0x327: {  	s26 =	rddreg [dreg:$0x1f];
	[sflag:s19] =	ssyncadd.s32 $0xFFFFE000  }
0x328: {  	[tilespmem:s23], [sflag:$0x3] =	stream.linear.gather [hbm4b:s26+s22], $0x2000, $0x38;
	[tilespmem:$0x10100] =	vst v63  }
0x329: {  	v2 =	vld.msk [tilespmem:$0x70], $0xff;
	_ =	sdelay $0x4  }
0x32a: {  	v3 =	vshll.u32 v2, $0x3  }
0x32b: {  	v2 =	vand.u32 $0x7, v2;
	v3 =	vand.u32 $0xFFFFFFC0, v3  }
0x32c: {  	v2 =	vor.u32 v2, v3  }
0x32d: {  	v2 =	vperm.xlane v2, v0;
	_ =	sdelay $0x1  }
0x32e: {  	v2 =	vadd.s32 v1, v2;
	_ =	sdelay $0x3  }
0x32f: {  	s28 =	simm.s32 $0xC100  }
0x330: {  	[tilespmem:s28], [sflag:$0x7] =	stream.indirect_vreg.gather [hbm4b:s31+s22], $0x80, v2, vm0, $0xb8;
	[tilespmem:$0x10100] =	vst v63  }
0x331: {  	s3 =	simm.s32 $0xC900  }
0x332: {  	[tilespmem:s3], [sflag:$0x7] =	stream.indirect_vreg.gather [hbm4b:s9+s22], $0x80, v2, vm0, $0xb8;
	[tilespmem:$0x10100] =	vst v63  }
0x333: {  	s24 =	simm.s32 $0xD100  }
0x334: {  	[tilespmem:s24], [sflag:$0x7] =	stream.indirect_vreg.gather [hbm4b:s10+s22], $0x80, v2, vm0, $0xb8;
	[tilespmem:$0x10100] =	vst v63  }
0x335: {  	s25 =	simm.s32 $0xD900  }
0x336: {  	[tilespmem:s25], [sflag:$0x7] =	stream.indirect_vreg.gather [hbm4b:s11+s22], $0x80, v2, vm0, $0xb8;
	[tilespmem:$0x10100] =	vst v63  }
0x337: {  	_ =	swait.ge [sflag:s29], $0x2000  }
0x338: {  	[sflag:s29] =	ssyncset.done $0x0  }
0x339: {  	[sflag:s29] =	ssyncadd.s32 $0xFFFFE000  }
0x33a: {  	s26 =	sand.u32 $0x1C00, s22;
	_ =	swait.ge [sflag:s30], $0x2000  }
0x33b: {  	s3 =	sor.u32 s26, s22;
	[sflag:s30] =	ssyncset.done $0x0  }
0x33c: {  	s28 =	sand.u32 $0x380, s22;
	s3 =	sor.u32 $0x70, s3;
	[sflag:s30] =	ssyncadd.s32 $0xFFFFE000  }
0x33d: {  	s24 =	sor.u32 s28, s26;
	v2 =	vld [tilespmem:s3+$0x8100]  }
0x33e: {  	v5 =	vld [tilespmem:s24+$0x8100]  }
0x33f: {  	v6 =	vld [tilespmem:s24+$0x8110]  }
0x340: {  	v7 =	vld [tilespmem:s24+$0x8120]  }
0x341: {  	v8 =	vld [tilespmem:s24+$0x8130]  }
0x342: {  	v4 =	vld [tilespmem:s24+$0x8140]  }
0x343: {  	v3 =	vld [tilespmem:s24+$0x8150]  }
0x344: {  	[tilespmem:s3+$0x100] =	vst.add.f32.msk $0xffff, v2  }
0x345: {  	v2 =	vld [tilespmem:s24+$0x8160]  }
0x346: {  	[tilespmem:s24+$0x100] =	vst.add.f32.msk $0xffff, v5  }
0x347: {  	[tilespmem:s24+$0x110] =	vst.add.f32.msk $0xffff, v6  }
0x348: {  	[tilespmem:s24+$0x120] =	vst.add.f32.msk $0xffff, v7  }
0x349: {  	s26 =	simm.s32 $0x400;
	s25 =	simm.s32 $0x0;
	[tilespmem:s24+$0x130] =	vst.add.f32.msk $0xffff, v8  }
.LBB2_26:
0x34a: {  	s2 =	sand.u32 $0x1C00, s26;
	s25 =	sadd.s32 $0x8, s25;
	[tilespmem:s24+$0x140] =	vst.add.f32.msk $0xffff, v4;
	s22 =	sadd.s32 $0x10, s22  }
0x34b: {  	s3 =	sand.u32 $0x380, s22;
	s28 =	sor.u32 s2, s22;
	p0 =	slt.u32 s25, $0x1F8;
	[tilespmem:s24+$0x150] =	vst.add.f32.msk $0xffff, v3  }
0x34c: {  	s28 =	sor.u32 $0x70, s28;
	[tilespmem:s24+$0x160] =	vst.add.f32.msk $0xffff, v2;
	s24 =	sor.u32 s3, s2  }
0x34d: {  	v2 =	vld [tilespmem:s28+$0x8100]  }
0x34e: {  	v5 =	vld [tilespmem:s24+$0x8100]  }
0x34f: {  	v6 =	vld [tilespmem:s24+$0x8110]  }
0x350: {  	v7 =	vld [tilespmem:s24+$0x8120]  }
0x351: {  	v8 =	vld [tilespmem:s24+$0x8130]  }
0x352: {  	[tilespmem:s28+$0x100] =	vst.add.f32.msk $0xffff, v2  }
0x353: {  	v4 =	vld [tilespmem:s24+$0x8140]  }
0x354: {  	v3 =	vld [tilespmem:s24+$0x8150]  }
.Ltmp12:
0x355: {  	v2 =	vld [tilespmem:s24+$0x8160];
	(pc) =	sbr.rel @p0 .LBB2_26-.Ltmp12, $4  }
0x356: {  	[tilespmem:s24+$0x100] =	vst.add.f32.msk $0xffff, v5  }
0x357: {  	[tilespmem:s24+$0x110] =	vst.add.f32.msk $0xffff, v6  }
0x358: {  	[tilespmem:s24+$0x120] =	vst.add.f32.msk $0xffff, v7  }
0x359: {  	s26 =	sadd.s32 $0x400, s26;
	[tilespmem:s24+$0x130] =	vst.add.f32.msk $0xffff, v8  }
0x35a: {  	[tilespmem:s24+$0x140] =	vst.add.f32.msk $0xffff, v4  }
0x35b: {  	[tilespmem:s24+$0x150] =	vst.add.f32.msk $0xffff, v3  }
0x35c: {  	[tilespmem:s24+$0x160] =	vst.add.f32.msk $0xffff, v2  }
0x35d: {  	s22 =	simm.s32 $0x0;
	s2 =	rddreg [dreg:$0x1c]  }
0x35e: {  	[hbm4b:s2+s22] =	stream.linear.scatter [tilespmem:s13], [sflag:$0x9], $0x2000, $0x38;
	[tilespmem:$0x10100] =	vst v63  }
0x35f: {  	_ =	swait.ge [sflag:s20], $0x2000  }
0x360: {  	s3 =	sld [smem:$0x7D8]  }
0x361: {  	[sflag:s20] =	ssyncset.done $0x0  }
0x362: {  	[sflag:s20] =	ssyncadd.s32 $0xFFFFE000  }
0x363: {  	[tilespmem:s0], [sflag:$0x4] =	stream.linear.gather [hbm4b:s3+s22], $0x2000, $0x38;
	[tilespmem:$0x10100] =	vst v63  }
0x364: {  	v2 =	vld.msk [tilespmem:$0x78], $0xff;
	_ =	sdelay $0x4  }
0x365: {  	v3 =	vshll.u32 v2, $0x3  }
0x366: {  	v2 =	vand.u32 $0x7, v2;
	v3 =	vand.u32 $0xFFFFFFC0, v3  }
0x367: {  	v2 =	vor.u32 v2, v3  }
0x368: {  	v2 =	vperm.xlane v2, v0;
	_ =	sdelay $0x1  }
0x369: {  	v2 =	vadd.s32 v1, v2;
	_ =	sdelay $0x3  }
0x36a: {  	s24 =	simm.s32 $0xE100  }
0x36b: {  	[tilespmem:s24], [sflag:$0x8] =	stream.indirect_vreg.gather [hbm4b:s31+s22], $0x80, v2, vm0, $0xb8;
	[tilespmem:$0x10100] =	vst v63  }
0x36c: {  	s25 =	simm.s32 $0xE900  }
0x36d: {  	[tilespmem:s25], [sflag:$0x8] =	stream.indirect_vreg.gather [hbm4b:s9+s22], $0x80, v2, vm0, $0xb8;
	[tilespmem:$0x10100] =	vst v63  }
0x36e: {  	_ = 	snop  }
0x36f: {  	[tilespmem:s4], [sflag:$0x8] =	stream.indirect_vreg.gather [hbm4b:s10+s22], $0x80, v2, vm0, $0xb8;
	[tilespmem:$0x10100] =	vst v63  }
0x370: {  	_ = 	snop  }
0x371: {  	[tilespmem:s5], [sflag:$0x8] =	stream.indirect_vreg.gather [hbm4b:s11+s22], $0x80, v2, vm0, $0xb8;
	[tilespmem:$0x10100] =	vst v63  }
0x372: {  	_ =	swait.ge [sflag:s6], $0x2000  }
0x373: {  	[sflag:s6] =	ssyncset.done $0x0  }
0x374: {  	[sflag:s6] =	ssyncadd.s32 $0xFFFFE000  }
0x375: {  	s26 =	sand.u32 $0x1C00, s22;
	_ =	swait.ge [sflag:s7], $0x2000  }
0x376: {  	s3 =	sor.u32 s26, s22;
	[sflag:s7] =	ssyncset.done $0x0  }
0x377: {  	s28 =	sand.u32 $0x380, s22;
	s3 =	sor.u32 $0x70, s3;
	[sflag:s7] =	ssyncadd.s32 $0xFFFFE000  }
0x378: {  	s24 =	sor.u32 s28, s26;
	v2 =	vld [tilespmem:s3+$0xA100]  }
0x379: {  	v5 =	vld [tilespmem:s24+$0xA100]  }
0x37a: {  	v6 =	vld [tilespmem:s24+$0xA110]  }
0x37b: {  	v7 =	vld [tilespmem:s24+$0xA120]  }
0x37c: {  	v8 =	vld [tilespmem:s24+$0xA130]  }
0x37d: {  	v4 =	vld [tilespmem:s24+$0xA140]  }
0x37e: {  	v3 =	vld [tilespmem:s24+$0xA150]  }
0x37f: {  	[tilespmem:s3+$0x2100] =	vst.add.f32.msk $0xffff, v2  }
0x380: {  	v2 =	vld [tilespmem:s24+$0xA160]  }
0x381: {  	[tilespmem:s24+$0x2100] =	vst.add.f32.msk $0xffff, v5  }
0x382: {  	[tilespmem:s24+$0x2110] =	vst.add.f32.msk $0xffff, v6  }
0x383: {  	[tilespmem:s24+$0x2120] =	vst.add.f32.msk $0xffff, v7  }
0x384: {  	s26 =	simm.s32 $0x400;
	s25 =	simm.s32 $0x0;
	[tilespmem:s24+$0x2130] =	vst.add.f32.msk $0xffff, v8  }
.LBB2_28:
0x385: {  	s2 =	sand.u32 $0x1C00, s26;
	s25 =	sadd.s32 $0x8, s25;
	[tilespmem:s24+$0x2140] =	vst.add.f32.msk $0xffff, v4;
	s22 =	sadd.s32 $0x10, s22  }
0x386: {  	s3 =	sand.u32 $0x380, s22;
	s28 =	sor.u32 s2, s22;
	p0 =	slt.u32 s25, $0x1F8;
	[tilespmem:s24+$0x2150] =	vst.add.f32.msk $0xffff, v3  }
0x387: {  	s28 =	sor.u32 $0x70, s28;
	[tilespmem:s24+$0x2160] =	vst.add.f32.msk $0xffff, v2;
	s24 =	sor.u32 s3, s2  }
0x388: {  	v2 =	vld [tilespmem:s28+$0xA100]  }
0x389: {  	v5 =	vld [tilespmem:s24+$0xA100]  }
0x38a: {  	v6 =	vld [tilespmem:s24+$0xA110]  }
0x38b: {  	v7 =	vld [tilespmem:s24+$0xA120]  }
0x38c: {  	v8 =	vld [tilespmem:s24+$0xA130]  }
0x38d: {  	[tilespmem:s28+$0x2100] =	vst.add.f32.msk $0xffff, v2  }
0x38e: {  	v4 =	vld [tilespmem:s24+$0xA140]  }
0x38f: {  	v3 =	vld [tilespmem:s24+$0xA150]  }
.Ltmp13:
0x390: {  	v2 =	vld [tilespmem:s24+$0xA160];
	(pc) =	sbr.rel @p0 .LBB2_28-.Ltmp13, $4  }
0x391: {  	[tilespmem:s24+$0x2100] =	vst.add.f32.msk $0xffff, v5  }
0x392: {  	[tilespmem:s24+$0x2110] =	vst.add.f32.msk $0xffff, v6  }
0x393: {  	[tilespmem:s24+$0x2120] =	vst.add.f32.msk $0xffff, v7  }
0x394: {  	s26 =	sadd.s32 $0x400, s26;
	[tilespmem:s24+$0x2130] =	vst.add.f32.msk $0xffff, v8  }
0x395: {  	[tilespmem:s24+$0x2140] =	vst.add.f32.msk $0xffff, v4  }
0x396: {  	[tilespmem:s24+$0x2150] =	vst.add.f32.msk $0xffff, v3  }
0x397: {  	[tilespmem:s24+$0x2160] =	vst.add.f32.msk $0xffff, v2  }
0x398: {  	s22 =	simm.s32 $0x0;
	s2 =	rddreg [dreg:$0x1e]  }
0x399: {  	[hbm4b:s2+s22] =	stream.linear.scatter [tilespmem:s18], [sflag:$0xA], $0x2000, $0x38;
	[tilespmem:$0x10100] =	vst v63  }
0x39a: {  	_ =	swait.ge [sflag:s8], $0x2000  }
0x39b: {  	s26 =	sld [smem:$0x7DA]  }
0x39c: {  	[sflag:s8] =	ssyncset.done $0x0  }
0x39d: {  	[sflag:s8] =	ssyncadd.s32 $0xFFFFE000  }
0x39e: {  	[tilespmem:s13], [sflag:$0x1] =	stream.linear.gather [hbm4b:s26+s22], $0x2000, $0x38;
	[tilespmem:$0x10100] =	vst v63  }
0x39f: {  	v2 =	vld.msk [tilespmem:$0x80], $0xff;
	_ =	sdelay $0x4  }
0x3a0: {  	v3 =	vshll.u32 v2, $0x3  }
0x3a1: {  	v2 =	vand.u32 $0x7, v2;
	v3 =	vand.u32 $0xFFFFFFC0, v3  }
0x3a2: {  	v2 =	vor.u32 v2, v3  }
0x3a3: {  	v2 =	vperm.xlane v2, v0;
	_ =	sdelay $0x1  }
0x3a4: {  	v2 =	vadd.s32 v1, v2;
	_ =	sdelay $0x3  }
0x3a5: {  	s28 =	simm.s32 $0x8100  }
0x3a6: {  	[tilespmem:s28], [sflag:$0x5] =	stream.indirect_vreg.gather [hbm4b:s31+s22], $0x80, v2, vm0, $0xb8;
	[tilespmem:$0x10100] =	vst v63  }
0x3a7: {  	s3 =	simm.s32 $0x8900  }
0x3a8: {  	[tilespmem:s3], [sflag:$0x5] =	stream.indirect_vreg.gather [hbm4b:s9+s22], $0x80, v2, vm0, $0xb8;
	[tilespmem:$0x10100] =	vst v63  }
0x3a9: {  	s24 =	simm.s32 $0x9100  }
0x3aa: {  	[tilespmem:s24], [sflag:$0x5] =	stream.indirect_vreg.gather [hbm4b:s10+s22], $0x80, v2, vm0, $0xb8;
	[tilespmem:$0x10100] =	vst v63  }
0x3ab: {  	s25 =	simm.s32 $0x9900  }
0x3ac: {  	[tilespmem:s25], [sflag:$0x5] =	stream.indirect_vreg.gather [hbm4b:s11+s22], $0x80, v2, vm0, $0xb8;
	[tilespmem:$0x10100] =	vst v63  }
0x3ad: {  	_ =	swait.ge [sflag:s12], $0x2000  }
0x3ae: {  	[sflag:s12] =	ssyncset.done $0x0  }
0x3af: {  	[sflag:s12] =	ssyncadd.s32 $0xFFFFE000  }
0x3b0: {  	s26 =	sand.u32 $0x1C00, s22;
	_ =	swait.ge [sflag:s14], $0x2000  }
0x3b1: {  	s3 =	sor.u32 s26, s22;
	[sflag:s14] =	ssyncset.done $0x0  }
0x3b2: {  	s28 =	sand.u32 $0x380, s22;
	s3 =	sor.u32 $0x70, s3;
	[sflag:s14] =	ssyncadd.s32 $0xFFFFE000  }
0x3b3: {  	s24 =	sor.u32 s28, s26;
	v2 =	vld [tilespmem:s3+$0xC100]  }
0x3b4: {  	v5 =	vld [tilespmem:s24+$0xC100]  }
0x3b5: {  	v6 =	vld [tilespmem:s24+$0xC110]  }
0x3b6: {  	v7 =	vld [tilespmem:s24+$0xC120]  }
0x3b7: {  	v8 =	vld [tilespmem:s24+$0xC130]  }
0x3b8: {  	v4 =	vld [tilespmem:s24+$0xC140]  }
0x3b9: {  	v3 =	vld [tilespmem:s24+$0xC150]  }
0x3ba: {  	[tilespmem:s3+$0x4100] =	vst.add.f32.msk $0xffff, v2  }
0x3bb: {  	v2 =	vld [tilespmem:s24+$0xC160]  }
0x3bc: {  	[tilespmem:s24+$0x4100] =	vst.add.f32.msk $0xffff, v5  }
0x3bd: {  	[tilespmem:s24+$0x4110] =	vst.add.f32.msk $0xffff, v6  }
0x3be: {  	[tilespmem:s24+$0x4120] =	vst.add.f32.msk $0xffff, v7  }
0x3bf: {  	s26 =	simm.s32 $0x400;
	s25 =	simm.s32 $0x0;
	[tilespmem:s24+$0x4130] =	vst.add.f32.msk $0xffff, v8  }
.LBB2_30:
0x3c0: {  	s2 =	sand.u32 $0x1C00, s26;
	s25 =	sadd.s32 $0x8, s25;
	[tilespmem:s24+$0x4140] =	vst.add.f32.msk $0xffff, v4;
	s22 =	sadd.s32 $0x10, s22  }
0x3c1: {  	s3 =	sand.u32 $0x380, s22;
	s28 =	sor.u32 s2, s22;
	p0 =	slt.u32 s25, $0x1F8;
	[tilespmem:s24+$0x4150] =	vst.add.f32.msk $0xffff, v3  }
0x3c2: {  	s28 =	sor.u32 $0x70, s28;
	[tilespmem:s24+$0x4160] =	vst.add.f32.msk $0xffff, v2;
	s24 =	sor.u32 s3, s2  }
0x3c3: {  	v2 =	vld [tilespmem:s28+$0xC100]  }
0x3c4: {  	v5 =	vld [tilespmem:s24+$0xC100]  }
0x3c5: {  	v6 =	vld [tilespmem:s24+$0xC110]  }
0x3c6: {  	v7 =	vld [tilespmem:s24+$0xC120]  }
0x3c7: {  	v8 =	vld [tilespmem:s24+$0xC130]  }
0x3c8: {  	[tilespmem:s28+$0x4100] =	vst.add.f32.msk $0xffff, v2  }
0x3c9: {  	v4 =	vld [tilespmem:s24+$0xC140]  }
0x3ca: {  	v3 =	vld [tilespmem:s24+$0xC150]  }
.Ltmp14:
0x3cb: {  	v2 =	vld [tilespmem:s24+$0xC160];
	(pc) =	sbr.rel @p0 .LBB2_30-.Ltmp14, $4  }
0x3cc: {  	[tilespmem:s24+$0x4100] =	vst.add.f32.msk $0xffff, v5  }
0x3cd: {  	[tilespmem:s24+$0x4110] =	vst.add.f32.msk $0xffff, v6  }
0x3ce: {  	[tilespmem:s24+$0x4120] =	vst.add.f32.msk $0xffff, v7  }
0x3cf: {  	s26 =	sadd.s32 $0x400, s26;
	[tilespmem:s24+$0x4130] =	vst.add.f32.msk $0xffff, v8  }
0x3d0: {  	[tilespmem:s24+$0x4140] =	vst.add.f32.msk $0xffff, v4  }
0x3d1: {  	[tilespmem:s24+$0x4150] =	vst.add.f32.msk $0xffff, v3  }
0x3d2: {  	[tilespmem:s24+$0x4160] =	vst.add.f32.msk $0xffff, v2  }
0x3d3: {  	s2 =	sld [smem:$0x7D7];
	_ =	sdelay $0x1  }
0x3d4: {  	s22 =	simm.s32 $0x0  }
0x3d5: {  	[hbm4b:s2+s22] =	stream.linear.scatter [tilespmem:s23], [sflag:$0xB], $0x2000, $0x38;
	[tilespmem:$0x10100] =	vst v63  }
0x3d6: {  	_ =	swait.ge [sflag:s15], $0x2000  }
0x3d7: {  	s26 =	sld [smem:$0x7DC]  }
0x3d8: {  	[sflag:s15] =	ssyncset.done $0x0  }
0x3d9: {  	[sflag:s15] =	ssyncadd.s32 $0xFFFFE000  }
0x3da: {  	[tilespmem:s18], [sflag:$0x2] =	stream.linear.gather [hbm4b:s26+s22], $0x2000, $0x38;
	[tilespmem:$0x10100] =	vst v63  }
0x3db: {  	v2 =	vld.msk [tilespmem:$0x88], $0xff;
	_ =	sdelay $0x4  }
0x3dc: {  	v3 =	vshll.u32 v2, $0x3  }
0x3dd: {  	v2 =	vand.u32 $0x7, v2;
	v3 =	vand.u32 $0xFFFFFFC0, v3  }
0x3de: {  	v2 =	vor.u32 v2, v3  }
0x3df: {  	v2 =	vperm.xlane v2, v0;
	_ =	sdelay $0x1  }
0x3e0: {  	v2 =	vadd.s32 v1, v2;
	_ =	sdelay $0x3  }
0x3e1: {  	s28 =	simm.s32 $0xA100  }
0x3e2: {  	[tilespmem:s28], [sflag:$0x6] =	stream.indirect_vreg.gather [hbm4b:s31+s22], $0x80, v2, vm0, $0xb8;
	[tilespmem:$0x10100] =	vst v63  }
0x3e3: {  	s3 =	simm.s32 $0xA900  }
0x3e4: {  	[tilespmem:s3], [sflag:$0x6] =	stream.indirect_vreg.gather [hbm4b:s9+s22], $0x80, v2, vm0, $0xb8;
	[tilespmem:$0x10100] =	vst v63  }
0x3e5: {  	s24 =	simm.s32 $0xB100  }
0x3e6: {  	[tilespmem:s24], [sflag:$0x6] =	stream.indirect_vreg.gather [hbm4b:s10+s22], $0x80, v2, vm0, $0xb8;
	[tilespmem:$0x10100] =	vst v63  }
0x3e7: {  	s25 =	simm.s32 $0xB900  }
0x3e8: {  	[tilespmem:s25], [sflag:$0x6] =	stream.indirect_vreg.gather [hbm4b:s11+s22], $0x80, v2, vm0, $0xb8;
	[tilespmem:$0x10100] =	vst v63  }
0x3e9: {  	_ =	swait.ge [sflag:s16], $0x2000  }
0x3ea: {  	[sflag:s16] =	ssyncset.done $0x0  }
0x3eb: {  	[sflag:s16] =	ssyncadd.s32 $0xFFFFE000  }
0x3ec: {  	s26 =	sand.u32 $0x1C00, s22;
	_ =	swait.ge [sflag:s17], $0x2000  }
0x3ed: {  	s3 =	sor.u32 s26, s22;
	[sflag:s17] =	ssyncset.done $0x0  }
0x3ee: {  	s28 =	sand.u32 $0x380, s22;
	s3 =	sor.u32 $0x70, s3;
	[sflag:s17] =	ssyncadd.s32 $0xFFFFE000  }
0x3ef: {  	s24 =	sor.u32 s28, s26;
	v2 =	vld [tilespmem:s3+$0xE100]  }
0x3f0: {  	v5 =	vld [tilespmem:s24+$0xE100]  }
0x3f1: {  	v6 =	vld [tilespmem:s24+$0xE110]  }
0x3f2: {  	v7 =	vld [tilespmem:s24+$0xE120]  }
0x3f3: {  	v8 =	vld [tilespmem:s24+$0xE130]  }
0x3f4: {  	v4 =	vld [tilespmem:s24+$0xE140]  }
0x3f5: {  	v3 =	vld [tilespmem:s24+$0xE150]  }
0x3f6: {  	[tilespmem:s3+$0x6100] =	vst.add.f32.msk $0xffff, v2  }
0x3f7: {  	v2 =	vld [tilespmem:s24+$0xE160]  }
0x3f8: {  	[tilespmem:s24+$0x6100] =	vst.add.f32.msk $0xffff, v5  }
0x3f9: {  	[tilespmem:s24+$0x6110] =	vst.add.f32.msk $0xffff, v6  }
0x3fa: {  	[tilespmem:s24+$0x6120] =	vst.add.f32.msk $0xffff, v7  }
0x3fb: {  	s26 =	simm.s32 $0x400;
	s25 =	simm.s32 $0x0;
	[tilespmem:s24+$0x6130] =	vst.add.f32.msk $0xffff, v8  }
.LBB2_32:
0x3fc: {  	s2 =	sand.u32 $0x1C00, s26;
	s25 =	sadd.s32 $0x8, s25;
	[tilespmem:s24+$0x6140] =	vst.add.f32.msk $0xffff, v4;
	s22 =	sadd.s32 $0x10, s22  }
0x3fd: {  	s3 =	sand.u32 $0x380, s22;
	s28 =	sor.u32 s2, s22;
	p0 =	slt.u32 s25, $0x1F8;
	[tilespmem:s24+$0x6150] =	vst.add.f32.msk $0xffff, v3  }
0x3fe: {  	s28 =	sor.u32 $0x70, s28;
	[tilespmem:s24+$0x6160] =	vst.add.f32.msk $0xffff, v2;
	s24 =	sor.u32 s3, s2  }
0x3ff: {  	v2 =	vld [tilespmem:s28+$0xE100]  }
0x400: {  	v5 =	vld [tilespmem:s24+$0xE100]  }
0x401: {  	v6 =	vld [tilespmem:s24+$0xE110]  }
0x402: {  	v7 =	vld [tilespmem:s24+$0xE120]  }
0x403: {  	v8 =	vld [tilespmem:s24+$0xE130]  }
0x404: {  	[tilespmem:s28+$0x6100] =	vst.add.f32.msk $0xffff, v2  }
0x405: {  	v4 =	vld [tilespmem:s24+$0xE140]  }
0x406: {  	v3 =	vld [tilespmem:s24+$0xE150]  }
.Ltmp15:
0x407: {  	v2 =	vld [tilespmem:s24+$0xE160];
	(pc) =	sbr.rel @p0 .LBB2_32-.Ltmp15, $4  }
0x408: {  	[tilespmem:s24+$0x6100] =	vst.add.f32.msk $0xffff, v5  }
0x409: {  	[tilespmem:s24+$0x6110] =	vst.add.f32.msk $0xffff, v6  }
0x40a: {  	[tilespmem:s24+$0x6120] =	vst.add.f32.msk $0xffff, v7  }
0x40b: {  	s26 =	sadd.s32 $0x400, s26;
	[tilespmem:s24+$0x6130] =	vst.add.f32.msk $0xffff, v8  }
0x40c: {  	[tilespmem:s24+$0x6140] =	vst.add.f32.msk $0xffff, v4  }
0x40d: {  	[tilespmem:s24+$0x6150] =	vst.add.f32.msk $0xffff, v3  }
0x40e: {  	[tilespmem:s24+$0x6160] =	vst.add.f32.msk $0xffff, v2  }
0x40f: {  	s2 =	sld [smem:$0x7D9];
	_ =	sdelay $0x1  }
0x410: {  	s22 =	simm.s32 $0x0  }
0x411: {  	[hbm4b:s2+s22] =	stream.linear.scatter [tilespmem:s0], [sflag:$0xC], $0x2000, $0x38;
	[tilespmem:$0x10100] =	vst v63  }
0x412: {  	_ =	swait.ge [sflag:s19], $0x2000  }
0x413: {  	s26 =	sld [smem:$0x7DE]  }
0x414: {  	[sflag:s19] =	ssyncset.done $0x0  }
0x415: {  	[sflag:s19] =	ssyncadd.s32 $0xFFFFE000  }
0x416: {  	[tilespmem:s23], [sflag:$0x3] =	stream.linear.gather [hbm4b:s26+s22], $0x2000, $0x38;
	[tilespmem:$0x10100] =	vst v63  }
0x417: {  	v2 =	vld.msk [tilespmem:$0x90], $0xff;
	_ =	sdelay $0x4  }
0x418: {  	v3 =	vshll.u32 v2, $0x3  }
0x419: {  	v2 =	vand.u32 $0x7, v2;
	v3 =	vand.u32 $0xFFFFFFC0, v3  }
0x41a: {  	v2 =	vor.u32 v2, v3  }
0x41b: {  	v2 =	vperm.xlane v2, v0;
	_ =	sdelay $0x1  }
0x41c: {  	v2 =	vadd.s32 v1, v2;
	_ =	sdelay $0x3  }
0x41d: {  	s28 =	simm.s32 $0xC100  }
0x41e: {  	[tilespmem:s28], [sflag:$0x7] =	stream.indirect_vreg.gather [hbm4b:s31+s22], $0x80, v2, vm0, $0xb8;
	[tilespmem:$0x10100] =	vst v63  }
0x41f: {  	s3 =	simm.s32 $0xC900  }
0x420: {  	[tilespmem:s3], [sflag:$0x7] =	stream.indirect_vreg.gather [hbm4b:s9+s22], $0x80, v2, vm0, $0xb8;
	[tilespmem:$0x10100] =	vst v63  }
0x421: {  	s24 =	simm.s32 $0xD100  }
0x422: {  	[tilespmem:s24], [sflag:$0x7] =	stream.indirect_vreg.gather [hbm4b:s10+s22], $0x80, v2, vm0, $0xb8;
	[tilespmem:$0x10100] =	vst v63  }
0x423: {  	s25 =	simm.s32 $0xD900  }
0x424: {  	[tilespmem:s25], [sflag:$0x7] =	stream.indirect_vreg.gather [hbm4b:s11+s22], $0x80, v2, vm0, $0xb8;
	[tilespmem:$0x10100] =	vst v63  }
0x425: {  	_ =	swait.ge [sflag:s29], $0x2000  }
0x426: {  	[sflag:s29] =	ssyncset.done $0x0  }
0x427: {  	[sflag:s29] =	ssyncadd.s32 $0xFFFFE000  }
0x428: {  	s26 =	sand.u32 $0x1C00, s22;
	_ =	swait.ge [sflag:s30], $0x2000  }
0x429: {  	s3 =	sor.u32 s26, s22;
	[sflag:s30] =	ssyncset.done $0x0  }
0x42a: {  	s28 =	sand.u32 $0x380, s22;
	s3 =	sor.u32 $0x70, s3;
	[sflag:s30] =	ssyncadd.s32 $0xFFFFE000  }
0x42b: {  	s24 =	sor.u32 s28, s26;
	v2 =	vld [tilespmem:s3+$0x8100]  }
0x42c: {  	v5 =	vld [tilespmem:s24+$0x8100]  }
0x42d: {  	v6 =	vld [tilespmem:s24+$0x8110]  }
0x42e: {  	v7 =	vld [tilespmem:s24+$0x8120]  }
0x42f: {  	v8 =	vld [tilespmem:s24+$0x8130]  }
0x430: {  	v4 =	vld [tilespmem:s24+$0x8140]  }
0x431: {  	v3 =	vld [tilespmem:s24+$0x8150]  }
0x432: {  	[tilespmem:s3+$0x100] =	vst.add.f32.msk $0xffff, v2  }
0x433: {  	v2 =	vld [tilespmem:s24+$0x8160]  }
0x434: {  	[tilespmem:s24+$0x100] =	vst.add.f32.msk $0xffff, v5  }
0x435: {  	[tilespmem:s24+$0x110] =	vst.add.f32.msk $0xffff, v6  }
0x436: {  	[tilespmem:s24+$0x120] =	vst.add.f32.msk $0xffff, v7  }
0x437: {  	s26 =	simm.s32 $0x400;
	s25 =	simm.s32 $0x0;
	[tilespmem:s24+$0x130] =	vst.add.f32.msk $0xffff, v8  }
.LBB2_34:
0x438: {  	s2 =	sand.u32 $0x1C00, s26;
	s25 =	sadd.s32 $0x8, s25;
	[tilespmem:s24+$0x140] =	vst.add.f32.msk $0xffff, v4;
	s22 =	sadd.s32 $0x10, s22  }
0x439: {  	s3 =	sand.u32 $0x380, s22;
	s28 =	sor.u32 s2, s22;
	p0 =	slt.u32 s25, $0x1F8;
	[tilespmem:s24+$0x150] =	vst.add.f32.msk $0xffff, v3  }
0x43a: {  	s28 =	sor.u32 $0x70, s28;
	[tilespmem:s24+$0x160] =	vst.add.f32.msk $0xffff, v2;
	s24 =	sor.u32 s3, s2  }
0x43b: {  	v2 =	vld [tilespmem:s28+$0x8100]  }
0x43c: {  	v5 =	vld [tilespmem:s24+$0x8100]  }
0x43d: {  	v6 =	vld [tilespmem:s24+$0x8110]  }
0x43e: {  	v7 =	vld [tilespmem:s24+$0x8120]  }
0x43f: {  	v8 =	vld [tilespmem:s24+$0x8130]  }
0x440: {  	[tilespmem:s28+$0x100] =	vst.add.f32.msk $0xffff, v2  }
0x441: {  	v4 =	vld [tilespmem:s24+$0x8140]  }
0x442: {  	v3 =	vld [tilespmem:s24+$0x8150]  }
.Ltmp16:
0x443: {  	v2 =	vld [tilespmem:s24+$0x8160];
	(pc) =	sbr.rel @p0 .LBB2_34-.Ltmp16, $4  }
0x444: {  	[tilespmem:s24+$0x100] =	vst.add.f32.msk $0xffff, v5  }
0x445: {  	[tilespmem:s24+$0x110] =	vst.add.f32.msk $0xffff, v6  }
0x446: {  	[tilespmem:s24+$0x120] =	vst.add.f32.msk $0xffff, v7  }
0x447: {  	s26 =	sadd.s32 $0x400, s26;
	[tilespmem:s24+$0x130] =	vst.add.f32.msk $0xffff, v8  }
0x448: {  	[tilespmem:s24+$0x140] =	vst.add.f32.msk $0xffff, v4  }
0x449: {  	[tilespmem:s24+$0x150] =	vst.add.f32.msk $0xffff, v3  }
0x44a: {  	[tilespmem:s24+$0x160] =	vst.add.f32.msk $0xffff, v2  }
0x44b: {  	s2 =	sld [smem:$0x7DB];
	_ =	sdelay $0x1  }
0x44c: {  	s22 =	simm.s32 $0x0  }
0x44d: {  	[hbm4b:s2+s22] =	stream.linear.scatter [tilespmem:s13], [sflag:$0x9], $0x2000, $0x38;
	[tilespmem:$0x10100] =	vst v63  }
0x44e: {  	_ =	swait.ge [sflag:s20], $0x2000  }
0x44f: {  	s3 =	sld [smem:$0x7E0]  }
0x450: {  	[sflag:s20] =	ssyncset.done $0x0  }
0x451: {  	[sflag:s20] =	ssyncadd.s32 $0xFFFFE000  }
0x452: {  	[tilespmem:s0], [sflag:$0x4] =	stream.linear.gather [hbm4b:s3+s22], $0x2000, $0x38;
	[tilespmem:$0x10100] =	vst v63  }
0x453: {  	v2 =	vld.msk [tilespmem:$0x98], $0xff;
	_ =	sdelay $0x4  }
0x454: {  	v3 =	vshll.u32 v2, $0x3  }
0x455: {  	v2 =	vand.u32 $0x7, v2;
	v3 =	vand.u32 $0xFFFFFFC0, v3  }
0x456: {  	v2 =	vor.u32 v2, v3  }
0x457: {  	v2 =	vperm.xlane v2, v0;
	_ =	sdelay $0x1  }
0x458: {  	v2 =	vadd.s32 v1, v2;
	_ =	sdelay $0x3  }
0x459: {  	s24 =	simm.s32 $0xE100  }
0x45a: {  	[tilespmem:s24], [sflag:$0x8] =	stream.indirect_vreg.gather [hbm4b:s31+s22], $0x80, v2, vm0, $0xb8;
	[tilespmem:$0x10100] =	vst v63  }
0x45b: {  	s25 =	simm.s32 $0xE900  }
0x45c: {  	[tilespmem:s25], [sflag:$0x8] =	stream.indirect_vreg.gather [hbm4b:s9+s22], $0x80, v2, vm0, $0xb8;
	[tilespmem:$0x10100] =	vst v63  }
0x45d: {  	_ = 	snop  }
0x45e: {  	[tilespmem:s4], [sflag:$0x8] =	stream.indirect_vreg.gather [hbm4b:s10+s22], $0x80, v2, vm0, $0xb8;
	[tilespmem:$0x10100] =	vst v63  }
0x45f: {  	_ = 	snop  }
0x460: {  	[tilespmem:s5], [sflag:$0x8] =	stream.indirect_vreg.gather [hbm4b:s11+s22], $0x80, v2, vm0, $0xb8;
	[tilespmem:$0x10100] =	vst v63  }
0x461: {  	_ =	swait.ge [sflag:s6], $0x2000  }
0x462: {  	[sflag:s6] =	ssyncset.done $0x0  }
0x463: {  	[sflag:s6] =	ssyncadd.s32 $0xFFFFE000  }
0x464: {  	s26 =	sand.u32 $0x1C00, s22;
	_ =	swait.ge [sflag:s7], $0x2000  }
0x465: {  	s3 =	sor.u32 s26, s22;
	[sflag:s7] =	ssyncset.done $0x0  }
0x466: {  	s28 =	sand.u32 $0x380, s22;
	s3 =	sor.u32 $0x70, s3;
	[sflag:s7] =	ssyncadd.s32 $0xFFFFE000  }
0x467: {  	s24 =	sor.u32 s28, s26;
	v2 =	vld [tilespmem:s3+$0xA100]  }
0x468: {  	v5 =	vld [tilespmem:s24+$0xA100]  }
0x469: {  	v6 =	vld [tilespmem:s24+$0xA110]  }
0x46a: {  	v7 =	vld [tilespmem:s24+$0xA120]  }
0x46b: {  	v8 =	vld [tilespmem:s24+$0xA130]  }
0x46c: {  	v4 =	vld [tilespmem:s24+$0xA140]  }
0x46d: {  	v3 =	vld [tilespmem:s24+$0xA150]  }
0x46e: {  	[tilespmem:s3+$0x2100] =	vst.add.f32.msk $0xffff, v2  }
0x46f: {  	v2 =	vld [tilespmem:s24+$0xA160]  }
0x470: {  	[tilespmem:s24+$0x2100] =	vst.add.f32.msk $0xffff, v5  }
0x471: {  	[tilespmem:s24+$0x2110] =	vst.add.f32.msk $0xffff, v6  }
0x472: {  	[tilespmem:s24+$0x2120] =	vst.add.f32.msk $0xffff, v7  }
0x473: {  	s26 =	simm.s32 $0x400;
	s25 =	simm.s32 $0x0;
	[tilespmem:s24+$0x2130] =	vst.add.f32.msk $0xffff, v8  }
.LBB2_36:
0x474: {  	s2 =	sand.u32 $0x1C00, s26;
	s25 =	sadd.s32 $0x8, s25;
	[tilespmem:s24+$0x2140] =	vst.add.f32.msk $0xffff, v4;
	s22 =	sadd.s32 $0x10, s22  }
0x475: {  	s3 =	sand.u32 $0x380, s22;
	s28 =	sor.u32 s2, s22;
	p0 =	slt.u32 s25, $0x1F8;
	[tilespmem:s24+$0x2150] =	vst.add.f32.msk $0xffff, v3  }
0x476: {  	s28 =	sor.u32 $0x70, s28;
	[tilespmem:s24+$0x2160] =	vst.add.f32.msk $0xffff, v2;
	s24 =	sor.u32 s3, s2  }
0x477: {  	v2 =	vld [tilespmem:s28+$0xA100]  }
0x478: {  	v5 =	vld [tilespmem:s24+$0xA100]  }
0x479: {  	v6 =	vld [tilespmem:s24+$0xA110]  }
0x47a: {  	v7 =	vld [tilespmem:s24+$0xA120]  }
0x47b: {  	v8 =	vld [tilespmem:s24+$0xA130]  }
0x47c: {  	[tilespmem:s28+$0x2100] =	vst.add.f32.msk $0xffff, v2  }
0x47d: {  	v4 =	vld [tilespmem:s24+$0xA140]  }
0x47e: {  	v3 =	vld [tilespmem:s24+$0xA150]  }
.Ltmp17:
0x47f: {  	v2 =	vld [tilespmem:s24+$0xA160];
	(pc) =	sbr.rel @p0 .LBB2_36-.Ltmp17, $4  }
0x480: {  	[tilespmem:s24+$0x2100] =	vst.add.f32.msk $0xffff, v5  }
0x481: {  	[tilespmem:s24+$0x2110] =	vst.add.f32.msk $0xffff, v6  }
0x482: {  	[tilespmem:s24+$0x2120] =	vst.add.f32.msk $0xffff, v7  }
0x483: {  	s26 =	sadd.s32 $0x400, s26;
	[tilespmem:s24+$0x2130] =	vst.add.f32.msk $0xffff, v8  }
0x484: {  	[tilespmem:s24+$0x2140] =	vst.add.f32.msk $0xffff, v4  }
0x485: {  	[tilespmem:s24+$0x2150] =	vst.add.f32.msk $0xffff, v3  }
0x486: {  	[tilespmem:s24+$0x2160] =	vst.add.f32.msk $0xffff, v2  }
0x487: {  	s2 =	sld [smem:$0x7DD];
	_ =	sdelay $0x1  }
0x488: {  	s22 =	simm.s32 $0x0  }
0x489: {  	[hbm4b:s2+s22] =	stream.linear.scatter [tilespmem:s18], [sflag:$0xA], $0x2000, $0x38;
	[tilespmem:$0x10100] =	vst v63  }
0x48a: {  	_ =	swait.ge [sflag:s8], $0x2000  }
0x48b: {  	s26 =	sld [smem:$0x7E2]  }
0x48c: {  	[sflag:s8] =	ssyncset.done $0x0  }
0x48d: {  	[sflag:s8] =	ssyncadd.s32 $0xFFFFE000  }
0x48e: {  	[tilespmem:s13], [sflag:$0x1] =	stream.linear.gather [hbm4b:s26+s22], $0x2000, $0x38;
	[tilespmem:$0x10100] =	vst v63  }
0x48f: {  	v2 =	vld.msk [tilespmem:$0xA0], $0xff;
	_ =	sdelay $0x4  }
0x490: {  	v3 =	vshll.u32 v2, $0x3  }
0x491: {  	v2 =	vand.u32 $0x7, v2;
	v3 =	vand.u32 $0xFFFFFFC0, v3  }
0x492: {  	v2 =	vor.u32 v2, v3  }
0x493: {  	v2 =	vperm.xlane v2, v0;
	_ =	sdelay $0x1  }
0x494: {  	v2 =	vadd.s32 v1, v2;
	_ =	sdelay $0x3  }
0x495: {  	s28 =	simm.s32 $0x8100  }
0x496: {  	[tilespmem:s28], [sflag:$0x5] =	stream.indirect_vreg.gather [hbm4b:s31+s22], $0x80, v2, vm0, $0xb8;
	[tilespmem:$0x10100] =	vst v63  }
0x497: {  	s3 =	simm.s32 $0x8900  }
0x498: {  	[tilespmem:s3], [sflag:$0x5] =	stream.indirect_vreg.gather [hbm4b:s9+s22], $0x80, v2, vm0, $0xb8;
	[tilespmem:$0x10100] =	vst v63  }
0x499: {  	s24 =	simm.s32 $0x9100  }
0x49a: {  	[tilespmem:s24], [sflag:$0x5] =	stream.indirect_vreg.gather [hbm4b:s10+s22], $0x80, v2, vm0, $0xb8;
	[tilespmem:$0x10100] =	vst v63  }
0x49b: {  	s25 =	simm.s32 $0x9900  }
0x49c: {  	[tilespmem:s25], [sflag:$0x5] =	stream.indirect_vreg.gather [hbm4b:s11+s22], $0x80, v2, vm0, $0xb8;
	[tilespmem:$0x10100] =	vst v63  }
0x49d: {  	_ =	swait.ge [sflag:s12], $0x2000  }
0x49e: {  	[sflag:s12] =	ssyncset.done $0x0  }
0x49f: {  	[sflag:s12] =	ssyncadd.s32 $0xFFFFE000  }
0x4a0: {  	s26 =	sand.u32 $0x1C00, s22;
	_ =	swait.ge [sflag:s14], $0x2000  }
0x4a1: {  	s3 =	sor.u32 s26, s22;
	[sflag:s14] =	ssyncset.done $0x0  }
0x4a2: {  	s28 =	sand.u32 $0x380, s22;
	s3 =	sor.u32 $0x70, s3;
	[sflag:s14] =	ssyncadd.s32 $0xFFFFE000  }
0x4a3: {  	s24 =	sor.u32 s28, s26;
	v2 =	vld [tilespmem:s3+$0xC100]  }
0x4a4: {  	v5 =	vld [tilespmem:s24+$0xC100]  }
0x4a5: {  	v6 =	vld [tilespmem:s24+$0xC110]  }
0x4a6: {  	v7 =	vld [tilespmem:s24+$0xC120]  }
0x4a7: {  	v8 =	vld [tilespmem:s24+$0xC130]  }
0x4a8: {  	v4 =	vld [tilespmem:s24+$0xC140]  }
0x4a9: {  	v3 =	vld [tilespmem:s24+$0xC150]  }
0x4aa: {  	[tilespmem:s3+$0x4100] =	vst.add.f32.msk $0xffff, v2  }
0x4ab: {  	v2 =	vld [tilespmem:s24+$0xC160]  }
0x4ac: {  	[tilespmem:s24+$0x4100] =	vst.add.f32.msk $0xffff, v5  }
0x4ad: {  	[tilespmem:s24+$0x4110] =	vst.add.f32.msk $0xffff, v6  }
0x4ae: {  	[tilespmem:s24+$0x4120] =	vst.add.f32.msk $0xffff, v7  }
0x4af: {  	s26 =	simm.s32 $0x400;
	s25 =	simm.s32 $0x0;
	[tilespmem:s24+$0x4130] =	vst.add.f32.msk $0xffff, v8  }
.LBB2_38:
0x4b0: {  	s2 =	sand.u32 $0x1C00, s26;
	s25 =	sadd.s32 $0x8, s25;
	[tilespmem:s24+$0x4140] =	vst.add.f32.msk $0xffff, v4;
	s22 =	sadd.s32 $0x10, s22  }
0x4b1: {  	s3 =	sand.u32 $0x380, s22;
	s28 =	sor.u32 s2, s22;
	p0 =	slt.u32 s25, $0x1F8;
	[tilespmem:s24+$0x4150] =	vst.add.f32.msk $0xffff, v3  }
0x4b2: {  	s28 =	sor.u32 $0x70, s28;
	[tilespmem:s24+$0x4160] =	vst.add.f32.msk $0xffff, v2;
	s24 =	sor.u32 s3, s2  }
0x4b3: {  	v2 =	vld [tilespmem:s28+$0xC100]  }
0x4b4: {  	v5 =	vld [tilespmem:s24+$0xC100]  }
0x4b5: {  	v6 =	vld [tilespmem:s24+$0xC110]  }
0x4b6: {  	v7 =	vld [tilespmem:s24+$0xC120]  }
0x4b7: {  	v8 =	vld [tilespmem:s24+$0xC130]  }
0x4b8: {  	[tilespmem:s28+$0x4100] =	vst.add.f32.msk $0xffff, v2  }
0x4b9: {  	v4 =	vld [tilespmem:s24+$0xC140]  }
0x4ba: {  	v3 =	vld [tilespmem:s24+$0xC150]  }
.Ltmp18:
0x4bb: {  	v2 =	vld [tilespmem:s24+$0xC160];
	(pc) =	sbr.rel @p0 .LBB2_38-.Ltmp18, $4  }
0x4bc: {  	[tilespmem:s24+$0x4100] =	vst.add.f32.msk $0xffff, v5  }
0x4bd: {  	[tilespmem:s24+$0x4110] =	vst.add.f32.msk $0xffff, v6  }
0x4be: {  	[tilespmem:s24+$0x4120] =	vst.add.f32.msk $0xffff, v7  }
0x4bf: {  	s26 =	sadd.s32 $0x400, s26;
	[tilespmem:s24+$0x4130] =	vst.add.f32.msk $0xffff, v8  }
0x4c0: {  	[tilespmem:s24+$0x4140] =	vst.add.f32.msk $0xffff, v4  }
0x4c1: {  	[tilespmem:s24+$0x4150] =	vst.add.f32.msk $0xffff, v3  }
0x4c2: {  	[tilespmem:s24+$0x4160] =	vst.add.f32.msk $0xffff, v2  }
0x4c3: {  	s2 =	sld [smem:$0x7DF];
	_ =	sdelay $0x1  }
0x4c4: {  	s22 =	simm.s32 $0x0  }
0x4c5: {  	[hbm4b:s2+s22] =	stream.linear.scatter [tilespmem:s23], [sflag:$0xB], $0x2000, $0x38;
	[tilespmem:$0x10100] =	vst v63  }
0x4c6: {  	_ =	swait.ge [sflag:s15], $0x2000  }
0x4c7: {  	s26 =	sld [smem:$0x7E4]  }
0x4c8: {  	[sflag:s15] =	ssyncset.done $0x0  }
0x4c9: {  	[sflag:s15] =	ssyncadd.s32 $0xFFFFE000  }
0x4ca: {  	[tilespmem:s18], [sflag:$0x2] =	stream.linear.gather [hbm4b:s26+s22], $0x2000, $0x38;
	[tilespmem:$0x10100] =	vst v63  }
0x4cb: {  	v2 =	vld.msk [tilespmem:$0xA8], $0xff;
	_ =	sdelay $0x4  }
0x4cc: {  	v3 =	vshll.u32 v2, $0x3  }
0x4cd: {  	v2 =	vand.u32 $0x7, v2;
	v3 =	vand.u32 $0xFFFFFFC0, v3  }
0x4ce: {  	v2 =	vor.u32 v2, v3  }
0x4cf: {  	v2 =	vperm.xlane v2, v0;
	_ =	sdelay $0x1  }
0x4d0: {  	v2 =	vadd.s32 v1, v2;
	_ =	sdelay $0x3  }
0x4d1: {  	s28 =	simm.s32 $0xA100  }
0x4d2: {  	[tilespmem:s28], [sflag:$0x6] =	stream.indirect_vreg.gather [hbm4b:s31+s22], $0x80, v2, vm0, $0xb8;
	[tilespmem:$0x10100] =	vst v63  }
0x4d3: {  	s3 =	simm.s32 $0xA900  }
0x4d4: {  	[tilespmem:s3], [sflag:$0x6] =	stream.indirect_vreg.gather [hbm4b:s9+s22], $0x80, v2, vm0, $0xb8;
	[tilespmem:$0x10100] =	vst v63  }
0x4d5: {  	s24 =	simm.s32 $0xB100  }
0x4d6: {  	[tilespmem:s24], [sflag:$0x6] =	stream.indirect_vreg.gather [hbm4b:s10+s22], $0x80, v2, vm0, $0xb8;
	[tilespmem:$0x10100] =	vst v63  }
0x4d7: {  	s25 =	simm.s32 $0xB900  }
0x4d8: {  	[tilespmem:s25], [sflag:$0x6] =	stream.indirect_vreg.gather [hbm4b:s11+s22], $0x80, v2, vm0, $0xb8;
	[tilespmem:$0x10100] =	vst v63  }
0x4d9: {  	_ =	swait.ge [sflag:s16], $0x2000  }
0x4da: {  	[sflag:s16] =	ssyncset.done $0x0  }
0x4db: {  	[sflag:s16] =	ssyncadd.s32 $0xFFFFE000  }
0x4dc: {  	s26 =	sand.u32 $0x1C00, s22;
	_ =	swait.ge [sflag:s17], $0x2000  }
0x4dd: {  	s3 =	sor.u32 s26, s22;
	[sflag:s17] =	ssyncset.done $0x0  }
0x4de: {  	s28 =	sand.u32 $0x380, s22;
	s3 =	sor.u32 $0x70, s3;
	[sflag:s17] =	ssyncadd.s32 $0xFFFFE000  }
0x4df: {  	s24 =	sor.u32 s28, s26;
	v2 =	vld [tilespmem:s3+$0xE100]  }
0x4e0: {  	v5 =	vld [tilespmem:s24+$0xE100]  }
0x4e1: {  	v6 =	vld [tilespmem:s24+$0xE110]  }
0x4e2: {  	v7 =	vld [tilespmem:s24+$0xE120]  }
0x4e3: {  	v8 =	vld [tilespmem:s24+$0xE130]  }
0x4e4: {  	v4 =	vld [tilespmem:s24+$0xE140]  }
0x4e5: {  	v3 =	vld [tilespmem:s24+$0xE150]  }
0x4e6: {  	[tilespmem:s3+$0x6100] =	vst.add.f32.msk $0xffff, v2  }
0x4e7: {  	v2 =	vld [tilespmem:s24+$0xE160]  }
0x4e8: {  	[tilespmem:s24+$0x6100] =	vst.add.f32.msk $0xffff, v5  }
0x4e9: {  	[tilespmem:s24+$0x6110] =	vst.add.f32.msk $0xffff, v6  }
0x4ea: {  	[tilespmem:s24+$0x6120] =	vst.add.f32.msk $0xffff, v7  }
0x4eb: {  	s26 =	simm.s32 $0x400;
	s25 =	simm.s32 $0x0;
	[tilespmem:s24+$0x6130] =	vst.add.f32.msk $0xffff, v8  }
.LBB2_40:
0x4ec: {  	s2 =	sand.u32 $0x1C00, s26;
	s25 =	sadd.s32 $0x8, s25;
	[tilespmem:s24+$0x6140] =	vst.add.f32.msk $0xffff, v4;
	s22 =	sadd.s32 $0x10, s22  }
0x4ed: {  	s3 =	sand.u32 $0x380, s22;
	s28 =	sor.u32 s2, s22;
	p0 =	slt.u32 s25, $0x1F8;
	[tilespmem:s24+$0x6150] =	vst.add.f32.msk $0xffff, v3  }
0x4ee: {  	s28 =	sor.u32 $0x70, s28;
	[tilespmem:s24+$0x6160] =	vst.add.f32.msk $0xffff, v2;
	s24 =	sor.u32 s3, s2  }
0x4ef: {  	v2 =	vld [tilespmem:s28+$0xE100]  }
0x4f0: {  	v5 =	vld [tilespmem:s24+$0xE100]  }
0x4f1: {  	v6 =	vld [tilespmem:s24+$0xE110]  }
0x4f2: {  	v7 =	vld [tilespmem:s24+$0xE120]  }
0x4f3: {  	v8 =	vld [tilespmem:s24+$0xE130]  }
0x4f4: {  	[tilespmem:s28+$0x6100] =	vst.add.f32.msk $0xffff, v2  }
0x4f5: {  	v4 =	vld [tilespmem:s24+$0xE140]  }
0x4f6: {  	v3 =	vld [tilespmem:s24+$0xE150]  }
.Ltmp19:
0x4f7: {  	v2 =	vld [tilespmem:s24+$0xE160];
	(pc) =	sbr.rel @p0 .LBB2_40-.Ltmp19, $4  }
0x4f8: {  	[tilespmem:s24+$0x6100] =	vst.add.f32.msk $0xffff, v5  }
0x4f9: {  	[tilespmem:s24+$0x6110] =	vst.add.f32.msk $0xffff, v6  }
0x4fa: {  	[tilespmem:s24+$0x6120] =	vst.add.f32.msk $0xffff, v7  }
0x4fb: {  	s26 =	sadd.s32 $0x400, s26;
	[tilespmem:s24+$0x6130] =	vst.add.f32.msk $0xffff, v8  }
0x4fc: {  	[tilespmem:s24+$0x6140] =	vst.add.f32.msk $0xffff, v4  }
0x4fd: {  	[tilespmem:s24+$0x6150] =	vst.add.f32.msk $0xffff, v3  }
0x4fe: {  	[tilespmem:s24+$0x6160] =	vst.add.f32.msk $0xffff, v2  }
0x4ff: {  	s2 =	sld [smem:$0x7E1];
	_ =	sdelay $0x1  }
0x500: {  	s22 =	simm.s32 $0x0  }
0x501: {  	[hbm4b:s2+s22] =	stream.linear.scatter [tilespmem:s0], [sflag:$0xC], $0x2000, $0x38;
	[tilespmem:$0x10100] =	vst v63  }
0x502: {  	_ =	swait.ge [sflag:s19], $0x2000  }
0x503: {  	s26 =	sld [smem:$0x7E6]  }
0x504: {  	[sflag:s19] =	ssyncset.done $0x0  }
0x505: {  	[sflag:s19] =	ssyncadd.s32 $0xFFFFE000  }
0x506: {  	[tilespmem:s23], [sflag:$0x3] =	stream.linear.gather [hbm4b:s26+s22], $0x2000, $0x38;
	[tilespmem:$0x10100] =	vst v63  }
0x507: {  	v2 =	vld.msk [tilespmem:$0xB0], $0xff;
	_ =	sdelay $0x4  }
0x508: {  	v3 =	vshll.u32 v2, $0x3  }
0x509: {  	v2 =	vand.u32 $0x7, v2;
	v3 =	vand.u32 $0xFFFFFFC0, v3  }
0x50a: {  	v2 =	vor.u32 v2, v3  }
0x50b: {  	v2 =	vperm.xlane v2, v0;
	_ =	sdelay $0x1  }
0x50c: {  	v2 =	vadd.s32 v1, v2;
	_ =	sdelay $0x3  }
0x50d: {  	s28 =	simm.s32 $0xC100  }
0x50e: {  	[tilespmem:s28], [sflag:$0x7] =	stream.indirect_vreg.gather [hbm4b:s31+s22], $0x80, v2, vm0, $0xb8;
	[tilespmem:$0x10100] =	vst v63  }
0x50f: {  	s3 =	simm.s32 $0xC900  }
0x510: {  	[tilespmem:s3], [sflag:$0x7] =	stream.indirect_vreg.gather [hbm4b:s9+s22], $0x80, v2, vm0, $0xb8;
	[tilespmem:$0x10100] =	vst v63  }
0x511: {  	s24 =	simm.s32 $0xD100  }
0x512: {  	[tilespmem:s24], [sflag:$0x7] =	stream.indirect_vreg.gather [hbm4b:s10+s22], $0x80, v2, vm0, $0xb8;
	[tilespmem:$0x10100] =	vst v63  }
0x513: {  	s25 =	simm.s32 $0xD900  }
0x514: {  	[tilespmem:s25], [sflag:$0x7] =	stream.indirect_vreg.gather [hbm4b:s11+s22], $0x80, v2, vm0, $0xb8;
	[tilespmem:$0x10100] =	vst v63  }
0x515: {  	_ =	swait.ge [sflag:s29], $0x2000  }
0x516: {  	[sflag:s29] =	ssyncset.done $0x0  }
0x517: {  	[sflag:s29] =	ssyncadd.s32 $0xFFFFE000  }
0x518: {  	s26 =	sand.u32 $0x1C00, s22;
	_ =	swait.ge [sflag:s30], $0x2000  }
0x519: {  	s3 =	sor.u32 s26, s22;
	[sflag:s30] =	ssyncset.done $0x0  }
0x51a: {  	s28 =	sand.u32 $0x380, s22;
	s3 =	sor.u32 $0x70, s3;
	[sflag:s30] =	ssyncadd.s32 $0xFFFFE000  }
0x51b: {  	s24 =	sor.u32 s28, s26;
	v2 =	vld [tilespmem:s3+$0x8100]  }
0x51c: {  	v5 =	vld [tilespmem:s24+$0x8100]  }
0x51d: {  	v6 =	vld [tilespmem:s24+$0x8110]  }
0x51e: {  	v7 =	vld [tilespmem:s24+$0x8120]  }
0x51f: {  	v8 =	vld [tilespmem:s24+$0x8130]  }
0x520: {  	v4 =	vld [tilespmem:s24+$0x8140]  }
0x521: {  	v3 =	vld [tilespmem:s24+$0x8150]  }
0x522: {  	[tilespmem:s3+$0x100] =	vst.add.f32.msk $0xffff, v2  }
0x523: {  	v2 =	vld [tilespmem:s24+$0x8160]  }
0x524: {  	[tilespmem:s24+$0x100] =	vst.add.f32.msk $0xffff, v5  }
0x525: {  	[tilespmem:s24+$0x110] =	vst.add.f32.msk $0xffff, v6  }
0x526: {  	[tilespmem:s24+$0x120] =	vst.add.f32.msk $0xffff, v7  }
0x527: {  	s26 =	simm.s32 $0x400;
	s25 =	simm.s32 $0x0;
	[tilespmem:s24+$0x130] =	vst.add.f32.msk $0xffff, v8  }
.LBB2_42:
0x528: {  	s2 =	sand.u32 $0x1C00, s26;
	s25 =	sadd.s32 $0x8, s25;
	[tilespmem:s24+$0x140] =	vst.add.f32.msk $0xffff, v4;
	s22 =	sadd.s32 $0x10, s22  }
0x529: {  	s3 =	sand.u32 $0x380, s22;
	s28 =	sor.u32 s2, s22;
	p0 =	slt.u32 s25, $0x1F8;
	[tilespmem:s24+$0x150] =	vst.add.f32.msk $0xffff, v3  }
0x52a: {  	s28 =	sor.u32 $0x70, s28;
	[tilespmem:s24+$0x160] =	vst.add.f32.msk $0xffff, v2;
	s24 =	sor.u32 s3, s2  }
0x52b: {  	v2 =	vld [tilespmem:s28+$0x8100]  }
0x52c: {  	v5 =	vld [tilespmem:s24+$0x8100]  }
0x52d: {  	v6 =	vld [tilespmem:s24+$0x8110]  }
0x52e: {  	v7 =	vld [tilespmem:s24+$0x8120]  }
0x52f: {  	v8 =	vld [tilespmem:s24+$0x8130]  }
0x530: {  	[tilespmem:s28+$0x100] =	vst.add.f32.msk $0xffff, v2  }
0x531: {  	v4 =	vld [tilespmem:s24+$0x8140]  }
0x532: {  	v3 =	vld [tilespmem:s24+$0x8150]  }
.Ltmp20:
0x533: {  	v2 =	vld [tilespmem:s24+$0x8160];
	(pc) =	sbr.rel @p0 .LBB2_42-.Ltmp20, $4  }
0x534: {  	[tilespmem:s24+$0x100] =	vst.add.f32.msk $0xffff, v5  }
0x535: {  	[tilespmem:s24+$0x110] =	vst.add.f32.msk $0xffff, v6  }
0x536: {  	[tilespmem:s24+$0x120] =	vst.add.f32.msk $0xffff, v7  }
0x537: {  	s26 =	sadd.s32 $0x400, s26;
	[tilespmem:s24+$0x130] =	vst.add.f32.msk $0xffff, v8  }
0x538: {  	[tilespmem:s24+$0x140] =	vst.add.f32.msk $0xffff, v4  }
0x539: {  	[tilespmem:s24+$0x150] =	vst.add.f32.msk $0xffff, v3  }
0x53a: {  	[tilespmem:s24+$0x160] =	vst.add.f32.msk $0xffff, v2  }
0x53b: {  	s2 =	sld [smem:$0x7E3];
	_ =	sdelay $0x1  }
0x53c: {  	s22 =	simm.s32 $0x0  }
0x53d: {  	[hbm4b:s2+s22] =	stream.linear.scatter [tilespmem:s13], [sflag:$0x9], $0x2000, $0x38;
	[tilespmem:$0x10100] =	vst v63  }
0x53e: {  	_ =	swait.ge [sflag:s20], $0x2000  }
0x53f: {  	s3 =	sld [smem:$0x7E8]  }
0x540: {  	[sflag:s20] =	ssyncset.done $0x0  }
0x541: {  	[sflag:s20] =	ssyncadd.s32 $0xFFFFE000  }
0x542: {  	[tilespmem:s0], [sflag:$0x4] =	stream.linear.gather [hbm4b:s3+s22], $0x2000, $0x38;
	[tilespmem:$0x10100] =	vst v63  }
0x543: {  	v2 =	vld.msk [tilespmem:$0xB8], $0xff;
	_ =	sdelay $0x4  }
0x544: {  	v3 =	vshll.u32 v2, $0x3  }
0x545: {  	v2 =	vand.u32 $0x7, v2;
	v3 =	vand.u32 $0xFFFFFFC0, v3  }
0x546: {  	v2 =	vor.u32 v2, v3  }
0x547: {  	v2 =	vperm.xlane v2, v0;
	_ =	sdelay $0x1  }
0x548: {  	v2 =	vadd.s32 v1, v2;
	_ =	sdelay $0x3  }
0x549: {  	s24 =	simm.s32 $0xE100  }
0x54a: {  	[tilespmem:s24], [sflag:$0x8] =	stream.indirect_vreg.gather [hbm4b:s31+s22], $0x80, v2, vm0, $0xb8;
	[tilespmem:$0x10100] =	vst v63  }
0x54b: {  	s25 =	simm.s32 $0xE900  }
0x54c: {  	[tilespmem:s25], [sflag:$0x8] =	stream.indirect_vreg.gather [hbm4b:s9+s22], $0x80, v2, vm0, $0xb8;
	[tilespmem:$0x10100] =	vst v63  }
0x54d: {  	_ = 	snop  }
0x54e: {  	[tilespmem:s4], [sflag:$0x8] =	stream.indirect_vreg.gather [hbm4b:s10+s22], $0x80, v2, vm0, $0xb8;
	[tilespmem:$0x10100] =	vst v63  }
0x54f: {  	_ = 	snop  }
0x550: {  	[tilespmem:s5], [sflag:$0x8] =	stream.indirect_vreg.gather [hbm4b:s11+s22], $0x80, v2, vm0, $0xb8;
	[tilespmem:$0x10100] =	vst v63  }
0x551: {  	_ =	swait.ge [sflag:s6], $0x2000  }
0x552: {  	[sflag:s6] =	ssyncset.done $0x0  }
0x553: {  	[sflag:s6] =	ssyncadd.s32 $0xFFFFE000  }
0x554: {  	s26 =	sand.u32 $0x1C00, s22;
	_ =	swait.ge [sflag:s7], $0x2000  }
0x555: {  	s3 =	sor.u32 s26, s22;
	[sflag:s7] =	ssyncset.done $0x0  }
0x556: {  	s28 =	sand.u32 $0x380, s22;
	s3 =	sor.u32 $0x70, s3;
	[sflag:s7] =	ssyncadd.s32 $0xFFFFE000  }
0x557: {  	s24 =	sor.u32 s28, s26;
	v2 =	vld [tilespmem:s3+$0xA100]  }
0x558: {  	v5 =	vld [tilespmem:s24+$0xA100]  }
0x559: {  	v6 =	vld [tilespmem:s24+$0xA110]  }
0x55a: {  	v7 =	vld [tilespmem:s24+$0xA120]  }
0x55b: {  	v8 =	vld [tilespmem:s24+$0xA130]  }
0x55c: {  	v4 =	vld [tilespmem:s24+$0xA140]  }
0x55d: {  	v3 =	vld [tilespmem:s24+$0xA150]  }
0x55e: {  	[tilespmem:s3+$0x2100] =	vst.add.f32.msk $0xffff, v2  }
0x55f: {  	v2 =	vld [tilespmem:s24+$0xA160]  }
0x560: {  	[tilespmem:s24+$0x2100] =	vst.add.f32.msk $0xffff, v5  }
0x561: {  	[tilespmem:s24+$0x2110] =	vst.add.f32.msk $0xffff, v6  }
0x562: {  	[tilespmem:s24+$0x2120] =	vst.add.f32.msk $0xffff, v7  }
0x563: {  	s26 =	simm.s32 $0x400;
	s25 =	simm.s32 $0x0;
	[tilespmem:s24+$0x2130] =	vst.add.f32.msk $0xffff, v8  }
.LBB2_44:
0x564: {  	s2 =	sand.u32 $0x1C00, s26;
	s25 =	sadd.s32 $0x8, s25;
	[tilespmem:s24+$0x2140] =	vst.add.f32.msk $0xffff, v4;
	s22 =	sadd.s32 $0x10, s22  }
0x565: {  	s3 =	sand.u32 $0x380, s22;
	s28 =	sor.u32 s2, s22;
	p0 =	slt.u32 s25, $0x1F8;
	[tilespmem:s24+$0x2150] =	vst.add.f32.msk $0xffff, v3  }
0x566: {  	s28 =	sor.u32 $0x70, s28;
	[tilespmem:s24+$0x2160] =	vst.add.f32.msk $0xffff, v2;
	s24 =	sor.u32 s3, s2  }
0x567: {  	v2 =	vld [tilespmem:s28+$0xA100]  }
0x568: {  	v5 =	vld [tilespmem:s24+$0xA100]  }
0x569: {  	v6 =	vld [tilespmem:s24+$0xA110]  }
0x56a: {  	v7 =	vld [tilespmem:s24+$0xA120]  }
0x56b: {  	v8 =	vld [tilespmem:s24+$0xA130]  }
0x56c: {  	[tilespmem:s28+$0x2100] =	vst.add.f32.msk $0xffff, v2  }
0x56d: {  	v4 =	vld [tilespmem:s24+$0xA140]  }
0x56e: {  	v3 =	vld [tilespmem:s24+$0xA150]  }
.Ltmp21:
0x56f: {  	v2 =	vld [tilespmem:s24+$0xA160];
	(pc) =	sbr.rel @p0 .LBB2_44-.Ltmp21, $4  }
0x570: {  	[tilespmem:s24+$0x2100] =	vst.add.f32.msk $0xffff, v5  }
0x571: {  	[tilespmem:s24+$0x2110] =	vst.add.f32.msk $0xffff, v6  }
0x572: {  	[tilespmem:s24+$0x2120] =	vst.add.f32.msk $0xffff, v7  }
0x573: {  	s26 =	sadd.s32 $0x400, s26;
	[tilespmem:s24+$0x2130] =	vst.add.f32.msk $0xffff, v8  }
0x574: {  	[tilespmem:s24+$0x2140] =	vst.add.f32.msk $0xffff, v4  }
0x575: {  	[tilespmem:s24+$0x2150] =	vst.add.f32.msk $0xffff, v3  }
0x576: {  	[tilespmem:s24+$0x2160] =	vst.add.f32.msk $0xffff, v2  }
0x577: {  	s2 =	sld [smem:$0x7E5];
	_ =	sdelay $0x1  }
0x578: {  	s22 =	simm.s32 $0x0  }
0x579: {  	[hbm4b:s2+s22] =	stream.linear.scatter [tilespmem:s18], [sflag:$0xA], $0x2000, $0x38;
	[tilespmem:$0x10100] =	vst v63  }
0x57a: {  	_ =	swait.ge [sflag:s8], $0x2000  }
0x57b: {  	s26 =	sld [smem:$0x7EA]  }
0x57c: {  	[sflag:s8] =	ssyncset.done $0x0  }
0x57d: {  	[sflag:s8] =	ssyncadd.s32 $0xFFFFE000  }
0x57e: {  	[tilespmem:s13], [sflag:$0x1] =	stream.linear.gather [hbm4b:s26+s22], $0x2000, $0x38;
	[tilespmem:$0x10100] =	vst v63  }
0x57f: {  	v2 =	vld.msk [tilespmem:$0xC0], $0xff;
	_ =	sdelay $0x4  }
0x580: {  	v3 =	vshll.u32 v2, $0x3  }
0x581: {  	v2 =	vand.u32 $0x7, v2;
	v3 =	vand.u32 $0xFFFFFFC0, v3  }
0x582: {  	v2 =	vor.u32 v2, v3  }
0x583: {  	v2 =	vperm.xlane v2, v0;
	_ =	sdelay $0x1  }
0x584: {  	v2 =	vadd.s32 v1, v2;
	_ =	sdelay $0x3  }
0x585: {  	s28 =	simm.s32 $0x8100  }
0x586: {  	[tilespmem:s28], [sflag:$0x5] =	stream.indirect_vreg.gather [hbm4b:s31+s22], $0x80, v2, vm0, $0xb8;
	[tilespmem:$0x10100] =	vst v63  }
0x587: {  	s3 =	simm.s32 $0x8900  }
0x588: {  	[tilespmem:s3], [sflag:$0x5] =	stream.indirect_vreg.gather [hbm4b:s9+s22], $0x80, v2, vm0, $0xb8;
	[tilespmem:$0x10100] =	vst v63  }
0x589: {  	s24 =	simm.s32 $0x9100  }
0x58a: {  	[tilespmem:s24], [sflag:$0x5] =	stream.indirect_vreg.gather [hbm4b:s10+s22], $0x80, v2, vm0, $0xb8;
	[tilespmem:$0x10100] =	vst v63  }
0x58b: {  	s25 =	simm.s32 $0x9900  }
0x58c: {  	[tilespmem:s25], [sflag:$0x5] =	stream.indirect_vreg.gather [hbm4b:s11+s22], $0x80, v2, vm0, $0xb8;
	[tilespmem:$0x10100] =	vst v63  }
0x58d: {  	_ =	swait.ge [sflag:s12], $0x2000  }
0x58e: {  	[sflag:s12] =	ssyncset.done $0x0  }
0x58f: {  	[sflag:s12] =	ssyncadd.s32 $0xFFFFE000  }
0x590: {  	s26 =	sand.u32 $0x1C00, s22;
	_ =	swait.ge [sflag:s14], $0x2000  }
0x591: {  	s3 =	sor.u32 s26, s22;
	[sflag:s14] =	ssyncset.done $0x0  }
0x592: {  	s28 =	sand.u32 $0x380, s22;
	s3 =	sor.u32 $0x70, s3;
	[sflag:s14] =	ssyncadd.s32 $0xFFFFE000  }
0x593: {  	s24 =	sor.u32 s28, s26;
	v2 =	vld [tilespmem:s3+$0xC100]  }
0x594: {  	v5 =	vld [tilespmem:s24+$0xC100]  }
0x595: {  	v6 =	vld [tilespmem:s24+$0xC110]  }
0x596: {  	v7 =	vld [tilespmem:s24+$0xC120]  }
0x597: {  	v8 =	vld [tilespmem:s24+$0xC130]  }
0x598: {  	v4 =	vld [tilespmem:s24+$0xC140]  }
0x599: {  	v3 =	vld [tilespmem:s24+$0xC150]  }
0x59a: {  	[tilespmem:s3+$0x4100] =	vst.add.f32.msk $0xffff, v2  }
0x59b: {  	v2 =	vld [tilespmem:s24+$0xC160]  }
0x59c: {  	[tilespmem:s24+$0x4100] =	vst.add.f32.msk $0xffff, v5  }
0x59d: {  	[tilespmem:s24+$0x4110] =	vst.add.f32.msk $0xffff, v6  }
0x59e: {  	[tilespmem:s24+$0x4120] =	vst.add.f32.msk $0xffff, v7  }
0x59f: {  	s26 =	simm.s32 $0x400;
	s25 =	simm.s32 $0x0;
	[tilespmem:s24+$0x4130] =	vst.add.f32.msk $0xffff, v8  }
.LBB2_46:
0x5a0: {  	s2 =	sand.u32 $0x1C00, s26;
	s25 =	sadd.s32 $0x8, s25;
	[tilespmem:s24+$0x4140] =	vst.add.f32.msk $0xffff, v4;
	s22 =	sadd.s32 $0x10, s22  }
0x5a1: {  	s3 =	sand.u32 $0x380, s22;
	s28 =	sor.u32 s2, s22;
	p0 =	slt.u32 s25, $0x1F8;
	[tilespmem:s24+$0x4150] =	vst.add.f32.msk $0xffff, v3  }
0x5a2: {  	s28 =	sor.u32 $0x70, s28;
	[tilespmem:s24+$0x4160] =	vst.add.f32.msk $0xffff, v2;
	s24 =	sor.u32 s3, s2  }
0x5a3: {  	v2 =	vld [tilespmem:s28+$0xC100]  }
0x5a4: {  	v5 =	vld [tilespmem:s24+$0xC100]  }
0x5a5: {  	v6 =	vld [tilespmem:s24+$0xC110]  }
0x5a6: {  	v7 =	vld [tilespmem:s24+$0xC120]  }
0x5a7: {  	v8 =	vld [tilespmem:s24+$0xC130]  }
0x5a8: {  	[tilespmem:s28+$0x4100] =	vst.add.f32.msk $0xffff, v2  }
0x5a9: {  	v4 =	vld [tilespmem:s24+$0xC140]  }
0x5aa: {  	v3 =	vld [tilespmem:s24+$0xC150]  }
.Ltmp22:
0x5ab: {  	v2 =	vld [tilespmem:s24+$0xC160];
	(pc) =	sbr.rel @p0 .LBB2_46-.Ltmp22, $4  }
0x5ac: {  	[tilespmem:s24+$0x4100] =	vst.add.f32.msk $0xffff, v5  }
0x5ad: {  	[tilespmem:s24+$0x4110] =	vst.add.f32.msk $0xffff, v6  }
0x5ae: {  	[tilespmem:s24+$0x4120] =	vst.add.f32.msk $0xffff, v7  }
0x5af: {  	s26 =	sadd.s32 $0x400, s26;
	[tilespmem:s24+$0x4130] =	vst.add.f32.msk $0xffff, v8  }
0x5b0: {  	[tilespmem:s24+$0x4140] =	vst.add.f32.msk $0xffff, v4  }
0x5b1: {  	[tilespmem:s24+$0x4150] =	vst.add.f32.msk $0xffff, v3  }
0x5b2: {  	[tilespmem:s24+$0x4160] =	vst.add.f32.msk $0xffff, v2  }
0x5b3: {  	s2 =	sld [smem:$0x7E7];
	_ =	sdelay $0x1  }
0x5b4: {  	s22 =	simm.s32 $0x0  }
0x5b5: {  	[hbm4b:s2+s22] =	stream.linear.scatter [tilespmem:s23], [sflag:$0xB], $0x2000, $0x38;
	[tilespmem:$0x10100] =	vst v63  }
0x5b6: {  	_ =	swait.ge [sflag:s15], $0x2000  }
0x5b7: {  	s26 =	sld [smem:$0x7EC]  }
0x5b8: {  	[sflag:s15] =	ssyncset.done $0x0  }
0x5b9: {  	[sflag:s15] =	ssyncadd.s32 $0xFFFFE000  }
0x5ba: {  	[tilespmem:s18], [sflag:$0x2] =	stream.linear.gather [hbm4b:s26+s22], $0x2000, $0x38;
	[tilespmem:$0x10100] =	vst v63  }
0x5bb: {  	v2 =	vld.msk [tilespmem:$0xC8], $0xff;
	_ =	sdelay $0x4  }
0x5bc: {  	v3 =	vshll.u32 v2, $0x3  }
0x5bd: {  	v2 =	vand.u32 $0x7, v2;
	v3 =	vand.u32 $0xFFFFFFC0, v3  }
0x5be: {  	v2 =	vor.u32 v2, v3  }
0x5bf: {  	v2 =	vperm.xlane v2, v0;
	_ =	sdelay $0x1  }
0x5c0: {  	v2 =	vadd.s32 v1, v2;
	_ =	sdelay $0x3  }
0x5c1: {  	s28 =	simm.s32 $0xA100  }
0x5c2: {  	[tilespmem:s28], [sflag:$0x6] =	stream.indirect_vreg.gather [hbm4b:s31+s22], $0x80, v2, vm0, $0xb8;
	[tilespmem:$0x10100] =	vst v63  }
0x5c3: {  	s3 =	simm.s32 $0xA900  }
0x5c4: {  	[tilespmem:s3], [sflag:$0x6] =	stream.indirect_vreg.gather [hbm4b:s9+s22], $0x80, v2, vm0, $0xb8;
	[tilespmem:$0x10100] =	vst v63  }
0x5c5: {  	s24 =	simm.s32 $0xB100  }
0x5c6: {  	[tilespmem:s24], [sflag:$0x6] =	stream.indirect_vreg.gather [hbm4b:s10+s22], $0x80, v2, vm0, $0xb8;
	[tilespmem:$0x10100] =	vst v63  }
0x5c7: {  	s25 =	simm.s32 $0xB900  }
0x5c8: {  	[tilespmem:s25], [sflag:$0x6] =	stream.indirect_vreg.gather [hbm4b:s11+s22], $0x80, v2, vm0, $0xb8;
	[tilespmem:$0x10100] =	vst v63  }
0x5c9: {  	_ =	swait.ge [sflag:s16], $0x2000  }
0x5ca: {  	[sflag:s16] =	ssyncset.done $0x0  }
0x5cb: {  	[sflag:s16] =	ssyncadd.s32 $0xFFFFE000  }
0x5cc: {  	s26 =	sand.u32 $0x1C00, s22;
	_ =	swait.ge [sflag:s17], $0x2000  }
0x5cd: {  	s3 =	sor.u32 s26, s22;
	[sflag:s17] =	ssyncset.done $0x0  }
0x5ce: {  	s28 =	sand.u32 $0x380, s22;
	s3 =	sor.u32 $0x70, s3;
	[sflag:s17] =	ssyncadd.s32 $0xFFFFE000  }
0x5cf: {  	s24 =	sor.u32 s28, s26;
	v2 =	vld [tilespmem:s3+$0xE100]  }
0x5d0: {  	v5 =	vld [tilespmem:s24+$0xE100]  }
0x5d1: {  	v6 =	vld [tilespmem:s24+$0xE110]  }
0x5d2: {  	v7 =	vld [tilespmem:s24+$0xE120]  }
0x5d3: {  	v8 =	vld [tilespmem:s24+$0xE130]  }
0x5d4: {  	v4 =	vld [tilespmem:s24+$0xE140]  }
0x5d5: {  	v3 =	vld [tilespmem:s24+$0xE150]  }
0x5d6: {  	[tilespmem:s3+$0x6100] =	vst.add.f32.msk $0xffff, v2  }
0x5d7: {  	v2 =	vld [tilespmem:s24+$0xE160]  }
0x5d8: {  	[tilespmem:s24+$0x6100] =	vst.add.f32.msk $0xffff, v5  }
0x5d9: {  	[tilespmem:s24+$0x6110] =	vst.add.f32.msk $0xffff, v6  }
0x5da: {  	[tilespmem:s24+$0x6120] =	vst.add.f32.msk $0xffff, v7  }
0x5db: {  	s26 =	simm.s32 $0x400;
	s25 =	simm.s32 $0x0;
	[tilespmem:s24+$0x6130] =	vst.add.f32.msk $0xffff, v8  }
.LBB2_48:
0x5dc: {  	s2 =	sand.u32 $0x1C00, s26;
	s25 =	sadd.s32 $0x8, s25;
	[tilespmem:s24+$0x6140] =	vst.add.f32.msk $0xffff, v4;
	s22 =	sadd.s32 $0x10, s22  }
0x5dd: {  	s3 =	sand.u32 $0x380, s22;
	s28 =	sor.u32 s2, s22;
	p0 =	slt.u32 s25, $0x1F8;
	[tilespmem:s24+$0x6150] =	vst.add.f32.msk $0xffff, v3  }
0x5de: {  	s28 =	sor.u32 $0x70, s28;
	[tilespmem:s24+$0x6160] =	vst.add.f32.msk $0xffff, v2;
	s24 =	sor.u32 s3, s2  }
0x5df: {  	v2 =	vld [tilespmem:s28+$0xE100]  }
0x5e0: {  	v5 =	vld [tilespmem:s24+$0xE100]  }
0x5e1: {  	v6 =	vld [tilespmem:s24+$0xE110]  }
0x5e2: {  	v7 =	vld [tilespmem:s24+$0xE120]  }
0x5e3: {  	v8 =	vld [tilespmem:s24+$0xE130]  }
0x5e4: {  	[tilespmem:s28+$0x6100] =	vst.add.f32.msk $0xffff, v2  }
0x5e5: {  	v4 =	vld [tilespmem:s24+$0xE140]  }
0x5e6: {  	v3 =	vld [tilespmem:s24+$0xE150]  }
.Ltmp23:
0x5e7: {  	v2 =	vld [tilespmem:s24+$0xE160];
	(pc) =	sbr.rel @p0 .LBB2_48-.Ltmp23, $4  }
0x5e8: {  	[tilespmem:s24+$0x6100] =	vst.add.f32.msk $0xffff, v5  }
0x5e9: {  	[tilespmem:s24+$0x6110] =	vst.add.f32.msk $0xffff, v6  }
0x5ea: {  	[tilespmem:s24+$0x6120] =	vst.add.f32.msk $0xffff, v7  }
0x5eb: {  	s26 =	sadd.s32 $0x400, s26;
	[tilespmem:s24+$0x6130] =	vst.add.f32.msk $0xffff, v8  }
0x5ec: {  	[tilespmem:s24+$0x6140] =	vst.add.f32.msk $0xffff, v4  }
0x5ed: {  	[tilespmem:s24+$0x6150] =	vst.add.f32.msk $0xffff, v3  }
0x5ee: {  	[tilespmem:s24+$0x6160] =	vst.add.f32.msk $0xffff, v2  }
0x5ef: {  	s2 =	sld [smem:$0x7E9];
	_ =	sdelay $0x1  }
0x5f0: {  	s22 =	simm.s32 $0x0  }
0x5f1: {  	[hbm4b:s2+s22] =	stream.linear.scatter [tilespmem:s0], [sflag:$0xC], $0x2000, $0x38;
	[tilespmem:$0x10100] =	vst v63  }
0x5f2: {  	_ =	swait.ge [sflag:s19], $0x2000  }
0x5f3: {  	s26 =	sld [smem:$0x7EE]  }
0x5f4: {  	[sflag:s19] =	ssyncset.done $0x0  }
0x5f5: {  	[sflag:s19] =	ssyncadd.s32 $0xFFFFE000  }
0x5f6: {  	[tilespmem:s23], [sflag:$0x3] =	stream.linear.gather [hbm4b:s26+s22], $0x2000, $0x38;
	[tilespmem:$0x10100] =	vst v63  }
0x5f7: {  	v2 =	vld.msk [tilespmem:$0xD0], $0xff;
	_ =	sdelay $0x4  }
0x5f8: {  	v3 =	vshll.u32 v2, $0x3  }
0x5f9: {  	v2 =	vand.u32 $0x7, v2;
	v3 =	vand.u32 $0xFFFFFFC0, v3  }
0x5fa: {  	v2 =	vor.u32 v2, v3  }
0x5fb: {  	v2 =	vperm.xlane v2, v0;
	_ =	sdelay $0x1  }
0x5fc: {  	v2 =	vadd.s32 v1, v2;
	_ =	sdelay $0x3  }
0x5fd: {  	s28 =	simm.s32 $0xC100  }
0x5fe: {  	[tilespmem:s28], [sflag:$0x7] =	stream.indirect_vreg.gather [hbm4b:s31+s22], $0x80, v2, vm0, $0xb8;
	[tilespmem:$0x10100] =	vst v63  }
0x5ff: {  	s3 =	simm.s32 $0xC900  }
0x600: {  	[tilespmem:s3], [sflag:$0x7] =	stream.indirect_vreg.gather [hbm4b:s9+s22], $0x80, v2, vm0, $0xb8;
	[tilespmem:$0x10100] =	vst v63  }
0x601: {  	s24 =	simm.s32 $0xD100  }
0x602: {  	[tilespmem:s24], [sflag:$0x7] =	stream.indirect_vreg.gather [hbm4b:s10+s22], $0x80, v2, vm0, $0xb8;
	[tilespmem:$0x10100] =	vst v63  }
0x603: {  	s25 =	simm.s32 $0xD900  }
0x604: {  	[tilespmem:s25], [sflag:$0x7] =	stream.indirect_vreg.gather [hbm4b:s11+s22], $0x80, v2, vm0, $0xb8;
	[tilespmem:$0x10100] =	vst v63  }
0x605: {  	_ =	swait.ge [sflag:s29], $0x2000  }
0x606: {  	[sflag:s29] =	ssyncset.done $0x0  }
0x607: {  	[sflag:s29] =	ssyncadd.s32 $0xFFFFE000  }
0x608: {  	s26 =	sand.u32 $0x1C00, s22;
	_ =	swait.ge [sflag:s30], $0x2000  }
0x609: {  	s3 =	sor.u32 s26, s22;
	[sflag:s30] =	ssyncset.done $0x0  }
0x60a: {  	s28 =	sand.u32 $0x380, s22;
	s3 =	sor.u32 $0x70, s3;
	[sflag:s30] =	ssyncadd.s32 $0xFFFFE000  }
0x60b: {  	s24 =	sor.u32 s28, s26;
	v2 =	vld [tilespmem:s3+$0x8100]  }
0x60c: {  	v5 =	vld [tilespmem:s24+$0x8100]  }
0x60d: {  	v6 =	vld [tilespmem:s24+$0x8110]  }
0x60e: {  	v7 =	vld [tilespmem:s24+$0x8120]  }
0x60f: {  	v8 =	vld [tilespmem:s24+$0x8130]  }
0x610: {  	v4 =	vld [tilespmem:s24+$0x8140]  }
0x611: {  	v3 =	vld [tilespmem:s24+$0x8150]  }
0x612: {  	[tilespmem:s3+$0x100] =	vst.add.f32.msk $0xffff, v2  }
0x613: {  	v2 =	vld [tilespmem:s24+$0x8160]  }
0x614: {  	[tilespmem:s24+$0x100] =	vst.add.f32.msk $0xffff, v5  }
0x615: {  	[tilespmem:s24+$0x110] =	vst.add.f32.msk $0xffff, v6  }
0x616: {  	[tilespmem:s24+$0x120] =	vst.add.f32.msk $0xffff, v7  }
0x617: {  	s26 =	simm.s32 $0x400;
	s25 =	simm.s32 $0x0;
	[tilespmem:s24+$0x130] =	vst.add.f32.msk $0xffff, v8  }
.LBB2_50:
0x618: {  	s2 =	sand.u32 $0x1C00, s26;
	s25 =	sadd.s32 $0x8, s25;
	[tilespmem:s24+$0x140] =	vst.add.f32.msk $0xffff, v4;
	s22 =	sadd.s32 $0x10, s22  }
0x619: {  	s3 =	sand.u32 $0x380, s22;
	s28 =	sor.u32 s2, s22;
	p0 =	slt.u32 s25, $0x1F8;
	[tilespmem:s24+$0x150] =	vst.add.f32.msk $0xffff, v3  }
0x61a: {  	s28 =	sor.u32 $0x70, s28;
	[tilespmem:s24+$0x160] =	vst.add.f32.msk $0xffff, v2;
	s24 =	sor.u32 s3, s2  }
0x61b: {  	v2 =	vld [tilespmem:s28+$0x8100]  }
0x61c: {  	v5 =	vld [tilespmem:s24+$0x8100]  }
0x61d: {  	v6 =	vld [tilespmem:s24+$0x8110]  }
0x61e: {  	v7 =	vld [tilespmem:s24+$0x8120]  }
0x61f: {  	v8 =	vld [tilespmem:s24+$0x8130]  }
0x620: {  	[tilespmem:s28+$0x100] =	vst.add.f32.msk $0xffff, v2  }
0x621: {  	v4 =	vld [tilespmem:s24+$0x8140]  }
0x622: {  	v3 =	vld [tilespmem:s24+$0x8150]  }
.Ltmp24:
0x623: {  	v2 =	vld [tilespmem:s24+$0x8160];
	(pc) =	sbr.rel @p0 .LBB2_50-.Ltmp24, $4  }
0x624: {  	[tilespmem:s24+$0x100] =	vst.add.f32.msk $0xffff, v5  }
0x625: {  	[tilespmem:s24+$0x110] =	vst.add.f32.msk $0xffff, v6  }
0x626: {  	[tilespmem:s24+$0x120] =	vst.add.f32.msk $0xffff, v7  }
0x627: {  	s26 =	sadd.s32 $0x400, s26;
	[tilespmem:s24+$0x130] =	vst.add.f32.msk $0xffff, v8  }
0x628: {  	[tilespmem:s24+$0x140] =	vst.add.f32.msk $0xffff, v4  }
0x629: {  	[tilespmem:s24+$0x150] =	vst.add.f32.msk $0xffff, v3  }
0x62a: {  	[tilespmem:s24+$0x160] =	vst.add.f32.msk $0xffff, v2  }
0x62b: {  	s2 =	sld [smem:$0x7EB];
	_ =	sdelay $0x1  }
0x62c: {  	s22 =	simm.s32 $0x0  }
0x62d: {  	[hbm4b:s2+s22] =	stream.linear.scatter [tilespmem:s13], [sflag:$0x9], $0x2000, $0x38;
	[tilespmem:$0x10100] =	vst v63  }
0x62e: {  	_ =	swait.ge [sflag:s20], $0x2000  }
0x62f: {  	s3 =	sld [smem:$0x7F0]  }
0x630: {  	[sflag:s20] =	ssyncset.done $0x0  }
0x631: {  	[sflag:s20] =	ssyncadd.s32 $0xFFFFE000  }
0x632: {  	[tilespmem:s0], [sflag:$0x4] =	stream.linear.gather [hbm4b:s3+s22], $0x2000, $0x38;
	[tilespmem:$0x10100] =	vst v63  }
0x633: {  	v2 =	vld.msk [tilespmem:$0xD8], $0xff;
	_ =	sdelay $0x4  }
0x634: {  	v3 =	vshll.u32 v2, $0x3  }
0x635: {  	v2 =	vand.u32 $0x7, v2;
	v3 =	vand.u32 $0xFFFFFFC0, v3  }
0x636: {  	v2 =	vor.u32 v2, v3  }
0x637: {  	v2 =	vperm.xlane v2, v0;
	_ =	sdelay $0x1  }
0x638: {  	v2 =	vadd.s32 v1, v2;
	_ =	sdelay $0x3  }
0x639: {  	s24 =	simm.s32 $0xE100  }
0x63a: {  	[tilespmem:s24], [sflag:$0x8] =	stream.indirect_vreg.gather [hbm4b:s31+s22], $0x80, v2, vm0, $0xb8;
	[tilespmem:$0x10100] =	vst v63  }
0x63b: {  	s25 =	simm.s32 $0xE900  }
0x63c: {  	[tilespmem:s25], [sflag:$0x8] =	stream.indirect_vreg.gather [hbm4b:s9+s22], $0x80, v2, vm0, $0xb8;
	[tilespmem:$0x10100] =	vst v63  }
0x63d: {  	_ = 	snop  }
0x63e: {  	[tilespmem:s4], [sflag:$0x8] =	stream.indirect_vreg.gather [hbm4b:s10+s22], $0x80, v2, vm0, $0xb8;
	[tilespmem:$0x10100] =	vst v63  }
0x63f: {  	_ = 	snop  }
0x640: {  	[tilespmem:s5], [sflag:$0x8] =	stream.indirect_vreg.gather [hbm4b:s11+s22], $0x80, v2, vm0, $0xb8;
	[tilespmem:$0x10100] =	vst v63  }
0x641: {  	_ =	swait.ge [sflag:s6], $0x2000  }
0x642: {  	[sflag:s6] =	ssyncset.done $0x0  }
0x643: {  	[sflag:s6] =	ssyncadd.s32 $0xFFFFE000  }
0x644: {  	s26 =	sand.u32 $0x1C00, s22;
	_ =	swait.ge [sflag:s7], $0x2000  }
0x645: {  	s3 =	sor.u32 s26, s22;
	[sflag:s7] =	ssyncset.done $0x0  }
0x646: {  	s28 =	sand.u32 $0x380, s22;
	s3 =	sor.u32 $0x70, s3;
	[sflag:s7] =	ssyncadd.s32 $0xFFFFE000  }
0x647: {  	s24 =	sor.u32 s28, s26;
	v2 =	vld [tilespmem:s3+$0xA100]  }
0x648: {  	v5 =	vld [tilespmem:s24+$0xA100]  }
0x649: {  	v6 =	vld [tilespmem:s24+$0xA110]  }
0x64a: {  	v7 =	vld [tilespmem:s24+$0xA120]  }
0x64b: {  	v8 =	vld [tilespmem:s24+$0xA130]  }
0x64c: {  	v4 =	vld [tilespmem:s24+$0xA140]  }
0x64d: {  	v3 =	vld [tilespmem:s24+$0xA150]  }
0x64e: {  	[tilespmem:s3+$0x2100] =	vst.add.f32.msk $0xffff, v2  }
0x64f: {  	v2 =	vld [tilespmem:s24+$0xA160]  }
0x650: {  	[tilespmem:s24+$0x2100] =	vst.add.f32.msk $0xffff, v5  }
0x651: {  	[tilespmem:s24+$0x2110] =	vst.add.f32.msk $0xffff, v6  }
0x652: {  	[tilespmem:s24+$0x2120] =	vst.add.f32.msk $0xffff, v7  }
0x653: {  	s26 =	simm.s32 $0x400;
	s25 =	simm.s32 $0x0;
	[tilespmem:s24+$0x2130] =	vst.add.f32.msk $0xffff, v8  }
.LBB2_52:
0x654: {  	s2 =	sand.u32 $0x1C00, s26;
	s25 =	sadd.s32 $0x8, s25;
	[tilespmem:s24+$0x2140] =	vst.add.f32.msk $0xffff, v4;
	s22 =	sadd.s32 $0x10, s22  }
0x655: {  	s3 =	sand.u32 $0x380, s22;
	s28 =	sor.u32 s2, s22;
	p0 =	slt.u32 s25, $0x1F8;
	[tilespmem:s24+$0x2150] =	vst.add.f32.msk $0xffff, v3  }
0x656: {  	s28 =	sor.u32 $0x70, s28;
	[tilespmem:s24+$0x2160] =	vst.add.f32.msk $0xffff, v2;
	s24 =	sor.u32 s3, s2  }
0x657: {  	v2 =	vld [tilespmem:s28+$0xA100]  }
0x658: {  	v5 =	vld [tilespmem:s24+$0xA100]  }
0x659: {  	v6 =	vld [tilespmem:s24+$0xA110]  }
0x65a: {  	v7 =	vld [tilespmem:s24+$0xA120]  }
0x65b: {  	v8 =	vld [tilespmem:s24+$0xA130]  }
0x65c: {  	[tilespmem:s28+$0x2100] =	vst.add.f32.msk $0xffff, v2  }
0x65d: {  	v4 =	vld [tilespmem:s24+$0xA140]  }
0x65e: {  	v3 =	vld [tilespmem:s24+$0xA150]  }
.Ltmp25:
0x65f: {  	v2 =	vld [tilespmem:s24+$0xA160];
	(pc) =	sbr.rel @p0 .LBB2_52-.Ltmp25, $4  }
0x660: {  	[tilespmem:s24+$0x2100] =	vst.add.f32.msk $0xffff, v5  }
0x661: {  	[tilespmem:s24+$0x2110] =	vst.add.f32.msk $0xffff, v6  }
0x662: {  	[tilespmem:s24+$0x2120] =	vst.add.f32.msk $0xffff, v7  }
0x663: {  	s26 =	sadd.s32 $0x400, s26;
	[tilespmem:s24+$0x2130] =	vst.add.f32.msk $0xffff, v8  }
0x664: {  	[tilespmem:s24+$0x2140] =	vst.add.f32.msk $0xffff, v4  }
0x665: {  	[tilespmem:s24+$0x2150] =	vst.add.f32.msk $0xffff, v3  }
0x666: {  	[tilespmem:s24+$0x2160] =	vst.add.f32.msk $0xffff, v2  }
0x667: {  	s2 =	sld [smem:$0x7ED];
	_ =	sdelay $0x1  }
0x668: {  	s22 =	simm.s32 $0x0  }
0x669: {  	[hbm4b:s2+s22] =	stream.linear.scatter [tilespmem:s18], [sflag:$0xA], $0x2000, $0x38;
	[tilespmem:$0x10100] =	vst v63  }
0x66a: {  	_ =	swait.ge [sflag:s8], $0x2000  }
0x66b: {  	s26 =	sld [smem:$0x7F2]  }
0x66c: {  	[sflag:s8] =	ssyncset.done $0x0  }
0x66d: {  	[sflag:s8] =	ssyncadd.s32 $0xFFFFE000  }
0x66e: {  	[tilespmem:s13], [sflag:$0x1] =	stream.linear.gather [hbm4b:s26+s22], $0x2000, $0x38;
	[tilespmem:$0x10100] =	vst v63  }
0x66f: {  	v2 =	vld.msk [tilespmem:$0xE0], $0xff;
	_ =	sdelay $0x4  }
0x670: {  	v3 =	vshll.u32 v2, $0x3  }
0x671: {  	v2 =	vand.u32 $0x7, v2;
	v3 =	vand.u32 $0xFFFFFFC0, v3  }
0x672: {  	v2 =	vor.u32 v2, v3  }
0x673: {  	v2 =	vperm.xlane v2, v0;
	_ =	sdelay $0x1  }
0x674: {  	v2 =	vadd.s32 v1, v2;
	_ =	sdelay $0x3  }
0x675: {  	s28 =	simm.s32 $0x8100  }
0x676: {  	[tilespmem:s28], [sflag:$0x5] =	stream.indirect_vreg.gather [hbm4b:s31+s22], $0x80, v2, vm0, $0xb8;
	[tilespmem:$0x10100] =	vst v63  }
0x677: {  	s3 =	simm.s32 $0x8900  }
0x678: {  	[tilespmem:s3], [sflag:$0x5] =	stream.indirect_vreg.gather [hbm4b:s9+s22], $0x80, v2, vm0, $0xb8;
	[tilespmem:$0x10100] =	vst v63  }
0x679: {  	s24 =	simm.s32 $0x9100  }
0x67a: {  	[tilespmem:s24], [sflag:$0x5] =	stream.indirect_vreg.gather [hbm4b:s10+s22], $0x80, v2, vm0, $0xb8;
	[tilespmem:$0x10100] =	vst v63  }
0x67b: {  	s25 =	simm.s32 $0x9900  }
0x67c: {  	[tilespmem:s25], [sflag:$0x5] =	stream.indirect_vreg.gather [hbm4b:s11+s22], $0x80, v2, vm0, $0xb8;
	[tilespmem:$0x10100] =	vst v63  }
0x67d: {  	_ =	swait.ge [sflag:s12], $0x2000  }
0x67e: {  	[sflag:s12] =	ssyncset.done $0x0  }
0x67f: {  	[sflag:s12] =	ssyncadd.s32 $0xFFFFE000  }
0x680: {  	s26 =	sand.u32 $0x1C00, s22;
	_ =	swait.ge [sflag:s14], $0x2000  }
0x681: {  	s3 =	sor.u32 s26, s22;
	[sflag:s14] =	ssyncset.done $0x0  }
0x682: {  	s28 =	sand.u32 $0x380, s22;
	s3 =	sor.u32 $0x70, s3;
	[sflag:s14] =	ssyncadd.s32 $0xFFFFE000  }
0x683: {  	s24 =	sor.u32 s28, s26;
	v2 =	vld [tilespmem:s3+$0xC100]  }
0x684: {  	v5 =	vld [tilespmem:s24+$0xC100]  }
0x685: {  	v6 =	vld [tilespmem:s24+$0xC110]  }
0x686: {  	v7 =	vld [tilespmem:s24+$0xC120]  }
0x687: {  	v8 =	vld [tilespmem:s24+$0xC130]  }
0x688: {  	v4 =	vld [tilespmem:s24+$0xC140]  }
0x689: {  	v3 =	vld [tilespmem:s24+$0xC150]  }
0x68a: {  	[tilespmem:s3+$0x4100] =	vst.add.f32.msk $0xffff, v2  }
0x68b: {  	v2 =	vld [tilespmem:s24+$0xC160]  }
0x68c: {  	[tilespmem:s24+$0x4100] =	vst.add.f32.msk $0xffff, v5  }
0x68d: {  	[tilespmem:s24+$0x4110] =	vst.add.f32.msk $0xffff, v6  }
0x68e: {  	[tilespmem:s24+$0x4120] =	vst.add.f32.msk $0xffff, v7  }
0x68f: {  	s26 =	simm.s32 $0x400;
	s25 =	simm.s32 $0x0;
	[tilespmem:s24+$0x4130] =	vst.add.f32.msk $0xffff, v8  }
.LBB2_54:
0x690: {  	s2 =	sand.u32 $0x1C00, s26;
	s25 =	sadd.s32 $0x8, s25;
	[tilespmem:s24+$0x4140] =	vst.add.f32.msk $0xffff, v4;
	s22 =	sadd.s32 $0x10, s22  }
0x691: {  	s3 =	sand.u32 $0x380, s22;
	s28 =	sor.u32 s2, s22;
	p0 =	slt.u32 s25, $0x1F8;
	[tilespmem:s24+$0x4150] =	vst.add.f32.msk $0xffff, v3  }
0x692: {  	s28 =	sor.u32 $0x70, s28;
	[tilespmem:s24+$0x4160] =	vst.add.f32.msk $0xffff, v2;
	s24 =	sor.u32 s3, s2  }
0x693: {  	v2 =	vld [tilespmem:s28+$0xC100]  }
0x694: {  	v5 =	vld [tilespmem:s24+$0xC100]  }
0x695: {  	v6 =	vld [tilespmem:s24+$0xC110]  }
0x696: {  	v7 =	vld [tilespmem:s24+$0xC120]  }
0x697: {  	v8 =	vld [tilespmem:s24+$0xC130]  }
0x698: {  	[tilespmem:s28+$0x4100] =	vst.add.f32.msk $0xffff, v2  }
0x699: {  	v4 =	vld [tilespmem:s24+$0xC140]  }
0x69a: {  	v3 =	vld [tilespmem:s24+$0xC150]  }
.Ltmp26:
0x69b: {  	v2 =	vld [tilespmem:s24+$0xC160];
	(pc) =	sbr.rel @p0 .LBB2_54-.Ltmp26, $4  }
0x69c: {  	[tilespmem:s24+$0x4100] =	vst.add.f32.msk $0xffff, v5  }
0x69d: {  	[tilespmem:s24+$0x4110] =	vst.add.f32.msk $0xffff, v6  }
0x69e: {  	[tilespmem:s24+$0x4120] =	vst.add.f32.msk $0xffff, v7  }
0x69f: {  	s26 =	sadd.s32 $0x400, s26;
	[tilespmem:s24+$0x4130] =	vst.add.f32.msk $0xffff, v8  }
0x6a0: {  	[tilespmem:s24+$0x4140] =	vst.add.f32.msk $0xffff, v4  }
0x6a1: {  	[tilespmem:s24+$0x4150] =	vst.add.f32.msk $0xffff, v3  }
0x6a2: {  	[tilespmem:s24+$0x4160] =	vst.add.f32.msk $0xffff, v2  }
0x6a3: {  	s2 =	sld [smem:$0x7EF];
	_ =	sdelay $0x1  }
0x6a4: {  	s22 =	simm.s32 $0x0  }
0x6a5: {  	[hbm4b:s2+s22] =	stream.linear.scatter [tilespmem:s23], [sflag:$0xB], $0x2000, $0x38;
	[tilespmem:$0x10100] =	vst v63  }
0x6a6: {  	_ =	swait.ge [sflag:s15], $0x2000  }
0x6a7: {  	s26 =	sld [smem:$0x7F6]  }
0x6a8: {  	[sflag:s15] =	ssyncset.done $0x0  }
0x6a9: {  	[sflag:s15] =	ssyncadd.s32 $0xFFFFE000  }
0x6aa: {  	[tilespmem:s18], [sflag:$0x2] =	stream.linear.gather [hbm4b:s26+s22], $0x2000, $0x38;
	[tilespmem:$0x10100] =	vst v63  }
0x6ab: {  	v2 =	vld.msk [tilespmem:$0xE8], $0xff;
	_ =	sdelay $0x4  }
0x6ac: {  	v3 =	vshll.u32 v2, $0x3  }
0x6ad: {  	v2 =	vand.u32 $0x7, v2;
	v3 =	vand.u32 $0xFFFFFFC0, v3  }
0x6ae: {  	v2 =	vor.u32 v2, v3  }
0x6af: {  	v2 =	vperm.xlane v2, v0;
	_ =	sdelay $0x1  }
0x6b0: {  	v2 =	vadd.s32 v1, v2;
	_ =	sdelay $0x3  }
0x6b1: {  	s28 =	simm.s32 $0xA100  }
0x6b2: {  	[tilespmem:s28], [sflag:$0x6] =	stream.indirect_vreg.gather [hbm4b:s31+s22], $0x80, v2, vm0, $0xb8;
	[tilespmem:$0x10100] =	vst v63  }
0x6b3: {  	s3 =	simm.s32 $0xA900  }
0x6b4: {  	[tilespmem:s3], [sflag:$0x6] =	stream.indirect_vreg.gather [hbm4b:s9+s22], $0x80, v2, vm0, $0xb8;
	[tilespmem:$0x10100] =	vst v63  }
0x6b5: {  	s24 =	simm.s32 $0xB100  }
0x6b6: {  	[tilespmem:s24], [sflag:$0x6] =	stream.indirect_vreg.gather [hbm4b:s10+s22], $0x80, v2, vm0, $0xb8;
	[tilespmem:$0x10100] =	vst v63  }
0x6b7: {  	s25 =	simm.s32 $0xB900  }
0x6b8: {  	[tilespmem:s25], [sflag:$0x6] =	stream.indirect_vreg.gather [hbm4b:s11+s22], $0x80, v2, vm0, $0xb8;
	[tilespmem:$0x10100] =	vst v63  }
0x6b9: {  	_ =	swait.ge [sflag:s16], $0x2000  }
0x6ba: {  	[sflag:s16] =	ssyncset.done $0x0  }
0x6bb: {  	[sflag:s16] =	ssyncadd.s32 $0xFFFFE000  }
0x6bc: {  	s26 =	sand.u32 $0x1C00, s22;
	_ =	swait.ge [sflag:s17], $0x2000  }
0x6bd: {  	s3 =	sor.u32 s26, s22;
	[sflag:s17] =	ssyncset.done $0x0  }
0x6be: {  	s28 =	sand.u32 $0x380, s22;
	s3 =	sor.u32 $0x70, s3;
	[sflag:s17] =	ssyncadd.s32 $0xFFFFE000  }
0x6bf: {  	s24 =	sor.u32 s28, s26;
	v2 =	vld [tilespmem:s3+$0xE100]  }
0x6c0: {  	v5 =	vld [tilespmem:s24+$0xE100]  }
0x6c1: {  	v6 =	vld [tilespmem:s24+$0xE110]  }
0x6c2: {  	v7 =	vld [tilespmem:s24+$0xE120]  }
0x6c3: {  	v8 =	vld [tilespmem:s24+$0xE130]  }
0x6c4: {  	v4 =	vld [tilespmem:s24+$0xE140]  }
0x6c5: {  	v3 =	vld [tilespmem:s24+$0xE150]  }
0x6c6: {  	[tilespmem:s3+$0x6100] =	vst.add.f32.msk $0xffff, v2  }
0x6c7: {  	v2 =	vld [tilespmem:s24+$0xE160]  }
0x6c8: {  	[tilespmem:s24+$0x6100] =	vst.add.f32.msk $0xffff, v5  }
0x6c9: {  	[tilespmem:s24+$0x6110] =	vst.add.f32.msk $0xffff, v6  }
0x6ca: {  	[tilespmem:s24+$0x6120] =	vst.add.f32.msk $0xffff, v7  }
0x6cb: {  	s26 =	simm.s32 $0x400;
	s25 =	simm.s32 $0x0;
	[tilespmem:s24+$0x6130] =	vst.add.f32.msk $0xffff, v8  }
.LBB2_56:
0x6cc: {  	s2 =	sand.u32 $0x1C00, s26;
	s25 =	sadd.s32 $0x8, s25;
	[tilespmem:s24+$0x6140] =	vst.add.f32.msk $0xffff, v4;
	s22 =	sadd.s32 $0x10, s22  }
0x6cd: {  	s3 =	sand.u32 $0x380, s22;
	s28 =	sor.u32 s2, s22;
	p0 =	slt.u32 s25, $0x1F8;
	[tilespmem:s24+$0x6150] =	vst.add.f32.msk $0xffff, v3  }
0x6ce: {  	s28 =	sor.u32 $0x70, s28;
	[tilespmem:s24+$0x6160] =	vst.add.f32.msk $0xffff, v2;
	s24 =	sor.u32 s3, s2  }
0x6cf: {  	v2 =	vld [tilespmem:s28+$0xE100]  }
0x6d0: {  	v5 =	vld [tilespmem:s24+$0xE100]  }
0x6d1: {  	v6 =	vld [tilespmem:s24+$0xE110]  }
0x6d2: {  	v7 =	vld [tilespmem:s24+$0xE120]  }
0x6d3: {  	v8 =	vld [tilespmem:s24+$0xE130]  }
0x6d4: {  	[tilespmem:s28+$0x6100] =	vst.add.f32.msk $0xffff, v2  }
0x6d5: {  	v4 =	vld [tilespmem:s24+$0xE140]  }
0x6d6: {  	v3 =	vld [tilespmem:s24+$0xE150]  }
.Ltmp27:
0x6d7: {  	v2 =	vld [tilespmem:s24+$0xE160];
	(pc) =	sbr.rel @p0 .LBB2_56-.Ltmp27, $4  }
0x6d8: {  	[tilespmem:s24+$0x6100] =	vst.add.f32.msk $0xffff, v5  }
0x6d9: {  	[tilespmem:s24+$0x6110] =	vst.add.f32.msk $0xffff, v6  }
0x6da: {  	[tilespmem:s24+$0x6120] =	vst.add.f32.msk $0xffff, v7  }
0x6db: {  	s26 =	sadd.s32 $0x400, s26;
	[tilespmem:s24+$0x6130] =	vst.add.f32.msk $0xffff, v8  }
0x6dc: {  	[tilespmem:s24+$0x6140] =	vst.add.f32.msk $0xffff, v4  }
0x6dd: {  	[tilespmem:s24+$0x6150] =	vst.add.f32.msk $0xffff, v3  }
0x6de: {  	[tilespmem:s24+$0x6160] =	vst.add.f32.msk $0xffff, v2  }
0x6df: {  	s2 =	sld [smem:$0x7F1];
	_ =	sdelay $0x1  }
0x6e0: {  	s22 =	simm.s32 $0x0  }
0x6e1: {  	[hbm4b:s2+s22] =	stream.linear.scatter [tilespmem:s0], [sflag:$0xC], $0x2000, $0x38;
	[tilespmem:$0x10100] =	vst v63  }
0x6e2: {  	_ =	swait.ge [sflag:s19], $0x2000  }
0x6e3: {  	s26 =	sld [smem:$0x7F7]  }
0x6e4: {  	[sflag:s19] =	ssyncset.done $0x0  }
0x6e5: {  	[sflag:s19] =	ssyncadd.s32 $0xFFFFE000  }
0x6e6: {  	[tilespmem:s23], [sflag:$0x3] =	stream.linear.gather [hbm4b:s26+s22], $0x2000, $0x38;
	[tilespmem:$0x10100] =	vst v63  }
0x6e7: {  	v2 =	vld.msk [tilespmem:$0xF0], $0xff;
	_ =	sdelay $0x4  }
0x6e8: {  	v3 =	vshll.u32 v2, $0x3  }
0x6e9: {  	v2 =	vand.u32 $0x7, v2;
	v3 =	vand.u32 $0xFFFFFFC0, v3  }
0x6ea: {  	v2 =	vor.u32 v2, v3  }
0x6eb: {  	v2 =	vperm.xlane v2, v0;
	_ =	sdelay $0x1  }
0x6ec: {  	v2 =	vadd.s32 v1, v2;
	_ =	sdelay $0x3  }
0x6ed: {  	s28 =	simm.s32 $0xC100  }
0x6ee: {  	[tilespmem:s28], [sflag:$0x7] =	stream.indirect_vreg.gather [hbm4b:s31+s22], $0x80, v2, vm0, $0xb8;
	[tilespmem:$0x10100] =	vst v63  }
0x6ef: {  	s3 =	simm.s32 $0xC900  }
0x6f0: {  	[tilespmem:s3], [sflag:$0x7] =	stream.indirect_vreg.gather [hbm4b:s9+s22], $0x80, v2, vm0, $0xb8;
	[tilespmem:$0x10100] =	vst v63  }
0x6f1: {  	s24 =	simm.s32 $0xD100  }
0x6f2: {  	[tilespmem:s24], [sflag:$0x7] =	stream.indirect_vreg.gather [hbm4b:s10+s22], $0x80, v2, vm0, $0xb8;
	[tilespmem:$0x10100] =	vst v63  }
0x6f3: {  	s25 =	simm.s32 $0xD900  }
0x6f4: {  	[tilespmem:s25], [sflag:$0x7] =	stream.indirect_vreg.gather [hbm4b:s11+s22], $0x80, v2, vm0, $0xb8;
	[tilespmem:$0x10100] =	vst v63  }
0x6f5: {  	_ =	swait.ge [sflag:s29], $0x2000  }
0x6f6: {  	[sflag:s29] =	ssyncset.done $0x0  }
0x6f7: {  	[sflag:s29] =	ssyncadd.s32 $0xFFFFE000  }
0x6f8: {  	s26 =	sand.u32 $0x1C00, s22;
	_ =	swait.ge [sflag:s30], $0x2000  }
0x6f9: {  	s3 =	sor.u32 s26, s22;
	[sflag:s30] =	ssyncset.done $0x0  }
0x6fa: {  	s28 =	sand.u32 $0x380, s22;
	s3 =	sor.u32 $0x70, s3;
	[sflag:s30] =	ssyncadd.s32 $0xFFFFE000  }
0x6fb: {  	s24 =	sor.u32 s28, s26;
	v2 =	vld [tilespmem:s3+$0x8100]  }
0x6fc: {  	v5 =	vld [tilespmem:s24+$0x8100]  }
0x6fd: {  	v6 =	vld [tilespmem:s24+$0x8110]  }
0x6fe: {  	v7 =	vld [tilespmem:s24+$0x8120]  }
0x6ff: {  	v8 =	vld [tilespmem:s24+$0x8130]  }
0x700: {  	v4 =	vld [tilespmem:s24+$0x8140]  }
0x701: {  	v3 =	vld [tilespmem:s24+$0x8150]  }
0x702: {  	[tilespmem:s3+$0x100] =	vst.add.f32.msk $0xffff, v2  }
0x703: {  	v2 =	vld [tilespmem:s24+$0x8160]  }
0x704: {  	[tilespmem:s24+$0x100] =	vst.add.f32.msk $0xffff, v5  }
0x705: {  	[tilespmem:s24+$0x110] =	vst.add.f32.msk $0xffff, v6  }
0x706: {  	[tilespmem:s24+$0x120] =	vst.add.f32.msk $0xffff, v7  }
0x707: {  	s26 =	simm.s32 $0x400;
	s25 =	simm.s32 $0x0;
	[tilespmem:s24+$0x130] =	vst.add.f32.msk $0xffff, v8  }
.LBB2_58:
0x708: {  	s2 =	sand.u32 $0x1C00, s26;
	s25 =	sadd.s32 $0x8, s25;
	[tilespmem:s24+$0x140] =	vst.add.f32.msk $0xffff, v4;
	s22 =	sadd.s32 $0x10, s22  }
0x709: {  	s3 =	sand.u32 $0x380, s22;
	s28 =	sor.u32 s2, s22;
	p0 =	slt.u32 s25, $0x1F8;
	[tilespmem:s24+$0x150] =	vst.add.f32.msk $0xffff, v3  }
0x70a: {  	s28 =	sor.u32 $0x70, s28;
	[tilespmem:s24+$0x160] =	vst.add.f32.msk $0xffff, v2;
	s24 =	sor.u32 s3, s2  }
0x70b: {  	v2 =	vld [tilespmem:s28+$0x8100]  }
0x70c: {  	v5 =	vld [tilespmem:s24+$0x8100]  }
0x70d: {  	v6 =	vld [tilespmem:s24+$0x8110]  }
0x70e: {  	v7 =	vld [tilespmem:s24+$0x8120]  }
0x70f: {  	v8 =	vld [tilespmem:s24+$0x8130]  }
0x710: {  	[tilespmem:s28+$0x100] =	vst.add.f32.msk $0xffff, v2  }
0x711: {  	v4 =	vld [tilespmem:s24+$0x8140]  }
0x712: {  	v3 =	vld [tilespmem:s24+$0x8150]  }
.Ltmp28:
0x713: {  	v2 =	vld [tilespmem:s24+$0x8160];
	(pc) =	sbr.rel @p0 .LBB2_58-.Ltmp28, $4  }
0x714: {  	[tilespmem:s24+$0x100] =	vst.add.f32.msk $0xffff, v5  }
0x715: {  	[tilespmem:s24+$0x110] =	vst.add.f32.msk $0xffff, v6  }
0x716: {  	[tilespmem:s24+$0x120] =	vst.add.f32.msk $0xffff, v7  }
0x717: {  	s26 =	sadd.s32 $0x400, s26;
	[tilespmem:s24+$0x130] =	vst.add.f32.msk $0xffff, v8  }
0x718: {  	[tilespmem:s24+$0x140] =	vst.add.f32.msk $0xffff, v4  }
0x719: {  	[tilespmem:s24+$0x150] =	vst.add.f32.msk $0xffff, v3  }
0x71a: {  	[tilespmem:s24+$0x160] =	vst.add.f32.msk $0xffff, v2  }
0x71b: {  	s2 =	sld [smem:$0x7F3];
	_ =	sdelay $0x1  }
0x71c: {  	s22 =	simm.s32 $0x0  }
0x71d: {  	[hbm4b:s2+s22] =	stream.linear.scatter [tilespmem:s13], [sflag:$0x9], $0x2000, $0x38;
	[tilespmem:$0x10100] =	vst v63  }
0x71e: {  	_ =	swait.ge [sflag:s20], $0x2000  }
0x71f: {  	s3 =	sld [smem:$0x7F8]  }
0x720: {  	[sflag:s20] =	ssyncset.done $0x0  }
0x721: {  	[sflag:s20] =	ssyncadd.s32 $0xFFFFE000  }
0x722: {  	[tilespmem:s0], [sflag:$0x4] =	stream.linear.gather [hbm4b:s3+s22], $0x2000, $0x38;
	[tilespmem:$0x10100] =	vst v63  }
0x723: {  	v2 =	vld.msk [tilespmem:$0xF8], $0xff;
	_ =	sdelay $0x4  }
0x724: {  	v3 =	vshll.u32 v2, $0x3  }
0x725: {  	v2 =	vand.u32 $0x7, v2;
	v3 =	vand.u32 $0xFFFFFFC0, v3  }
0x726: {  	v2 =	vor.u32 v2, v3  }
0x727: {  	v2 =	vperm.xlane v2, v0;
	_ =	sdelay $0x1  }
0x728: {  	v2 =	vadd.s32 v1, v2;
	_ =	sdelay $0x3  }
0x729: {  	s24 =	simm.s32 $0xE100  }
0x72a: {  	[tilespmem:s24], [sflag:$0x8] =	stream.indirect_vreg.gather [hbm4b:s31+s22], $0x80, v2, vm0, $0xb8;
	[tilespmem:$0x10100] =	vst v63  }
0x72b: {  	s25 =	simm.s32 $0xE900  }
0x72c: {  	[tilespmem:s25], [sflag:$0x8] =	stream.indirect_vreg.gather [hbm4b:s9+s22], $0x80, v2, vm0, $0xb8;
	[tilespmem:$0x10100] =	vst v63  }
0x72d: {  	_ = 	snop  }
0x72e: {  	[tilespmem:s4], [sflag:$0x8] =	stream.indirect_vreg.gather [hbm4b:s10+s22], $0x80, v2, vm0, $0xb8;
	[tilespmem:$0x10100] =	vst v63  }
0x72f: {  	_ = 	snop  }
0x730: {  	[tilespmem:s5], [sflag:$0x8] =	stream.indirect_vreg.gather [hbm4b:s11+s22], $0x80, v2, vm0, $0xb8;
	[tilespmem:$0x10100] =	vst v63  }
0x731: {  	_ =	swait.ge [sflag:s6], $0x2000  }
0x732: {  	[sflag:s6] =	ssyncset.done $0x0  }
0x733: {  	[sflag:s6] =	ssyncadd.s32 $0xFFFFE000  }
0x734: {  	s26 =	sand.u32 $0x1C00, s22;
	_ =	swait.ge [sflag:s7], $0x2000  }
0x735: {  	s3 =	sor.u32 s26, s22;
	[sflag:s7] =	ssyncset.done $0x0  }
0x736: {  	s28 =	sand.u32 $0x380, s22;
	s3 =	sor.u32 $0x70, s3;
	[sflag:s7] =	ssyncadd.s32 $0xFFFFE000  }
0x737: {  	s24 =	sor.u32 s28, s26;
	v2 =	vld [tilespmem:s3+$0xA100]  }
0x738: {  	v5 =	vld [tilespmem:s24+$0xA100]  }
0x739: {  	v6 =	vld [tilespmem:s24+$0xA110]  }
0x73a: {  	v7 =	vld [tilespmem:s24+$0xA120]  }
0x73b: {  	v8 =	vld [tilespmem:s24+$0xA130]  }
0x73c: {  	v4 =	vld [tilespmem:s24+$0xA140]  }
0x73d: {  	v3 =	vld [tilespmem:s24+$0xA150]  }
0x73e: {  	[tilespmem:s3+$0x2100] =	vst.add.f32.msk $0xffff, v2  }
0x73f: {  	v2 =	vld [tilespmem:s24+$0xA160]  }
0x740: {  	[tilespmem:s24+$0x2100] =	vst.add.f32.msk $0xffff, v5  }
0x741: {  	[tilespmem:s24+$0x2110] =	vst.add.f32.msk $0xffff, v6  }
0x742: {  	[tilespmem:s24+$0x2120] =	vst.add.f32.msk $0xffff, v7  }
0x743: {  	s26 =	simm.s32 $0x400;
	s25 =	simm.s32 $0x0;
	[tilespmem:s24+$0x2130] =	vst.add.f32.msk $0xffff, v8  }
.LBB2_60:
0x744: {  	s2 =	sand.u32 $0x1C00, s26;
	s25 =	sadd.s32 $0x8, s25;
	[tilespmem:s24+$0x2140] =	vst.add.f32.msk $0xffff, v4;
	s22 =	sadd.s32 $0x10, s22  }
0x745: {  	s3 =	sand.u32 $0x380, s22;
	s28 =	sor.u32 s2, s22;
	p0 =	slt.u32 s25, $0x1F8;
	[tilespmem:s24+$0x2150] =	vst.add.f32.msk $0xffff, v3  }
0x746: {  	s28 =	sor.u32 $0x70, s28;
	[tilespmem:s24+$0x2160] =	vst.add.f32.msk $0xffff, v2;
	s24 =	sor.u32 s3, s2  }
0x747: {  	v2 =	vld [tilespmem:s28+$0xA100]  }
0x748: {  	v5 =	vld [tilespmem:s24+$0xA100]  }
0x749: {  	v6 =	vld [tilespmem:s24+$0xA110]  }
0x74a: {  	v7 =	vld [tilespmem:s24+$0xA120]  }
0x74b: {  	v8 =	vld [tilespmem:s24+$0xA130]  }
0x74c: {  	[tilespmem:s28+$0x2100] =	vst.add.f32.msk $0xffff, v2  }
0x74d: {  	v4 =	vld [tilespmem:s24+$0xA140]  }
0x74e: {  	v3 =	vld [tilespmem:s24+$0xA150]  }
.Ltmp29:
0x74f: {  	v2 =	vld [tilespmem:s24+$0xA160];
	(pc) =	sbr.rel @p0 .LBB2_60-.Ltmp29, $4  }
0x750: {  	[tilespmem:s24+$0x2100] =	vst.add.f32.msk $0xffff, v5  }
0x751: {  	[tilespmem:s24+$0x2110] =	vst.add.f32.msk $0xffff, v6  }
0x752: {  	[tilespmem:s24+$0x2120] =	vst.add.f32.msk $0xffff, v7  }
0x753: {  	s26 =	sadd.s32 $0x400, s26;
	[tilespmem:s24+$0x2130] =	vst.add.f32.msk $0xffff, v8  }
0x754: {  	[tilespmem:s24+$0x2140] =	vst.add.f32.msk $0xffff, v4  }
0x755: {  	[tilespmem:s24+$0x2150] =	vst.add.f32.msk $0xffff, v3  }
0x756: {  	[tilespmem:s24+$0x2160] =	vst.add.f32.msk $0xffff, v2  }
0x757: {  	s2 =	sld [smem:$0x7F9];
	_ =	sdelay $0x1  }
0x758: {  	s22 =	simm.s32 $0x0  }
0x759: {  	[hbm4b:s2+s22] =	stream.linear.scatter [tilespmem:s18], [sflag:$0xA], $0x2000, $0x38;
	[tilespmem:$0x10100] =	vst v63  }
0x75a: {  	_ =	swait.ge [sflag:s12], $0x2000  }
0x75b: {  	[sflag:s12] =	ssyncset.done $0x0  }
0x75c: {  	[sflag:s12] =	ssyncadd.s32 $0xFFFFE000  }
0x75d: {  	s26 =	sand.u32 $0x1C00, s22;
	_ =	swait.ge [sflag:s14], $0x2000  }
0x75e: {  	s3 =	sor.u32 s26, s22;
	[sflag:s14] =	ssyncset.done $0x0  }
0x75f: {  	s28 =	sand.u32 $0x380, s22;
	s3 =	sor.u32 $0x70, s3;
	[sflag:s14] =	ssyncadd.s32 $0xFFFFE000  }
0x760: {  	s24 =	sor.u32 s28, s26;
	v2 =	vld [tilespmem:s3+$0xC100]  }
0x761: {  	v5 =	vld [tilespmem:s24+$0xC100]  }
0x762: {  	v6 =	vld [tilespmem:s24+$0xC110]  }
0x763: {  	v7 =	vld [tilespmem:s24+$0xC120]  }
0x764: {  	v8 =	vld [tilespmem:s24+$0xC130]  }
0x765: {  	v4 =	vld [tilespmem:s24+$0xC140]  }
0x766: {  	v3 =	vld [tilespmem:s24+$0xC150]  }
0x767: {  	[tilespmem:s3+$0x4100] =	vst.add.f32.msk $0xffff, v2  }
0x768: {  	v2 =	vld [tilespmem:s24+$0xC160]  }
0x769: {  	[tilespmem:s24+$0x4100] =	vst.add.f32.msk $0xffff, v5  }
0x76a: {  	[tilespmem:s24+$0x4110] =	vst.add.f32.msk $0xffff, v6  }
0x76b: {  	[tilespmem:s24+$0x4120] =	vst.add.f32.msk $0xffff, v7  }
0x76c: {  	s25 =	simm.s32 $0x0;
	s26 =	simm.s32 $0x400;
	[tilespmem:s24+$0x4130] =	vst.add.f32.msk $0xffff, v8  }
.LBB2_62:
0x76d: {  	s2 =	sand.u32 $0x1C00, s26;
	s25 =	sadd.s32 $0x8, s25;
	[tilespmem:s24+$0x4140] =	vst.add.f32.msk $0xffff, v4;
	s22 =	sadd.s32 $0x10, s22  }
0x76e: {  	s3 =	sand.u32 $0x380, s22;
	s28 =	sor.u32 s2, s22;
	p0 =	slt.u32 s25, $0x1F8;
	[tilespmem:s24+$0x4150] =	vst.add.f32.msk $0xffff, v3  }
0x76f: {  	s28 =	sor.u32 $0x70, s28;
	[tilespmem:s24+$0x4160] =	vst.add.f32.msk $0xffff, v2;
	s24 =	sor.u32 s3, s2  }
0x770: {  	v2 =	vld [tilespmem:s28+$0xC100]  }
0x771: {  	v5 =	vld [tilespmem:s24+$0xC100]  }
0x772: {  	v6 =	vld [tilespmem:s24+$0xC110]  }
0x773: {  	v7 =	vld [tilespmem:s24+$0xC120]  }
0x774: {  	v8 =	vld [tilespmem:s24+$0xC130]  }
0x775: {  	[tilespmem:s28+$0x4100] =	vst.add.f32.msk $0xffff, v2  }
0x776: {  	v4 =	vld [tilespmem:s24+$0xC140]  }
0x777: {  	v3 =	vld [tilespmem:s24+$0xC150]  }
.Ltmp30:
0x778: {  	v2 =	vld [tilespmem:s24+$0xC160];
	(pc) =	sbr.rel @p0 .LBB2_62-.Ltmp30, $4  }
0x779: {  	[tilespmem:s24+$0x4100] =	vst.add.f32.msk $0xffff, v5  }
0x77a: {  	[tilespmem:s24+$0x4110] =	vst.add.f32.msk $0xffff, v6  }
0x77b: {  	[tilespmem:s24+$0x4120] =	vst.add.f32.msk $0xffff, v7  }
0x77c: {  	s26 =	sadd.s32 $0x400, s26;
	[tilespmem:s24+$0x4130] =	vst.add.f32.msk $0xffff, v8  }
0x77d: {  	[tilespmem:s24+$0x4140] =	vst.add.f32.msk $0xffff, v4  }
0x77e: {  	[tilespmem:s24+$0x4150] =	vst.add.f32.msk $0xffff, v3  }
0x77f: {  	[tilespmem:s24+$0x4160] =	vst.add.f32.msk $0xffff, v2  }
0x780: {  	s2 =	sld [smem:$0x7FA];
	_ =	sdelay $0x1  }
0x781: {  	s22 =	simm.s32 $0x0  }
0x782: {  	[hbm4b:s2+s22] =	stream.linear.scatter [tilespmem:s23], [sflag:$0xB], $0x2000, $0x38;
	[tilespmem:$0x10100] =	vst v63  }
0x783: {  	_ =	swait.ge [sflag:s16], $0x2000  }
0x784: {  	[sflag:s16] =	ssyncset.done $0x0  }
0x785: {  	[sflag:s16] =	ssyncadd.s32 $0xFFFFE000  }
0x786: {  	s26 =	sand.u32 $0x1C00, s22;
	_ =	swait.ge [sflag:s17], $0x2000  }
0x787: {  	s3 =	sor.u32 s26, s22;
	[sflag:s17] =	ssyncset.done $0x0  }
0x788: {  	s28 =	sand.u32 $0x380, s22;
	s3 =	sor.u32 $0x70, s3;
	[sflag:s17] =	ssyncadd.s32 $0xFFFFE000  }
0x789: {  	s24 =	sor.u32 s28, s26;
	v2 =	vld [tilespmem:s3+$0xE100]  }
0x78a: {  	v5 =	vld [tilespmem:s24+$0xE100]  }
0x78b: {  	v6 =	vld [tilespmem:s24+$0xE110]  }
0x78c: {  	v7 =	vld [tilespmem:s24+$0xE120]  }
0x78d: {  	v8 =	vld [tilespmem:s24+$0xE130]  }
0x78e: {  	v4 =	vld [tilespmem:s24+$0xE140]  }
0x78f: {  	v3 =	vld [tilespmem:s24+$0xE150]  }
0x790: {  	[tilespmem:s3+$0x6100] =	vst.add.f32.msk $0xffff, v2  }
0x791: {  	v2 =	vld [tilespmem:s24+$0xE160]  }
0x792: {  	[tilespmem:s24+$0x6100] =	vst.add.f32.msk $0xffff, v5  }
0x793: {  	[tilespmem:s24+$0x6110] =	vst.add.f32.msk $0xffff, v6  }
0x794: {  	[tilespmem:s24+$0x6120] =	vst.add.f32.msk $0xffff, v7  }
0x795: {  	s25 =	simm.s32 $0x0;
	s26 =	simm.s32 $0x400;
	[tilespmem:s24+$0x6130] =	vst.add.f32.msk $0xffff, v8  }
.LBB2_64:
0x796: {  	s2 =	sand.u32 $0x1C00, s26;
	s25 =	sadd.s32 $0x8, s25;
	[tilespmem:s24+$0x6140] =	vst.add.f32.msk $0xffff, v4;
	s22 =	sadd.s32 $0x10, s22  }
0x797: {  	s3 =	sand.u32 $0x380, s22;
	s28 =	sor.u32 s2, s22;
	p0 =	slt.u32 s25, $0x1F8;
	[tilespmem:s24+$0x6150] =	vst.add.f32.msk $0xffff, v3  }
0x798: {  	s28 =	sor.u32 $0x70, s28;
	[tilespmem:s24+$0x6160] =	vst.add.f32.msk $0xffff, v2;
	s24 =	sor.u32 s3, s2  }
0x799: {  	v2 =	vld [tilespmem:s28+$0xE100]  }
0x79a: {  	v5 =	vld [tilespmem:s24+$0xE100]  }
0x79b: {  	v6 =	vld [tilespmem:s24+$0xE110]  }
0x79c: {  	v7 =	vld [tilespmem:s24+$0xE120]  }
0x79d: {  	v8 =	vld [tilespmem:s24+$0xE130]  }
0x79e: {  	[tilespmem:s28+$0x6100] =	vst.add.f32.msk $0xffff, v2  }
0x79f: {  	v4 =	vld [tilespmem:s24+$0xE140]  }
0x7a0: {  	v3 =	vld [tilespmem:s24+$0xE150]  }
.Ltmp31:
0x7a1: {  	v2 =	vld [tilespmem:s24+$0xE160];
	(pc) =	sbr.rel @p0 .LBB2_64-.Ltmp31, $4  }
0x7a2: {  	[tilespmem:s24+$0x6100] =	vst.add.f32.msk $0xffff, v5  }
0x7a3: {  	[tilespmem:s24+$0x6110] =	vst.add.f32.msk $0xffff, v6  }
0x7a4: {  	[tilespmem:s24+$0x6120] =	vst.add.f32.msk $0xffff, v7  }
0x7a5: {  	s26 =	sadd.s32 $0x400, s26;
	[tilespmem:s24+$0x6130] =	vst.add.f32.msk $0xffff, v8  }
0x7a6: {  	[tilespmem:s24+$0x6140] =	vst.add.f32.msk $0xffff, v4  }
0x7a7: {  	[tilespmem:s24+$0x6150] =	vst.add.f32.msk $0xffff, v3  }
0x7a8: {  	[tilespmem:s24+$0x6160] =	vst.add.f32.msk $0xffff, v2  }
0x7a9: {  	s2 =	sld [smem:$0x7FB];
	_ =	sdelay $0x2  }
0x7aa: {  	[hbm4b:s2+s1] =	stream.linear.scatter [tilespmem:s0], [sflag:$0xC], $0x2000, $0x38;
	[tilespmem:$0x10100] =	vst v63  }
0x7ab: {  	_ =	swait.ge [sflag:s8], $0x2000  }
0x7ac: {  	[sflag:s8] =	ssyncset.done $0x0  }
0x7ad: {  	[sflag:s8] =	ssyncadd.s32 $0xFFFFE000  }
0x7ae: {  	_ =	swait.ge [sflag:s15], $0x2000  }
0x7af: {  	[sflag:s15] =	ssyncset.done $0x0  }
0x7b0: {  	[sflag:s15] =	ssyncadd.s32 $0xFFFFE000  }
0x7b1: {  	_ =	swait.ge [sflag:s19], $0x2000  }
0x7b2: {  	[sflag:s19] =	ssyncset.done $0x0  }
0x7b3: {  	[sflag:s19] =	ssyncadd.s32 $0xFFFFE000  }
0x7b4: {  	_ =	swait.ge [sflag:s20], $0x2000  }
0x7b5: {  	s28 =	sld [smem:$0x7FD];
	_ =	sdelay $0x1  }
0x7b6: {  	s21 =	sadd.s32 $0x1, s21  }
0x7b7: {  	p0 =	sne.s32 s21, s28  }
.Ltmp32:
0x7b8: {  	_ = 	snop;
	(pc) =	sbr.rel @p0 .LBB2_1-.Ltmp32, $3  }
0x7b9: {  	_ =	sdelay $0x1  }
0x7ba: {  	[sflag:s20] =	ssyncset.done $0x0  }
0x7bb: {  	[sflag:s20] =	ssyncadd.s32 $0xFFFFE000  }
0x7bc: {  	_ =	sfence.sel $0x180000  }
0x7bd: {  	[bflag:$0x0] =	sbarrier.arrive $0xFFFF  }
0x7be: {  	_ =	strace $0x90000047  }
0x7bf: {  	s0 =	stileid.u32;
	[bflag:$0x2] =	sbarrier.arrive $0xFFFF  }
0x7c0: {  	p0 =	sne.s32 s0, $0x0;
	s0 =	rddreg [dreg:$0x4]  }
0x7c1: {  	s0 =	sadd.s32 @!p0 $0x100000, s0  }
0x7c2: {  	[sflag:s0] =	ssyncadd.tile.s32 @!p0 $0x1;
	_ =	shalt  }
.Lfunc_end2:
_tile_overlayer_lowered:
.L_overlay_start_2:
0x7c3: {  	(tag) =	ssettag $0x2  }
0x7c4: {  	s0 =	rddreg [dreg:$0x0];
	s2 =	stileid.u32  }
0x7c5: {  	s1 =	rddreg [dreg:$0x1];
	p0 =	sne.s32 s2, $0x0  }
0x7c6: {  	s3 =	rddreg [dreg:$0x2];
	[bflag:$0x3] =	sbarrier.arrive $0xFFFF;
	s2 =	simm.s32 @!p0 $0x1C0D  }
0x7c7: {  	[timem:s3], [sflag:s2] =	dma.local @!p0 [hbm:s0], s1  }
0x7c8: {  	s0 =	simm.s32 @!p0 $0xD  }
0x7c9: {  	_ =	swait.ge @!p0 [sflag:s0], s1  }
0x7ca: {  	s1 =	ssub.s32 @!p0 $0x0, s1;
	[sflag:s0] =	ssyncset.done @!p0 $0x0  }
0x7cb: {  	[sflag:s0] =	ssyncadd.s32 @!p0 s1  }
0x7cc: {  	[bflag:$0x3] =	sbarrier.arrive $0xFFFF  }
0x7cd: {  	_ =	shalt  }

</sc_bundles>
